<compile_context>
chip_gen: v7x
topology: tpu7x:2x2x1
jax: 0.10.2.dev20260603
libtpu: 0.0.44.dev20260713+nightly
codegen_flags: <defaults>
</compile_context>

<pallas_src>
import functools

import jax
import jax.numpy as jnp
from jax import lax
from jax.experimental import pallas as pl
from jax.experimental.pallas import tpu as pltpu
from jax.experimental.pallas import tpu_sc as plsc

N, K, D, H, L = 10000, 16, 128, 128, 3
EPS = 1e-5
SCALE = 30.0

NB = 400
EB = NB * K
GRID = N // NB

B = N * K
B_PAD = 163840


def _gelu(x):
    return x * (lax.erf(x * 0.7071067811865476) * 0.5 + 0.5)


def _bdot(a, b):
    return jnp.dot(a.astype(jnp.bfloat16), b.astype(jnp.bfloat16),
                   preferred_element_type=jnp.float32)


def _ln(x, w, b):
    m = jnp.mean(x, axis=-1, keepdims=True)
    xc = x - m
    v = jnp.mean(xc * xc, axis=-1, keepdims=True)
    return xc * lax.rsqrt(v + EPS) * w + b


def _tile_nodes(x):
    return jnp.broadcast_to(x[:, None, :], (NB, K, x.shape[-1])).reshape(EB, x.shape[-1])


def _msg_sum(m):
    return jnp.sum(m.reshape(NB, K, m.shape[-1]), axis=1)



def _node_update(node, msum, ln1w, ln1b, dwinT, dbin, dwoutT, dbout, ln2w, ln2b, mask):
    nd = _ln(node + msum * (1.0 / SCALE), ln1w, ln1b)
    d_ = _bdot(_gelu(_bdot(nd, dwinT) + dbin), dwoutT) + dbout
    return _ln(nd + d_, ln2w, ln2b) * mask


def _init_body(ef_ref, mask_ref,
               w1mT, b1, w2T, b2, w3T, b3,
               ln1w, ln1b, dwinT, dbin, dwoutT, dbout, ln2w, ln2b,
               node_out):
    ef = ef_ref[...]
    h = _gelu(_bdot(ef, w1mT[...]) + b1[...])
    h = _gelu(_bdot(h, w2T[...]) + b2[...])
    msum = _bdot(_msg_sum(h), w3T[...]) + float(K) * b3[...]
    node_out[...] = _node_update(
        jnp.zeros((NB, D), jnp.float32), msum,
        ln1w[...], ln1b[...], dwinT[...], dbin[...], dwoutT[...], dbout[...],
        ln2w[...], ln2b[...], mask_ref[...])


def _mlp2(node, ef, nbr, waT, wbT, wcT, b1, w2T, b2):
    hn = _bdot(node, waT)
    h = _gelu(_tile_nodes(hn)
              + _bdot(ef, wbT)
              + _bdot(nbr, wcT) + b1)
    return _gelu(_bdot(h, w2T) + b2)


def _fused_body(ef_ref, nbr_ref, node_ref, mask_ref,
                w11aT, w11bT, w11cT, b11, w12T, b12, w13T, b13, ln3w, ln3b,
                w1aT, w1bT, w1cT, b1, w2T, b2, w3T, b3,
                ln1w, ln1b, dwinT, dbin, dwoutT, dbout, ln2w, ln2b,
                ef_out, node_out):
    ef = ef_ref[...]
    nbr = nbr_ref[...]
    node = node_ref[...]
    h = _mlp2(node, ef, nbr, w11aT[...], w11bT[...], w11cT[...],
              b11[...], w12T[...], b12[...])
    em = _bdot(h, w13T[...]) + b13[...]
    efn = _ln(ef + em, ln3w[...], ln3b[...])
    ef_out[...] = efn
    h = _mlp2(node, efn, nbr, w1aT[...], w1bT[...], w1cT[...],
              b1[...], w2T[...], b2[...])
    msum = _bdot(_msg_sum(h), w3T[...]) + float(K) * b3[...]
    node_out[...] = _node_update(
        node, msum,
        ln1w[...], ln1b[...], dwinT[...], dbin[...], dwoutT[...], dbout[...],
        ln2w[...], ln2b[...], mask_ref[...])


def _final_body(ef_ref, nbr_ref, node_ref,
                w11aT, w11bT, w11cT, b11, w12T, b12, w13T, b13, ln3w, ln3b,
                ef_out):
    ef = ef_ref[...]
    h = _mlp2(node_ref[...], ef, nbr_ref[...],
              w11aT[...], w11bT[...], w11cT[...],
              b11[...], w12T[...], b12[...])
    em = _bdot(h, w13T[...]) + b13[...]
    ef_out[...] = _ln(ef + em, ln3w[...], ln3b[...])


_EDGE_SPEC = pl.BlockSpec((EB, D), lambda i: (i, 0))
_NBR_SPEC = pl.BlockSpec((EB, D), lambda i: (i, 0))
_NODE_SPEC = pl.BlockSpec((NB, D), lambda i: (i, 0))
_MASK_SPEC = pl.BlockSpec((NB, 1), lambda i: (i, 0))


def _w_spec(shape):
    return pl.BlockSpec(shape, lambda i: tuple(0 for _ in shape))


def _wspecs(shapes):
    return [_w_spec(s) for s in shapes]


_MAT = (D, H)
_VEC = (1, H)
_MLP_W_SHAPES = [_MAT, _MAT, _MAT, _VEC, _MAT, _VEC, _MAT, _VEC]
_LN_SHAPES = [_VEC, _VEC]
_FFN_SHAPES = [_VEC, _VEC, _MAT, _VEC, _MAT, _VEC, _VEC, _VEC]

_TC_PARAMS = pltpu.CompilerParams(dimension_semantics=("arbitrary",))


def _call_init(ef2d, mask2d, *weights):
    return pl.pallas_call(
        _init_body,
        grid=(GRID,),
        in_specs=[_EDGE_SPEC, _MASK_SPEC]
        + _wspecs([_MAT, _VEC, _MAT, _VEC, _MAT, _VEC] + _FFN_SHAPES),
        out_specs=_NODE_SPEC,
        out_shape=jax.ShapeDtypeStruct((N, D), jnp.float32),
        compiler_params=_TC_PARAMS,
    )(ef2d, mask2d, *weights)


def _call_fused(ef2d, nbr, node, mask2d, *weights):
    return pl.pallas_call(
        _fused_body,
        grid=(GRID,),
        in_specs=[_EDGE_SPEC, _NBR_SPEC, _NODE_SPEC, _MASK_SPEC]
        + _wspecs(_MLP_W_SHAPES + _LN_SHAPES + _MLP_W_SHAPES + _FFN_SHAPES),
        out_specs=[_EDGE_SPEC, _NODE_SPEC],
        out_shape=[jax.ShapeDtypeStruct((B, D), jnp.float32),
                   jax.ShapeDtypeStruct((N, D), jnp.float32)],
        compiler_params=_TC_PARAMS,
    )(ef2d, nbr, node, mask2d, *weights)


def _call_final(ef2d, nbr, node, *weights):
    return pl.pallas_call(
        _final_body,
        grid=(GRID,),
        in_specs=[_EDGE_SPEC, _NBR_SPEC, _NODE_SPEC]
        + _wspecs(_MLP_W_SHAPES + _LN_SHAPES),
        out_specs=_EDGE_SPEC,
        out_shape=jax.ShapeDtypeStruct((B, D), jnp.float32),
        compiler_params=_TC_PARAMS,
    )(ef2d, nbr, node, *weights)



_CROWS = 64
_NBUF = 8
_PAIR = B_PAD // 16 // _CROWS
_C_FAST = 128
_C_SLOW = _PAIR - _C_FAST
_FAST_CORE = 0


def _sc_gather(node_table, idx2d):
    mesh = plsc.VectorSubcoreMesh(core_axis_name="c", subcore_axis_name="s")

    @functools.partial(
        pl.kernel,
        out_type=jax.ShapeDtypeStruct((B_PAD, D), jnp.float32),
        mesh=mesh,
        scratch_types=[
            pltpu.VMEM((_PAIR, _CROWS), jnp.int32),
            [pltpu.VMEM((_CROWS, D), jnp.float32) for _ in range(_NBUF)],
            [pltpu.SemaphoreType.DMA for _ in range(_NBUF)],
            [pltpu.SemaphoreType.DMA for _ in range(_NBUF)],
        ],
    )
    def gk(table_hbm, idx_hbm, out_hbm, idx_v, bufs, gsems, ssems):
        s = lax.axis_index("s")
        c = lax.axis_index("c")
        is_fast = (c == _FAST_CORE)
        loff = jnp.where(is_fast, 0, _C_FAST)
        ngroups = jnp.where(is_fast, _C_FAST // _NBUF, _C_SLOW // _NBUF)
        pbase = s * _PAIR
        pltpu.sync_copy(idx_hbm.at[pl.ds(pbase, _PAIR)], idx_v)

        for b in range(_NBUF):
            pltpu.async_copy(table_hbm.at[idx_v.at[loff + b]], bufs[b],
                             gsems[b])

        def body(g, carry):
            for b in range(_NBUF):
                i = loff + g * _NBUF + b
                pltpu.make_async_copy(
                    table_hbm.at[idx_v.at[i]], bufs[b], gsems[b]).wait()
                pltpu.async_copy(
                    bufs[b], out_hbm.at[pl.ds((pbase + i) * _CROWS, _CROWS)],
                    ssems[b])

                @pl.when(g < ngroups - 1)
                def _():
                    pltpu.make_async_copy(
                        bufs[b], out_hbm.at[pl.ds(pbase * _CROWS, _CROWS)],
                        ssems[b]).wait()
                    pltpu.async_copy(
                        table_hbm.at[idx_v.at[i + _NBUF]], bufs[b], gsems[b])
            return carry

        lax.fori_loop(0, ngroups, body, 0)
        for b in range(_NBUF):
            pltpu.make_async_copy(
                bufs[b], out_hbm.at[pl.ds(pbase * _CROWS, _CROWS)],
                ssems[b]).wait()

    return gk(node_table, idx2d)



def _mlp_weights(l, Wa, Ba, W2, B2, W3, B3):
    w = Wa[l]
    return (w[:, :D].T, w[:, D:2 * D].T, w[:, 2 * D:].T, Ba[l][None, :],
            W2[l].T, B2[l][None, :], W3[l].T, B3[l][None, :])


def _ffn_weights(l, LN1w, LN1b, DWin, DBin, DWout, DBout, LN2w, LN2b):
    return (LN1w[l][None, :], LN1b[l][None, :], DWin[l].T, DBin[l][None, :],
            DWout[l].T, DBout[l][None, :], LN2w[l][None, :], LN2b[l][None, :])


def kernel(edge_features, neighbor_indices, mask, W1, B1, W2, B2, W3, B3,
           LN1w, LN1b, DWin, DBin, DWout, DBout, LN2w, LN2b,
           W11, B11, W12, B12, W13, B13, LN3w, LN3b):
    ef2d = edge_features.reshape(B, D)
    mask2d = mask[:, None]
    idx = neighbor_indices.reshape(-1).astype(jnp.int32)
    idx2d = jnp.concatenate(
        [idx, jnp.zeros((B_PAD - B,), jnp.int32)]).reshape(-1, _CROWS)

    init_w = ((W1[0][:, D:2 * D].T, B1[0][None, :], W2[0].T, B2[0][None, :],
               W3[0].T, B3[0][None, :])
              + _ffn_weights(0, LN1w, LN1b, DWin, DBin, DWout, DBout, LN2w, LN2b))
    node = _call_init(ef2d, mask2d, *init_w)

    for l in range(L - 1):
        nbr = _sc_gather(node, idx2d)
        w = (_mlp_weights(l, W11, B11, W12, B12, W13, B13)
             + (LN3w[l][None, :], LN3b[l][None, :])
             + _mlp_weights(l + 1, W1, B1, W2, B2, W3, B3)
             + _ffn_weights(l + 1, LN1w, LN1b, DWin, DBin, DWout, DBout,
                            LN2w, LN2b))
        ef2d, node = _call_fused(ef2d, nbr, node, mask2d, *w)

    nbr = _sc_gather(node, idx2d)
    w = (_mlp_weights(L - 1, W11, B11, W12, B12, W13, B13)
         + (LN3w[L - 1][None, :], LN3b[L - 1][None, :]))
    ef2d = _call_final(ef2d, nbr, node, *w)

    return node, ef2d.reshape(N, K, D)

# --- scband reference (transcript-rebuilt; emitter-appended) ---
"""Pipeline reference for scband-encoder-83665962926299 (READ-ONLY COPY).

The authoritative reference and input builder live on the scoring server;
editing this copy changes nothing except your own understanding.
"""

import jax, jax.numpy as jnp
import numpy as np

N, K, D, H, L = 10000, 16, 128, 128, 3
EDGE_IN = 3 * D
EPS = 1e-5
SCALE = 30.0


def _ln(x, w, b):
    m = jnp.mean(x, axis=-1, keepdims=True)
    v = jnp.var(x, axis=-1, keepdims=True)
    return (x - m) / jnp.sqrt(v + EPS) * w + b


def setup_inputs(seed: int = 0):
    key = jax.random.key(seed)
    ks = jax.random.split(key, 64)
    it = iter(range(64))

    def nrm(shape, scale=1.0):
        return jax.random.normal(ks[next(it)], shape, dtype=jnp.float32) * scale

    inp = {}
    inp["edge_features"] = nrm((N, K, D))
    inp["neighbor_indices"] = jax.random.randint(ks[next(it)], (N, K), 0, N)
    inp["mask"] = jnp.ones((N,), dtype=jnp.float32)
    se = 1.0 / np.sqrt(EDGE_IN)
    sh = 1.0 / np.sqrt(H)
    sd = 1.0 / np.sqrt(D)
    inp["W1"] = nrm((L, H, EDGE_IN), se); inp["B1"] = nrm((L, H), se)
    inp["W2"] = nrm((L, H, H), sh); inp["B2"] = nrm((L, H), sh)
    inp["W3"] = nrm((L, D, H), sh); inp["B3"] = nrm((L, D), sh)
    inp["LN1w"] = jnp.ones((L, D)); inp["LN1b"] = jnp.zeros((L, D))
    inp["DWin"] = nrm((L, H, D), sd); inp["DBin"] = nrm((L, H), sd)
    inp["DWout"] = nrm((L, D, H), sh); inp["DBout"] = nrm((L, D), sh)
    inp["LN2w"] = jnp.ones((L, D)); inp["LN2b"] = jnp.zeros((L, D))
    inp["W11"] = nrm((L, H, EDGE_IN), se); inp["B11"] = nrm((L, H), se)
    inp["W12"] = nrm((L, H, H), sh); inp["B12"] = nrm((L, H), sh)
    inp["W13"] = nrm((L, D, H), sh); inp["B13"] = nrm((L, D), sh)
    inp["LN3w"] = jnp.ones((L, D)); inp["LN3b"] = jnp.zeros((L, D))
    return inp


def reference(edge_features, neighbor_indices, mask, W1, B1, W2, B2, W3, B3, LN1w, LN1b, DWin, DBin, DWout, DBout, LN2w, LN2b, W11, B11, W12, B12, W13, B13, LN3w, LN3b):
    node = jnp.zeros((edge_features.shape[0], W3.shape[1]), dtype=edge_features.dtype)
    ef = edge_features
    nlayers = W1.shape[0]
    for l in range(nlayers):
        # concatenate_neighbor_nodes: gather neighbor node feats, concat onto edges
        nbr = node[neighbor_indices]
        e_cat = jnp.concatenate([ef, nbr], axis=-1)
        n_exp = jnp.tile(node[:, None, :], (1, e_cat.shape[1], 1))
        e_in = jnp.concatenate([n_exp, e_cat], axis=-1)
        m = jax.nn.gelu(e_in @ W1[l].T + B1[l], approximate=False)
        m = jax.nn.gelu(m @ W2[l].T + B2[l], approximate=False)
        m = m @ W3[l].T + B3[l]
        node = node + jnp.sum(m, axis=-2) / SCALE
        node = _ln(node, LN1w[l], LN1b[l])
        d = jax.nn.gelu(node @ DWin[l].T + DBin[l], approximate=False) @ DWout[l].T + DBout[l]
        node = _ln(node + d, LN2w[l], LN2b[l])
        node = mask[:, None] * node
        nbr = node[neighbor_indices]
        e_cat = jnp.concatenate([ef, nbr], axis=-1)
        n_exp = jnp.tile(node[:, None, :], (1, e_cat.shape[1], 1))
        mi = jnp.concatenate([n_exp, e_cat], axis=-1)
        em = jax.nn.gelu(mi @ W11[l].T + B11[l], approximate=False)
        em = jax.nn.gelu(em @ W12[l].T + B12[l], approximate=False)
        em = em @ W13[l].T + B13[l]
        ef = _ln(ef + em, LN3w[l], LN3b[l])
    return node, ef

if __name__ == "__main__":
    import jax
    _d = setup_inputs()
    print(jax.jit(kernel)(*tuple(_d.values())))

</pallas_src>

<mosaic_0001>
#map = affine_map<(d0, d1) -> (0, 0)>
module attributes {stable_mosaic.version = 14 : i64} {
  func.func @gk(%arg0: i32, %arg1: i32, %arg2: memref<10000x128xf32, #tpu.memory_space<hbm>>, %arg3: memref<2560x64xi32, #tpu.memory_space<hbm>>, %arg4: memref<163840x128xf32, #tpu.memory_space<hbm>>, %arg5: memref<160x64xi32, #tpu.memory_space<vmem>>, %arg6: memref<64x128xf32, #tpu.memory_space<vmem>>, %arg7: memref<64x128xf32, #tpu.memory_space<vmem>>, %arg8: memref<64x128xf32, #tpu.memory_space<vmem>>, %arg9: memref<64x128xf32, #tpu.memory_space<vmem>>, %arg10: memref<64x128xf32, #tpu.memory_space<vmem>>, %arg11: memref<64x128xf32, #tpu.memory_space<vmem>>, %arg12: memref<64x128xf32, #tpu.memory_space<vmem>>, %arg13: memref<64x128xf32, #tpu.memory_space<vmem>>, %arg14: memref<!tpu.dma_semaphore, #tpu.memory_space<semaphore_mem>>, %arg15: memref<!tpu.dma_semaphore, #tpu.memory_space<semaphore_mem>>, %arg16: memref<!tpu.dma_semaphore, #tpu.memory_space<semaphore_mem>>, %arg17: memref<!tpu.dma_semaphore, #tpu.memory_space<semaphore_mem>>, %arg18: memref<!tpu.dma_semaphore, #tpu.memory_space<semaphore_mem>>, %arg19: memref<!tpu.dma_semaphore, #tpu.memory_space<semaphore_mem>>, %arg20: memref<!tpu.dma_semaphore, #tpu.memory_space<semaphore_mem>>, %arg21: memref<!tpu.dma_semaphore, #tpu.memory_space<semaphore_mem>>, %arg22: memref<!tpu.dma_semaphore, #tpu.memory_space<semaphore_mem>>, %arg23: memref<!tpu.dma_semaphore, #tpu.memory_space<semaphore_mem>>, %arg24: memref<!tpu.dma_semaphore, #tpu.memory_space<semaphore_mem>>, %arg25: memref<!tpu.dma_semaphore, #tpu.memory_space<semaphore_mem>>, %arg26: memref<!tpu.dma_semaphore, #tpu.memory_space<semaphore_mem>>, %arg27: memref<!tpu.dma_semaphore, #tpu.memory_space<semaphore_mem>>, %arg28: memref<!tpu.dma_semaphore, #tpu.memory_space<semaphore_mem>>, %arg29: memref<!tpu.dma_semaphore, #tpu.memory_space<semaphore_mem>>) attributes {dimension_semantics = [#tpu.dimension_semantics<core_parallel>, #tpu.dimension_semantics<subcore_parallel>], iteration_bounds = array<i64: 2, 16>, scalar_prefetch = 0 : i64, scratch_operands = 25 : i64, tpu.core_type = #tpu.core_type<sc_vector_subcore>, window_params = [{transform_indices = #map}, {transform_indices = #map}, {transform_indices = #map}]} {
    %eq3A = arith.constant 0 : i32
    %eq3A_0 = arith.cmpi eq, %arg0, %eq3A : i32
    %jit3A = arith.constant 0 : i32
    %jit3A_1 = arith.constant 128 : i32
    %select_n3A = arith.select %eq3A_0, %jit3A, %jit3A_1 : i32
    %jit3A_2 = arith.constant 16 : i32
    %jit3A_3 = arith.constant 4 : i32
    %select_n3A_4 = arith.select %eq3A_0, %jit3A_2, %jit3A_3 : i32
    %mul3A = arith.constant 160 : i32
    %mul3A_5 = arith.muli %arg1, %mul3A : i32
    "tpu.region"() ({
      %run_scoped3A = tpu.sem_alloc : memref<!tpu.dma_semaphore, #tpu.memory_space<semaphore_mem>>
      %dma_start3A_124 = arith.constant 0 : i32
      %dma_start3A_125 = tpu.memref_slice %arg3[%mul3A_5, %dma_start3A_124] : memref<2560x64xi32, #tpu.memory_space<hbm>> -> memref<160x64xi32, #tpu.memory_space<hbm>>
      %dma_start3A_126 = arith.constant 0 : i32
      %dma_start3A_127 = tpu.memref_slice %arg3[%mul3A_5, %dma_start3A_126] : memref<2560x64xi32, #tpu.memory_space<hbm>> -> memref<160x64xi32, #tpu.memory_space<hbm>>
      tpu.enqueue_dma source(%dma_start3A_127 : memref<160x64xi32, #tpu.memory_space<hbm>>) target(%arg5 : memref<160x64xi32, #tpu.memory_space<vmem>>) target_semaphore(%run_scoped3A : memref<!tpu.dma_semaphore, #tpu.memory_space<semaphore_mem>>)
      %dma_wait3A_128 = arith.constant 0 : i32
      %dma_wait3A_129 = tpu.memref_slice %arg3[%mul3A_5, %dma_wait3A_128] : memref<2560x64xi32, #tpu.memory_space<hbm>> -> memref<160x64xi32, #tpu.memory_space<hbm>>
      %dma_wait3A_130 = arith.constant 0 : i32
      %dma_wait3A_131 = tpu.memref_slice %arg3[%mul3A_5, %dma_wait3A_130] : memref<2560x64xi32, #tpu.memory_space<hbm>> -> memref<160x64xi32, #tpu.memory_space<hbm>>
      tpu.wait_dma2 semaphore(%run_scoped3A : memref<!tpu.dma_semaphore, #tpu.memory_space<semaphore_mem>>) src(%dma_wait3A_131 : memref<160x64xi32, #tpu.memory_space<hbm>>) dst(%arg5 : memref<160x64xi32, #tpu.memory_space<vmem>>)
      tpu.yield
    }) : () -> ()
    %add3A = arith.constant 0 : i32
    %add3A_6 = arith.addi %select_n3A, %add3A : i32
    %dma_start3A = arith.constant 0 : i32
    %dma_start3A_7 = tpu.memref_slice %arg5[%add3A_6, %dma_start3A] : memref<160x64xi32, #tpu.memory_space<vmem>> -> memref<1x64xi32, #tpu.memory_space<vmem>>
    %dma_start3A_8 = tpu.memref_squeeze %dma_start3A_7 : memref<1x64xi32, #tpu.memory_space<vmem>> -> memref<64xi32, #tpu.memory_space<vmem>>
    %dma_start3A_9 = arith.constant 0 : i32
    %dma_start3A_10 = arith.constant 0 : i32
    %dma_start3A_11 = tpu.memref_slice %arg2[%dma_start3A_9, %dma_start3A_10] : memref<10000x128xf32, #tpu.memory_space<hbm>> -> memref<10000x128xf32, #tpu.memory_space<hbm>>
    tpu.enqueue_indirect_dma source(%dma_start3A_11 : memref<10000x128xf32, #tpu.memory_space<hbm>>) target(%arg6 : memref<64x128xf32, #tpu.memory_space<vmem>>) offsets(%dma_start3A_8 : memref<64xi32, #tpu.memory_space<vmem>>) semaphore(%arg14 : memref<!tpu.dma_semaphore, #tpu.memory_space<semaphore_mem>>)
    %add3A_12 = arith.constant 1 : i32
    %add3A_13 = arith.addi %select_n3A, %add3A_12 : i32
    %dma_start3A_14 = arith.constant 0 : i32
    %dma_start3A_15 = tpu.memref_slice %arg5[%add3A_13, %dma_start3A_14] : memref<160x64xi32, #tpu.memory_space<vmem>> -> memref<1x64xi32, #tpu.memory_space<vmem>>
    %dma_start3A_16 = tpu.memref_squeeze %dma_start3A_15 : memref<1x64xi32, #tpu.memory_space<vmem>> -> memref<64xi32, #tpu.memory_space<vmem>>
    %dma_start3A_17 = arith.constant 0 : i32
    %dma_start3A_18 = arith.constant 0 : i32
    %dma_start3A_19 = tpu.memref_slice %arg2[%dma_start3A_17, %dma_start3A_18] : memref<10000x128xf32, #tpu.memory_space<hbm>> -> memref<10000x128xf32, #tpu.memory_space<hbm>>
    tpu.enqueue_indirect_dma source(%dma_start3A_19 : memref<10000x128xf32, #tpu.memory_space<hbm>>) target(%arg7 : memref<64x128xf32, #tpu.memory_space<vmem>>) offsets(%dma_start3A_16 : memref<64xi32, #tpu.memory_space<vmem>>) semaphore(%arg15 : memref<!tpu.dma_semaphore, #tpu.memory_space<semaphore_mem>>)
    %add3A_20 = arith.constant 2 : i32
    %add3A_21 = arith.addi %select_n3A, %add3A_20 : i32
    %dma_start3A_22 = arith.constant 0 : i32
    %dma_start3A_23 = tpu.memref_slice %arg5[%add3A_21, %dma_start3A_22] : memref<160x64xi32, #tpu.memory_space<vmem>> -> memref<1x64xi32, #tpu.memory_space<vmem>>
    %dma_start3A_24 = tpu.memref_squeeze %dma_start3A_23 : memref<1x64xi32, #tpu.memory_space<vmem>> -> memref<64xi32, #tpu.memory_space<vmem>>
    %dma_start3A_25 = arith.constant 0 : i32
    %dma_start3A_26 = arith.constant 0 : i32
    %dma_start3A_27 = tpu.memref_slice %arg2[%dma_start3A_25, %dma_start3A_26] : memref<10000x128xf32, #tpu.memory_space<hbm>> -> memref<10000x128xf32, #tpu.memory_space<hbm>>
    tpu.enqueue_indirect_dma source(%dma_start3A_27 : memref<10000x128xf32, #tpu.memory_space<hbm>>) target(%arg8 : memref<64x128xf32, #tpu.memory_space<vmem>>) offsets(%dma_start3A_24 : memref<64xi32, #tpu.memory_space<vmem>>) semaphore(%arg16 : memref<!tpu.dma_semaphore, #tpu.memory_space<semaphore_mem>>)
    %add3A_28 = arith.constant 3 : i32
    %add3A_29 = arith.addi %select_n3A, %add3A_28 : i32
    %dma_start3A_30 = arith.constant 0 : i32
    %dma_start3A_31 = tpu.memref_slice %arg5[%add3A_29, %dma_start3A_30] : memref<160x64xi32, #tpu.memory_space<vmem>> -> memref<1x64xi32, #tpu.memory_space<vmem>>
    %dma_start3A_32 = tpu.memref_squeeze %dma_start3A_31 : memref<1x64xi32, #tpu.memory_space<vmem>> -> memref<64xi32, #tpu.memory_space<vmem>>
    %dma_start3A_33 = arith.constant 0 : i32
    %dma_start3A_34 = arith.constant 0 : i32
    %dma_start3A_35 = tpu.memref_slice %arg2[%dma_start3A_33, %dma_start3A_34] : memref<10000x128xf32, #tpu.memory_space<hbm>> -> memref<10000x128xf32, #tpu.memory_space<hbm>>
    tpu.enqueue_indirect_dma source(%dma_start3A_35 : memref<10000x128xf32, #tpu.memory_space<hbm>>) target(%arg9 : memref<64x128xf32, #tpu.memory_space<vmem>>) offsets(%dma_start3A_32 : memref<64xi32, #tpu.memory_space<vmem>>) semaphore(%arg17 : memref<!tpu.dma_semaphore, #tpu.memory_space<semaphore_mem>>)
    %add3A_36 = arith.constant 4 : i32
    %add3A_37 = arith.addi %select_n3A, %add3A_36 : i32
    %dma_start3A_38 = arith.constant 0 : i32
    %dma_start3A_39 = tpu.memref_slice %arg5[%add3A_37, %dma_start3A_38] : memref<160x64xi32, #tpu.memory_space<vmem>> -> memref<1x64xi32, #tpu.memory_space<vmem>>
    %dma_start3A_40 = tpu.memref_squeeze %dma_start3A_39 : memref<1x64xi32, #tpu.memory_space<vmem>> -> memref<64xi32, #tpu.memory_space<vmem>>
    %dma_start3A_41 = arith.constant 0 : i32
    %dma_start3A_42 = arith.constant 0 : i32
    %dma_start3A_43 = tpu.memref_slice %arg2[%dma_start3A_41, %dma_start3A_42] : memref<10000x128xf32, #tpu.memory_space<hbm>> -> memref<10000x128xf32, #tpu.memory_space<hbm>>
    tpu.enqueue_indirect_dma source(%dma_start3A_43 : memref<10000x128xf32, #tpu.memory_space<hbm>>) target(%arg10 : memref<64x128xf32, #tpu.memory_space<vmem>>) offsets(%dma_start3A_40 : memref<64xi32, #tpu.memory_space<vmem>>) semaphore(%arg18 : memref<!tpu.dma_semaphore, #tpu.memory_space<semaphore_mem>>)
    %add3A_44 = arith.constant 5 : i32
    %add3A_45 = arith.addi %select_n3A, %add3A_44 : i32
    %dma_start3A_46 = arith.constant 0 : i32
    %dma_start3A_47 = tpu.memref_slice %arg5[%add3A_45, %dma_start3A_46] : memref<160x64xi32, #tpu.memory_space<vmem>> -> memref<1x64xi32, #tpu.memory_space<vmem>>
    %dma_start3A_48 = tpu.memref_squeeze %dma_start3A_47 : memref<1x64xi32, #tpu.memory_space<vmem>> -> memref<64xi32, #tpu.memory_space<vmem>>
    %dma_start3A_49 = arith.constant 0 : i32
    %dma_start3A_50 = arith.constant 0 : i32
    %dma_start3A_51 = tpu.memref_slice %arg2[%dma_start3A_49, %dma_start3A_50] : memref<10000x128xf32, #tpu.memory_space<hbm>> -> memref<10000x128xf32, #tpu.memory_space<hbm>>
    tpu.enqueue_indirect_dma source(%dma_start3A_51 : memref<10000x128xf32, #tpu.memory_space<hbm>>) target(%arg11 : memref<64x128xf32, #tpu.memory_space<vmem>>) offsets(%dma_start3A_48 : memref<64xi32, #tpu.memory_space<vmem>>) semaphore(%arg19 : memref<!tpu.dma_semaphore, #tpu.memory_space<semaphore_mem>>)
    %add3A_52 = arith.constant 6 : i32
    %add3A_53 = arith.addi %select_n3A, %add3A_52 : i32
    %dma_start3A_54 = arith.constant 0 : i32
    %dma_start3A_55 = tpu.memref_slice %arg5[%add3A_53, %dma_start3A_54] : memref<160x64xi32, #tpu.memory_space<vmem>> -> memref<1x64xi32, #tpu.memory_space<vmem>>
    %dma_start3A_56 = tpu.memref_squeeze %dma_start3A_55 : memref<1x64xi32, #tpu.memory_space<vmem>> -> memref<64xi32, #tpu.memory_space<vmem>>
    %dma_start3A_57 = arith.constant 0 : i32
    %dma_start3A_58 = arith.constant 0 : i32
    %dma_start3A_59 = tpu.memref_slice %arg2[%dma_start3A_57, %dma_start3A_58] : memref<10000x128xf32, #tpu.memory_space<hbm>> -> memref<10000x128xf32, #tpu.memory_space<hbm>>
    tpu.enqueue_indirect_dma source(%dma_start3A_59 : memref<10000x128xf32, #tpu.memory_space<hbm>>) target(%arg12 : memref<64x128xf32, #tpu.memory_space<vmem>>) offsets(%dma_start3A_56 : memref<64xi32, #tpu.memory_space<vmem>>) semaphore(%arg20 : memref<!tpu.dma_semaphore, #tpu.memory_space<semaphore_mem>>)
    %add3A_60 = arith.constant 7 : i32
    %add3A_61 = arith.addi %select_n3A, %add3A_60 : i32
    %dma_start3A_62 = arith.constant 0 : i32
    %dma_start3A_63 = tpu.memref_slice %arg5[%add3A_61, %dma_start3A_62] : memref<160x64xi32, #tpu.memory_space<vmem>> -> memref<1x64xi32, #tpu.memory_space<vmem>>
    %dma_start3A_64 = tpu.memref_squeeze %dma_start3A_63 : memref<1x64xi32, #tpu.memory_space<vmem>> -> memref<64xi32, #tpu.memory_space<vmem>>
    %dma_start3A_65 = arith.constant 0 : i32
    %dma_start3A_66 = arith.constant 0 : i32
    %dma_start3A_67 = tpu.memref_slice %arg2[%dma_start3A_65, %dma_start3A_66] : memref<10000x128xf32, #tpu.memory_space<hbm>> -> memref<10000x128xf32, #tpu.memory_space<hbm>>
    tpu.enqueue_indirect_dma source(%dma_start3A_67 : memref<10000x128xf32, #tpu.memory_space<hbm>>) target(%arg13 : memref<64x128xf32, #tpu.memory_space<vmem>>) offsets(%dma_start3A_64 : memref<64xi32, #tpu.memory_space<vmem>>) semaphore(%arg21 : memref<!tpu.dma_semaphore, #tpu.memory_space<semaphore_mem>>)
    %while3A = arith.constant 0 : i32
    %while3A_68 = arith.constant 0 : i32
    %while3A_69 = arith.subi %select_n3A_4, %while3A_68 : i32
    %while3A_70 = arith.addi %while3A_68, %while3A_69 : i32
    %while3A_71 = arith.constant 1 : i32
    %while3A_72 = arith.divsi %while3A_69, %while3A_71 : i32
    %while3A_73 = arith.muli %while3A_72, %while3A_71 : i32
    %while3A_74 = arith.addi %while3A_68, %while3A_73 : i32
    %while3A_75 = arith.constant 1 : i32
    scf.for %while3A_124 = %while3A_68 to %while3A_74 step %while3A_75  : i32 {
      %mul3A_125 = arith.constant 8 : i32
      %mul3A_126 = arith.muli %while3A_124, %mul3A_125 : i32
      %add3A_127 = arith.addi %select_n3A, %mul3A_126 : i32
      %add3A_128 = arith.constant 0 : i32
      %add3A_129 = arith.addi %add3A_127, %add3A_128 : i32
      %dma_wait3A_130 = arith.constant 0 : i32
      %dma_wait3A_131 = tpu.memref_slice %arg5[%add3A_129, %dma_wait3A_130] : memref<160x64xi32, #tpu.memory_space<vmem>> -> memref<1x64xi32, #tpu.memory_space<vmem>>
      %dma_wait3A_132 = tpu.memref_squeeze %dma_wait3A_131 : memref<1x64xi32, #tpu.memory_space<vmem>> -> memref<64xi32, #tpu.memory_space<vmem>>
      %dma_wait3A_133 = arith.constant 0 : i32
      %dma_wait3A_134 = arith.constant 0 : i32
      %dma_wait3A_135 = tpu.memref_slice %arg2[%dma_wait3A_133, %dma_wait3A_134] : memref<10000x128xf32, #tpu.memory_space<hbm>> -> memref<10000x128xf32, #tpu.memory_space<hbm>>
      tpu.wait_indirect_dma semaphore(%arg14 : memref<!tpu.dma_semaphore, #tpu.memory_space<semaphore_mem>>) src(%dma_wait3A_135 : memref<10000x128xf32, #tpu.memory_space<hbm>>) dst(%arg6 : memref<64x128xf32, #tpu.memory_space<vmem>>)
      %add3A_136 = arith.addi %mul3A_5, %add3A_129 : i32
      %mul3A_137 = arith.constant 64 : i32
      %mul3A_138 = arith.muli %add3A_136, %mul3A_137 : i32
      %dma_start3A_139 = arith.constant 0 : i32
      %dma_start3A_140 = tpu.memref_slice %arg4[%mul3A_138, %dma_start3A_139] : memref<163840x128xf32, #tpu.memory_space<hbm>> -> memref<64x128xf32, #tpu.memory_space<hbm>>
      %dma_start3A_141 = arith.constant 0 : i32
      %dma_start3A_142 = tpu.memref_slice %arg4[%mul3A_138, %dma_start3A_141] : memref<163840x128xf32, #tpu.memory_space<hbm>> -> memref<64x128xf32, #tpu.memory_space<hbm>>
      tpu.enqueue_dma source(%arg6 : memref<64x128xf32, #tpu.memory_space<vmem>>) target(%dma_start3A_142 : memref<64x128xf32, #tpu.memory_space<hbm>>) target_semaphore(%arg22 : memref<!tpu.dma_semaphore, #tpu.memory_space<semaphore_mem>>)
      %sub3A = arith.constant 1 : i32
      %sub3A_143 = arith.subi %select_n3A_4, %sub3A : i32
      %lt3A = arith.cmpi slt, %while3A_124, %sub3A_143 : i32
      %convert_element_type3A = arith.extui %lt3A : i1 to i32
      %cond3A = arith.constant 0 : i32
      %cond3A_144 = arith.cmpi ne, %convert_element_type3A, %cond3A : i32
      scf.if %cond3A_144 {
        %mul3A_313 = arith.constant 64 : i32
        %mul3A_314 = arith.muli %mul3A_5, %mul3A_313 : i32
        %dma_wait3A_315 = arith.constant 0 : i32
        %dma_wait3A_316 = tpu.memref_slice %arg4[%mul3A_314, %dma_wait3A_315] : memref<163840x128xf32, #tpu.memory_space<hbm>> -> memref<64x128xf32, #tpu.memory_space<hbm>>
        %dma_wait3A_317 = arith.constant 0 : i32
        %dma_wait3A_318 = tpu.memref_slice %arg4[%mul3A_314, %dma_wait3A_317] : memref<163840x128xf32, #tpu.memory_space<hbm>> -> memref<64x128xf32, #tpu.memory_space<hbm>>
        tpu.wait_dma2 semaphore(%arg22 : memref<!tpu.dma_semaphore, #tpu.memory_space<semaphore_mem>>) src(%arg6 : memref<64x128xf32, #tpu.memory_space<vmem>>) dst(%dma_wait3A_318 : memref<64x128xf32, #tpu.memory_space<hbm>>)
        %add3A_319 = arith.constant 8 : i32
        %add3A_320 = arith.addi %add3A_129, %add3A_319 : i32
        %dma_start3A_321 = arith.constant 0 : i32
        %dma_start3A_322 = tpu.memref_slice %arg5[%add3A_320, %dma_start3A_321] : memref<160x64xi32, #tpu.memory_space<vmem>> -> memref<1x64xi32, #tpu.memory_space<vmem>>
        %dma_start3A_323 = tpu.memref_squeeze %dma_start3A_322 : memref<1x64xi32, #tpu.memory_space<vmem>> -> memref<64xi32, #tpu.memory_space<vmem>>
        %dma_start3A_324 = arith.constant 0 : i32
        %dma_start3A_325 = arith.constant 0 : i32
        %dma_start3A_326 = tpu.memref_slice %arg2[%dma_start3A_324, %dma_start3A_325] : memref<10000x128xf32, #tpu.memory_space<hbm>> -> memref<10000x128xf32, #tpu.memory_space<hbm>>
        tpu.enqueue_indirect_dma source(%dma_start3A_326 : memref<10000x128xf32, #tpu.memory_space<hbm>>) target(%arg6 : memref<64x128xf32, #tpu.memory_space<vmem>>) offsets(%dma_start3A_323 : memref<64xi32, #tpu.memory_space<vmem>>) semaphore(%arg14 : memref<!tpu.dma_semaphore, #tpu.memory_space<semaphore_mem>>)
      } else {
      }
      %mul3A_145 = arith.constant 8 : i32
      %mul3A_146 = arith.muli %while3A_124, %mul3A_145 : i32
      %add3A_147 = arith.addi %select_n3A, %mul3A_146 : i32
      %add3A_148 = arith.constant 1 : i32
      %add3A_149 = arith.addi %add3A_147, %add3A_148 : i32
      %dma_wait3A_150 = arith.constant 0 : i32
      %dma_wait3A_151 = tpu.memref_slice %arg5[%add3A_149, %dma_wait3A_150] : memref<160x64xi32, #tpu.memory_space<vmem>> -> memref<1x64xi32, #tpu.memory_space<vmem>>
      %dma_wait3A_152 = tpu.memref_squeeze %dma_wait3A_151 : memref<1x64xi32, #tpu.memory_space<vmem>> -> memref<64xi32, #tpu.memory_space<vmem>>
      %dma_wait3A_153 = arith.constant 0 : i32
      %dma_wait3A_154 = arith.constant 0 : i32
      %dma_wait3A_155 = tpu.memref_slice %arg2[%dma_wait3A_153, %dma_wait3A_154] : memref<10000x128xf32, #tpu.memory_space<hbm>> -> memref<10000x128xf32, #tpu.memory_space<hbm>>
      tpu.wait_indirect_dma semaphore(%arg15 : memref<!tpu.dma_semaphore, #tpu.memory_space<semaphore_mem>>) src(%dma_wait3A_155 : memref<10000x128xf32, #tpu.memory_space<hbm>>) dst(%arg7 : memref<64x128xf32, #tpu.memory_space<vmem>>)
      %add3A_156 = arith.addi %mul3A_5, %add3A_149 : i32
      %mul3A_157 = arith.constant 64 : i32
      %mul3A_158 = arith.muli %add3A_156, %mul3A_157 : i32
      %dma_start3A_159 = arith.constant 0 : i32
      %dma_start3A_160 = tpu.memref_slice %arg4[%mul3A_158, %dma_start3A_159] : memref<163840x128xf32, #tpu.memory_space<hbm>> -> memref<64x128xf32, #tpu.memory_space<hbm>>
      %dma_start3A_161 = arith.constant 0 : i32
      %dma_start3A_162 = tpu.memref_slice %arg4[%mul3A_158, %dma_start3A_161] : memref<163840x128xf32, #tpu.memory_space<hbm>> -> memref<64x128xf32, #tpu.memory_space<hbm>>
      tpu.enqueue_dma source(%arg7 : memref<64x128xf32, #tpu.memory_space<vmem>>) target(%dma_start3A_162 : memref<64x128xf32, #tpu.memory_space<hbm>>) target_semaphore(%arg23 : memref<!tpu.dma_semaphore, #tpu.memory_space<semaphore_mem>>)
      %sub3A_163 = arith.constant 1 : i32
      %sub3A_164 = arith.subi %select_n3A_4, %sub3A_163 : i32
      %lt3A_165 = arith.cmpi slt, %while3A_124, %sub3A_164 : i32
      %convert_element_type3A_166 = arith.extui %lt3A_165 : i1 to i32
      %cond3A_167 = arith.constant 0 : i32
      %cond3A_168 = arith.cmpi ne, %convert_element_type3A_166, %cond3A_167 : i32
      scf.if %cond3A_168 {
        %mul3A_313 = arith.constant 64 : i32
        %mul3A_314 = arith.muli %mul3A_5, %mul3A_313 : i32
        %dma_wait3A_315 = arith.constant 0 : i32
        %dma_wait3A_316 = tpu.memref_slice %arg4[%mul3A_314, %dma_wait3A_315] : memref<163840x128xf32, #tpu.memory_space<hbm>> -> memref<64x128xf32, #tpu.memory_space<hbm>>
        %dma_wait3A_317 = arith.constant 0 : i32
        %dma_wait3A_318 = tpu.memref_slice %arg4[%mul3A_314, %dma_wait3A_317] : memref<163840x128xf32, #tpu.memory_space<hbm>> -> memref<64x128xf32, #tpu.memory_space<hbm>>
        tpu.wait_dma2 semaphore(%arg23 : memref<!tpu.dma_semaphore, #tpu.memory_space<semaphore_mem>>) src(%arg7 : memref<64x128xf32, #tpu.memory_space<vmem>>) dst(%dma_wait3A_318 : memref<64x128xf32, #tpu.memory_space<hbm>>)
        %add3A_319 = arith.constant 8 : i32
        %add3A_320 = arith.addi %add3A_149, %add3A_319 : i32
        %dma_start3A_321 = arith.constant 0 : i32
        %dma_start3A_322 = tpu.memref_slice %arg5[%add3A_320, %dma_start3A_321] : memref<160x64xi32, #tpu.memory_space<vmem>> -> memref<1x64xi32, #tpu.memory_space<vmem>>
        %dma_start3A_323 = tpu.memref_squeeze %dma_start3A_322 : memref<1x64xi32, #tpu.memory_space<vmem>> -> memref<64xi32, #tpu.memory_space<vmem>>
        %dma_start3A_324 = arith.constant 0 : i32
        %dma_start3A_325 = arith.constant 0 : i32
        %dma_start3A_326 = tpu.memref_slice %arg2[%dma_start3A_324, %dma_start3A_325] : memref<10000x128xf32, #tpu.memory_space<hbm>> -> memref<10000x128xf32, #tpu.memory_space<hbm>>
        tpu.enqueue_indirect_dma source(%dma_start3A_326 : memref<10000x128xf32, #tpu.memory_space<hbm>>) target(%arg7 : memref<64x128xf32, #tpu.memory_space<vmem>>) offsets(%dma_start3A_323 : memref<64xi32, #tpu.memory_space<vmem>>) semaphore(%arg15 : memref<!tpu.dma_semaphore, #tpu.memory_space<semaphore_mem>>)
      } else {
      }
      %mul3A_169 = arith.constant 8 : i32
      %mul3A_170 = arith.muli %while3A_124, %mul3A_169 : i32
      %add3A_171 = arith.addi %select_n3A, %mul3A_170 : i32
      %add3A_172 = arith.constant 2 : i32
      %add3A_173 = arith.addi %add3A_171, %add3A_172 : i32
      %dma_wait3A_174 = arith.constant 0 : i32
      %dma_wait3A_175 = tpu.memref_slice %arg5[%add3A_173, %dma_wait3A_174] : memref<160x64xi32, #tpu.memory_space<vmem>> -> memref<1x64xi32, #tpu.memory_space<vmem>>
      %dma_wait3A_176 = tpu.memref_squeeze %dma_wait3A_175 : memref<1x64xi32, #tpu.memory_space<vmem>> -> memref<64xi32, #tpu.memory_space<vmem>>
      %dma_wait3A_177 = arith.constant 0 : i32
      %dma_wait3A_178 = arith.constant 0 : i32
      %dma_wait3A_179 = tpu.memref_slice %arg2[%dma_wait3A_177, %dma_wait3A_178] : memref<10000x128xf32, #tpu.memory_space<hbm>> -> memref<10000x128xf32, #tpu.memory_space<hbm>>
      tpu.wait_indirect_dma semaphore(%arg16 : memref<!tpu.dma_semaphore, #tpu.memory_space<semaphore_mem>>) src(%dma_wait3A_179 : memref<10000x128xf32, #tpu.memory_space<hbm>>) dst(%arg8 : memref<64x128xf32, #tpu.memory_space<vmem>>)
      %add3A_180 = arith.addi %mul3A_5, %add3A_173 : i32
      %mul3A_181 = arith.constant 64 : i32
      %mul3A_182 = arith.muli %add3A_180, %mul3A_181 : i32
      %dma_start3A_183 = arith.constant 0 : i32
      %dma_start3A_184 = tpu.memref_slice %arg4[%mul3A_182, %dma_start3A_183] : memref<163840x128xf32, #tpu.memory_space<hbm>> -> memref<64x128xf32, #tpu.memory_space<hbm>>
      %dma_start3A_185 = arith.constant 0 : i32
      %dma_start3A_186 = tpu.memref_slice %arg4[%mul3A_182, %dma_start3A_185] : memref<163840x128xf32, #tpu.memory_space<hbm>> -> memref<64x128xf32, #tpu.memory_space<hbm>>
      tpu.enqueue_dma source(%arg8 : memref<64x128xf32, #tpu.memory_space<vmem>>) target(%dma_start3A_186 : memref<64x128xf32, #tpu.memory_space<hbm>>) target_semaphore(%arg24 : memref<!tpu.dma_semaphore, #tpu.memory_space<semaphore_mem>>)
      %sub3A_187 = arith.constant 1 : i32
      %sub3A_188 = arith.subi %select_n3A_4, %sub3A_187 : i32
      %lt3A_189 = arith.cmpi slt, %while3A_124, %sub3A_188 : i32
      %convert_element_type3A_190 = arith.extui %lt3A_189 : i1 to i32
      %cond3A_191 = arith.constant 0 : i32
      %cond3A_192 = arith.cmpi ne, %convert_element_type3A_190, %cond3A_191 : i32
      scf.if %cond3A_192 {
        %mul3A_313 = arith.constant 64 : i32
        %mul3A_314 = arith.muli %mul3A_5, %mul3A_313 : i32
        %dma_wait3A_315 = arith.constant 0 : i32
        %dma_wait3A_316 = tpu.memref_slice %arg4[%mul3A_314, %dma_wait3A_315] : memref<163840x128xf32, #tpu.memory_space<hbm>> -> memref<64x128xf32, #tpu.memory_space<hbm>>
        %dma_wait3A_317 = arith.constant 0 : i32
        %dma_wait3A_318 = tpu.memref_slice %arg4[%mul3A_314, %dma_wait3A_317] : memref<163840x128xf32, #tpu.memory_space<hbm>> -> memref<64x128xf32, #tpu.memory_space<hbm>>
        tpu.wait_dma2 semaphore(%arg24 : memref<!tpu.dma_semaphore, #tpu.memory_space<semaphore_mem>>) src(%arg8 : memref<64x128xf32, #tpu.memory_space<vmem>>) dst(%dma_wait3A_318 : memref<64x128xf32, #tpu.memory_space<hbm>>)
        %add3A_319 = arith.constant 8 : i32
        %add3A_320 = arith.addi %add3A_173, %add3A_319 : i32
        %dma_start3A_321 = arith.constant 0 : i32
        %dma_start3A_322 = tpu.memref_slice %arg5[%add3A_320, %dma_start3A_321] : memref<160x64xi32, #tpu.memory_space<vmem>> -> memref<1x64xi32, #tpu.memory_space<vmem>>
        %dma_start3A_323 = tpu.memref_squeeze %dma_start3A_322 : memref<1x64xi32, #tpu.memory_space<vmem>> -> memref<64xi32, #tpu.memory_space<vmem>>
        %dma_start3A_324 = arith.constant 0 : i32
        %dma_start3A_325 = arith.constant 0 : i32
        %dma_start3A_326 = tpu.memref_slice %arg2[%dma_start3A_324, %dma_start3A_325] : memref<10000x128xf32, #tpu.memory_space<hbm>> -> memref<10000x128xf32, #tpu.memory_space<hbm>>
        tpu.enqueue_indirect_dma source(%dma_start3A_326 : memref<10000x128xf32, #tpu.memory_space<hbm>>) target(%arg8 : memref<64x128xf32, #tpu.memory_space<vmem>>) offsets(%dma_start3A_323 : memref<64xi32, #tpu.memory_space<vmem>>) semaphore(%arg16 : memref<!tpu.dma_semaphore, #tpu.memory_space<semaphore_mem>>)
      } else {
      }
      %mul3A_193 = arith.constant 8 : i32
      %mul3A_194 = arith.muli %while3A_124, %mul3A_193 : i32
      %add3A_195 = arith.addi %select_n3A, %mul3A_194 : i32
      %add3A_196 = arith.constant 3 : i32
      %add3A_197 = arith.addi %add3A_195, %add3A_196 : i32
      %dma_wait3A_198 = arith.constant 0 : i32
      %dma_wait3A_199 = tpu.memref_slice %arg5[%add3A_197, %dma_wait3A_198] : memref<160x64xi32, #tpu.memory_space<vmem>> -> memref<1x64xi32, #tpu.memory_space<vmem>>
      %dma_wait3A_200 = tpu.memref_squeeze %dma_wait3A_199 : memref<1x64xi32, #tpu.memory_space<vmem>> -> memref<64xi32, #tpu.memory_space<vmem>>
      %dma_wait3A_201 = arith.constant 0 : i32
      %dma_wait3A_202 = arith.constant 0 : i32
      %dma_wait3A_203 = tpu.memref_slice %arg2[%dma_wait3A_201, %dma_wait3A_202] : memref<10000x128xf32, #tpu.memory_space<hbm>> -> memref<10000x128xf32, #tpu.memory_space<hbm>>
      tpu.wait_indirect_dma semaphore(%arg17 : memref<!tpu.dma_semaphore, #tpu.memory_space<semaphore_mem>>) src(%dma_wait3A_203 : memref<10000x128xf32, #tpu.memory_space<hbm>>) dst(%arg9 : memref<64x128xf32, #tpu.memory_space<vmem>>)
      %add3A_204 = arith.addi %mul3A_5, %add3A_197 : i32
      %mul3A_205 = arith.constant 64 : i32
      %mul3A_206 = arith.muli %add3A_204, %mul3A_205 : i32
      %dma_start3A_207 = arith.constant 0 : i32
      %dma_start3A_208 = tpu.memref_slice %arg4[%mul3A_206, %dma_start3A_207] : memref<163840x128xf32, #tpu.memory_space<hbm>> -> memref<64x128xf32, #tpu.memory_space<hbm>>
      %dma_start3A_209 = arith.constant 0 : i32
      %dma_start3A_210 = tpu.memref_slice %arg4[%mul3A_206, %dma_start3A_209] : memref<163840x128xf32, #tpu.memory_space<hbm>> -> memref<64x128xf32, #tpu.memory_space<hbm>>
      tpu.enqueue_dma source(%arg9 : memref<64x128xf32, #tpu.memory_space<vmem>>) target(%dma_start3A_210 : memref<64x128xf32, #tpu.memory_space<hbm>>) target_semaphore(%arg25 : memref<!tpu.dma_semaphore, #tpu.memory_space<semaphore_mem>>)
      %sub3A_211 = arith.constant 1 : i32
      %sub3A_212 = arith.subi %select_n3A_4, %sub3A_211 : i32
      %lt3A_213 = arith.cmpi slt, %while3A_124, %sub3A_212 : i32
      %convert_element_type3A_214 = arith.extui %lt3A_213 : i1 to i32
      %cond3A_215 = arith.constant 0 : i32
      %cond3A_216 = arith.cmpi ne, %convert_element_type3A_214, %cond3A_215 : i32
      scf.if %cond3A_216 {
        %mul3A_313 = arith.constant 64 : i32
        %mul3A_314 = arith.muli %mul3A_5, %mul3A_313 : i32
        %dma_wait3A_315 = arith.constant 0 : i32
        %dma_wait3A_316 = tpu.memref_slice %arg4[%mul3A_314, %dma_wait3A_315] : memref<163840x128xf32, #tpu.memory_space<hbm>> -> memref<64x128xf32, #tpu.memory_space<hbm>>
        %dma_wait3A_317 = arith.constant 0 : i32
        %dma_wait3A_318 = tpu.memref_slice %arg4[%mul3A_314, %dma_wait3A_317] : memref<163840x128xf32, #tpu.memory_space<hbm>> -> memref<64x128xf32, #tpu.memory_space<hbm>>
        tpu.wait_dma2 semaphore(%arg25 : memref<!tpu.dma_semaphore, #tpu.memory_space<semaphore_mem>>) src(%arg9 : memref<64x128xf32, #tpu.memory_space<vmem>>) dst(%dma_wait3A_318 : memref<64x128xf32, #tpu.memory_space<hbm>>)
        %add3A_319 = arith.constant 8 : i32
        %add3A_320 = arith.addi %add3A_197, %add3A_319 : i32
        %dma_start3A_321 = arith.constant 0 : i32
        %dma_start3A_322 = tpu.memref_slice %arg5[%add3A_320, %dma_start3A_321] : memref<160x64xi32, #tpu.memory_space<vmem>> -> memref<1x64xi32, #tpu.memory_space<vmem>>
        %dma_start3A_323 = tpu.memref_squeeze %dma_start3A_322 : memref<1x64xi32, #tpu.memory_space<vmem>> -> memref<64xi32, #tpu.memory_space<vmem>>
        %dma_start3A_324 = arith.constant 0 : i32
        %dma_start3A_325 = arith.constant 0 : i32
        %dma_start3A_326 = tpu.memref_slice %arg2[%dma_start3A_324, %dma_start3A_325] : memref<10000x128xf32, #tpu.memory_space<hbm>> -> memref<10000x128xf32, #tpu.memory_space<hbm>>
        tpu.enqueue_indirect_dma source(%dma_start3A_326 : memref<10000x128xf32, #tpu.memory_space<hbm>>) target(%arg9 : memref<64x128xf32, #tpu.memory_space<vmem>>) offsets(%dma_start3A_323 : memref<64xi32, #tpu.memory_space<vmem>>) semaphore(%arg17 : memref<!tpu.dma_semaphore, #tpu.memory_space<semaphore_mem>>)
      } else {
      }
      %mul3A_217 = arith.constant 8 : i32
      %mul3A_218 = arith.muli %while3A_124, %mul3A_217 : i32
      %add3A_219 = arith.addi %select_n3A, %mul3A_218 : i32
      %add3A_220 = arith.constant 4 : i32
      %add3A_221 = arith.addi %add3A_219, %add3A_220 : i32
      %dma_wait3A_222 = arith.constant 0 : i32
      %dma_wait3A_223 = tpu.memref_slice %arg5[%add3A_221, %dma_wait3A_222] : memref<160x64xi32, #tpu.memory_space<vmem>> -> memref<1x64xi32, #tpu.memory_space<vmem>>
      %dma_wait3A_224 = tpu.memref_squeeze %dma_wait3A_223 : memref<1x64xi32, #tpu.memory_space<vmem>> -> memref<64xi32, #tpu.memory_space<vmem>>
      %dma_wait3A_225 = arith.constant 0 : i32
      %dma_wait3A_226 = arith.constant 0 : i32
      %dma_wait3A_227 = tpu.memref_slice %arg2[%dma_wait3A_225, %dma_wait3A_226] : memref<10000x128xf32, #tpu.memory_space<hbm>> -> memref<10000x128xf32, #tpu.memory_space<hbm>>
      tpu.wait_indirect_dma semaphore(%arg18 : memref<!tpu.dma_semaphore, #tpu.memory_space<semaphore_mem>>) src(%dma_wait3A_227 : memref<10000x128xf32, #tpu.memory_space<hbm>>) dst(%arg10 : memref<64x128xf32, #tpu.memory_space<vmem>>)
      %add3A_228 = arith.addi %mul3A_5, %add3A_221 : i32
      %mul3A_229 = arith.constant 64 : i32
      %mul3A_230 = arith.muli %add3A_228, %mul3A_229 : i32
      %dma_start3A_231 = arith.constant 0 : i32
      %dma_start3A_232 = tpu.memref_slice %arg4[%mul3A_230, %dma_start3A_231] : memref<163840x128xf32, #tpu.memory_space<hbm>> -> memref<64x128xf32, #tpu.memory_space<hbm>>
      %dma_start3A_233 = arith.constant 0 : i32
      %dma_start3A_234 = tpu.memref_slice %arg4[%mul3A_230, %dma_start3A_233] : memref<163840x128xf32, #tpu.memory_space<hbm>> -> memref<64x128xf32, #tpu.memory_space<hbm>>
      tpu.enqueue_dma source(%arg10 : memref<64x128xf32, #tpu.memory_space<vmem>>) target(%dma_start3A_234 : memref<64x128xf32, #tpu.memory_space<hbm>>) target_semaphore(%arg26 : memref<!tpu.dma_semaphore, #tpu.memory_space<semaphore_mem>>)
      %sub3A_235 = arith.constant 1 : i32
      %sub3A_236 = arith.subi %select_n3A_4, %sub3A_235 : i32
      %lt3A_237 = arith.cmpi slt, %while3A_124, %sub3A_236 : i32
      %convert_element_type3A_238 = arith.extui %lt3A_237 : i1 to i32
      %cond3A_239 = arith.constant 0 : i32
      %cond3A_240 = arith.cmpi ne, %convert_element_type3A_238, %cond3A_239 : i32
      scf.if %cond3A_240 {
        %mul3A_313 = arith.constant 64 : i32
        %mul3A_314 = arith.muli %mul3A_5, %mul3A_313 : i32
        %dma_wait3A_315 = arith.constant 0 : i32
        %dma_wait3A_316 = tpu.memref_slice %arg4[%mul3A_314, %dma_wait3A_315] : memref<163840x128xf32, #tpu.memory_space<hbm>> -> memref<64x128xf32, #tpu.memory_space<hbm>>
        %dma_wait3A_317 = arith.constant 0 : i32
        %dma_wait3A_318 = tpu.memref_slice %arg4[%mul3A_314, %dma_wait3A_317] : memref<163840x128xf32, #tpu.memory_space<hbm>> -> memref<64x128xf32, #tpu.memory_space<hbm>>
        tpu.wait_dma2 semaphore(%arg26 : memref<!tpu.dma_semaphore, #tpu.memory_space<semaphore_mem>>) src(%arg10 : memref<64x128xf32, #tpu.memory_space<vmem>>) dst(%dma_wait3A_318 : memref<64x128xf32, #tpu.memory_space<hbm>>)
        %add3A_319 = arith.constant 8 : i32
        %add3A_320 = arith.addi %add3A_221, %add3A_319 : i32
        %dma_start3A_321 = arith.constant 0 : i32
        %dma_start3A_322 = tpu.memref_slice %arg5[%add3A_320, %dma_start3A_321] : memref<160x64xi32, #tpu.memory_space<vmem>> -> memref<1x64xi32, #tpu.memory_space<vmem>>
        %dma_start3A_323 = tpu.memref_squeeze %dma_start3A_322 : memref<1x64xi32, #tpu.memory_space<vmem>> -> memref<64xi32, #tpu.memory_space<vmem>>
        %dma_start3A_324 = arith.constant 0 : i32
        %dma_start3A_325 = arith.constant 0 : i32
        %dma_start3A_326 = tpu.memref_slice %arg2[%dma_start3A_324, %dma_start3A_325] : memref<10000x128xf32, #tpu.memory_space<hbm>> -> memref<10000x128xf32, #tpu.memory_space<hbm>>
        tpu.enqueue_indirect_dma source(%dma_start3A_326 : memref<10000x128xf32, #tpu.memory_space<hbm>>) target(%arg10 : memref<64x128xf32, #tpu.memory_space<vmem>>) offsets(%dma_start3A_323 : memref<64xi32, #tpu.memory_space<vmem>>) semaphore(%arg18 : memref<!tpu.dma_semaphore, #tpu.memory_space<semaphore_mem>>)
      } else {
      }
      %mul3A_241 = arith.constant 8 : i32
      %mul3A_242 = arith.muli %while3A_124, %mul3A_241 : i32
      %add3A_243 = arith.addi %select_n3A, %mul3A_242 : i32
      %add3A_244 = arith.constant 5 : i32
      %add3A_245 = arith.addi %add3A_243, %add3A_244 : i32
      %dma_wait3A_246 = arith.constant 0 : i32
      %dma_wait3A_247 = tpu.memref_slice %arg5[%add3A_245, %dma_wait3A_246] : memref<160x64xi32, #tpu.memory_space<vmem>> -> memref<1x64xi32, #tpu.memory_space<vmem>>
      %dma_wait3A_248 = tpu.memref_squeeze %dma_wait3A_247 : memref<1x64xi32, #tpu.memory_space<vmem>> -> memref<64xi32, #tpu.memory_space<vmem>>
      %dma_wait3A_249 = arith.constant 0 : i32
      %dma_wait3A_250 = arith.constant 0 : i32
      %dma_wait3A_251 = tpu.memref_slice %arg2[%dma_wait3A_249, %dma_wait3A_250] : memref<10000x128xf32, #tpu.memory_space<hbm>> -> memref<10000x128xf32, #tpu.memory_space<hbm>>
      tpu.wait_indirect_dma semaphore(%arg19 : memref<!tpu.dma_semaphore, #tpu.memory_space<semaphore_mem>>) src(%dma_wait3A_251 : memref<10000x128xf32, #tpu.memory_space<hbm>>) dst(%arg11 : memref<64x128xf32, #tpu.memory_space<vmem>>)
      %add3A_252 = arith.addi %mul3A_5, %add3A_245 : i32
      %mul3A_253 = arith.constant 64 : i32
      %mul3A_254 = arith.muli %add3A_252, %mul3A_253 : i32
      %dma_start3A_255 = arith.constant 0 : i32
      %dma_start3A_256 = tpu.memref_slice %arg4[%mul3A_254, %dma_start3A_255] : memref<163840x128xf32, #tpu.memory_space<hbm>> -> memref<64x128xf32, #tpu.memory_space<hbm>>
      %dma_start3A_257 = arith.constant 0 : i32
      %dma_start3A_258 = tpu.memref_slice %arg4[%mul3A_254, %dma_start3A_257] : memref<163840x128xf32, #tpu.memory_space<hbm>> -> memref<64x128xf32, #tpu.memory_space<hbm>>
      tpu.enqueue_dma source(%arg11 : memref<64x128xf32, #tpu.memory_space<vmem>>) target(%dma_start3A_258 : memref<64x128xf32, #tpu.memory_space<hbm>>) target_semaphore(%arg27 : memref<!tpu.dma_semaphore, #tpu.memory_space<semaphore_mem>>)
      %sub3A_259 = arith.constant 1 : i32
      %sub3A_260 = arith.subi %select_n3A_4, %sub3A_259 : i32
      %lt3A_261 = arith.cmpi slt, %while3A_124, %sub3A_260 : i32
      %convert_element_type3A_262 = arith.extui %lt3A_261 : i1 to i32
      %cond3A_263 = arith.constant 0 : i32
      %cond3A_264 = arith.cmpi ne, %convert_element_type3A_262, %cond3A_263 : i32
      scf.if %cond3A_264 {
        %mul3A_313 = arith.constant 64 : i32
        %mul3A_314 = arith.muli %mul3A_5, %mul3A_313 : i32
        %dma_wait3A_315 = arith.constant 0 : i32
        %dma_wait3A_316 = tpu.memref_slice %arg4[%mul3A_314, %dma_wait3A_315] : memref<163840x128xf32, #tpu.memory_space<hbm>> -> memref<64x128xf32, #tpu.memory_space<hbm>>
        %dma_wait3A_317 = arith.constant 0 : i32
        %dma_wait3A_318 = tpu.memref_slice %arg4[%mul3A_314, %dma_wait3A_317] : memref<163840x128xf32, #tpu.memory_space<hbm>> -> memref<64x128xf32, #tpu.memory_space<hbm>>
        tpu.wait_dma2 semaphore(%arg27 : memref<!tpu.dma_semaphore, #tpu.memory_space<semaphore_mem>>) src(%arg11 : memref<64x128xf32, #tpu.memory_space<vmem>>) dst(%dma_wait3A_318 : memref<64x128xf32, #tpu.memory_space<hbm>>)
        %add3A_319 = arith.constant 8 : i32
        %add3A_320 = arith.addi %add3A_245, %add3A_319 : i32
        %dma_start3A_321 = arith.constant 0 : i32
        %dma_start3A_322 = tpu.memref_slice %arg5[%add3A_320, %dma_start3A_321] : memref<160x64xi32, #tpu.memory_space<vmem>> -> memref<1x64xi32, #tpu.memory_space<vmem>>
        %dma_start3A_323 = tpu.memref_squeeze %dma_start3A_322 : memref<1x64xi32, #tpu.memory_space<vmem>> -> memref<64xi32, #tpu.memory_space<vmem>>
        %dma_start3A_324 = arith.constant 0 : i32
        %dma_start3A_325 = arith.constant 0 : i32
        %dma_start3A_326 = tpu.memref_slice %arg2[%dma_start3A_324, %dma_start3A_325] : memref<10000x128xf32, #tpu.memory_space<hbm>> -> memref<10000x128xf32, #tpu.memory_space<hbm>>
        tpu.enqueue_indirect_dma source(%dma_start3A_326 : memref<10000x128xf32, #tpu.memory_space<hbm>>) target(%arg11 : memref<64x128xf32, #tpu.memory_space<vmem>>) offsets(%dma_start3A_323 : memref<64xi32, #tpu.memory_space<vmem>>) semaphore(%arg19 : memref<!tpu.dma_semaphore, #tpu.memory_space<semaphore_mem>>)
      } else {
      }
      %mul3A_265 = arith.constant 8 : i32
      %mul3A_266 = arith.muli %while3A_124, %mul3A_265 : i32
      %add3A_267 = arith.addi %select_n3A, %mul3A_266 : i32
      %add3A_268 = arith.constant 6 : i32
      %add3A_269 = arith.addi %add3A_267, %add3A_268 : i32
      %dma_wait3A_270 = arith.constant 0 : i32
      %dma_wait3A_271 = tpu.memref_slice %arg5[%add3A_269, %dma_wait3A_270] : memref<160x64xi32, #tpu.memory_space<vmem>> -> memref<1x64xi32, #tpu.memory_space<vmem>>
      %dma_wait3A_272 = tpu.memref_squeeze %dma_wait3A_271 : memref<1x64xi32, #tpu.memory_space<vmem>> -> memref<64xi32, #tpu.memory_space<vmem>>
      %dma_wait3A_273 = arith.constant 0 : i32
      %dma_wait3A_274 = arith.constant 0 : i32
      %dma_wait3A_275 = tpu.memref_slice %arg2[%dma_wait3A_273, %dma_wait3A_274] : memref<10000x128xf32, #tpu.memory_space<hbm>> -> memref<10000x128xf32, #tpu.memory_space<hbm>>
      tpu.wait_indirect_dma semaphore(%arg20 : memref<!tpu.dma_semaphore, #tpu.memory_space<semaphore_mem>>) src(%dma_wait3A_275 : memref<10000x128xf32, #tpu.memory_space<hbm>>) dst(%arg12 : memref<64x128xf32, #tpu.memory_space<vmem>>)
      %add3A_276 = arith.addi %mul3A_5, %add3A_269 : i32
      %mul3A_277 = arith.constant 64 : i32
      %mul3A_278 = arith.muli %add3A_276, %mul3A_277 : i32
      %dma_start3A_279 = arith.constant 0 : i32
      %dma_start3A_280 = tpu.memref_slice %arg4[%mul3A_278, %dma_start3A_279] : memref<163840x128xf32, #tpu.memory_space<hbm>> -> memref<64x128xf32, #tpu.memory_space<hbm>>
      %dma_start3A_281 = arith.constant 0 : i32
      %dma_start3A_282 = tpu.memref_slice %arg4[%mul3A_278, %dma_start3A_281] : memref<163840x128xf32, #tpu.memory_space<hbm>> -> memref<64x128xf32, #tpu.memory_space<hbm>>
      tpu.enqueue_dma source(%arg12 : memref<64x128xf32, #tpu.memory_space<vmem>>) target(%dma_start3A_282 : memref<64x128xf32, #tpu.memory_space<hbm>>) target_semaphore(%arg28 : memref<!tpu.dma_semaphore, #tpu.memory_space<semaphore_mem>>)
      %sub3A_283 = arith.constant 1 : i32
      %sub3A_284 = arith.subi %select_n3A_4, %sub3A_283 : i32
      %lt3A_285 = arith.cmpi slt, %while3A_124, %sub3A_284 : i32
      %convert_element_type3A_286 = arith.extui %lt3A_285 : i1 to i32
      %cond3A_287 = arith.constant 0 : i32
      %cond3A_288 = arith.cmpi ne, %convert_element_type3A_286, %cond3A_287 : i32
      scf.if %cond3A_288 {
        %mul3A_313 = arith.constant 64 : i32
        %mul3A_314 = arith.muli %mul3A_5, %mul3A_313 : i32
        %dma_wait3A_315 = arith.constant 0 : i32
        %dma_wait3A_316 = tpu.memref_slice %arg4[%mul3A_314, %dma_wait3A_315] : memref<163840x128xf32, #tpu.memory_space<hbm>> -> memref<64x128xf32, #tpu.memory_space<hbm>>
        %dma_wait3A_317 = arith.constant 0 : i32
        %dma_wait3A_318 = tpu.memref_slice %arg4[%mul3A_314, %dma_wait3A_317] : memref<163840x128xf32, #tpu.memory_space<hbm>> -> memref<64x128xf32, #tpu.memory_space<hbm>>
        tpu.wait_dma2 semaphore(%arg28 : memref<!tpu.dma_semaphore, #tpu.memory_space<semaphore_mem>>) src(%arg12 : memref<64x128xf32, #tpu.memory_space<vmem>>) dst(%dma_wait3A_318 : memref<64x128xf32, #tpu.memory_space<hbm>>)
        %add3A_319 = arith.constant 8 : i32
        %add3A_320 = arith.addi %add3A_269, %add3A_319 : i32
        %dma_start3A_321 = arith.constant 0 : i32
        %dma_start3A_322 = tpu.memref_slice %arg5[%add3A_320, %dma_start3A_321] : memref<160x64xi32, #tpu.memory_space<vmem>> -> memref<1x64xi32, #tpu.memory_space<vmem>>
        %dma_start3A_323 = tpu.memref_squeeze %dma_start3A_322 : memref<1x64xi32, #tpu.memory_space<vmem>> -> memref<64xi32, #tpu.memory_space<vmem>>
        %dma_start3A_324 = arith.constant 0 : i32
        %dma_start3A_325 = arith.constant 0 : i32
        %dma_start3A_326 = tpu.memref_slice %arg2[%dma_start3A_324, %dma_start3A_325] : memref<10000x128xf32, #tpu.memory_space<hbm>> -> memref<10000x128xf32, #tpu.memory_space<hbm>>
        tpu.enqueue_indirect_dma source(%dma_start3A_326 : memref<10000x128xf32, #tpu.memory_space<hbm>>) target(%arg12 : memref<64x128xf32, #tpu.memory_space<vmem>>) offsets(%dma_start3A_323 : memref<64xi32, #tpu.memory_space<vmem>>) semaphore(%arg20 : memref<!tpu.dma_semaphore, #tpu.memory_space<semaphore_mem>>)
      } else {
      }
      %mul3A_289 = arith.constant 8 : i32
      %mul3A_290 = arith.muli %while3A_124, %mul3A_289 : i32
      %add3A_291 = arith.addi %select_n3A, %mul3A_290 : i32
      %add3A_292 = arith.constant 7 : i32
      %add3A_293 = arith.addi %add3A_291, %add3A_292 : i32
      %dma_wait3A_294 = arith.constant 0 : i32
      %dma_wait3A_295 = tpu.memref_slice %arg5[%add3A_293, %dma_wait3A_294] : memref<160x64xi32, #tpu.memory_space<vmem>> -> memref<1x64xi32, #tpu.memory_space<vmem>>
      %dma_wait3A_296 = tpu.memref_squeeze %dma_wait3A_295 : memref<1x64xi32, #tpu.memory_space<vmem>> -> memref<64xi32, #tpu.memory_space<vmem>>
      %dma_wait3A_297 = arith.constant 0 : i32
      %dma_wait3A_298 = arith.constant 0 : i32
      %dma_wait3A_299 = tpu.memref_slice %arg2[%dma_wait3A_297, %dma_wait3A_298] : memref<10000x128xf32, #tpu.memory_space<hbm>> -> memref<10000x128xf32, #tpu.memory_space<hbm>>
      tpu.wait_indirect_dma semaphore(%arg21 : memref<!tpu.dma_semaphore, #tpu.memory_space<semaphore_mem>>) src(%dma_wait3A_299 : memref<10000x128xf32, #tpu.memory_space<hbm>>) dst(%arg13 : memref<64x128xf32, #tpu.memory_space<vmem>>)
      %add3A_300 = arith.addi %mul3A_5, %add3A_293 : i32
      %mul3A_301 = arith.constant 64 : i32
      %mul3A_302 = arith.muli %add3A_300, %mul3A_301 : i32
      %dma_start3A_303 = arith.constant 0 : i32
      %dma_start3A_304 = tpu.memref_slice %arg4[%mul3A_302, %dma_start3A_303] : memref<163840x128xf32, #tpu.memory_space<hbm>> -> memref<64x128xf32, #tpu.memory_space<hbm>>
      %dma_start3A_305 = arith.constant 0 : i32
      %dma_start3A_306 = tpu.memref_slice %arg4[%mul3A_302, %dma_start3A_305] : memref<163840x128xf32, #tpu.memory_space<hbm>> -> memref<64x128xf32, #tpu.memory_space<hbm>>
      tpu.enqueue_dma source(%arg13 : memref<64x128xf32, #tpu.memory_space<vmem>>) target(%dma_start3A_306 : memref<64x128xf32, #tpu.memory_space<hbm>>) target_semaphore(%arg29 : memref<!tpu.dma_semaphore, #tpu.memory_space<semaphore_mem>>)
      %sub3A_307 = arith.constant 1 : i32
      %sub3A_308 = arith.subi %select_n3A_4, %sub3A_307 : i32
      %lt3A_309 = arith.cmpi slt, %while3A_124, %sub3A_308 : i32
      %convert_element_type3A_310 = arith.extui %lt3A_309 : i1 to i32
      %cond3A_311 = arith.constant 0 : i32
      %cond3A_312 = arith.cmpi ne, %convert_element_type3A_310, %cond3A_311 : i32
      scf.if %cond3A_312 {
        %mul3A_313 = arith.constant 64 : i32
        %mul3A_314 = arith.muli %mul3A_5, %mul3A_313 : i32
        %dma_wait3A_315 = arith.constant 0 : i32
        %dma_wait3A_316 = tpu.memref_slice %arg4[%mul3A_314, %dma_wait3A_315] : memref<163840x128xf32, #tpu.memory_space<hbm>> -> memref<64x128xf32, #tpu.memory_space<hbm>>
        %dma_wait3A_317 = arith.constant 0 : i32
        %dma_wait3A_318 = tpu.memref_slice %arg4[%mul3A_314, %dma_wait3A_317] : memref<163840x128xf32, #tpu.memory_space<hbm>> -> memref<64x128xf32, #tpu.memory_space<hbm>>
        tpu.wait_dma2 semaphore(%arg29 : memref<!tpu.dma_semaphore, #tpu.memory_space<semaphore_mem>>) src(%arg13 : memref<64x128xf32, #tpu.memory_space<vmem>>) dst(%dma_wait3A_318 : memref<64x128xf32, #tpu.memory_space<hbm>>)
        %add3A_319 = arith.constant 8 : i32
        %add3A_320 = arith.addi %add3A_293, %add3A_319 : i32
        %dma_start3A_321 = arith.constant 0 : i32
        %dma_start3A_322 = tpu.memref_slice %arg5[%add3A_320, %dma_start3A_321] : memref<160x64xi32, #tpu.memory_space<vmem>> -> memref<1x64xi32, #tpu.memory_space<vmem>>
        %dma_start3A_323 = tpu.memref_squeeze %dma_start3A_322 : memref<1x64xi32, #tpu.memory_space<vmem>> -> memref<64xi32, #tpu.memory_space<vmem>>
        %dma_start3A_324 = arith.constant 0 : i32
        %dma_start3A_325 = arith.constant 0 : i32
        %dma_start3A_326 = tpu.memref_slice %arg2[%dma_start3A_324, %dma_start3A_325] : memref<10000x128xf32, #tpu.memory_space<hbm>> -> memref<10000x128xf32, #tpu.memory_space<hbm>>
        tpu.enqueue_indirect_dma source(%dma_start3A_326 : memref<10000x128xf32, #tpu.memory_space<hbm>>) target(%arg13 : memref<64x128xf32, #tpu.memory_space<vmem>>) offsets(%dma_start3A_323 : memref<64xi32, #tpu.memory_space<vmem>>) semaphore(%arg21 : memref<!tpu.dma_semaphore, #tpu.memory_space<semaphore_mem>>)
      } else {
      }
    }
    %while3A_76 = arith.constant 1 : i32
    scf.for %while3A_124 = %while3A_74 to %while3A_70 step %while3A_76  : i32 {
      %mul3A_125 = arith.constant 8 : i32
      %mul3A_126 = arith.muli %while3A_124, %mul3A_125 : i32
      %add3A_127 = arith.addi %select_n3A, %mul3A_126 : i32
      %add3A_128 = arith.constant 0 : i32
      %add3A_129 = arith.addi %add3A_127, %add3A_128 : i32
      %dma_wait3A_130 = arith.constant 0 : i32
      %dma_wait3A_131 = tpu.memref_slice %arg5[%add3A_129, %dma_wait3A_130] : memref<160x64xi32, #tpu.memory_space<vmem>> -> memref<1x64xi32, #tpu.memory_space<vmem>>
      %dma_wait3A_132 = tpu.memref_squeeze %dma_wait3A_131 : memref<1x64xi32, #tpu.memory_space<vmem>> -> memref<64xi32, #tpu.memory_space<vmem>>
      %dma_wait3A_133 = arith.constant 0 : i32
      %dma_wait3A_134 = arith.constant 0 : i32
      %dma_wait3A_135 = tpu.memref_slice %arg2[%dma_wait3A_133, %dma_wait3A_134] : memref<10000x128xf32, #tpu.memory_space<hbm>> -> memref<10000x128xf32, #tpu.memory_space<hbm>>
      tpu.wait_indirect_dma semaphore(%arg14 : memref<!tpu.dma_semaphore, #tpu.memory_space<semaphore_mem>>) src(%dma_wait3A_135 : memref<10000x128xf32, #tpu.memory_space<hbm>>) dst(%arg6 : memref<64x128xf32, #tpu.memory_space<vmem>>)
      %add3A_136 = arith.addi %mul3A_5, %add3A_129 : i32
      %mul3A_137 = arith.constant 64 : i32
      %mul3A_138 = arith.muli %add3A_136, %mul3A_137 : i32
      %dma_start3A_139 = arith.constant 0 : i32
      %dma_start3A_140 = tpu.memref_slice %arg4[%mul3A_138, %dma_start3A_139] : memref<163840x128xf32, #tpu.memory_space<hbm>> -> memref<64x128xf32, #tpu.memory_space<hbm>>
      %dma_start3A_141 = arith.constant 0 : i32
      %dma_start3A_142 = tpu.memref_slice %arg4[%mul3A_138, %dma_start3A_141] : memref<163840x128xf32, #tpu.memory_space<hbm>> -> memref<64x128xf32, #tpu.memory_space<hbm>>
      tpu.enqueue_dma source(%arg6 : memref<64x128xf32, #tpu.memory_space<vmem>>) target(%dma_start3A_142 : memref<64x128xf32, #tpu.memory_space<hbm>>) target_semaphore(%arg22 : memref<!tpu.dma_semaphore, #tpu.memory_space<semaphore_mem>>)
      %sub3A = arith.constant 1 : i32
      %sub3A_143 = arith.subi %select_n3A_4, %sub3A : i32
      %lt3A = arith.cmpi slt, %while3A_124, %sub3A_143 : i32
      %convert_element_type3A = arith.extui %lt3A : i1 to i32
      %cond3A = arith.constant 0 : i32
      %cond3A_144 = arith.cmpi ne, %convert_element_type3A, %cond3A : i32
      scf.if %cond3A_144 {
        %mul3A_313 = arith.constant 64 : i32
        %mul3A_314 = arith.muli %mul3A_5, %mul3A_313 : i32
        %dma_wait3A_315 = arith.constant 0 : i32
        %dma_wait3A_316 = tpu.memref_slice %arg4[%mul3A_314, %dma_wait3A_315] : memref<163840x128xf32, #tpu.memory_space<hbm>> -> memref<64x128xf32, #tpu.memory_space<hbm>>
        %dma_wait3A_317 = arith.constant 0 : i32
        %dma_wait3A_318 = tpu.memref_slice %arg4[%mul3A_314, %dma_wait3A_317] : memref<163840x128xf32, #tpu.memory_space<hbm>> -> memref<64x128xf32, #tpu.memory_space<hbm>>
        tpu.wait_dma2 semaphore(%arg22 : memref<!tpu.dma_semaphore, #tpu.memory_space<semaphore_mem>>) src(%arg6 : memref<64x128xf32, #tpu.memory_space<vmem>>) dst(%dma_wait3A_318 : memref<64x128xf32, #tpu.memory_space<hbm>>)
        %add3A_319 = arith.constant 8 : i32
        %add3A_320 = arith.addi %add3A_129, %add3A_319 : i32
        %dma_start3A_321 = arith.constant 0 : i32
        %dma_start3A_322 = tpu.memref_slice %arg5[%add3A_320, %dma_start3A_321] : memref<160x64xi32, #tpu.memory_space<vmem>> -> memref<1x64xi32, #tpu.memory_space<vmem>>
        %dma_start3A_323 = tpu.memref_squeeze %dma_start3A_322 : memref<1x64xi32, #tpu.memory_space<vmem>> -> memref<64xi32, #tpu.memory_space<vmem>>
        %dma_start3A_324 = arith.constant 0 : i32
        %dma_start3A_325 = arith.constant 0 : i32
        %dma_start3A_326 = tpu.memref_slice %arg2[%dma_start3A_324, %dma_start3A_325] : memref<10000x128xf32, #tpu.memory_space<hbm>> -> memref<10000x128xf32, #tpu.memory_space<hbm>>
        tpu.enqueue_indirect_dma source(%dma_start3A_326 : memref<10000x128xf32, #tpu.memory_space<hbm>>) target(%arg6 : memref<64x128xf32, #tpu.memory_space<vmem>>) offsets(%dma_start3A_323 : memref<64xi32, #tpu.memory_space<vmem>>) semaphore(%arg14 : memref<!tpu.dma_semaphore, #tpu.memory_space<semaphore_mem>>)
      } else {
      }
      %mul3A_145 = arith.constant 8 : i32
      %mul3A_146 = arith.muli %while3A_124, %mul3A_145 : i32
      %add3A_147 = arith.addi %select_n3A, %mul3A_146 : i32
      %add3A_148 = arith.constant 1 : i32
      %add3A_149 = arith.addi %add3A_147, %add3A_148 : i32
      %dma_wait3A_150 = arith.constant 0 : i32
      %dma_wait3A_151 = tpu.memref_slice %arg5[%add3A_149, %dma_wait3A_150] : memref<160x64xi32, #tpu.memory_space<vmem>> -> memref<1x64xi32, #tpu.memory_space<vmem>>
      %dma_wait3A_152 = tpu.memref_squeeze %dma_wait3A_151 : memref<1x64xi32, #tpu.memory_space<vmem>> -> memref<64xi32, #tpu.memory_space<vmem>>
      %dma_wait3A_153 = arith.constant 0 : i32
      %dma_wait3A_154 = arith.constant 0 : i32
      %dma_wait3A_155 = tpu.memref_slice %arg2[%dma_wait3A_153, %dma_wait3A_154] : memref<10000x128xf32, #tpu.memory_space<hbm>> -> memref<10000x128xf32, #tpu.memory_space<hbm>>
      tpu.wait_indirect_dma semaphore(%arg15 : memref<!tpu.dma_semaphore, #tpu.memory_space<semaphore_mem>>) src(%dma_wait3A_155 : memref<10000x128xf32, #tpu.memory_space<hbm>>) dst(%arg7 : memref<64x128xf32, #tpu.memory_space<vmem>>)
      %add3A_156 = arith.addi %mul3A_5, %add3A_149 : i32
      %mul3A_157 = arith.constant 64 : i32
      %mul3A_158 = arith.muli %add3A_156, %mul3A_157 : i32
      %dma_start3A_159 = arith.constant 0 : i32
      %dma_start3A_160 = tpu.memref_slice %arg4[%mul3A_158, %dma_start3A_159] : memref<163840x128xf32, #tpu.memory_space<hbm>> -> memref<64x128xf32, #tpu.memory_space<hbm>>
      %dma_start3A_161 = arith.constant 0 : i32
      %dma_start3A_162 = tpu.memref_slice %arg4[%mul3A_158, %dma_start3A_161] : memref<163840x128xf32, #tpu.memory_space<hbm>> -> memref<64x128xf32, #tpu.memory_space<hbm>>
      tpu.enqueue_dma source(%arg7 : memref<64x128xf32, #tpu.memory_space<vmem>>) target(%dma_start3A_162 : memref<64x128xf32, #tpu.memory_space<hbm>>) target_semaphore(%arg23 : memref<!tpu.dma_semaphore, #tpu.memory_space<semaphore_mem>>)
      %sub3A_163 = arith.constant 1 : i32
      %sub3A_164 = arith.subi %select_n3A_4, %sub3A_163 : i32
      %lt3A_165 = arith.cmpi slt, %while3A_124, %sub3A_164 : i32
      %convert_element_type3A_166 = arith.extui %lt3A_165 : i1 to i32
      %cond3A_167 = arith.constant 0 : i32
      %cond3A_168 = arith.cmpi ne, %convert_element_type3A_166, %cond3A_167 : i32
      scf.if %cond3A_168 {
        %mul3A_313 = arith.constant 64 : i32
        %mul3A_314 = arith.muli %mul3A_5, %mul3A_313 : i32
        %dma_wait3A_315 = arith.constant 0 : i32
        %dma_wait3A_316 = tpu.memref_slice %arg4[%mul3A_314, %dma_wait3A_315] : memref<163840x128xf32, #tpu.memory_space<hbm>> -> memref<64x128xf32, #tpu.memory_space<hbm>>
        %dma_wait3A_317 = arith.constant 0 : i32
        %dma_wait3A_318 = tpu.memref_slice %arg4[%mul3A_314, %dma_wait3A_317] : memref<163840x128xf32, #tpu.memory_space<hbm>> -> memref<64x128xf32, #tpu.memory_space<hbm>>
        tpu.wait_dma2 semaphore(%arg23 : memref<!tpu.dma_semaphore, #tpu.memory_space<semaphore_mem>>) src(%arg7 : memref<64x128xf32, #tpu.memory_space<vmem>>) dst(%dma_wait3A_318 : memref<64x128xf32, #tpu.memory_space<hbm>>)
        %add3A_319 = arith.constant 8 : i32
        %add3A_320 = arith.addi %add3A_149, %add3A_319 : i32
        %dma_start3A_321 = arith.constant 0 : i32
        %dma_start3A_322 = tpu.memref_slice %arg5[%add3A_320, %dma_start3A_321] : memref<160x64xi32, #tpu.memory_space<vmem>> -> memref<1x64xi32, #tpu.memory_space<vmem>>
        %dma_start3A_323 = tpu.memref_squeeze %dma_start3A_322 : memref<1x64xi32, #tpu.memory_space<vmem>> -> memref<64xi32, #tpu.memory_space<vmem>>
        %dma_start3A_324 = arith.constant 0 : i32
        %dma_start3A_325 = arith.constant 0 : i32
        %dma_start3A_326 = tpu.memref_slice %arg2[%dma_start3A_324, %dma_start3A_325] : memref<10000x128xf32, #tpu.memory_space<hbm>> -> memref<10000x128xf32, #tpu.memory_space<hbm>>
        tpu.enqueue_indirect_dma source(%dma_start3A_326 : memref<10000x128xf32, #tpu.memory_space<hbm>>) target(%arg7 : memref<64x128xf32, #tpu.memory_space<vmem>>) offsets(%dma_start3A_323 : memref<64xi32, #tpu.memory_space<vmem>>) semaphore(%arg15 : memref<!tpu.dma_semaphore, #tpu.memory_space<semaphore_mem>>)
      } else {
      }
      %mul3A_169 = arith.constant 8 : i32
      %mul3A_170 = arith.muli %while3A_124, %mul3A_169 : i32
      %add3A_171 = arith.addi %select_n3A, %mul3A_170 : i32
      %add3A_172 = arith.constant 2 : i32
      %add3A_173 = arith.addi %add3A_171, %add3A_172 : i32
      %dma_wait3A_174 = arith.constant 0 : i32
      %dma_wait3A_175 = tpu.memref_slice %arg5[%add3A_173, %dma_wait3A_174] : memref<160x64xi32, #tpu.memory_space<vmem>> -> memref<1x64xi32, #tpu.memory_space<vmem>>
      %dma_wait3A_176 = tpu.memref_squeeze %dma_wait3A_175 : memref<1x64xi32, #tpu.memory_space<vmem>> -> memref<64xi32, #tpu.memory_space<vmem>>
      %dma_wait3A_177 = arith.constant 0 : i32
      %dma_wait3A_178 = arith.constant 0 : i32
      %dma_wait3A_179 = tpu.memref_slice %arg2[%dma_wait3A_177, %dma_wait3A_178] : memref<10000x128xf32, #tpu.memory_space<hbm>> -> memref<10000x128xf32, #tpu.memory_space<hbm>>
      tpu.wait_indirect_dma semaphore(%arg16 : memref<!tpu.dma_semaphore, #tpu.memory_space<semaphore_mem>>) src(%dma_wait3A_179 : memref<10000x128xf32, #tpu.memory_space<hbm>>) dst(%arg8 : memref<64x128xf32, #tpu.memory_space<vmem>>)
      %add3A_180 = arith.addi %mul3A_5, %add3A_173 : i32
      %mul3A_181 = arith.constant 64 : i32
      %mul3A_182 = arith.muli %add3A_180, %mul3A_181 : i32
      %dma_start3A_183 = arith.constant 0 : i32
      %dma_start3A_184 = tpu.memref_slice %arg4[%mul3A_182, %dma_start3A_183] : memref<163840x128xf32, #tpu.memory_space<hbm>> -> memref<64x128xf32, #tpu.memory_space<hbm>>
      %dma_start3A_185 = arith.constant 0 : i32
      %dma_start3A_186 = tpu.memref_slice %arg4[%mul3A_182, %dma_start3A_185] : memref<163840x128xf32, #tpu.memory_space<hbm>> -> memref<64x128xf32, #tpu.memory_space<hbm>>
      tpu.enqueue_dma source(%arg8 : memref<64x128xf32, #tpu.memory_space<vmem>>) target(%dma_start3A_186 : memref<64x128xf32, #tpu.memory_space<hbm>>) target_semaphore(%arg24 : memref<!tpu.dma_semaphore, #tpu.memory_space<semaphore_mem>>)
      %sub3A_187 = arith.constant 1 : i32
      %sub3A_188 = arith.subi %select_n3A_4, %sub3A_187 : i32
      %lt3A_189 = arith.cmpi slt, %while3A_124, %sub3A_188 : i32
      %convert_element_type3A_190 = arith.extui %lt3A_189 : i1 to i32
      %cond3A_191 = arith.constant 0 : i32
      %cond3A_192 = arith.cmpi ne, %convert_element_type3A_190, %cond3A_191 : i32
      scf.if %cond3A_192 {
        %mul3A_313 = arith.constant 64 : i32
        %mul3A_314 = arith.muli %mul3A_5, %mul3A_313 : i32
        %dma_wait3A_315 = arith.constant 0 : i32
        %dma_wait3A_316 = tpu.memref_slice %arg4[%mul3A_314, %dma_wait3A_315] : memref<163840x128xf32, #tpu.memory_space<hbm>> -> memref<64x128xf32, #tpu.memory_space<hbm>>
        %dma_wait3A_317 = arith.constant 0 : i32
        %dma_wait3A_318 = tpu.memref_slice %arg4[%mul3A_314, %dma_wait3A_317] : memref<163840x128xf32, #tpu.memory_space<hbm>> -> memref<64x128xf32, #tpu.memory_space<hbm>>
        tpu.wait_dma2 semaphore(%arg24 : memref<!tpu.dma_semaphore, #tpu.memory_space<semaphore_mem>>) src(%arg8 : memref<64x128xf32, #tpu.memory_space<vmem>>) dst(%dma_wait3A_318 : memref<64x128xf32, #tpu.memory_space<hbm>>)
        %add3A_319 = arith.constant 8 : i32
        %add3A_320 = arith.addi %add3A_173, %add3A_319 : i32
        %dma_start3A_321 = arith.constant 0 : i32
        %dma_start3A_322 = tpu.memref_slice %arg5[%add3A_320, %dma_start3A_321] : memref<160x64xi32, #tpu.memory_space<vmem>> -> memref<1x64xi32, #tpu.memory_space<vmem>>
        %dma_start3A_323 = tpu.memref_squeeze %dma_start3A_322 : memref<1x64xi32, #tpu.memory_space<vmem>> -> memref<64xi32, #tpu.memory_space<vmem>>
        %dma_start3A_324 = arith.constant 0 : i32
        %dma_start3A_325 = arith.constant 0 : i32
        %dma_start3A_326 = tpu.memref_slice %arg2[%dma_start3A_324, %dma_start3A_325] : memref<10000x128xf32, #tpu.memory_space<hbm>> -> memref<10000x128xf32, #tpu.memory_space<hbm>>
        tpu.enqueue_indirect_dma source(%dma_start3A_326 : memref<10000x128xf32, #tpu.memory_space<hbm>>) target(%arg8 : memref<64x128xf32, #tpu.memory_space<vmem>>) offsets(%dma_start3A_323 : memref<64xi32, #tpu.memory_space<vmem>>) semaphore(%arg16 : memref<!tpu.dma_semaphore, #tpu.memory_space<semaphore_mem>>)
      } else {
      }
      %mul3A_193 = arith.constant 8 : i32
      %mul3A_194 = arith.muli %while3A_124, %mul3A_193 : i32
      %add3A_195 = arith.addi %select_n3A, %mul3A_194 : i32
      %add3A_196 = arith.constant 3 : i32
      %add3A_197 = arith.addi %add3A_195, %add3A_196 : i32
      %dma_wait3A_198 = arith.constant 0 : i32
      %dma_wait3A_199 = tpu.memref_slice %arg5[%add3A_197, %dma_wait3A_198] : memref<160x64xi32, #tpu.memory_space<vmem>> -> memref<1x64xi32, #tpu.memory_space<vmem>>
      %dma_wait3A_200 = tpu.memref_squeeze %dma_wait3A_199 : memref<1x64xi32, #tpu.memory_space<vmem>> -> memref<64xi32, #tpu.memory_space<vmem>>
      %dma_wait3A_201 = arith.constant 0 : i32
      %dma_wait3A_202 = arith.constant 0 : i32
      %dma_wait3A_203 = tpu.memref_slice %arg2[%dma_wait3A_201, %dma_wait3A_202] : memref<10000x128xf32, #tpu.memory_space<hbm>> -> memref<10000x128xf32, #tpu.memory_space<hbm>>
      tpu.wait_indirect_dma semaphore(%arg17 : memref<!tpu.dma_semaphore, #tpu.memory_space<semaphore_mem>>) src(%dma_wait3A_203 : memref<10000x128xf32, #tpu.memory_space<hbm>>) dst(%arg9 : memref<64x128xf32, #tpu.memory_space<vmem>>)
      %add3A_204 = arith.addi %mul3A_5, %add3A_197 : i32
      %mul3A_205 = arith.constant 64 : i32
      %mul3A_206 = arith.muli %add3A_204, %mul3A_205 : i32
      %dma_start3A_207 = arith.constant 0 : i32
      %dma_start3A_208 = tpu.memref_slice %arg4[%mul3A_206, %dma_start3A_207] : memref<163840x128xf32, #tpu.memory_space<hbm>> -> memref<64x128xf32, #tpu.memory_space<hbm>>
      %dma_start3A_209 = arith.constant 0 : i32
      %dma_start3A_210 = tpu.memref_slice %arg4[%mul3A_206, %dma_start3A_209] : memref<163840x128xf32, #tpu.memory_space<hbm>> -> memref<64x128xf32, #tpu.memory_space<hbm>>
      tpu.enqueue_dma source(%arg9 : memref<64x128xf32, #tpu.memory_space<vmem>>) target(%dma_start3A_210 : memref<64x128xf32, #tpu.memory_space<hbm>>) target_semaphore(%arg25 : memref<!tpu.dma_semaphore, #tpu.memory_space<semaphore_mem>>)
      %sub3A_211 = arith.constant 1 : i32
      %sub3A_212 = arith.subi %select_n3A_4, %sub3A_211 : i32
      %lt3A_213 = arith.cmpi slt, %while3A_124, %sub3A_212 : i32
      %convert_element_type3A_214 = arith.extui %lt3A_213 : i1 to i32
      %cond3A_215 = arith.constant 0 : i32
      %cond3A_216 = arith.cmpi ne, %convert_element_type3A_214, %cond3A_215 : i32
      scf.if %cond3A_216 {
        %mul3A_313 = arith.constant 64 : i32
        %mul3A_314 = arith.muli %mul3A_5, %mul3A_313 : i32
        %dma_wait3A_315 = arith.constant 0 : i32
        %dma_wait3A_316 = tpu.memref_slice %arg4[%mul3A_314, %dma_wait3A_315] : memref<163840x128xf32, #tpu.memory_space<hbm>> -> memref<64x128xf32, #tpu.memory_space<hbm>>
        %dma_wait3A_317 = arith.constant 0 : i32
        %dma_wait3A_318 = tpu.memref_slice %arg4[%mul3A_314, %dma_wait3A_317] : memref<163840x128xf32, #tpu.memory_space<hbm>> -> memref<64x128xf32, #tpu.memory_space<hbm>>
        tpu.wait_dma2 semaphore(%arg25 : memref<!tpu.dma_semaphore, #tpu.memory_space<semaphore_mem>>) src(%arg9 : memref<64x128xf32, #tpu.memory_space<vmem>>) dst(%dma_wait3A_318 : memref<64x128xf32, #tpu.memory_space<hbm>>)
        %add3A_319 = arith.constant 8 : i32
        %add3A_320 = arith.addi %add3A_197, %add3A_319 : i32
        %dma_start3A_321 = arith.constant 0 : i32
        %dma_start3A_322 = tpu.memref_slice %arg5[%add3A_320, %dma_start3A_321] : memref<160x64xi32, #tpu.memory_space<vmem>> -> memref<1x64xi32, #tpu.memory_space<vmem>>
        %dma_start3A_323 = tpu.memref_squeeze %dma_start3A_322 : memref<1x64xi32, #tpu.memory_space<vmem>> -> memref<64xi32, #tpu.memory_space<vmem>>
        %dma_start3A_324 = arith.constant 0 : i32
        %dma_start3A_325 = arith.constant 0 : i32
        %dma_start3A_326 = tpu.memref_slice %arg2[%dma_start3A_324, %dma_start3A_325] : memref<10000x128xf32, #tpu.memory_space<hbm>> -> memref<10000x128xf32, #tpu.memory_space<hbm>>
        tpu.enqueue_indirect_dma source(%dma_start3A_326 : memref<10000x128xf32, #tpu.memory_space<hbm>>) target(%arg9 : memref<64x128xf32, #tpu.memory_space<vmem>>) offsets(%dma_start3A_323 : memref<64xi32, #tpu.memory_space<vmem>>) semaphore(%arg17 : memref<!tpu.dma_semaphore, #tpu.memory_space<semaphore_mem>>)
      } else {
      }
      %mul3A_217 = arith.constant 8 : i32
      %mul3A_218 = arith.muli %while3A_124, %mul3A_217 : i32
      %add3A_219 = arith.addi %select_n3A, %mul3A_218 : i32
      %add3A_220 = arith.constant 4 : i32
      %add3A_221 = arith.addi %add3A_219, %add3A_220 : i32
      %dma_wait3A_222 = arith.constant 0 : i32
      %dma_wait3A_223 = tpu.memref_slice %arg5[%add3A_221, %dma_wait3A_222] : memref<160x64xi32, #tpu.memory_space<vmem>> -> memref<1x64xi32, #tpu.memory_space<vmem>>
      %dma_wait3A_224 = tpu.memref_squeeze %dma_wait3A_223 : memref<1x64xi32, #tpu.memory_space<vmem>> -> memref<64xi32, #tpu.memory_space<vmem>>
      %dma_wait3A_225 = arith.constant 0 : i32
      %dma_wait3A_226 = arith.constant 0 : i32
      %dma_wait3A_227 = tpu.memref_slice %arg2[%dma_wait3A_225, %dma_wait3A_226] : memref<10000x128xf32, #tpu.memory_space<hbm>> -> memref<10000x128xf32, #tpu.memory_space<hbm>>
      tpu.wait_indirect_dma semaphore(%arg18 : memref<!tpu.dma_semaphore, #tpu.memory_space<semaphore_mem>>) src(%dma_wait3A_227 : memref<10000x128xf32, #tpu.memory_space<hbm>>) dst(%arg10 : memref<64x128xf32, #tpu.memory_space<vmem>>)
      %add3A_228 = arith.addi %mul3A_5, %add3A_221 : i32
      %mul3A_229 = arith.constant 64 : i32
      %mul3A_230 = arith.muli %add3A_228, %mul3A_229 : i32
      %dma_start3A_231 = arith.constant 0 : i32
      %dma_start3A_232 = tpu.memref_slice %arg4[%mul3A_230, %dma_start3A_231] : memref<163840x128xf32, #tpu.memory_space<hbm>> -> memref<64x128xf32, #tpu.memory_space<hbm>>
      %dma_start3A_233 = arith.constant 0 : i32
      %dma_start3A_234 = tpu.memref_slice %arg4[%mul3A_230, %dma_start3A_233] : memref<163840x128xf32, #tpu.memory_space<hbm>> -> memref<64x128xf32, #tpu.memory_space<hbm>>
      tpu.enqueue_dma source(%arg10 : memref<64x128xf32, #tpu.memory_space<vmem>>) target(%dma_start3A_234 : memref<64x128xf32, #tpu.memory_space<hbm>>) target_semaphore(%arg26 : memref<!tpu.dma_semaphore, #tpu.memory_space<semaphore_mem>>)
      %sub3A_235 = arith.constant 1 : i32
      %sub3A_236 = arith.subi %select_n3A_4, %sub3A_235 : i32
      %lt3A_237 = arith.cmpi slt, %while3A_124, %sub3A_236 : i32
      %convert_element_type3A_238 = arith.extui %lt3A_237 : i1 to i32
      %cond3A_239 = arith.constant 0 : i32
      %cond3A_240 = arith.cmpi ne, %convert_element_type3A_238, %cond3A_239 : i32
      scf.if %cond3A_240 {
        %mul3A_313 = arith.constant 64 : i32
        %mul3A_314 = arith.muli %mul3A_5, %mul3A_313 : i32
        %dma_wait3A_315 = arith.constant 0 : i32
        %dma_wait3A_316 = tpu.memref_slice %arg4[%mul3A_314, %dma_wait3A_315] : memref<163840x128xf32, #tpu.memory_space<hbm>> -> memref<64x128xf32, #tpu.memory_space<hbm>>
        %dma_wait3A_317 = arith.constant 0 : i32
        %dma_wait3A_318 = tpu.memref_slice %arg4[%mul3A_314, %dma_wait3A_317] : memref<163840x128xf32, #tpu.memory_space<hbm>> -> memref<64x128xf32, #tpu.memory_space<hbm>>
        tpu.wait_dma2 semaphore(%arg26 : memref<!tpu.dma_semaphore, #tpu.memory_space<semaphore_mem>>) src(%arg10 : memref<64x128xf32, #tpu.memory_space<vmem>>) dst(%dma_wait3A_318 : memref<64x128xf32, #tpu.memory_space<hbm>>)
        %add3A_319 = arith.constant 8 : i32
        %add3A_320 = arith.addi %add3A_221, %add3A_319 : i32
        %dma_start3A_321 = arith.constant 0 : i32
        %dma_start3A_322 = tpu.memref_slice %arg5[%add3A_320, %dma_start3A_321] : memref<160x64xi32, #tpu.memory_space<vmem>> -> memref<1x64xi32, #tpu.memory_space<vmem>>
        %dma_start3A_323 = tpu.memref_squeeze %dma_start3A_322 : memref<1x64xi32, #tpu.memory_space<vmem>> -> memref<64xi32, #tpu.memory_space<vmem>>
        %dma_start3A_324 = arith.constant 0 : i32
        %dma_start3A_325 = arith.constant 0 : i32
        %dma_start3A_326 = tpu.memref_slice %arg2[%dma_start3A_324, %dma_start3A_325] : memref<10000x128xf32, #tpu.memory_space<hbm>> -> memref<10000x128xf32, #tpu.memory_space<hbm>>
        tpu.enqueue_indirect_dma source(%dma_start3A_326 : memref<10000x128xf32, #tpu.memory_space<hbm>>) target(%arg10 : memref<64x128xf32, #tpu.memory_space<vmem>>) offsets(%dma_start3A_323 : memref<64xi32, #tpu.memory_space<vmem>>) semaphore(%arg18 : memref<!tpu.dma_semaphore, #tpu.memory_space<semaphore_mem>>)
      } else {
      }
      %mul3A_241 = arith.constant 8 : i32
      %mul3A_242 = arith.muli %while3A_124, %mul3A_241 : i32
      %add3A_243 = arith.addi %select_n3A, %mul3A_242 : i32
      %add3A_244 = arith.constant 5 : i32
      %add3A_245 = arith.addi %add3A_243, %add3A_244 : i32
      %dma_wait3A_246 = arith.constant 0 : i32
      %dma_wait3A_247 = tpu.memref_slice %arg5[%add3A_245, %dma_wait3A_246] : memref<160x64xi32, #tpu.memory_space<vmem>> -> memref<1x64xi32, #tpu.memory_space<vmem>>
      %dma_wait3A_248 = tpu.memref_squeeze %dma_wait3A_247 : memref<1x64xi32, #tpu.memory_space<vmem>> -> memref<64xi32, #tpu.memory_space<vmem>>
      %dma_wait3A_249 = arith.constant 0 : i32
      %dma_wait3A_250 = arith.constant 0 : i32
      %dma_wait3A_251 = tpu.memref_slice %arg2[%dma_wait3A_249, %dma_wait3A_250] : memref<10000x128xf32, #tpu.memory_space<hbm>> -> memref<10000x128xf32, #tpu.memory_space<hbm>>
      tpu.wait_indirect_dma semaphore(%arg19 : memref<!tpu.dma_semaphore, #tpu.memory_space<semaphore_mem>>) src(%dma_wait3A_251 : memref<10000x128xf32, #tpu.memory_space<hbm>>) dst(%arg11 : memref<64x128xf32, #tpu.memory_space<vmem>>)
      %add3A_252 = arith.addi %mul3A_5, %add3A_245 : i32
      %mul3A_253 = arith.constant 64 : i32
      %mul3A_254 = arith.muli %add3A_252, %mul3A_253 : i32
      %dma_start3A_255 = arith.constant 0 : i32
      %dma_start3A_256 = tpu.memref_slice %arg4[%mul3A_254, %dma_start3A_255] : memref<163840x128xf32, #tpu.memory_space<hbm>> -> memref<64x128xf32, #tpu.memory_space<hbm>>
      %dma_start3A_257 = arith.constant 0 : i32
      %dma_start3A_258 = tpu.memref_slice %arg4[%mul3A_254, %dma_start3A_257] : memref<163840x128xf32, #tpu.memory_space<hbm>> -> memref<64x128xf32, #tpu.memory_space<hbm>>
      tpu.enqueue_dma source(%arg11 : memref<64x128xf32, #tpu.memory_space<vmem>>) target(%dma_start3A_258 : memref<64x128xf32, #tpu.memory_space<hbm>>) target_semaphore(%arg27 : memref<!tpu.dma_semaphore, #tpu.memory_space<semaphore_mem>>)
      %sub3A_259 = arith.constant 1 : i32
      %sub3A_260 = arith.subi %select_n3A_4, %sub3A_259 : i32
      %lt3A_261 = arith.cmpi slt, %while3A_124, %sub3A_260 : i32
      %convert_element_type3A_262 = arith.extui %lt3A_261 : i1 to i32
      %cond3A_263 = arith.constant 0 : i32
      %cond3A_264 = arith.cmpi ne, %convert_element_type3A_262, %cond3A_263 : i32
      scf.if %cond3A_264 {
        %mul3A_313 = arith.constant 64 : i32
        %mul3A_314 = arith.muli %mul3A_5, %mul3A_313 : i32
        %dma_wait3A_315 = arith.constant 0 : i32
        %dma_wait3A_316 = tpu.memref_slice %arg4[%mul3A_314, %dma_wait3A_315] : memref<163840x128xf32, #tpu.memory_space<hbm>> -> memref<64x128xf32, #tpu.memory_space<hbm>>
        %dma_wait3A_317 = arith.constant 0 : i32
        %dma_wait3A_318 = tpu.memref_slice %arg4[%mul3A_314, %dma_wait3A_317] : memref<163840x128xf32, #tpu.memory_space<hbm>> -> memref<64x128xf32, #tpu.memory_space<hbm>>
        tpu.wait_dma2 semaphore(%arg27 : memref<!tpu.dma_semaphore, #tpu.memory_space<semaphore_mem>>) src(%arg11 : memref<64x128xf32, #tpu.memory_space<vmem>>) dst(%dma_wait3A_318 : memref<64x128xf32, #tpu.memory_space<hbm>>)
        %add3A_319 = arith.constant 8 : i32
        %add3A_320 = arith.addi %add3A_245, %add3A_319 : i32
        %dma_start3A_321 = arith.constant 0 : i32
        %dma_start3A_322 = tpu.memref_slice %arg5[%add3A_320, %dma_start3A_321] : memref<160x64xi32, #tpu.memory_space<vmem>> -> memref<1x64xi32, #tpu.memory_space<vmem>>
        %dma_start3A_323 = tpu.memref_squeeze %dma_start3A_322 : memref<1x64xi32, #tpu.memory_space<vmem>> -> memref<64xi32, #tpu.memory_space<vmem>>
        %dma_start3A_324 = arith.constant 0 : i32
        %dma_start3A_325 = arith.constant 0 : i32
        %dma_start3A_326 = tpu.memref_slice %arg2[%dma_start3A_324, %dma_start3A_325] : memref<10000x128xf32, #tpu.memory_space<hbm>> -> memref<10000x128xf32, #tpu.memory_space<hbm>>
        tpu.enqueue_indirect_dma source(%dma_start3A_326 : memref<10000x128xf32, #tpu.memory_space<hbm>>) target(%arg11 : memref<64x128xf32, #tpu.memory_space<vmem>>) offsets(%dma_start3A_323 : memref<64xi32, #tpu.memory_space<vmem>>) semaphore(%arg19 : memref<!tpu.dma_semaphore, #tpu.memory_space<semaphore_mem>>)
      } else {
      }
      %mul3A_265 = arith.constant 8 : i32
      %mul3A_266 = arith.muli %while3A_124, %mul3A_265 : i32
      %add3A_267 = arith.addi %select_n3A, %mul3A_266 : i32
      %add3A_268 = arith.constant 6 : i32
      %add3A_269 = arith.addi %add3A_267, %add3A_268 : i32
      %dma_wait3A_270 = arith.constant 0 : i32
      %dma_wait3A_271 = tpu.memref_slice %arg5[%add3A_269, %dma_wait3A_270] : memref<160x64xi32, #tpu.memory_space<vmem>> -> memref<1x64xi32, #tpu.memory_space<vmem>>
      %dma_wait3A_272 = tpu.memref_squeeze %dma_wait3A_271 : memref<1x64xi32, #tpu.memory_space<vmem>> -> memref<64xi32, #tpu.memory_space<vmem>>
      %dma_wait3A_273 = arith.constant 0 : i32
      %dma_wait3A_274 = arith.constant 0 : i32
      %dma_wait3A_275 = tpu.memref_slice %arg2[%dma_wait3A_273, %dma_wait3A_274] : memref<10000x128xf32, #tpu.memory_space<hbm>> -> memref<10000x128xf32, #tpu.memory_space<hbm>>
      tpu.wait_indirect_dma semaphore(%arg20 : memref<!tpu.dma_semaphore, #tpu.memory_space<semaphore_mem>>) src(%dma_wait3A_275 : memref<10000x128xf32, #tpu.memory_space<hbm>>) dst(%arg12 : memref<64x128xf32, #tpu.memory_space<vmem>>)
      %add3A_276 = arith.addi %mul3A_5, %add3A_269 : i32
      %mul3A_277 = arith.constant 64 : i32
      %mul3A_278 = arith.muli %add3A_276, %mul3A_277 : i32
      %dma_start3A_279 = arith.constant 0 : i32
      %dma_start3A_280 = tpu.memref_slice %arg4[%mul3A_278, %dma_start3A_279] : memref<163840x128xf32, #tpu.memory_space<hbm>> -> memref<64x128xf32, #tpu.memory_space<hbm>>
      %dma_start3A_281 = arith.constant 0 : i32
      %dma_start3A_282 = tpu.memref_slice %arg4[%mul3A_278, %dma_start3A_281] : memref<163840x128xf32, #tpu.memory_space<hbm>> -> memref<64x128xf32, #tpu.memory_space<hbm>>
      tpu.enqueue_dma source(%arg12 : memref<64x128xf32, #tpu.memory_space<vmem>>) target(%dma_start3A_282 : memref<64x128xf32, #tpu.memory_space<hbm>>) target_semaphore(%arg28 : memref<!tpu.dma_semaphore, #tpu.memory_space<semaphore_mem>>)
      %sub3A_283 = arith.constant 1 : i32
      %sub3A_284 = arith.subi %select_n3A_4, %sub3A_283 : i32
      %lt3A_285 = arith.cmpi slt, %while3A_124, %sub3A_284 : i32
      %convert_element_type3A_286 = arith.extui %lt3A_285 : i1 to i32
      %cond3A_287 = arith.constant 0 : i32
      %cond3A_288 = arith.cmpi ne, %convert_element_type3A_286, %cond3A_287 : i32
      scf.if %cond3A_288 {
        %mul3A_313 = arith.constant 64 : i32
        %mul3A_314 = arith.muli %mul3A_5, %mul3A_313 : i32
        %dma_wait3A_315 = arith.constant 0 : i32
        %dma_wait3A_316 = tpu.memref_slice %arg4[%mul3A_314, %dma_wait3A_315] : memref<163840x128xf32, #tpu.memory_space<hbm>> -> memref<64x128xf32, #tpu.memory_space<hbm>>
        %dma_wait3A_317 = arith.constant 0 : i32
        %dma_wait3A_318 = tpu.memref_slice %arg4[%mul3A_314, %dma_wait3A_317] : memref<163840x128xf32, #tpu.memory_space<hbm>> -> memref<64x128xf32, #tpu.memory_space<hbm>>
        tpu.wait_dma2 semaphore(%arg28 : memref<!tpu.dma_semaphore, #tpu.memory_space<semaphore_mem>>) src(%arg12 : memref<64x128xf32, #tpu.memory_space<vmem>>) dst(%dma_wait3A_318 : memref<64x128xf32, #tpu.memory_space<hbm>>)
        %add3A_319 = arith.constant 8 : i32
        %add3A_320 = arith.addi %add3A_269, %add3A_319 : i32
        %dma_start3A_321 = arith.constant 0 : i32
        %dma_start3A_322 = tpu.memref_slice %arg5[%add3A_320, %dma_start3A_321] : memref<160x64xi32, #tpu.memory_space<vmem>> -> memref<1x64xi32, #tpu.memory_space<vmem>>
        %dma_start3A_323 = tpu.memref_squeeze %dma_start3A_322 : memref<1x64xi32, #tpu.memory_space<vmem>> -> memref<64xi32, #tpu.memory_space<vmem>>
        %dma_start3A_324 = arith.constant 0 : i32
        %dma_start3A_325 = arith.constant 0 : i32
        %dma_start3A_326 = tpu.memref_slice %arg2[%dma_start3A_324, %dma_start3A_325] : memref<10000x128xf32, #tpu.memory_space<hbm>> -> memref<10000x128xf32, #tpu.memory_space<hbm>>
        tpu.enqueue_indirect_dma source(%dma_start3A_326 : memref<10000x128xf32, #tpu.memory_space<hbm>>) target(%arg12 : memref<64x128xf32, #tpu.memory_space<vmem>>) offsets(%dma_start3A_323 : memref<64xi32, #tpu.memory_space<vmem>>) semaphore(%arg20 : memref<!tpu.dma_semaphore, #tpu.memory_space<semaphore_mem>>)
      } else {
      }
      %mul3A_289 = arith.constant 8 : i32
      %mul3A_290 = arith.muli %while3A_124, %mul3A_289 : i32
      %add3A_291 = arith.addi %select_n3A, %mul3A_290 : i32
      %add3A_292 = arith.constant 7 : i32
      %add3A_293 = arith.addi %add3A_291, %add3A_292 : i32
      %dma_wait3A_294 = arith.constant 0 : i32
      %dma_wait3A_295 = tpu.memref_slice %arg5[%add3A_293, %dma_wait3A_294] : memref<160x64xi32, #tpu.memory_space<vmem>> -> memref<1x64xi32, #tpu.memory_space<vmem>>
      %dma_wait3A_296 = tpu.memref_squeeze %dma_wait3A_295 : memref<1x64xi32, #tpu.memory_space<vmem>> -> memref<64xi32, #tpu.memory_space<vmem>>
      %dma_wait3A_297 = arith.constant 0 : i32
      %dma_wait3A_298 = arith.constant 0 : i32
      %dma_wait3A_299 = tpu.memref_slice %arg2[%dma_wait3A_297, %dma_wait3A_298] : memref<10000x128xf32, #tpu.memory_space<hbm>> -> memref<10000x128xf32, #tpu.memory_space<hbm>>
      tpu.wait_indirect_dma semaphore(%arg21 : memref<!tpu.dma_semaphore, #tpu.memory_space<semaphore_mem>>) src(%dma_wait3A_299 : memref<10000x128xf32, #tpu.memory_space<hbm>>) dst(%arg13 : memref<64x128xf32, #tpu.memory_space<vmem>>)
      %add3A_300 = arith.addi %mul3A_5, %add3A_293 : i32
      %mul3A_301 = arith.constant 64 : i32
      %mul3A_302 = arith.muli %add3A_300, %mul3A_301 : i32
      %dma_start3A_303 = arith.constant 0 : i32
      %dma_start3A_304 = tpu.memref_slice %arg4[%mul3A_302, %dma_start3A_303] : memref<163840x128xf32, #tpu.memory_space<hbm>> -> memref<64x128xf32, #tpu.memory_space<hbm>>
      %dma_start3A_305 = arith.constant 0 : i32
      %dma_start3A_306 = tpu.memref_slice %arg4[%mul3A_302, %dma_start3A_305] : memref<163840x128xf32, #tpu.memory_space<hbm>> -> memref<64x128xf32, #tpu.memory_space<hbm>>
      tpu.enqueue_dma source(%arg13 : memref<64x128xf32, #tpu.memory_space<vmem>>) target(%dma_start3A_306 : memref<64x128xf32, #tpu.memory_space<hbm>>) target_semaphore(%arg29 : memref<!tpu.dma_semaphore, #tpu.memory_space<semaphore_mem>>)
      %sub3A_307 = arith.constant 1 : i32
      %sub3A_308 = arith.subi %select_n3A_4, %sub3A_307 : i32
      %lt3A_309 = arith.cmpi slt, %while3A_124, %sub3A_308 : i32
      %convert_element_type3A_310 = arith.extui %lt3A_309 : i1 to i32
      %cond3A_311 = arith.constant 0 : i32
      %cond3A_312 = arith.cmpi ne, %convert_element_type3A_310, %cond3A_311 : i32
      scf.if %cond3A_312 {
        %mul3A_313 = arith.constant 64 : i32
        %mul3A_314 = arith.muli %mul3A_5, %mul3A_313 : i32
        %dma_wait3A_315 = arith.constant 0 : i32
        %dma_wait3A_316 = tpu.memref_slice %arg4[%mul3A_314, %dma_wait3A_315] : memref<163840x128xf32, #tpu.memory_space<hbm>> -> memref<64x128xf32, #tpu.memory_space<hbm>>
        %dma_wait3A_317 = arith.constant 0 : i32
        %dma_wait3A_318 = tpu.memref_slice %arg4[%mul3A_314, %dma_wait3A_317] : memref<163840x128xf32, #tpu.memory_space<hbm>> -> memref<64x128xf32, #tpu.memory_space<hbm>>
        tpu.wait_dma2 semaphore(%arg29 : memref<!tpu.dma_semaphore, #tpu.memory_space<semaphore_mem>>) src(%arg13 : memref<64x128xf32, #tpu.memory_space<vmem>>) dst(%dma_wait3A_318 : memref<64x128xf32, #tpu.memory_space<hbm>>)
        %add3A_319 = arith.constant 8 : i32
        %add3A_320 = arith.addi %add3A_293, %add3A_319 : i32
        %dma_start3A_321 = arith.constant 0 : i32
        %dma_start3A_322 = tpu.memref_slice %arg5[%add3A_320, %dma_start3A_321] : memref<160x64xi32, #tpu.memory_space<vmem>> -> memref<1x64xi32, #tpu.memory_space<vmem>>
        %dma_start3A_323 = tpu.memref_squeeze %dma_start3A_322 : memref<1x64xi32, #tpu.memory_space<vmem>> -> memref<64xi32, #tpu.memory_space<vmem>>
        %dma_start3A_324 = arith.constant 0 : i32
        %dma_start3A_325 = arith.constant 0 : i32
        %dma_start3A_326 = tpu.memref_slice %arg2[%dma_start3A_324, %dma_start3A_325] : memref<10000x128xf32, #tpu.memory_space<hbm>> -> memref<10000x128xf32, #tpu.memory_space<hbm>>
        tpu.enqueue_indirect_dma source(%dma_start3A_326 : memref<10000x128xf32, #tpu.memory_space<hbm>>) target(%arg13 : memref<64x128xf32, #tpu.memory_space<vmem>>) offsets(%dma_start3A_323 : memref<64xi32, #tpu.memory_space<vmem>>) semaphore(%arg21 : memref<!tpu.dma_semaphore, #tpu.memory_space<semaphore_mem>>)
      } else {
      }
    }
    %mul3A_77 = arith.constant 64 : i32
    %mul3A_78 = arith.muli %mul3A_5, %mul3A_77 : i32
    %dma_wait3A = arith.constant 0 : i32
    %dma_wait3A_79 = tpu.memref_slice %arg4[%mul3A_78, %dma_wait3A] : memref<163840x128xf32, #tpu.memory_space<hbm>> -> memref<64x128xf32, #tpu.memory_space<hbm>>
    %dma_wait3A_80 = arith.constant 0 : i32
    %dma_wait3A_81 = tpu.memref_slice %arg4[%mul3A_78, %dma_wait3A_80] : memref<163840x128xf32, #tpu.memory_space<hbm>> -> memref<64x128xf32, #tpu.memory_space<hbm>>
    tpu.wait_dma2 semaphore(%arg22 : memref<!tpu.dma_semaphore, #tpu.memory_space<semaphore_mem>>) src(%arg6 : memref<64x128xf32, #tpu.memory_space<vmem>>) dst(%dma_wait3A_81 : memref<64x128xf32, #tpu.memory_space<hbm>>)
    %mul3A_82 = arith.constant 64 : i32
    %mul3A_83 = arith.muli %mul3A_5, %mul3A_82 : i32
    %dma_wait3A_84 = arith.constant 0 : i32
    %dma_wait3A_85 = tpu.memref_slice %arg4[%mul3A_83, %dma_wait3A_84] : memref<163840x128xf32, #tpu.memory_space<hbm>> -> memref<64x128xf32, #tpu.memory_space<hbm>>
    %dma_wait3A_86 = arith.constant 0 : i32
    %dma_wait3A_87 = tpu.memref_slice %arg4[%mul3A_83, %dma_wait3A_86] : memref<163840x128xf32, #tpu.memory_space<hbm>> -> memref<64x128xf32, #tpu.memory_space<hbm>>
    tpu.wait_dma2 semaphore(%arg23 : memref<!tpu.dma_semaphore, #tpu.memory_space<semaphore_mem>>) src(%arg7 : memref<64x128xf32, #tpu.memory_space<vmem>>) dst(%dma_wait3A_87 : memref<64x128xf32, #tpu.memory_space<hbm>>)
    %mul3A_88 = arith.constant 64 : i32
    %mul3A_89 = arith.muli %mul3A_5, %mul3A_88 : i32
    %dma_wait3A_90 = arith.constant 0 : i32
    %dma_wait3A_91 = tpu.memref_slice %arg4[%mul3A_89, %dma_wait3A_90] : memref<163840x128xf32, #tpu.memory_space<hbm>> -> memref<64x128xf32, #tpu.memory_space<hbm>>
    %dma_wait3A_92 = arith.constant 0 : i32
    %dma_wait3A_93 = tpu.memref_slice %arg4[%mul3A_89, %dma_wait3A_92] : memref<163840x128xf32, #tpu.memory_space<hbm>> -> memref<64x128xf32, #tpu.memory_space<hbm>>
    tpu.wait_dma2 semaphore(%arg24 : memref<!tpu.dma_semaphore, #tpu.memory_space<semaphore_mem>>) src(%arg8 : memref<64x128xf32, #tpu.memory_space<vmem>>) dst(%dma_wait3A_93 : memref<64x128xf32, #tpu.memory_space<hbm>>)
    %mul3A_94 = arith.constant 64 : i32
    %mul3A_95 = arith.muli %mul3A_5, %mul3A_94 : i32
    %dma_wait3A_96 = arith.constant 0 : i32
    %dma_wait3A_97 = tpu.memref_slice %arg4[%mul3A_95, %dma_wait3A_96] : memref<163840x128xf32, #tpu.memory_space<hbm>> -> memref<64x128xf32, #tpu.memory_space<hbm>>
    %dma_wait3A_98 = arith.constant 0 : i32
    %dma_wait3A_99 = tpu.memref_slice %arg4[%mul3A_95, %dma_wait3A_98] : memref<163840x128xf32, #tpu.memory_space<hbm>> -> memref<64x128xf32, #tpu.memory_space<hbm>>
    tpu.wait_dma2 semaphore(%arg25 : memref<!tpu.dma_semaphore, #tpu.memory_space<semaphore_mem>>) src(%arg9 : memref<64x128xf32, #tpu.memory_space<vmem>>) dst(%dma_wait3A_99 : memref<64x128xf32, #tpu.memory_space<hbm>>)
    %mul3A_100 = arith.constant 64 : i32
    %mul3A_101 = arith.muli %mul3A_5, %mul3A_100 : i32
    %dma_wait3A_102 = arith.constant 0 : i32
    %dma_wait3A_103 = tpu.memref_slice %arg4[%mul3A_101, %dma_wait3A_102] : memref<163840x128xf32, #tpu.memory_space<hbm>> -> memref<64x128xf32, #tpu.memory_space<hbm>>
    %dma_wait3A_104 = arith.constant 0 : i32
    %dma_wait3A_105 = tpu.memref_slice %arg4[%mul3A_101, %dma_wait3A_104] : memref<163840x128xf32, #tpu.memory_space<hbm>> -> memref<64x128xf32, #tpu.memory_space<hbm>>
    tpu.wait_dma2 semaphore(%arg26 : memref<!tpu.dma_semaphore, #tpu.memory_space<semaphore_mem>>) src(%arg10 : memref<64x128xf32, #tpu.memory_space<vmem>>) dst(%dma_wait3A_105 : memref<64x128xf32, #tpu.memory_space<hbm>>)
    %mul3A_106 = arith.constant 64 : i32
    %mul3A_107 = arith.muli %mul3A_5, %mul3A_106 : i32
    %dma_wait3A_108 = arith.constant 0 : i32
    %dma_wait3A_109 = tpu.memref_slice %arg4[%mul3A_107, %dma_wait3A_108] : memref<163840x128xf32, #tpu.memory_space<hbm>> -> memref<64x128xf32, #tpu.memory_space<hbm>>
    %dma_wait3A_110 = arith.constant 0 : i32
    %dma_wait3A_111 = tpu.memref_slice %arg4[%mul3A_107, %dma_wait3A_110] : memref<163840x128xf32, #tpu.memory_space<hbm>> -> memref<64x128xf32, #tpu.memory_space<hbm>>
    tpu.wait_dma2 semaphore(%arg27 : memref<!tpu.dma_semaphore, #tpu.memory_space<semaphore_mem>>) src(%arg11 : memref<64x128xf32, #tpu.memory_space<vmem>>) dst(%dma_wait3A_111 : memref<64x128xf32, #tpu.memory_space<hbm>>)
    %mul3A_112 = arith.constant 64 : i32
    %mul3A_113 = arith.muli %mul3A_5, %mul3A_112 : i32
    %dma_wait3A_114 = arith.constant 0 : i32
    %dma_wait3A_115 = tpu.memref_slice %arg4[%mul3A_113, %dma_wait3A_114] : memref<163840x128xf32, #tpu.memory_space<hbm>> -> memref<64x128xf32, #tpu.memory_space<hbm>>
    %dma_wait3A_116 = arith.constant 0 : i32
    %dma_wait3A_117 = tpu.memref_slice %arg4[%mul3A_113, %dma_wait3A_116] : memref<163840x128xf32, #tpu.memory_space<hbm>> -> memref<64x128xf32, #tpu.memory_space<hbm>>
    tpu.wait_dma2 semaphore(%arg28 : memref<!tpu.dma_semaphore, #tpu.memory_space<semaphore_mem>>) src(%arg12 : memref<64x128xf32, #tpu.memory_space<vmem>>) dst(%dma_wait3A_117 : memref<64x128xf32, #tpu.memory_space<hbm>>)
    %mul3A_118 = arith.constant 64 : i32
    %mul3A_119 = arith.muli %mul3A_5, %mul3A_118 : i32
    %dma_wait3A_120 = arith.constant 0 : i32
    %dma_wait3A_121 = tpu.memref_slice %arg4[%mul3A_119, %dma_wait3A_120] : memref<163840x128xf32, #tpu.memory_space<hbm>> -> memref<64x128xf32, #tpu.memory_space<hbm>>
    %dma_wait3A_122 = arith.constant 0 : i32
    %dma_wait3A_123 = tpu.memref_slice %arg4[%mul3A_119, %dma_wait3A_122] : memref<163840x128xf32, #tpu.memory_space<hbm>> -> memref<64x128xf32, #tpu.memory_space<hbm>>
    tpu.wait_dma2 semaphore(%arg29 : memref<!tpu.dma_semaphore, #tpu.memory_space<semaphore_mem>>) src(%arg13 : memref<64x128xf32, #tpu.memory_space<vmem>>) dst(%dma_wait3A_123 : memref<64x128xf32, #tpu.memory_space<hbm>>)
    return
  }
}

#map = affine_map<(d0, d1) -> (0, 0)>
module attributes {stable_mosaic.version = 14 : i64} {
  func.func @gk(%arg0: i32, %arg1: i32, %arg2: memref<10000x128xf32, #tpu.memory_space<hbm>>, %arg3: memref<2560x64xi32, #tpu.memory_space<hbm>>, %arg4: memref<163840x128xf32, #tpu.memory_space<hbm>>, %arg5: memref<160x64xi32, #tpu.memory_space<vmem>>, %arg6: memref<64x128xf32, #tpu.memory_space<vmem>>, %arg7: memref<64x128xf32, #tpu.memory_space<vmem>>, %arg8: memref<64x128xf32, #tpu.memory_space<vmem>>, %arg9: memref<64x128xf32, #tpu.memory_space<vmem>>, %arg10: memref<64x128xf32, #tpu.memory_space<vmem>>, %arg11: memref<64x128xf32, #tpu.memory_space<vmem>>, %arg12: memref<64x128xf32, #tpu.memory_space<vmem>>, %arg13: memref<64x128xf32, #tpu.memory_space<vmem>>, %arg14: memref<!tpu.dma_semaphore, #tpu.memory_space<semaphore_mem>>, %arg15: memref<!tpu.dma_semaphore, #tpu.memory_space<semaphore_mem>>, %arg16: memref<!tpu.dma_semaphore, #tpu.memory_space<semaphore_mem>>, %arg17: memref<!tpu.dma_semaphore, #tpu.memory_space<semaphore_mem>>, %arg18: memref<!tpu.dma_semaphore, #tpu.memory_space<semaphore_mem>>, %arg19: memref<!tpu.dma_semaphore, #tpu.memory_space<semaphore_mem>>, %arg20: memref<!tpu.dma_semaphore, #tpu.memory_space<semaphore_mem>>, %arg21: memref<!tpu.dma_semaphore, #tpu.memory_space<semaphore_mem>>, %arg22: memref<!tpu.dma_semaphore, #tpu.memory_space<semaphore_mem>>, %arg23: memref<!tpu.dma_semaphore, #tpu.memory_space<semaphore_mem>>, %arg24: memref<!tpu.dma_semaphore, #tpu.memory_space<semaphore_mem>>, %arg25: memref<!tpu.dma_semaphore, #tpu.memory_space<semaphore_mem>>, %arg26: memref<!tpu.dma_semaphore, #tpu.memory_space<semaphore_mem>>, %arg27: memref<!tpu.dma_semaphore, #tpu.memory_space<semaphore_mem>>, %arg28: memref<!tpu.dma_semaphore, #tpu.memory_space<semaphore_mem>>, %arg29: memref<!tpu.dma_semaphore, #tpu.memory_space<semaphore_mem>>) attributes {dimension_semantics = [#tpu.dimension_semantics<core_parallel>, #tpu.dimension_semantics<subcore_parallel>], iteration_bounds = array<i64: 2, 16>, scalar_prefetch = 0 : i64, scratch_operands = 25 : i64, tpu.core_type = #tpu.core_type<sc_vector_subcore>, window_params = [{transform_indices = #map}, {transform_indices = #map}, {transform_indices = #map}]} {
    %eq3A = arith.constant 0 : i32
    %eq3A_0 = arith.cmpi eq, %arg0, %eq3A : i32
    %jit3A = arith.constant 0 : i32
    %jit3A_1 = arith.constant 128 : i32
    %select_n3A = arith.select %eq3A_0, %jit3A, %jit3A_1 : i32
    %jit3A_2 = arith.constant 16 : i32
    %jit3A_3 = arith.constant 4 : i32
    %select_n3A_4 = arith.select %eq3A_0, %jit3A_2, %jit3A_3 : i32
    %mul3A = arith.constant 160 : i32
    %mul3A_5 = arith.muli %arg1, %mul3A : i32
    "tpu.region"() ({
      %run_scoped3A = tpu.sem_alloc : memref<!tpu.dma_semaphore, #tpu.memory_space<semaphore_mem>>
      %dma_start3A_124 = arith.constant 0 : i32
      %dma_start3A_125 = tpu.memref_slice %arg3[%mul3A_5, %dma_start3A_124] : memref<2560x64xi32, #tpu.memory_space<hbm>> -> memref<160x64xi32, #tpu.memory_space<hbm>>
      %dma_start3A_126 = arith.constant 0 : i32
      %dma_start3A_127 = tpu.memref_slice %arg3[%mul3A_5, %dma_start3A_126] : memref<2560x64xi32, #tpu.memory_space<hbm>> -> memref<160x64xi32, #tpu.memory_space<hbm>>
      tpu.enqueue_dma source(%dma_start3A_127 : memref<160x64xi32, #tpu.memory_space<hbm>>) target(%arg5 : memref<160x64xi32, #tpu.memory_space<vmem>>) target_semaphore(%run_scoped3A : memref<!tpu.dma_semaphore, #tpu.memory_space<semaphore_mem>>)
      %dma_wait3A_128 = arith.constant 0 : i32
      %dma_wait3A_129 = tpu.memref_slice %arg3[%mul3A_5, %dma_wait3A_128] : memref<2560x64xi32, #tpu.memory_space<hbm>> -> memref<160x64xi32, #tpu.memory_space<hbm>>
      %dma_wait3A_130 = arith.constant 0 : i32
      %dma_wait3A_131 = tpu.memref_slice %arg3[%mul3A_5, %dma_wait3A_130] : memref<2560x64xi32, #tpu.memory_space<hbm>> -> memref<160x64xi32, #tpu.memory_space<hbm>>
      tpu.wait_dma2 semaphore(%run_scoped3A : memref<!tpu.dma_semaphore, #tpu.memory_space<semaphore_mem>>) src(%dma_wait3A_131 : memref<160x64xi32, #tpu.memory_space<hbm>>) dst(%arg5 : memref<160x64xi32, #tpu.memory_space<vmem>>)
      tpu.yield
    }) : () -> ()
    %add3A = arith.constant 0 : i32
    %add3A_6 = arith.addi %select_n3A, %add3A : i32
    %dma_start3A = arith.constant 0 : i32
    %dma_start3A_7 = tpu.memref_slice %arg5[%add3A_6, %dma_start3A] : memref<160x64xi32, #tpu.memory_space<vmem>> -> memref<1x64xi32, #tpu.memory_space<vmem>>
    %dma_start3A_8 = tpu.memref_squeeze %dma_start3A_7 : memref<1x64xi32, #tpu.memory_space<vmem>> -> memref<64xi32, #tpu.memory_space<vmem>>
    %dma_start3A_9 = arith.constant 0 : i32
    %dma_start3A_10 = arith.constant 0 : i32
    %dma_start3A_11 = tpu.memref_slice %arg2[%dma_start3A_9, %dma_start3A_10] : memref<10000x128xf32, #tpu.memory_space<hbm>> -> memref<10000x128xf32, #tpu.memory_space<hbm>>
    tpu.enqueue_indirect_dma source(%dma_start3A_11 : memref<10000x128xf32, #tpu.memory_space<hbm>>) target(%arg6 : memref<64x128xf32, #tpu.memory_space<vmem>>) offsets(%dma_start3A_8 : memref<64xi32, #tpu.memory_space<vmem>>) semaphore(%arg14 : memref<!tpu.dma_semaphore, #tpu.memory_space<semaphore_mem>>)
    %add3A_12 = arith.constant 1 : i32
    %add3A_13 = arith.addi %select_n3A, %add3A_12 : i32
    %dma_start3A_14 = arith.constant 0 : i32
    %dma_start3A_15 = tpu.memref_slice %arg5[%add3A_13, %dma_start3A_14] : memref<160x64xi32, #tpu.memory_space<vmem>> -> memref<1x64xi32, #tpu.memory_space<vmem>>
    %dma_start3A_16 = tpu.memref_squeeze %dma_start3A_15 : memref<1x64xi32, #tpu.memory_space<vmem>> -> memref<64xi32, #tpu.memory_space<vmem>>
    %dma_start3A_17 = arith.constant 0 : i32
    %dma_start3A_18 = arith.constant 0 : i32
    %dma_start3A_19 = tpu.memref_slice %arg2[%dma_start3A_17, %dma_start3A_18] : memref<10000x128xf32, #tpu.memory_space<hbm>> -> memref<10000x128xf32, #tpu.memory_space<hbm>>
    tpu.enqueue_indirect_dma source(%dma_start3A_19 : memref<10000x128xf32, #tpu.memory_space<hbm>>) target(%arg7 : memref<64x128xf32, #tpu.memory_space<vmem>>) offsets(%dma_start3A_16 : memref<64xi32, #tpu.memory_space<vmem>>) semaphore(%arg15 : memref<!tpu.dma_semaphore, #tpu.memory_space<semaphore_mem>>)
    %add3A_20 = arith.constant 2 : i32
    %add3A_21 = arith.addi %select_n3A, %add3A_20 : i32
    %dma_start3A_22 = arith.constant 0 : i32
    %dma_start3A_23 = tpu.memref_slice %arg5[%add3A_21, %dma_start3A_22] : memref<160x64xi32, #tpu.memory_space<vmem>> -> memref<1x64xi32, #tpu.memory_space<vmem>>
    %dma_start3A_24 = tpu.memref_squeeze %dma_start3A_23 : memref<1x64xi32, #tpu.memory_space<vmem>> -> memref<64xi32, #tpu.memory_space<vmem>>
    %dma_start3A_25 = arith.constant 0 : i32
    %dma_start3A_26 = arith.constant 0 : i32
    %dma_start3A_27 = tpu.memref_slice %arg2[%dma_start3A_25, %dma_start3A_26] : memref<10000x128xf32, #tpu.memory_space<hbm>> -> memref<10000x128xf32, #tpu.memory_space<hbm>>
    tpu.enqueue_indirect_dma source(%dma_start3A_27 : memref<10000x128xf32, #tpu.memory_space<hbm>>) target(%arg8 : memref<64x128xf32, #tpu.memory_space<vmem>>) offsets(%dma_start3A_24 : memref<64xi32, #tpu.memory_space<vmem>>) semaphore(%arg16 : memref<!tpu.dma_semaphore, #tpu.memory_space<semaphore_mem>>)
    %add3A_28 = arith.constant 3 : i32
    %add3A_29 = arith.addi %select_n3A, %add3A_28 : i32
    %dma_start3A_30 = arith.constant 0 : i32
    %dma_start3A_31 = tpu.memref_slice %arg5[%add3A_29, %dma_start3A_30] : memref<160x64xi32, #tpu.memory_space<vmem>> -> memref<1x64xi32, #tpu.memory_space<vmem>>
    %dma_start3A_32 = tpu.memref_squeeze %dma_start3A_31 : memref<1x64xi32, #tpu.memory_space<vmem>> -> memref<64xi32, #tpu.memory_space<vmem>>
    %dma_start3A_33 = arith.constant 0 : i32
    %dma_start3A_34 = arith.constant 0 : i32
    %dma_start3A_35 = tpu.memref_slice %arg2[%dma_start3A_33, %dma_start3A_34] : memref<10000x128xf32, #tpu.memory_space<hbm>> -> memref<10000x128xf32, #tpu.memory_space<hbm>>
    tpu.enqueue_indirect_dma source(%dma_start3A_35 : memref<10000x128xf32, #tpu.memory_space<hbm>>) target(%arg9 : memref<64x128xf32, #tpu.memory_space<vmem>>) offsets(%dma_start3A_32 : memref<64xi32, #tpu.memory_space<vmem>>) semaphore(%arg17 : memref<!tpu.dma_semaphore, #tpu.memory_space<semaphore_mem>>)
    %add3A_36 = arith.constant 4 : i32
    %add3A_37 = arith.addi %select_n3A, %add3A_36 : i32
    %dma_start3A_38 = arith.constant 0 : i32
    %dma_start3A_39 = tpu.memref_slice %arg5[%add3A_37, %dma_start3A_38] : memref<160x64xi32, #tpu.memory_space<vmem>> -> memref<1x64xi32, #tpu.memory_space<vmem>>
    %dma_start3A_40 = tpu.memref_squeeze %dma_start3A_39 : memref<1x64xi32, #tpu.memory_space<vmem>> -> memref<64xi32, #tpu.memory_space<vmem>>
    %dma_start3A_41 = arith.constant 0 : i32
    %dma_start3A_42 = arith.constant 0 : i32
    %dma_start3A_43 = tpu.memref_slice %arg2[%dma_start3A_41, %dma_start3A_42] : memref<10000x128xf32, #tpu.memory_space<hbm>> -> memref<10000x128xf32, #tpu.memory_space<hbm>>
    tpu.enqueue_indirect_dma source(%dma_start3A_43 : memref<10000x128xf32, #tpu.memory_space<hbm>>) target(%arg10 : memref<64x128xf32, #tpu.memory_space<vmem>>) offsets(%dma_start3A_40 : memref<64xi32, #tpu.memory_space<vmem>>) semaphore(%arg18 : memref<!tpu.dma_semaphore, #tpu.memory_space<semaphore_mem>>)
    %add3A_44 = arith.constant 5 : i32
    %add3A_45 = arith.addi %select_n3A, %add3A_44 : i32
    %dma_start3A_46 = arith.constant 0 : i32
    %dma_start3A_47 = tpu.memref_slice %arg5[%add3A_45, %dma_start3A_46] : memref<160x64xi32, #tpu.memory_space<vmem>> -> memref<1x64xi32, #tpu.memory_space<vmem>>
    %dma_start3A_48 = tpu.memref_squeeze %dma_start3A_47 : memref<1x64xi32, #tpu.memory_space<vmem>> -> memref<64xi32, #tpu.memory_space<vmem>>
    %dma_start3A_49 = arith.constant 0 : i32
    %dma_start3A_50 = arith.constant 0 : i32
    %dma_start3A_51 = tpu.memref_slice %arg2[%dma_start3A_49, %dma_start3A_50] : memref<10000x128xf32, #tpu.memory_space<hbm>> -> memref<10000x128xf32, #tpu.memory_space<hbm>>
    tpu.enqueue_indirect_dma source(%dma_start3A_51 : memref<10000x128xf32, #tpu.memory_space<hbm>>) target(%arg11 : memref<64x128xf32, #tpu.memory_space<vmem>>) offsets(%dma_start3A_48 : memref<64xi32, #tpu.memory_space<vmem>>) semaphore(%arg19 : memref<!tpu.dma_semaphore, #tpu.memory_space<semaphore_mem>>)
    %add3A_52 = arith.constant 6 : i32
    %add3A_53 = arith.addi %select_n3A, %add3A_52 : i32
    %dma_start3A_54 = arith.constant 0 : i32
    %dma_start3A_55 = tpu.memref_slice %arg5[%add3A_53, %dma_start3A_54] : memref<160x64xi32, #tpu.memory_space<vmem>> -> memref<1x64xi32, #tpu.memory_space<vmem>>
    %dma_start3A_56 = tpu.memref_squeeze %dma_start3A_55 : memref<1x64xi32, #tpu.memory_space<vmem>> -> memref<64xi32, #tpu.memory_space<vmem>>
    %dma_start3A_57 = arith.constant 0 : i32
    %dma_start3A_58 = arith.constant 0 : i32
    %dma_start3A_59 = tpu.memref_slice %arg2[%dma_start3A_57, %dma_start3A_58] : memref<10000x128xf32, #tpu.memory_space<hbm>> -> memref<10000x128xf32, #tpu.memory_space<hbm>>
    tpu.enqueue_indirect_dma source(%dma_start3A_59 : memref<10000x128xf32, #tpu.memory_space<hbm>>) target(%arg12 : memref<64x128xf32, #tpu.memory_space<vmem>>) offsets(%dma_start3A_56 : memref<64xi32, #tpu.memory_space<vmem>>) semaphore(%arg20 : memref<!tpu.dma_semaphore, #tpu.memory_space<semaphore_mem>>)
    %add3A_60 = arith.constant 7 : i32
    %add3A_61 = arith.addi %select_n3A, %add3A_60 : i32
    %dma_start3A_62 = arith.constant 0 : i32
    %dma_start3A_63 = tpu.memref_slice %arg5[%add3A_61, %dma_start3A_62] : memref<160x64xi32, #tpu.memory_space<vmem>> -> memref<1x64xi32, #tpu.memory_space<vmem>>
    %dma_start3A_64 = tpu.memref_squeeze %dma_start3A_63 : memref<1x64xi32, #tpu.memory_space<vmem>> -> memref<64xi32, #tpu.memory_space<vmem>>
    %dma_start3A_65 = arith.constant 0 : i32
    %dma_start3A_66 = arith.constant 0 : i32
    %dma_start3A_67 = tpu.memref_slice %arg2[%dma_start3A_65, %dma_start3A_66] : memref<10000x128xf32, #tpu.memory_space<hbm>> -> memref<10000x128xf32, #tpu.memory_space<hbm>>
    tpu.enqueue_indirect_dma source(%dma_start3A_67 : memref<10000x128xf32, #tpu.memory_space<hbm>>) target(%arg13 : memref<64x128xf32, #tpu.memory_space<vmem>>) offsets(%dma_start3A_64 : memref<64xi32, #tpu.memory_space<vmem>>) semaphore(%arg21 : memref<!tpu.dma_semaphore, #tpu.memory_space<semaphore_mem>>)
    %while3A = arith.constant 0 : i32
    %while3A_68 = arith.constant 0 : i32
    %while3A_69 = arith.subi %select_n3A_4, %while3A_68 : i32
    %while3A_70 = arith.addi %while3A_68, %while3A_69 : i32
    %while3A_71 = arith.constant 1 : i32
    %while3A_72 = arith.divsi %while3A_69, %while3A_71 : i32
    %while3A_73 = arith.muli %while3A_72, %while3A_71 : i32
    %while3A_74 = arith.addi %while3A_68, %while3A_73 : i32
    %while3A_75 = arith.constant 1 : i32
    scf.for %while3A_124 = %while3A_68 to %while3A_74 step %while3A_75  : i32 {
      %mul3A_125 = arith.constant 8 : i32
      %mul3A_126 = arith.muli %while3A_124, %mul3A_125 : i32
      %add3A_127 = arith.addi %select_n3A, %mul3A_126 : i32
      %add3A_128 = arith.constant 0 : i32
      %add3A_129 = arith.addi %add3A_127, %add3A_128 : i32
      %dma_wait3A_130 = arith.constant 0 : i32
      %dma_wait3A_131 = tpu.memref_slice %arg5[%add3A_129, %dma_wait3A_130] : memref<160x64xi32, #tpu.memory_space<vmem>> -> memref<1x64xi32, #tpu.memory_space<vmem>>
      %dma_wait3A_132 = tpu.memref_squeeze %dma_wait3A_131 : memref<1x64xi32, #tpu.memory_space<vmem>> -> memref<64xi32, #tpu.memory_space<vmem>>
      %dma_wait3A_133 = arith.constant 0 : i32
      %dma_wait3A_134 = arith.constant 0 : i32
      %dma_wait3A_135 = tpu.memref_slice %arg2[%dma_wait3A_133, %dma_wait3A_134] : memref<10000x128xf32, #tpu.memory_space<hbm>> -> memref<10000x128xf32, #tpu.memory_space<hbm>>
      tpu.wait_indirect_dma semaphore(%arg14 : memref<!tpu.dma_semaphore, #tpu.memory_space<semaphore_mem>>) src(%dma_wait3A_135 : memref<10000x128xf32, #tpu.memory_space<hbm>>) dst(%arg6 : memref<64x128xf32, #tpu.memory_space<vmem>>)
      %add3A_136 = arith.addi %mul3A_5, %add3A_129 : i32
      %mul3A_137 = arith.constant 64 : i32
      %mul3A_138 = arith.muli %add3A_136, %mul3A_137 : i32
      %dma_start3A_139 = arith.constant 0 : i32
      %dma_start3A_140 = tpu.memref_slice %arg4[%mul3A_138, %dma_start3A_139] : memref<163840x128xf32, #tpu.memory_space<hbm>> -> memref<64x128xf32, #tpu.memory_space<hbm>>
      %dma_start3A_141 = arith.constant 0 : i32
      %dma_start3A_142 = tpu.memref_slice %arg4[%mul3A_138, %dma_start3A_141] : memref<163840x128xf32, #tpu.memory_space<hbm>> -> memref<64x128xf32, #tpu.memory_space<hbm>>
      tpu.enqueue_dma source(%arg6 : memref<64x128xf32, #tpu.memory_space<vmem>>) target(%dma_start3A_142 : memref<64x128xf32, #tpu.memory_space<hbm>>) target_semaphore(%arg22 : memref<!tpu.dma_semaphore, #tpu.memory_space<semaphore_mem>>)
      %sub3A = arith.constant 1 : i32
      %sub3A_143 = arith.subi %select_n3A_4, %sub3A : i32
      %lt3A = arith.cmpi slt, %while3A_124, %sub3A_143 : i32
      %convert_element_type3A = arith.extui %lt3A : i1 to i32
      %cond3A = arith.constant 0 : i32
      %cond3A_144 = arith.cmpi ne, %convert_element_type3A, %cond3A : i32
      scf.if %cond3A_144 {
        %mul3A_313 = arith.constant 64 : i32
        %mul3A_314 = arith.muli %mul3A_5, %mul3A_313 : i32
        %dma_wait3A_315 = arith.constant 0 : i32
        %dma_wait3A_316 = tpu.memref_slice %arg4[%mul3A_314, %dma_wait3A_315] : memref<163840x128xf32, #tpu.memory_space<hbm>> -> memref<64x128xf32, #tpu.memory_space<hbm>>
        %dma_wait3A_317 = arith.constant 0 : i32
        %dma_wait3A_318 = tpu.memref_slice %arg4[%mul3A_314, %dma_wait3A_317] : memref<163840x128xf32, #tpu.memory_space<hbm>> -> memref<64x128xf32, #tpu.memory_space<hbm>>
        tpu.wait_dma2 semaphore(%arg22 : memref<!tpu.dma_semaphore, #tpu.memory_space<semaphore_mem>>) src(%arg6 : memref<64x128xf32, #tpu.memory_space<vmem>>) dst(%dma_wait3A_318 : memref<64x128xf32, #tpu.memory_space<hbm>>)
        %add3A_319 = arith.constant 8 : i32
        %add3A_320 = arith.addi %add3A_129, %add3A_319 : i32
        %dma_start3A_321 = arith.constant 0 : i32
        %dma_start3A_322 = tpu.memref_slice %arg5[%add3A_320, %dma_start3A_321] : memref<160x64xi32, #tpu.memory_space<vmem>> -> memref<1x64xi32, #tpu.memory_space<vmem>>
        %dma_start3A_323 = tpu.memref_squeeze %dma_start3A_322 : memref<1x64xi32, #tpu.memory_space<vmem>> -> memref<64xi32, #tpu.memory_space<vmem>>
        %dma_start3A_324 = arith.constant 0 : i32
        %dma_start3A_325 = arith.constant 0 : i32
        %dma_start3A_326 = tpu.memref_slice %arg2[%dma_start3A_324, %dma_start3A_325] : memref<10000x128xf32, #tpu.memory_space<hbm>> -> memref<10000x128xf32, #tpu.memory_space<hbm>>
        tpu.enqueue_indirect_dma source(%dma_start3A_326 : memref<10000x128xf32, #tpu.memory_space<hbm>>) target(%arg6 : memref<64x128xf32, #tpu.memory_space<vmem>>) offsets(%dma_start3A_323 : memref<64xi32, #tpu.memory_space<vmem>>) semaphore(%arg14 : memref<!tpu.dma_semaphore, #tpu.memory_space<semaphore_mem>>)
      } else {
      }
      %mul3A_145 = arith.constant 8 : i32
      %mul3A_146 = arith.muli %while3A_124, %mul3A_145 : i32
      %add3A_147 = arith.addi %select_n3A, %mul3A_146 : i32
      %add3A_148 = arith.constant 1 : i32
      %add3A_149 = arith.addi %add3A_147, %add3A_148 : i32
      %dma_wait3A_150 = arith.constant 0 : i32
      %dma_wait3A_151 = tpu.memref_slice %arg5[%add3A_149, %dma_wait3A_150] : memref<160x64xi32, #tpu.memory_space<vmem>> -> memref<1x64xi32, #tpu.memory_space<vmem>>
      %dma_wait3A_152 = tpu.memref_squeeze %dma_wait3A_151 : memref<1x64xi32, #tpu.memory_space<vmem>> -> memref<64xi32, #tpu.memory_space<vmem>>
      %dma_wait3A_153 = arith.constant 0 : i32
      %dma_wait3A_154 = arith.constant 0 : i32
      %dma_wait3A_155 = tpu.memref_slice %arg2[%dma_wait3A_153, %dma_wait3A_154] : memref<10000x128xf32, #tpu.memory_space<hbm>> -> memref<10000x128xf32, #tpu.memory_space<hbm>>
      tpu.wait_indirect_dma semaphore(%arg15 : memref<!tpu.dma_semaphore, #tpu.memory_space<semaphore_mem>>) src(%dma_wait3A_155 : memref<10000x128xf32, #tpu.memory_space<hbm>>) dst(%arg7 : memref<64x128xf32, #tpu.memory_space<vmem>>)
      %add3A_156 = arith.addi %mul3A_5, %add3A_149 : i32
      %mul3A_157 = arith.constant 64 : i32
      %mul3A_158 = arith.muli %add3A_156, %mul3A_157 : i32
      %dma_start3A_159 = arith.constant 0 : i32
      %dma_start3A_160 = tpu.memref_slice %arg4[%mul3A_158, %dma_start3A_159] : memref<163840x128xf32, #tpu.memory_space<hbm>> -> memref<64x128xf32, #tpu.memory_space<hbm>>
      %dma_start3A_161 = arith.constant 0 : i32
      %dma_start3A_162 = tpu.memref_slice %arg4[%mul3A_158, %dma_start3A_161] : memref<163840x128xf32, #tpu.memory_space<hbm>> -> memref<64x128xf32, #tpu.memory_space<hbm>>
      tpu.enqueue_dma source(%arg7 : memref<64x128xf32, #tpu.memory_space<vmem>>) target(%dma_start3A_162 : memref<64x128xf32, #tpu.memory_space<hbm>>) target_semaphore(%arg23 : memref<!tpu.dma_semaphore, #tpu.memory_space<semaphore_mem>>)
      %sub3A_163 = arith.constant 1 : i32
      %sub3A_164 = arith.subi %select_n3A_4, %sub3A_163 : i32
      %lt3A_165 = arith.cmpi slt, %while3A_124, %sub3A_164 : i32
      %convert_element_type3A_166 = arith.extui %lt3A_165 : i1 to i32
      %cond3A_167 = arith.constant 0 : i32
      %cond3A_168 = arith.cmpi ne, %convert_element_type3A_166, %cond3A_167 : i32
      scf.if %cond3A_168 {
        %mul3A_313 = arith.constant 64 : i32
        %mul3A_314 = arith.muli %mul3A_5, %mul3A_313 : i32
        %dma_wait3A_315 = arith.constant 0 : i32
        %dma_wait3A_316 = tpu.memref_slice %arg4[%mul3A_314, %dma_wait3A_315] : memref<163840x128xf32, #tpu.memory_space<hbm>> -> memref<64x128xf32, #tpu.memory_space<hbm>>
        %dma_wait3A_317 = arith.constant 0 : i32
        %dma_wait3A_318 = tpu.memref_slice %arg4[%mul3A_314, %dma_wait3A_317] : memref<163840x128xf32, #tpu.memory_space<hbm>> -> memref<64x128xf32, #tpu.memory_space<hbm>>
        tpu.wait_dma2 semaphore(%arg23 : memref<!tpu.dma_semaphore, #tpu.memory_space<semaphore_mem>>) src(%arg7 : memref<64x128xf32, #tpu.memory_space<vmem>>) dst(%dma_wait3A_318 : memref<64x128xf32, #tpu.memory_space<hbm>>)
        %add3A_319 = arith.constant 8 : i32
        %add3A_320 = arith.addi %add3A_149, %add3A_319 : i32
        %dma_start3A_321 = arith.constant 0 : i32
        %dma_start3A_322 = tpu.memref_slice %arg5[%add3A_320, %dma_start3A_321] : memref<160x64xi32, #tpu.memory_space<vmem>> -> memref<1x64xi32, #tpu.memory_space<vmem>>
        %dma_start3A_323 = tpu.memref_squeeze %dma_start3A_322 : memref<1x64xi32, #tpu.memory_space<vmem>> -> memref<64xi32, #tpu.memory_space<vmem>>
        %dma_start3A_324 = arith.constant 0 : i32
        %dma_start3A_325 = arith.constant 0 : i32
        %dma_start3A_326 = tpu.memref_slice %arg2[%dma_start3A_324, %dma_start3A_325] : memref<10000x128xf32, #tpu.memory_space<hbm>> -> memref<10000x128xf32, #tpu.memory_space<hbm>>
        tpu.enqueue_indirect_dma source(%dma_start3A_326 : memref<10000x128xf32, #tpu.memory_space<hbm>>) target(%arg7 : memref<64x128xf32, #tpu.memory_space<vmem>>) offsets(%dma_start3A_323 : memref<64xi32, #tpu.memory_space<vmem>>) semaphore(%arg15 : memref<!tpu.dma_semaphore, #tpu.memory_space<semaphore_mem>>)
      } else {
      }
      %mul3A_169 = arith.constant 8 : i32
      %mul3A_170 = arith.muli %while3A_124, %mul3A_169 : i32
      %add3A_171 = arith.addi %select_n3A, %mul3A_170 : i32
      %add3A_172 = arith.constant 2 : i32
      %add3A_173 = arith.addi %add3A_171, %add3A_172 : i32
      %dma_wait3A_174 = arith.constant 0 : i32
      %dma_wait3A_175 = tpu.memref_slice %arg5[%add3A_173, %dma_wait3A_174] : memref<160x64xi32, #tpu.memory_space<vmem>> -> memref<1x64xi32, #tpu.memory_space<vmem>>
      %dma_wait3A_176 = tpu.memref_squeeze %dma_wait3A_175 : memref<1x64xi32, #tpu.memory_space<vmem>> -> memref<64xi32, #tpu.memory_space<vmem>>
      %dma_wait3A_177 = arith.constant 0 : i32
      %dma_wait3A_178 = arith.constant 0 : i32
      %dma_wait3A_179 = tpu.memref_slice %arg2[%dma_wait3A_177, %dma_wait3A_178] : memref<10000x128xf32, #tpu.memory_space<hbm>> -> memref<10000x128xf32, #tpu.memory_space<hbm>>
      tpu.wait_indirect_dma semaphore(%arg16 : memref<!tpu.dma_semaphore, #tpu.memory_space<semaphore_mem>>) src(%dma_wait3A_179 : memref<10000x128xf32, #tpu.memory_space<hbm>>) dst(%arg8 : memref<64x128xf32, #tpu.memory_space<vmem>>)
      %add3A_180 = arith.addi %mul3A_5, %add3A_173 : i32
      %mul3A_181 = arith.constant 64 : i32
      %mul3A_182 = arith.muli %add3A_180, %mul3A_181 : i32
      %dma_start3A_183 = arith.constant 0 : i32
      %dma_start3A_184 = tpu.memref_slice %arg4[%mul3A_182, %dma_start3A_183] : memref<163840x128xf32, #tpu.memory_space<hbm>> -> memref<64x128xf32, #tpu.memory_space<hbm>>
      %dma_start3A_185 = arith.constant 0 : i32
      %dma_start3A_186 = tpu.memref_slice %arg4[%mul3A_182, %dma_start3A_185] : memref<163840x128xf32, #tpu.memory_space<hbm>> -> memref<64x128xf32, #tpu.memory_space<hbm>>
      tpu.enqueue_dma source(%arg8 : memref<64x128xf32, #tpu.memory_space<vmem>>) target(%dma_start3A_186 : memref<64x128xf32, #tpu.memory_space<hbm>>) target_semaphore(%arg24 : memref<!tpu.dma_semaphore, #tpu.memory_space<semaphore_mem>>)
      %sub3A_187 = arith.constant 1 : i32
      %sub3A_188 = arith.subi %select_n3A_4, %sub3A_187 : i32
      %lt3A_189 = arith.cmpi slt, %while3A_124, %sub3A_188 : i32
      %convert_element_type3A_190 = arith.extui %lt3A_189 : i1 to i32
      %cond3A_191 = arith.constant 0 : i32
      %cond3A_192 = arith.cmpi ne, %convert_element_type3A_190, %cond3A_191 : i32
      scf.if %cond3A_192 {
        %mul3A_313 = arith.constant 64 : i32
        %mul3A_314 = arith.muli %mul3A_5, %mul3A_313 : i32
        %dma_wait3A_315 = arith.constant 0 : i32
        %dma_wait3A_316 = tpu.memref_slice %arg4[%mul3A_314, %dma_wait3A_315] : memref<163840x128xf32, #tpu.memory_space<hbm>> -> memref<64x128xf32, #tpu.memory_space<hbm>>
        %dma_wait3A_317 = arith.constant 0 : i32
        %dma_wait3A_318 = tpu.memref_slice %arg4[%mul3A_314, %dma_wait3A_317] : memref<163840x128xf32, #tpu.memory_space<hbm>> -> memref<64x128xf32, #tpu.memory_space<hbm>>
        tpu.wait_dma2 semaphore(%arg24 : memref<!tpu.dma_semaphore, #tpu.memory_space<semaphore_mem>>) src(%arg8 : memref<64x128xf32, #tpu.memory_space<vmem>>) dst(%dma_wait3A_318 : memref<64x128xf32, #tpu.memory_space<hbm>>)
        %add3A_319 = arith.constant 8 : i32
        %add3A_320 = arith.addi %add3A_173, %add3A_319 : i32
        %dma_start3A_321 = arith.constant 0 : i32
        %dma_start3A_322 = tpu.memref_slice %arg5[%add3A_320, %dma_start3A_321] : memref<160x64xi32, #tpu.memory_space<vmem>> -> memref<1x64xi32, #tpu.memory_space<vmem>>
        %dma_start3A_323 = tpu.memref_squeeze %dma_start3A_322 : memref<1x64xi32, #tpu.memory_space<vmem>> -> memref<64xi32, #tpu.memory_space<vmem>>
        %dma_start3A_324 = arith.constant 0 : i32
        %dma_start3A_325 = arith.constant 0 : i32
        %dma_start3A_326 = tpu.memref_slice %arg2[%dma_start3A_324, %dma_start3A_325] : memref<10000x128xf32, #tpu.memory_space<hbm>> -> memref<10000x128xf32, #tpu.memory_space<hbm>>
        tpu.enqueue_indirect_dma source(%dma_start3A_326 : memref<10000x128xf32, #tpu.memory_space<hbm>>) target(%arg8 : memref<64x128xf32, #tpu.memory_space<vmem>>) offsets(%dma_start3A_323 : memref<64xi32, #tpu.memory_space<vmem>>) semaphore(%arg16 : memref<!tpu.dma_semaphore, #tpu.memory_space<semaphore_mem>>)
      } else {
      }
      %mul3A_193 = arith.constant 8 : i32
      %mul3A_194 = arith.muli %while3A_124, %mul3A_193 : i32
      %add3A_195 = arith.addi %select_n3A, %mul3A_194 : i32
      %add3A_196 = arith.constant 3 : i32
      %add3A_197 = arith.addi %add3A_195, %add3A_196 : i32
      %dma_wait3A_198 = arith.constant 0 : i32
      %dma_wait3A_199 = tpu.memref_slice %arg5[%add3A_197, %dma_wait3A_198] : memref<160x64xi32, #tpu.memory_space<vmem>> -> memref<1x64xi32, #tpu.memory_space<vmem>>
      %dma_wait3A_200 = tpu.memref_squeeze %dma_wait3A_199 : memref<1x64xi32, #tpu.memory_space<vmem>> -> memref<64xi32, #tpu.memory_space<vmem>>
      %dma_wait3A_201 = arith.constant 0 : i32
      %dma_wait3A_202 = arith.constant 0 : i32
      %dma_wait3A_203 = tpu.memref_slice %arg2[%dma_wait3A_201, %dma_wait3A_202] : memref<10000x128xf32, #tpu.memory_space<hbm>> -> memref<10000x128xf32, #tpu.memory_space<hbm>>
      tpu.wait_indirect_dma semaphore(%arg17 : memref<!tpu.dma_semaphore, #tpu.memory_space<semaphore_mem>>) src(%dma_wait3A_203 : memref<10000x128xf32, #tpu.memory_space<hbm>>) dst(%arg9 : memref<64x128xf32, #tpu.memory_space<vmem>>)
      %add3A_204 = arith.addi %mul3A_5, %add3A_197 : i32
      %mul3A_205 = arith.constant 64 : i32
      %mul3A_206 = arith.muli %add3A_204, %mul3A_205 : i32
      %dma_start3A_207 = arith.constant 0 : i32
      %dma_start3A_208 = tpu.memref_slice %arg4[%mul3A_206, %dma_start3A_207] : memref<163840x128xf32, #tpu.memory_space<hbm>> -> memref<64x128xf32, #tpu.memory_space<hbm>>
      %dma_start3A_209 = arith.constant 0 : i32
      %dma_start3A_210 = tpu.memref_slice %arg4[%mul3A_206, %dma_start3A_209] : memref<163840x128xf32, #tpu.memory_space<hbm>> -> memref<64x128xf32, #tpu.memory_space<hbm>>
      tpu.enqueue_dma source(%arg9 : memref<64x128xf32, #tpu.memory_space<vmem>>) target(%dma_start3A_210 : memref<64x128xf32, #tpu.memory_space<hbm>>) target_semaphore(%arg25 : memref<!tpu.dma_semaphore, #tpu.memory_space<semaphore_mem>>)
      %sub3A_211 = arith.constant 1 : i32
      %sub3A_212 = arith.subi %select_n3A_4, %sub3A_211 : i32
      %lt3A_213 = arith.cmpi slt, %while3A_124, %sub3A_212 : i32
      %convert_element_type3A_214 = arith.extui %lt3A_213 : i1 to i32
      %cond3A_215 = arith.constant 0 : i32
      %cond3A_216 = arith.cmpi ne, %convert_element_type3A_214, %cond3A_215 : i32
      scf.if %cond3A_216 {
        %mul3A_313 = arith.constant 64 : i32
        %mul3A_314 = arith.muli %mul3A_5, %mul3A_313 : i32
        %dma_wait3A_315 = arith.constant 0 : i32
        %dma_wait3A_316 = tpu.memref_slice %arg4[%mul3A_314, %dma_wait3A_315] : memref<163840x128xf32, #tpu.memory_space<hbm>> -> memref<64x128xf32, #tpu.memory_space<hbm>>
        %dma_wait3A_317 = arith.constant 0 : i32
        %dma_wait3A_318 = tpu.memref_slice %arg4[%mul3A_314, %dma_wait3A_317] : memref<163840x128xf32, #tpu.memory_space<hbm>> -> memref<64x128xf32, #tpu.memory_space<hbm>>
        tpu.wait_dma2 semaphore(%arg25 : memref<!tpu.dma_semaphore, #tpu.memory_space<semaphore_mem>>) src(%arg9 : memref<64x128xf32, #tpu.memory_space<vmem>>) dst(%dma_wait3A_318 : memref<64x128xf32, #tpu.memory_space<hbm>>)
        %add3A_319 = arith.constant 8 : i32
        %add3A_320 = arith.addi %add3A_197, %add3A_319 : i32
        %dma_start3A_321 = arith.constant 0 : i32
        %dma_start3A_322 = tpu.memref_slice %arg5[%add3A_320, %dma_start3A_321] : memref<160x64xi32, #tpu.memory_space<vmem>> -> memref<1x64xi32, #tpu.memory_space<vmem>>
        %dma_start3A_323 = tpu.memref_squeeze %dma_start3A_322 : memref<1x64xi32, #tpu.memory_space<vmem>> -> memref<64xi32, #tpu.memory_space<vmem>>
        %dma_start3A_324 = arith.constant 0 : i32
        %dma_start3A_325 = arith.constant 0 : i32
        %dma_start3A_326 = tpu.memref_slice %arg2[%dma_start3A_324, %dma_start3A_325] : memref<10000x128xf32, #tpu.memory_space<hbm>> -> memref<10000x128xf32, #tpu.memory_space<hbm>>
        tpu.enqueue_indirect_dma source(%dma_start3A_326 : memref<10000x128xf32, #tpu.memory_space<hbm>>) target(%arg9 : memref<64x128xf32, #tpu.memory_space<vmem>>) offsets(%dma_start3A_323 : memref<64xi32, #tpu.memory_space<vmem>>) semaphore(%arg17 : memref<!tpu.dma_semaphore, #tpu.memory_space<semaphore_mem>>)
      } else {
      }
      %mul3A_217 = arith.constant 8 : i32
      %mul3A_218 = arith.muli %while3A_124, %mul3A_217 : i32
      %add3A_219 = arith.addi %select_n3A, %mul3A_218 : i32
      %add3A_220 = arith.constant 4 : i32
      %add3A_221 = arith.addi %add3A_219, %add3A_220 : i32
      %dma_wait3A_222 = arith.constant 0 : i32
      %dma_wait3A_223 = tpu.memref_slice %arg5[%add3A_221, %dma_wait3A_222] : memref<160x64xi32, #tpu.memory_space<vmem>> -> memref<1x64xi32, #tpu.memory_space<vmem>>
      %dma_wait3A_224 = tpu.memref_squeeze %dma_wait3A_223 : memref<1x64xi32, #tpu.memory_space<vmem>> -> memref<64xi32, #tpu.memory_space<vmem>>
      %dma_wait3A_225 = arith.constant 0 : i32
      %dma_wait3A_226 = arith.constant 0 : i32
      %dma_wait3A_227 = tpu.memref_slice %arg2[%dma_wait3A_225, %dma_wait3A_226] : memref<10000x128xf32, #tpu.memory_space<hbm>> -> memref<10000x128xf32, #tpu.memory_space<hbm>>
      tpu.wait_indirect_dma semaphore(%arg18 : memref<!tpu.dma_semaphore, #tpu.memory_space<semaphore_mem>>) src(%dma_wait3A_227 : memref<10000x128xf32, #tpu.memory_space<hbm>>) dst(%arg10 : memref<64x128xf32, #tpu.memory_space<vmem>>)
      %add3A_228 = arith.addi %mul3A_5, %add3A_221 : i32
      %mul3A_229 = arith.constant 64 : i32
      %mul3A_230 = arith.muli %add3A_228, %mul3A_229 : i32
      %dma_start3A_231 = arith.constant 0 : i32
      %dma_start3A_232 = tpu.memref_slice %arg4[%mul3A_230, %dma_start3A_231] : memref<163840x128xf32, #tpu.memory_space<hbm>> -> memref<64x128xf32, #tpu.memory_space<hbm>>
      %dma_start3A_233 = arith.constant 0 : i32
      %dma_start3A_234 = tpu.memref_slice %arg4[%mul3A_230, %dma_start3A_233] : memref<163840x128xf32, #tpu.memory_space<hbm>> -> memref<64x128xf32, #tpu.memory_space<hbm>>
      tpu.enqueue_dma source(%arg10 : memref<64x128xf32, #tpu.memory_space<vmem>>) target(%dma_start3A_234 : memref<64x128xf32, #tpu.memory_space<hbm>>) target_semaphore(%arg26 : memref<!tpu.dma_semaphore, #tpu.memory_space<semaphore_mem>>)
      %sub3A_235 = arith.constant 1 : i32
      %sub3A_236 = arith.subi %select_n3A_4, %sub3A_235 : i32
      %lt3A_237 = arith.cmpi slt, %while3A_124, %sub3A_236 : i32
      %convert_element_type3A_238 = arith.extui %lt3A_237 : i1 to i32
      %cond3A_239 = arith.constant 0 : i32
      %cond3A_240 = arith.cmpi ne, %convert_element_type3A_238, %cond3A_239 : i32
      scf.if %cond3A_240 {
        %mul3A_313 = arith.constant 64 : i32
        %mul3A_314 = arith.muli %mul3A_5, %mul3A_313 : i32
        %dma_wait3A_315 = arith.constant 0 : i32
        %dma_wait3A_316 = tpu.memref_slice %arg4[%mul3A_314, %dma_wait3A_315] : memref<163840x128xf32, #tpu.memory_space<hbm>> -> memref<64x128xf32, #tpu.memory_space<hbm>>
        %dma_wait3A_317 = arith.constant 0 : i32
        %dma_wait3A_318 = tpu.memref_slice %arg4[%mul3A_314, %dma_wait3A_317] : memref<163840x128xf32, #tpu.memory_space<hbm>> -> memref<64x128xf32, #tpu.memory_space<hbm>>
        tpu.wait_dma2 semaphore(%arg26 : memref<!tpu.dma_semaphore, #tpu.memory_space<semaphore_mem>>) src(%arg10 : memref<64x128xf32, #tpu.memory_space<vmem>>) dst(%dma_wait3A_318 : memref<64x128xf32, #tpu.memory_space<hbm>>)
        %add3A_319 = arith.constant 8 : i32
        %add3A_320 = arith.addi %add3A_221, %add3A_319 : i32
        %dma_start3A_321 = arith.constant 0 : i32
        %dma_start3A_322 = tpu.memref_slice %arg5[%add3A_320, %dma_start3A_321] : memref<160x64xi32, #tpu.memory_space<vmem>> -> memref<1x64xi32, #tpu.memory_space<vmem>>
        %dma_start3A_323 = tpu.memref_squeeze %dma_start3A_322 : memref<1x64xi32, #tpu.memory_space<vmem>> -> memref<64xi32, #tpu.memory_space<vmem>>
        %dma_start3A_324 = arith.constant 0 : i32
        %dma_start3A_325 = arith.constant 0 : i32
        %dma_start3A_326 = tpu.memref_slice %arg2[%dma_start3A_324, %dma_start3A_325] : memref<10000x128xf32, #tpu.memory_space<hbm>> -> memref<10000x128xf32, #tpu.memory_space<hbm>>
        tpu.enqueue_indirect_dma source(%dma_start3A_326 : memref<10000x128xf32, #tpu.memory_space<hbm>>) target(%arg10 : memref<64x128xf32, #tpu.memory_space<vmem>>) offsets(%dma_start3A_323 : memref<64xi32, #tpu.memory_space<vmem>>) semaphore(%arg18 : memref<!tpu.dma_semaphore, #tpu.memory_space<semaphore_mem>>)
      } else {
      }
      %mul3A_241 = arith.constant 8 : i32
      %mul3A_242 = arith.muli %while3A_124, %mul3A_241 : i32
      %add3A_243 = arith.addi %select_n3A, %mul3A_242 : i32
      %add3A_244 = arith.constant 5 : i32
      %add3A_245 = arith.addi %add3A_243, %add3A_244 : i32
      %dma_wait3A_246 = arith.constant 0 : i32
      %dma_wait3A_247 = tpu.memref_slice %arg5[%add3A_245, %dma_wait3A_246] : memref<160x64xi32, #tpu.memory_space<vmem>> -> memref<1x64xi32, #tpu.memory_space<vmem>>
      %dma_wait3A_248 = tpu.memref_squeeze %dma_wait3A_247 : memref<1x64xi32, #tpu.memory_space<vmem>> -> memref<64xi32, #tpu.memory_space<vmem>>
      %dma_wait3A_249 = arith.constant 0 : i32
      %dma_wait3A_250 = arith.constant 0 : i32
      %dma_wait3A_251 = tpu.memref_slice %arg2[%dma_wait3A_249, %dma_wait3A_250] : memref<10000x128xf32, #tpu.memory_space<hbm>> -> memref<10000x128xf32, #tpu.memory_space<hbm>>
      tpu.wait_indirect_dma semaphore(%arg19 : memref<!tpu.dma_semaphore, #tpu.memory_space<semaphore_mem>>) src(%dma_wait3A_251 : memref<10000x128xf32, #tpu.memory_space<hbm>>) dst(%arg11 : memref<64x128xf32, #tpu.memory_space<vmem>>)
      %add3A_252 = arith.addi %mul3A_5, %add3A_245 : i32
      %mul3A_253 = arith.constant 64 : i32
      %mul3A_254 = arith.muli %add3A_252, %mul3A_253 : i32
      %dma_start3A_255 = arith.constant 0 : i32
      %dma_start3A_256 = tpu.memref_slice %arg4[%mul3A_254, %dma_start3A_255] : memref<163840x128xf32, #tpu.memory_space<hbm>> -> memref<64x128xf32, #tpu.memory_space<hbm>>
      %dma_start3A_257 = arith.constant 0 : i32
      %dma_start3A_258 = tpu.memref_slice %arg4[%mul3A_254, %dma_start3A_257] : memref<163840x128xf32, #tpu.memory_space<hbm>> -> memref<64x128xf32, #tpu.memory_space<hbm>>
      tpu.enqueue_dma source(%arg11 : memref<64x128xf32, #tpu.memory_space<vmem>>) target(%dma_start3A_258 : memref<64x128xf32, #tpu.memory_space<hbm>>) target_semaphore(%arg27 : memref<!tpu.dma_semaphore, #tpu.memory_space<semaphore_mem>>)
      %sub3A_259 = arith.constant 1 : i32
      %sub3A_260 = arith.subi %select_n3A_4, %sub3A_259 : i32
      %lt3A_261 = arith.cmpi slt, %while3A_124, %sub3A_260 : i32
      %convert_element_type3A_262 = arith.extui %lt3A_261 : i1 to i32
      %cond3A_263 = arith.constant 0 : i32
      %cond3A_264 = arith.cmpi ne, %convert_element_type3A_262, %cond3A_263 : i32
      scf.if %cond3A_264 {
        %mul3A_313 = arith.constant 64 : i32
        %mul3A_314 = arith.muli %mul3A_5, %mul3A_313 : i32
        %dma_wait3A_315 = arith.constant 0 : i32
        %dma_wait3A_316 = tpu.memref_slice %arg4[%mul3A_314, %dma_wait3A_315] : memref<163840x128xf32, #tpu.memory_space<hbm>> -> memref<64x128xf32, #tpu.memory_space<hbm>>
        %dma_wait3A_317 = arith.constant 0 : i32
        %dma_wait3A_318 = tpu.memref_slice %arg4[%mul3A_314, %dma_wait3A_317] : memref<163840x128xf32, #tpu.memory_space<hbm>> -> memref<64x128xf32, #tpu.memory_space<hbm>>
        tpu.wait_dma2 semaphore(%arg27 : memref<!tpu.dma_semaphore, #tpu.memory_space<semaphore_mem>>) src(%arg11 : memref<64x128xf32, #tpu.memory_space<vmem>>) dst(%dma_wait3A_318 : memref<64x128xf32, #tpu.memory_space<hbm>>)
        %add3A_319 = arith.constant 8 : i32
        %add3A_320 = arith.addi %add3A_245, %add3A_319 : i32
        %dma_start3A_321 = arith.constant 0 : i32
        %dma_start3A_322 = tpu.memref_slice %arg5[%add3A_320, %dma_start3A_321] : memref<160x64xi32, #tpu.memory_space<vmem>> -> memref<1x64xi32, #tpu.memory_space<vmem>>
        %dma_start3A_323 = tpu.memref_squeeze %dma_start3A_322 : memref<1x64xi32, #tpu.memory_space<vmem>> -> memref<64xi32, #tpu.memory_space<vmem>>
        %dma_start3A_324 = arith.constant 0 : i32
        %dma_start3A_325 = arith.constant 0 : i32
        %dma_start3A_326 = tpu.memref_slice %arg2[%dma_start3A_324, %dma_start3A_325] : memref<10000x128xf32, #tpu.memory_space<hbm>> -> memref<10000x128xf32, #tpu.memory_space<hbm>>
        tpu.enqueue_indirect_dma source(%dma_start3A_326 : memref<10000x128xf32, #tpu.memory_space<hbm>>) target(%arg11 : memref<64x128xf32, #tpu.memory_space<vmem>>) offsets(%dma_start3A_323 : memref<64xi32, #tpu.memory_space<vmem>>) semaphore(%arg19 : memref<!tpu.dma_semaphore, #tpu.memory_space<semaphore_mem>>)
      } else {
      }
      %mul3A_265 = arith.constant 8 : i32
      %mul3A_266 = arith.muli %while3A_124, %mul3A_265 : i32
      %add3A_267 = arith.addi %select_n3A, %mul3A_266 : i32
      %add3A_268 = arith.constant 6 : i32
      %add3A_269 = arith.addi %add3A_267, %add3A_268 : i32
      %dma_wait3A_270 = arith.constant 0 : i32
      %dma_wait3A_271 = tpu.memref_slice %arg5[%add3A_269, %dma_wait3A_270] : memref<160x64xi32, #tpu.memory_space<vmem>> -> memref<1x64xi32, #tpu.memory_space<vmem>>
      %dma_wait3A_272 = tpu.memref_squeeze %dma_wait3A_271 : memref<1x64xi32, #tpu.memory_space<vmem>> -> memref<64xi32, #tpu.memory_space<vmem>>
      %dma_wait3A_273 = arith.constant 0 : i32
      %dma_wait3A_274 = arith.constant 0 : i32
      %dma_wait3A_275 = tpu.memref_slice %arg2[%dma_wait3A_273, %dma_wait3A_274] : memref<10000x128xf32, #tpu.memory_space<hbm>> -> memref<10000x128xf32, #tpu.memory_space<hbm>>
      tpu.wait_indirect_dma semaphore(%arg20 : memref<!tpu.dma_semaphore, #tpu.memory_space<semaphore_mem>>) src(%dma_wait3A_275 : memref<10000x128xf32, #tpu.memory_space<hbm>>) dst(%arg12 : memref<64x128xf32, #tpu.memory_space<vmem>>)
      %add3A_276 = arith.addi %mul3A_5, %add3A_269 : i32
      %mul3A_277 = arith.constant 64 : i32
      %mul3A_278 = arith.muli %add3A_276, %mul3A_277 : i32
      %dma_start3A_279 = arith.constant 0 : i32
      %dma_start3A_280 = tpu.memref_slice %arg4[%mul3A_278, %dma_start3A_279] : memref<163840x128xf32, #tpu.memory_space<hbm>> -> memref<64x128xf32, #tpu.memory_space<hbm>>
      %dma_start3A_281 = arith.constant 0 : i32
      %dma_start3A_282 = tpu.memref_slice %arg4[%mul3A_278, %dma_start3A_281] : memref<163840x128xf32, #tpu.memory_space<hbm>> -> memref<64x128xf32, #tpu.memory_space<hbm>>
      tpu.enqueue_dma source(%arg12 : memref<64x128xf32, #tpu.memory_space<vmem>>) target(%dma_start3A_282 : memref<64x128xf32, #tpu.memory_space<hbm>>) target_semaphore(%arg28 : memref<!tpu.dma_semaphore, #tpu.memory_space<semaphore_mem>>)
      %sub3A_283 = arith.constant 1 : i32
      %sub3A_284 = arith.subi %select_n3A_4, %sub3A_283 : i32
      %lt3A_285 = arith.cmpi slt, %while3A_124, %sub3A_284 : i32
      %convert_element_type3A_286 = arith.extui %lt3A_285 : i1 to i32
      %cond3A_287 = arith.constant 0 : i32
      %cond3A_288 = arith.cmpi ne, %convert_element_type3A_286, %cond3A_287 : i32
      scf.if %cond3A_288 {
        %mul3A_313 = arith.constant 64 : i32
        %mul3A_314 = arith.muli %mul3A_5, %mul3A_313 : i32
        %dma_wait3A_315 = arith.constant 0 : i32
        %dma_wait3A_316 = tpu.memref_slice %arg4[%mul3A_314, %dma_wait3A_315] : memref<163840x128xf32, #tpu.memory_space<hbm>> -> memref<64x128xf32, #tpu.memory_space<hbm>>
        %dma_wait3A_317 = arith.constant 0 : i32
        %dma_wait3A_318 = tpu.memref_slice %arg4[%mul3A_314, %dma_wait3A_317] : memref<163840x128xf32, #tpu.memory_space<hbm>> -> memref<64x128xf32, #tpu.memory_space<hbm>>
        tpu.wait_dma2 semaphore(%arg28 : memref<!tpu.dma_semaphore, #tpu.memory_space<semaphore_mem>>) src(%arg12 : memref<64x128xf32, #tpu.memory_space<vmem>>) dst(%dma_wait3A_318 : memref<64x128xf32, #tpu.memory_space<hbm>>)
        %add3A_319 = arith.constant 8 : i32
        %add3A_320 = arith.addi %add3A_269, %add3A_319 : i32
        %dma_start3A_321 = arith.constant 0 : i32
        %dma_start3A_322 = tpu.memref_slice %arg5[%add3A_320, %dma_start3A_321] : memref<160x64xi32, #tpu.memory_space<vmem>> -> memref<1x64xi32, #tpu.memory_space<vmem>>
        %dma_start3A_323 = tpu.memref_squeeze %dma_start3A_322 : memref<1x64xi32, #tpu.memory_space<vmem>> -> memref<64xi32, #tpu.memory_space<vmem>>
        %dma_start3A_324 = arith.constant 0 : i32
        %dma_start3A_325 = arith.constant 0 : i32
        %dma_start3A_326 = tpu.memref_slice %arg2[%dma_start3A_324, %dma_start3A_325] : memref<10000x128xf32, #tpu.memory_space<hbm>> -> memref<10000x128xf32, #tpu.memory_space<hbm>>
        tpu.enqueue_indirect_dma source(%dma_start3A_326 : memref<10000x128xf32, #tpu.memory_space<hbm>>) target(%arg12 : memref<64x128xf32, #tpu.memory_space<vmem>>) offsets(%dma_start3A_323 : memref<64xi32, #tpu.memory_space<vmem>>) semaphore(%arg20 : memref<!tpu.dma_semaphore, #tpu.memory_space<semaphore_mem>>)
      } else {
      }
      %mul3A_289 = arith.constant 8 : i32
      %mul3A_290 = arith.muli %while3A_124, %mul3A_289 : i32
      %add3A_291 = arith.addi %select_n3A, %mul3A_290 : i32
      %add3A_292 = arith.constant 7 : i32
      %add3A_293 = arith.addi %add3A_291, %add3A_292 : i32
      %dma_wait3A_294 = arith.constant 0 : i32
      %dma_wait3A_295 = tpu.memref_slice %arg5[%add3A_293, %dma_wait3A_294] : memref<160x64xi32, #tpu.memory_space<vmem>> -> memref<1x64xi32, #tpu.memory_space<vmem>>
      %dma_wait3A_296 = tpu.memref_squeeze %dma_wait3A_295 : memref<1x64xi32, #tpu.memory_space<vmem>> -> memref<64xi32, #tpu.memory_space<vmem>>
      %dma_wait3A_297 = arith.constant 0 : i32
      %dma_wait3A_298 = arith.constant 0 : i32
      %dma_wait3A_299 = tpu.memref_slice %arg2[%dma_wait3A_297, %dma_wait3A_298] : memref<10000x128xf32, #tpu.memory_space<hbm>> -> memref<10000x128xf32, #tpu.memory_space<hbm>>
      tpu.wait_indirect_dma semaphore(%arg21 : memref<!tpu.dma_semaphore, #tpu.memory_space<semaphore_mem>>) src(%dma_wait3A_299 : memref<10000x128xf32, #tpu.memory_space<hbm>>) dst(%arg13 : memref<64x128xf32, #tpu.memory_space<vmem>>)
      %add3A_300 = arith.addi %mul3A_5, %add3A_293 : i32
      %mul3A_301 = arith.constant 64 : i32
      %mul3A_302 = arith.muli %add3A_300, %mul3A_301 : i32
      %dma_start3A_303 = arith.constant 0 : i32
      %dma_start3A_304 = tpu.memref_slice %arg4[%mul3A_302, %dma_start3A_303] : memref<163840x128xf32, #tpu.memory_space<hbm>> -> memref<64x128xf32, #tpu.memory_space<hbm>>
      %dma_start3A_305 = arith.constant 0 : i32
      %dma_start3A_306 = tpu.memref_slice %arg4[%mul3A_302, %dma_start3A_305] : memref<163840x128xf32, #tpu.memory_space<hbm>> -> memref<64x128xf32, #tpu.memory_space<hbm>>
      tpu.enqueue_dma source(%arg13 : memref<64x128xf32, #tpu.memory_space<vmem>>) target(%dma_start3A_306 : memref<64x128xf32, #tpu.memory_space<hbm>>) target_semaphore(%arg29 : memref<!tpu.dma_semaphore, #tpu.memory_space<semaphore_mem>>)
      %sub3A_307 = arith.constant 1 : i32
      %sub3A_308 = arith.subi %select_n3A_4, %sub3A_307 : i32
      %lt3A_309 = arith.cmpi slt, %while3A_124, %sub3A_308 : i32
      %convert_element_type3A_310 = arith.extui %lt3A_309 : i1 to i32
      %cond3A_311 = arith.constant 0 : i32
      %cond3A_312 = arith.cmpi ne, %convert_element_type3A_310, %cond3A_311 : i32
      scf.if %cond3A_312 {
        %mul3A_313 = arith.constant 64 : i32
        %mul3A_314 = arith.muli %mul3A_5, %mul3A_313 : i32
        %dma_wait3A_315 = arith.constant 0 : i32
        %dma_wait3A_316 = tpu.memref_slice %arg4[%mul3A_314, %dma_wait3A_315] : memref<163840x128xf32, #tpu.memory_space<hbm>> -> memref<64x128xf32, #tpu.memory_space<hbm>>
        %dma_wait3A_317 = arith.constant 0 : i32
        %dma_wait3A_318 = tpu.memref_slice %arg4[%mul3A_314, %dma_wait3A_317] : memref<163840x128xf32, #tpu.memory_space<hbm>> -> memref<64x128xf32, #tpu.memory_space<hbm>>
        tpu.wait_dma2 semaphore(%arg29 : memref<!tpu.dma_semaphore, #tpu.memory_space<semaphore_mem>>) src(%arg13 : memref<64x128xf32, #tpu.memory_space<vmem>>) dst(%dma_wait3A_318 : memref<64x128xf32, #tpu.memory_space<hbm>>)
        %add3A_319 = arith.constant 8 : i32
        %add3A_320 = arith.addi %add3A_293, %add3A_319 : i32
        %dma_start3A_321 = arith.constant 0 : i32
        %dma_start3A_322 = tpu.memref_slice %arg5[%add3A_320, %dma_start3A_321] : memref<160x64xi32, #tpu.memory_space<vmem>> -> memref<1x64xi32, #tpu.memory_space<vmem>>
        %dma_start3A_323 = tpu.memref_squeeze %dma_start3A_322 : memref<1x64xi32, #tpu.memory_space<vmem>> -> memref<64xi32, #tpu.memory_space<vmem>>
        %dma_start3A_324 = arith.constant 0 : i32
        %dma_start3A_325 = arith.constant 0 : i32
        %dma_start3A_326 = tpu.memref_slice %arg2[%dma_start3A_324, %dma_start3A_325] : memref<10000x128xf32, #tpu.memory_space<hbm>> -> memref<10000x128xf32, #tpu.memory_space<hbm>>
        tpu.enqueue_indirect_dma source(%dma_start3A_326 : memref<10000x128xf32, #tpu.memory_space<hbm>>) target(%arg13 : memref<64x128xf32, #tpu.memory_space<vmem>>) offsets(%dma_start3A_323 : memref<64xi32, #tpu.memory_space<vmem>>) semaphore(%arg21 : memref<!tpu.dma_semaphore, #tpu.memory_space<semaphore_mem>>)
      } else {
      }
    }
    %while3A_76 = arith.constant 1 : i32
    scf.for %while3A_124 = %while3A_74 to %while3A_70 step %while3A_76  : i32 {
      %mul3A_125 = arith.constant 8 : i32
      %mul3A_126 = arith.muli %while3A_124, %mul3A_125 : i32
      %add3A_127 = arith.addi %select_n3A, %mul3A_126 : i32
      %add3A_128 = arith.constant 0 : i32
      %add3A_129 = arith.addi %add3A_127, %add3A_128 : i32
      %dma_wait3A_130 = arith.constant 0 : i32
      %dma_wait3A_131 = tpu.memref_slice %arg5[%add3A_129, %dma_wait3A_130] : memref<160x64xi32, #tpu.memory_space<vmem>> -> memref<1x64xi32, #tpu.memory_space<vmem>>
      %dma_wait3A_132 = tpu.memref_squeeze %dma_wait3A_131 : memref<1x64xi32, #tpu.memory_space<vmem>> -> memref<64xi32, #tpu.memory_space<vmem>>
      %dma_wait3A_133 = arith.constant 0 : i32
      %dma_wait3A_134 = arith.constant 0 : i32
      %dma_wait3A_135 = tpu.memref_slice %arg2[%dma_wait3A_133, %dma_wait3A_134] : memref<10000x128xf32, #tpu.memory_space<hbm>> -> memref<10000x128xf32, #tpu.memory_space<hbm>>
      tpu.wait_indirect_dma semaphore(%arg14 : memref<!tpu.dma_semaphore, #tpu.memory_space<semaphore_mem>>) src(%dma_wait3A_135 : memref<10000x128xf32, #tpu.memory_space<hbm>>) dst(%arg6 : memref<64x128xf32, #tpu.memory_space<vmem>>)
      %add3A_136 = arith.addi %mul3A_5, %add3A_129 : i32
      %mul3A_137 = arith.constant 64 : i32
      %mul3A_138 = arith.muli %add3A_136, %mul3A_137 : i32
      %dma_start3A_139 = arith.constant 0 : i32
      %dma_start3A_140 = tpu.memref_slice %arg4[%mul3A_138, %dma_start3A_139] : memref<163840x128xf32, #tpu.memory_space<hbm>> -> memref<64x128xf32, #tpu.memory_space<hbm>>
      %dma_start3A_141 = arith.constant 0 : i32
      %dma_start3A_142 = tpu.memref_slice %arg4[%mul3A_138, %dma_start3A_141] : memref<163840x128xf32, #tpu.memory_space<hbm>> -> memref<64x128xf32, #tpu.memory_space<hbm>>
      tpu.enqueue_dma source(%arg6 : memref<64x128xf32, #tpu.memory_space<vmem>>) target(%dma_start3A_142 : memref<64x128xf32, #tpu.memory_space<hbm>>) target_semaphore(%arg22 : memref<!tpu.dma_semaphore, #tpu.memory_space<semaphore_mem>>)
      %sub3A = arith.constant 1 : i32
      %sub3A_143 = arith.subi %select_n3A_4, %sub3A : i32
      %lt3A = arith.cmpi slt, %while3A_124, %sub3A_143 : i32
      %convert_element_type3A = arith.extui %lt3A : i1 to i32
      %cond3A = arith.constant 0 : i32
      %cond3A_144 = arith.cmpi ne, %convert_element_type3A, %cond3A : i32
      scf.if %cond3A_144 {
        %mul3A_313 = arith.constant 64 : i32
        %mul3A_314 = arith.muli %mul3A_5, %mul3A_313 : i32
        %dma_wait3A_315 = arith.constant 0 : i32
        %dma_wait3A_316 = tpu.memref_slice %arg4[%mul3A_314, %dma_wait3A_315] : memref<163840x128xf32, #tpu.memory_space<hbm>> -> memref<64x128xf32, #tpu.memory_space<hbm>>
        %dma_wait3A_317 = arith.constant 0 : i32
        %dma_wait3A_318 = tpu.memref_slice %arg4[%mul3A_314, %dma_wait3A_317] : memref<163840x128xf32, #tpu.memory_space<hbm>> -> memref<64x128xf32, #tpu.memory_space<hbm>>
        tpu.wait_dma2 semaphore(%arg22 : memref<!tpu.dma_semaphore, #tpu.memory_space<semaphore_mem>>) src(%arg6 : memref<64x128xf32, #tpu.memory_space<vmem>>) dst(%dma_wait3A_318 : memref<64x128xf32, #tpu.memory_space<hbm>>)
        %add3A_319 = arith.constant 8 : i32
        %add3A_320 = arith.addi %add3A_129, %add3A_319 : i32
        %dma_start3A_321 = arith.constant 0 : i32
        %dma_start3A_322 = tpu.memref_slice %arg5[%add3A_320, %dma_start3A_321] : memref<160x64xi32, #tpu.memory_space<vmem>> -> memref<1x64xi32, #tpu.memory_space<vmem>>
        %dma_start3A_323 = tpu.memref_squeeze %dma_start3A_322 : memref<1x64xi32, #tpu.memory_space<vmem>> -> memref<64xi32, #tpu.memory_space<vmem>>
        %dma_start3A_324 = arith.constant 0 : i32
        %dma_start3A_325 = arith.constant 0 : i32
        %dma_start3A_326 = tpu.memref_slice %arg2[%dma_start3A_324, %dma_start3A_325] : memref<10000x128xf32, #tpu.memory_space<hbm>> -> memref<10000x128xf32, #tpu.memory_space<hbm>>
        tpu.enqueue_indirect_dma source(%dma_start3A_326 : memref<10000x128xf32, #tpu.memory_space<hbm>>) target(%arg6 : memref<64x128xf32, #tpu.memory_space<vmem>>) offsets(%dma_start3A_323 : memref<64xi32, #tpu.memory_space<vmem>>) semaphore(%arg14 : memref<!tpu.dma_semaphore, #tpu.memory_space<semaphore_mem>>)
      } else {
      }
      %mul3A_145 = arith.constant 8 : i32
      %mul3A_146 = arith.muli %while3A_124, %mul3A_145 : i32
      %add3A_147 = arith.addi %select_n3A, %mul3A_146 : i32
      %add3A_148 = arith.constant 1 : i32
      %add3A_149 = arith.addi %add3A_147, %add3A_148 : i32
      %dma_wait3A_150 = arith.constant 0 : i32
      %dma_wait3A_151 = tpu.memref_slice %arg5[%add3A_149, %dma_wait3A_150] : memref<160x64xi32, #tpu.memory_space<vmem>> -> memref<1x64xi32, #tpu.memory_space<vmem>>
      %dma_wait3A_152 = tpu.memref_squeeze %dma_wait3A_151 : memref<1x64xi32, #tpu.memory_space<vmem>> -> memref<64xi32, #tpu.memory_space<vmem>>
      %dma_wait3A_153 = arith.constant 0 : i32
      %dma_wait3A_154 = arith.constant 0 : i32
      %dma_wait3A_155 = tpu.memref_slice %arg2[%dma_wait3A_153, %dma_wait3A_154] : memref<10000x128xf32, #tpu.memory_space<hbm>> -> memref<10000x128xf32, #tpu.memory_space<hbm>>
      tpu.wait_indirect_dma semaphore(%arg15 : memref<!tpu.dma_semaphore, #tpu.memory_space<semaphore_mem>>) src(%dma_wait3A_155 : memref<10000x128xf32, #tpu.memory_space<hbm>>) dst(%arg7 : memref<64x128xf32, #tpu.memory_space<vmem>>)
      %add3A_156 = arith.addi %mul3A_5, %add3A_149 : i32
      %mul3A_157 = arith.constant 64 : i32
      %mul3A_158 = arith.muli %add3A_156, %mul3A_157 : i32
      %dma_start3A_159 = arith.constant 0 : i32
      %dma_start3A_160 = tpu.memref_slice %arg4[%mul3A_158, %dma_start3A_159] : memref<163840x128xf32, #tpu.memory_space<hbm>> -> memref<64x128xf32, #tpu.memory_space<hbm>>
      %dma_start3A_161 = arith.constant 0 : i32
      %dma_start3A_162 = tpu.memref_slice %arg4[%mul3A_158, %dma_start3A_161] : memref<163840x128xf32, #tpu.memory_space<hbm>> -> memref<64x128xf32, #tpu.memory_space<hbm>>
      tpu.enqueue_dma source(%arg7 : memref<64x128xf32, #tpu.memory_space<vmem>>) target(%dma_start3A_162 : memref<64x128xf32, #tpu.memory_space<hbm>>) target_semaphore(%arg23 : memref<!tpu.dma_semaphore, #tpu.memory_space<semaphore_mem>>)
      %sub3A_163 = arith.constant 1 : i32
      %sub3A_164 = arith.subi %select_n3A_4, %sub3A_163 : i32
      %lt3A_165 = arith.cmpi slt, %while3A_124, %sub3A_164 : i32
      %convert_element_type3A_166 = arith.extui %lt3A_165 : i1 to i32
      %cond3A_167 = arith.constant 0 : i32
      %cond3A_168 = arith.cmpi ne, %convert_element_type3A_166, %cond3A_167 : i32
      scf.if %cond3A_168 {
        %mul3A_313 = arith.constant 64 : i32
        %mul3A_314 = arith.muli %mul3A_5, %mul3A_313 : i32
        %dma_wait3A_315 = arith.constant 0 : i32
        %dma_wait3A_316 = tpu.memref_slice %arg4[%mul3A_314, %dma_wait3A_315] : memref<163840x128xf32, #tpu.memory_space<hbm>> -> memref<64x128xf32, #tpu.memory_space<hbm>>
        %dma_wait3A_317 = arith.constant 0 : i32
        %dma_wait3A_318 = tpu.memref_slice %arg4[%mul3A_314, %dma_wait3A_317] : memref<163840x128xf32, #tpu.memory_space<hbm>> -> memref<64x128xf32, #tpu.memory_space<hbm>>
        tpu.wait_dma2 semaphore(%arg23 : memref<!tpu.dma_semaphore, #tpu.memory_space<semaphore_mem>>) src(%arg7 : memref<64x128xf32, #tpu.memory_space<vmem>>) dst(%dma_wait3A_318 : memref<64x128xf32, #tpu.memory_space<hbm>>)
        %add3A_319 = arith.constant 8 : i32
        %add3A_320 = arith.addi %add3A_149, %add3A_319 : i32
        %dma_start3A_321 = arith.constant 0 : i32
        %dma_start3A_322 = tpu.memref_slice %arg5[%add3A_320, %dma_start3A_321] : memref<160x64xi32, #tpu.memory_space<vmem>> -> memref<1x64xi32, #tpu.memory_space<vmem>>
        %dma_start3A_323 = tpu.memref_squeeze %dma_start3A_322 : memref<1x64xi32, #tpu.memory_space<vmem>> -> memref<64xi32, #tpu.memory_space<vmem>>
        %dma_start3A_324 = arith.constant 0 : i32
        %dma_start3A_325 = arith.constant 0 : i32
        %dma_start3A_326 = tpu.memref_slice %arg2[%dma_start3A_324, %dma_start3A_325] : memref<10000x128xf32, #tpu.memory_space<hbm>> -> memref<10000x128xf32, #tpu.memory_space<hbm>>
        tpu.enqueue_indirect_dma source(%dma_start3A_326 : memref<10000x128xf32, #tpu.memory_space<hbm>>) target(%arg7 : memref<64x128xf32, #tpu.memory_space<vmem>>) offsets(%dma_start3A_323 : memref<64xi32, #tpu.memory_space<vmem>>) semaphore(%arg15 : memref<!tpu.dma_semaphore, #tpu.memory_space<semaphore_mem>>)
      } else {
      }
      %mul3A_169 = arith.constant 8 : i32
      %mul3A_170 = arith.muli %while3A_124, %mul3A_169 : i32
      %add3A_171 = arith.addi %select_n3A, %mul3A_170 : i32
      %add3A_172 = arith.constant 2 : i32
      %add3A_173 = arith.addi %add3A_171, %add3A_172 : i32
      %dma_wait3A_174 = arith.constant 0 : i32
      %dma_wait3A_175 = tpu.memref_slice %arg5[%add3A_173, %dma_wait3A_174] : memref<160x64xi32, #tpu.memory_space<vmem>> -> memref<1x64xi32, #tpu.memory_space<vmem>>
      %dma_wait3A_176 = tpu.memref_squeeze %dma_wait3A_175 : memref<1x64xi32, #tpu.memory_space<vmem>> -> memref<64xi32, #tpu.memory_space<vmem>>
      %dma_wait3A_177 = arith.constant 0 : i32
      %dma_wait3A_178 = arith.constant 0 : i32
      %dma_wait3A_179 = tpu.memref_slice %arg2[%dma_wait3A_177, %dma_wait3A_178] : memref<10000x128xf32, #tpu.memory_space<hbm>> -> memref<10000x128xf32, #tpu.memory_space<hbm>>
      tpu.wait_indirect_dma semaphore(%arg16 : memref<!tpu.dma_semaphore, #tpu.memory_space<semaphore_mem>>) src(%dma_wait3A_179 : memref<10000x128xf32, #tpu.memory_space<hbm>>) dst(%arg8 : memref<64x128xf32, #tpu.memory_space<vmem>>)
      %add3A_180 = arith.addi %mul3A_5, %add3A_173 : i32
      %mul3A_181 = arith.constant 64 : i32
      %mul3A_182 = arith.muli %add3A_180, %mul3A_181 : i32
      %dma_start3A_183 = arith.constant 0 : i32
      %dma_start3A_184 = tpu.memref_slice %arg4[%mul3A_182, %dma_start3A_183] : memref<163840x128xf32, #tpu.memory_space<hbm>> -> memref<64x128xf32, #tpu.memory_space<hbm>>
      %dma_start3A_185 = arith.constant 0 : i32
      %dma_start3A_186 = tpu.memref_slice %arg4[%mul3A_182, %dma_start3A_185] : memref<163840x128xf32, #tpu.memory_space<hbm>> -> memref<64x128xf32, #tpu.memory_space<hbm>>
      tpu.enqueue_dma source(%arg8 : memref<64x128xf32, #tpu.memory_space<vmem>>) target(%dma_start3A_186 : memref<64x128xf32, #tpu.memory_space<hbm>>) target_semaphore(%arg24 : memref<!tpu.dma_semaphore, #tpu.memory_space<semaphore_mem>>)
      %sub3A_187 = arith.constant 1 : i32
      %sub3A_188 = arith.subi %select_n3A_4, %sub3A_187 : i32
      %lt3A_189 = arith.cmpi slt, %while3A_124, %sub3A_188 : i32
      %convert_element_type3A_190 = arith.extui %lt3A_189 : i1 to i32
      %cond3A_191 = arith.constant 0 : i32
      %cond3A_192 = arith.cmpi ne, %convert_element_type3A_190, %cond3A_191 : i32
      scf.if %cond3A_192 {
        %mul3A_313 = arith.constant 64 : i32
        %mul3A_314 = arith.muli %mul3A_5, %mul3A_313 : i32
        %dma_wait3A_315 = arith.constant 0 : i32
        %dma_wait3A_316 = tpu.memref_slice %arg4[%mul3A_314, %dma_wait3A_315] : memref<163840x128xf32, #tpu.memory_space<hbm>> -> memref<64x128xf32, #tpu.memory_space<hbm>>
        %dma_wait3A_317 = arith.constant 0 : i32
        %dma_wait3A_318 = tpu.memref_slice %arg4[%mul3A_314, %dma_wait3A_317] : memref<163840x128xf32, #tpu.memory_space<hbm>> -> memref<64x128xf32, #tpu.memory_space<hbm>>
        tpu.wait_dma2 semaphore(%arg24 : memref<!tpu.dma_semaphore, #tpu.memory_space<semaphore_mem>>) src(%arg8 : memref<64x128xf32, #tpu.memory_space<vmem>>) dst(%dma_wait3A_318 : memref<64x128xf32, #tpu.memory_space<hbm>>)
        %add3A_319 = arith.constant 8 : i32
        %add3A_320 = arith.addi %add3A_173, %add3A_319 : i32
        %dma_start3A_321 = arith.constant 0 : i32
        %dma_start3A_322 = tpu.memref_slice %arg5[%add3A_320, %dma_start3A_321] : memref<160x64xi32, #tpu.memory_space<vmem>> -> memref<1x64xi32, #tpu.memory_space<vmem>>
        %dma_start3A_323 = tpu.memref_squeeze %dma_start3A_322 : memref<1x64xi32, #tpu.memory_space<vmem>> -> memref<64xi32, #tpu.memory_space<vmem>>
        %dma_start3A_324 = arith.constant 0 : i32
        %dma_start3A_325 = arith.constant 0 : i32
        %dma_start3A_326 = tpu.memref_slice %arg2[%dma_start3A_324, %dma_start3A_325] : memref<10000x128xf32, #tpu.memory_space<hbm>> -> memref<10000x128xf32, #tpu.memory_space<hbm>>
        tpu.enqueue_indirect_dma source(%dma_start3A_326 : memref<10000x128xf32, #tpu.memory_space<hbm>>) target(%arg8 : memref<64x128xf32, #tpu.memory_space<vmem>>) offsets(%dma_start3A_323 : memref<64xi32, #tpu.memory_space<vmem>>) semaphore(%arg16 : memref<!tpu.dma_semaphore, #tpu.memory_space<semaphore_mem>>)
      } else {
      }
      %mul3A_193 = arith.constant 8 : i32
      %mul3A_194 = arith.muli %while3A_124, %mul3A_193 : i32
      %add3A_195 = arith.addi %select_n3A, %mul3A_194 : i32
      %add3A_196 = arith.constant 3 : i32
      %add3A_197 = arith.addi %add3A_195, %add3A_196 : i32
      %dma_wait3A_198 = arith.constant 0 : i32
      %dma_wait3A_199 = tpu.memref_slice %arg5[%add3A_197, %dma_wait3A_198] : memref<160x64xi32, #tpu.memory_space<vmem>> -> memref<1x64xi32, #tpu.memory_space<vmem>>
      %dma_wait3A_200 = tpu.memref_squeeze %dma_wait3A_199 : memref<1x64xi32, #tpu.memory_space<vmem>> -> memref<64xi32, #tpu.memory_space<vmem>>
      %dma_wait3A_201 = arith.constant 0 : i32
      %dma_wait3A_202 = arith.constant 0 : i32
      %dma_wait3A_203 = tpu.memref_slice %arg2[%dma_wait3A_201, %dma_wait3A_202] : memref<10000x128xf32, #tpu.memory_space<hbm>> -> memref<10000x128xf32, #tpu.memory_space<hbm>>
      tpu.wait_indirect_dma semaphore(%arg17 : memref<!tpu.dma_semaphore, #tpu.memory_space<semaphore_mem>>) src(%dma_wait3A_203 : memref<10000x128xf32, #tpu.memory_space<hbm>>) dst(%arg9 : memref<64x128xf32, #tpu.memory_space<vmem>>)
      %add3A_204 = arith.addi %mul3A_5, %add3A_197 : i32
      %mul3A_205 = arith.constant 64 : i32
      %mul3A_206 = arith.muli %add3A_204, %mul3A_205 : i32
      %dma_start3A_207 = arith.constant 0 : i32
      %dma_start3A_208 = tpu.memref_slice %arg4[%mul3A_206, %dma_start3A_207] : memref<163840x128xf32, #tpu.memory_space<hbm>> -> memref<64x128xf32, #tpu.memory_space<hbm>>
      %dma_start3A_209 = arith.constant 0 : i32
      %dma_start3A_210 = tpu.memref_slice %arg4[%mul3A_206, %dma_start3A_209] : memref<163840x128xf32, #tpu.memory_space<hbm>> -> memref<64x128xf32, #tpu.memory_space<hbm>>
      tpu.enqueue_dma source(%arg9 : memref<64x128xf32, #tpu.memory_space<vmem>>) target(%dma_start3A_210 : memref<64x128xf32, #tpu.memory_space<hbm>>) target_semaphore(%arg25 : memref<!tpu.dma_semaphore, #tpu.memory_space<semaphore_mem>>)
      %sub3A_211 = arith.constant 1 : i32
      %sub3A_212 = arith.subi %select_n3A_4, %sub3A_211 : i32
      %lt3A_213 = arith.cmpi slt, %while3A_124, %sub3A_212 : i32
      %convert_element_type3A_214 = arith.extui %lt3A_213 : i1 to i32
      %cond3A_215 = arith.constant 0 : i32
      %cond3A_216 = arith.cmpi ne, %convert_element_type3A_214, %cond3A_215 : i32
      scf.if %cond3A_216 {
        %mul3A_313 = arith.constant 64 : i32
        %mul3A_314 = arith.muli %mul3A_5, %mul3A_313 : i32
        %dma_wait3A_315 = arith.constant 0 : i32
        %dma_wait3A_316 = tpu.memref_slice %arg4[%mul3A_314, %dma_wait3A_315] : memref<163840x128xf32, #tpu.memory_space<hbm>> -> memref<64x128xf32, #tpu.memory_space<hbm>>
        %dma_wait3A_317 = arith.constant 0 : i32
        %dma_wait3A_318 = tpu.memref_slice %arg4[%mul3A_314, %dma_wait3A_317] : memref<163840x128xf32, #tpu.memory_space<hbm>> -> memref<64x128xf32, #tpu.memory_space<hbm>>
        tpu.wait_dma2 semaphore(%arg25 : memref<!tpu.dma_semaphore, #tpu.memory_space<semaphore_mem>>) src(%arg9 : memref<64x128xf32, #tpu.memory_space<vmem>>) dst(%dma_wait3A_318 : memref<64x128xf32, #tpu.memory_space<hbm>>)
        %add3A_319 = arith.constant 8 : i32
        %add3A_320 = arith.addi %add3A_197, %add3A_319 : i32
        %dma_start3A_321 = arith.constant 0 : i32
        %dma_start3A_322 = tpu.memref_slice %arg5[%add3A_320, %dma_start3A_321] : memref<160x64xi32, #tpu.memory_space<vmem>> -> memref<1x64xi32, #tpu.memory_space<vmem>>
        %dma_start3A_323 = tpu.memref_squeeze %dma_start3A_322 : memref<1x64xi32, #tpu.memory_space<vmem>> -> memref<64xi32, #tpu.memory_space<vmem>>
        %dma_start3A_324 = arith.constant 0 : i32
        %dma_start3A_325 = arith.constant 0 : i32
        %dma_start3A_326 = tpu.memref_slice %arg2[%dma_start3A_324, %dma_start3A_325] : memref<10000x128xf32, #tpu.memory_space<hbm>> -> memref<10000x128xf32, #tpu.memory_space<hbm>>
        tpu.enqueue_indirect_dma source(%dma_start3A_326 : memref<10000x128xf32, #tpu.memory_space<hbm>>) target(%arg9 : memref<64x128xf32, #tpu.memory_space<vmem>>) offsets(%dma_start3A_323 : memref<64xi32, #tpu.memory_space<vmem>>) semaphore(%arg17 : memref<!tpu.dma_semaphore, #tpu.memory_space<semaphore_mem>>)
      } else {
      }
      %mul3A_217 = arith.constant 8 : i32
      %mul3A_218 = arith.muli %while3A_124, %mul3A_217 : i32
      %add3A_219 = arith.addi %select_n3A, %mul3A_218 : i32
      %add3A_220 = arith.constant 4 : i32
      %add3A_221 = arith.addi %add3A_219, %add3A_220 : i32
      %dma_wait3A_222 = arith.constant 0 : i32
      %dma_wait3A_223 = tpu.memref_slice %arg5[%add3A_221, %dma_wait3A_222] : memref<160x64xi32, #tpu.memory_space<vmem>> -> memref<1x64xi32, #tpu.memory_space<vmem>>
      %dma_wait3A_224 = tpu.memref_squeeze %dma_wait3A_223 : memref<1x64xi32, #tpu.memory_space<vmem>> -> memref<64xi32, #tpu.memory_space<vmem>>
      %dma_wait3A_225 = arith.constant 0 : i32
      %dma_wait3A_226 = arith.constant 0 : i32
      %dma_wait3A_227 = tpu.memref_slice %arg2[%dma_wait3A_225, %dma_wait3A_226] : memref<10000x128xf32, #tpu.memory_space<hbm>> -> memref<10000x128xf32, #tpu.memory_space<hbm>>
      tpu.wait_indirect_dma semaphore(%arg18 : memref<!tpu.dma_semaphore, #tpu.memory_space<semaphore_mem>>) src(%dma_wait3A_227 : memref<10000x128xf32, #tpu.memory_space<hbm>>) dst(%arg10 : memref<64x128xf32, #tpu.memory_space<vmem>>)
      %add3A_228 = arith.addi %mul3A_5, %add3A_221 : i32
      %mul3A_229 = arith.constant 64 : i32
      %mul3A_230 = arith.muli %add3A_228, %mul3A_229 : i32
      %dma_start3A_231 = arith.constant 0 : i32
      %dma_start3A_232 = tpu.memref_slice %arg4[%mul3A_230, %dma_start3A_231] : memref<163840x128xf32, #tpu.memory_space<hbm>> -> memref<64x128xf32, #tpu.memory_space<hbm>>
      %dma_start3A_233 = arith.constant 0 : i32
      %dma_start3A_234 = tpu.memref_slice %arg4[%mul3A_230, %dma_start3A_233] : memref<163840x128xf32, #tpu.memory_space<hbm>> -> memref<64x128xf32, #tpu.memory_space<hbm>>
      tpu.enqueue_dma source(%arg10 : memref<64x128xf32, #tpu.memory_space<vmem>>) target(%dma_start3A_234 : memref<64x128xf32, #tpu.memory_space<hbm>>) target_semaphore(%arg26 : memref<!tpu.dma_semaphore, #tpu.memory_space<semaphore_mem>>)
      %sub3A_235 = arith.constant 1 : i32
      %sub3A_236 = arith.subi %select_n3A_4, %sub3A_235 : i32
      %lt3A_237 = arith.cmpi slt, %while3A_124, %sub3A_236 : i32
      %convert_element_type3A_238 = arith.extui %lt3A_237 : i1 to i32
      %cond3A_239 = arith.constant 0 : i32
      %cond3A_240 = arith.cmpi ne, %convert_element_type3A_238, %cond3A_239 : i32
      scf.if %cond3A_240 {
        %mul3A_313 = arith.constant 64 : i32
        %mul3A_314 = arith.muli %mul3A_5, %mul3A_313 : i32
        %dma_wait3A_315 = arith.constant 0 : i32
        %dma_wait3A_316 = tpu.memref_slice %arg4[%mul3A_314, %dma_wait3A_315] : memref<163840x128xf32, #tpu.memory_space<hbm>> -> memref<64x128xf32, #tpu.memory_space<hbm>>
        %dma_wait3A_317 = arith.constant 0 : i32
        %dma_wait3A_318 = tpu.memref_slice %arg4[%mul3A_314, %dma_wait3A_317] : memref<163840x128xf32, #tpu.memory_space<hbm>> -> memref<64x128xf32, #tpu.memory_space<hbm>>
        tpu.wait_dma2 semaphore(%arg26 : memref<!tpu.dma_semaphore, #tpu.memory_space<semaphore_mem>>) src(%arg10 : memref<64x128xf32, #tpu.memory_space<vmem>>) dst(%dma_wait3A_318 : memref<64x128xf32, #tpu.memory_space<hbm>>)
        %add3A_319 = arith.constant 8 : i32
        %add3A_320 = arith.addi %add3A_221, %add3A_319 : i32
        %dma_start3A_321 = arith.constant 0 : i32
        %dma_start3A_322 = tpu.memref_slice %arg5[%add3A_320, %dma_start3A_321] : memref<160x64xi32, #tpu.memory_space<vmem>> -> memref<1x64xi32, #tpu.memory_space<vmem>>
        %dma_start3A_323 = tpu.memref_squeeze %dma_start3A_322 : memref<1x64xi32, #tpu.memory_space<vmem>> -> memref<64xi32, #tpu.memory_space<vmem>>
        %dma_start3A_324 = arith.constant 0 : i32
        %dma_start3A_325 = arith.constant 0 : i32
        %dma_start3A_326 = tpu.memref_slice %arg2[%dma_start3A_324, %dma_start3A_325] : memref<10000x128xf32, #tpu.memory_space<hbm>> -> memref<10000x128xf32, #tpu.memory_space<hbm>>
        tpu.enqueue_indirect_dma source(%dma_start3A_326 : memref<10000x128xf32, #tpu.memory_space<hbm>>) target(%arg10 : memref<64x128xf32, #tpu.memory_space<vmem>>) offsets(%dma_start3A_323 : memref<64xi32, #tpu.memory_space<vmem>>) semaphore(%arg18 : memref<!tpu.dma_semaphore, #tpu.memory_space<semaphore_mem>>)
      } else {
      }
      %mul3A_241 = arith.constant 8 : i32
      %mul3A_242 = arith.muli %while3A_124, %mul3A_241 : i32
      %add3A_243 = arith.addi %select_n3A, %mul3A_242 : i32
      %add3A_244 = arith.constant 5 : i32
      %add3A_245 = arith.addi %add3A_243, %add3A_244 : i32
      %dma_wait3A_246 = arith.constant 0 : i32
      %dma_wait3A_247 = tpu.memref_slice %arg5[%add3A_245, %dma_wait3A_246] : memref<160x64xi32, #tpu.memory_space<vmem>> -> memref<1x64xi32, #tpu.memory_space<vmem>>
      %dma_wait3A_248 = tpu.memref_squeeze %dma_wait3A_247 : memref<1x64xi32, #tpu.memory_space<vmem>> -> memref<64xi32, #tpu.memory_space<vmem>>
      %dma_wait3A_249 = arith.constant 0 : i32
      %dma_wait3A_250 = arith.constant 0 : i32
      %dma_wait3A_251 = tpu.memref_slice %arg2[%dma_wait3A_249, %dma_wait3A_250] : memref<10000x128xf32, #tpu.memory_space<hbm>> -> memref<10000x128xf32, #tpu.memory_space<hbm>>
      tpu.wait_indirect_dma semaphore(%arg19 : memref<!tpu.dma_semaphore, #tpu.memory_space<semaphore_mem>>) src(%dma_wait3A_251 : memref<10000x128xf32, #tpu.memory_space<hbm>>) dst(%arg11 : memref<64x128xf32, #tpu.memory_space<vmem>>)
      %add3A_252 = arith.addi %mul3A_5, %add3A_245 : i32
      %mul3A_253 = arith.constant 64 : i32
      %mul3A_254 = arith.muli %add3A_252, %mul3A_253 : i32
      %dma_start3A_255 = arith.constant 0 : i32
      %dma_start3A_256 = tpu.memref_slice %arg4[%mul3A_254, %dma_start3A_255] : memref<163840x128xf32, #tpu.memory_space<hbm>> -> memref<64x128xf32, #tpu.memory_space<hbm>>
      %dma_start3A_257 = arith.constant 0 : i32
      %dma_start3A_258 = tpu.memref_slice %arg4[%mul3A_254, %dma_start3A_257] : memref<163840x128xf32, #tpu.memory_space<hbm>> -> memref<64x128xf32, #tpu.memory_space<hbm>>
      tpu.enqueue_dma source(%arg11 : memref<64x128xf32, #tpu.memory_space<vmem>>) target(%dma_start3A_258 : memref<64x128xf32, #tpu.memory_space<hbm>>) target_semaphore(%arg27 : memref<!tpu.dma_semaphore, #tpu.memory_space<semaphore_mem>>)
      %sub3A_259 = arith.constant 1 : i32
      %sub3A_260 = arith.subi %select_n3A_4, %sub3A_259 : i32
      %lt3A_261 = arith.cmpi slt, %while3A_124, %sub3A_260 : i32
      %convert_element_type3A_262 = arith.extui %lt3A_261 : i1 to i32
      %cond3A_263 = arith.constant 0 : i32
      %cond3A_264 = arith.cmpi ne, %convert_element_type3A_262, %cond3A_263 : i32
      scf.if %cond3A_264 {
        %mul3A_313 = arith.constant 64 : i32
        %mul3A_314 = arith.muli %mul3A_5, %mul3A_313 : i32
        %dma_wait3A_315 = arith.constant 0 : i32
        %dma_wait3A_316 = tpu.memref_slice %arg4[%mul3A_314, %dma_wait3A_315] : memref<163840x128xf32, #tpu.memory_space<hbm>> -> memref<64x128xf32, #tpu.memory_space<hbm>>
        %dma_wait3A_317 = arith.constant 0 : i32
        %dma_wait3A_318 = tpu.memref_slice %arg4[%mul3A_314, %dma_wait3A_317] : memref<163840x128xf32, #tpu.memory_space<hbm>> -> memref<64x128xf32, #tpu.memory_space<hbm>>
        tpu.wait_dma2 semaphore(%arg27 : memref<!tpu.dma_semaphore, #tpu.memory_space<semaphore_mem>>) src(%arg11 : memref<64x128xf32, #tpu.memory_space<vmem>>) dst(%dma_wait3A_318 : memref<64x128xf32, #tpu.memory_space<hbm>>)
        %add3A_319 = arith.constant 8 : i32
        %add3A_320 = arith.addi %add3A_245, %add3A_319 : i32
        %dma_start3A_321 = arith.constant 0 : i32
        %dma_start3A_322 = tpu.memref_slice %arg5[%add3A_320, %dma_start3A_321] : memref<160x64xi32, #tpu.memory_space<vmem>> -> memref<1x64xi32, #tpu.memory_space<vmem>>
        %dma_start3A_323 = tpu.memref_squeeze %dma_start3A_322 : memref<1x64xi32, #tpu.memory_space<vmem>> -> memref<64xi32, #tpu.memory_space<vmem>>
        %dma_start3A_324 = arith.constant 0 : i32
        %dma_start3A_325 = arith.constant 0 : i32
        %dma_start3A_326 = tpu.memref_slice %arg2[%dma_start3A_324, %dma_start3A_325] : memref<10000x128xf32, #tpu.memory_space<hbm>> -> memref<10000x128xf32, #tpu.memory_space<hbm>>
        tpu.enqueue_indirect_dma source(%dma_start3A_326 : memref<10000x128xf32, #tpu.memory_space<hbm>>) target(%arg11 : memref<64x128xf32, #tpu.memory_space<vmem>>) offsets(%dma_start3A_323 : memref<64xi32, #tpu.memory_space<vmem>>) semaphore(%arg19 : memref<!tpu.dma_semaphore, #tpu.memory_space<semaphore_mem>>)
      } else {
      }
      %mul3A_265 = arith.constant 8 : i32
      %mul3A_266 = arith.muli %while3A_124, %mul3A_265 : i32
      %add3A_267 = arith.addi %select_n3A, %mul3A_266 : i32
      %add3A_268 = arith.constant 6 : i32
      %add3A_269 = arith.addi %add3A_267, %add3A_268 : i32
      %dma_wait3A_270 = arith.constant 0 : i32
      %dma_wait3A_271 = tpu.memref_slice %arg5[%add3A_269, %dma_wait3A_270] : memref<160x64xi32, #tpu.memory_space<vmem>> -> memref<1x64xi32, #tpu.memory_space<vmem>>
      %dma_wait3A_272 = tpu.memref_squeeze %dma_wait3A_271 : memref<1x64xi32, #tpu.memory_space<vmem>> -> memref<64xi32, #tpu.memory_space<vmem>>
      %dma_wait3A_273 = arith.constant 0 : i32
      %dma_wait3A_274 = arith.constant 0 : i32
      %dma_wait3A_275 = tpu.memref_slice %arg2[%dma_wait3A_273, %dma_wait3A_274] : memref<10000x128xf32, #tpu.memory_space<hbm>> -> memref<10000x128xf32, #tpu.memory_space<hbm>>
      tpu.wait_indirect_dma semaphore(%arg20 : memref<!tpu.dma_semaphore, #tpu.memory_space<semaphore_mem>>) src(%dma_wait3A_275 : memref<10000x128xf32, #tpu.memory_space<hbm>>) dst(%arg12 : memref<64x128xf32, #tpu.memory_space<vmem>>)
      %add3A_276 = arith.addi %mul3A_5, %add3A_269 : i32
      %mul3A_277 = arith.constant 64 : i32
      %mul3A_278 = arith.muli %add3A_276, %mul3A_277 : i32
      %dma_start3A_279 = arith.constant 0 : i32
      %dma_start3A_280 = tpu.memref_slice %arg4[%mul3A_278, %dma_start3A_279] : memref<163840x128xf32, #tpu.memory_space<hbm>> -> memref<64x128xf32, #tpu.memory_space<hbm>>
      %dma_start3A_281 = arith.constant 0 : i32
      %dma_start3A_282 = tpu.memref_slice %arg4[%mul3A_278, %dma_start3A_281] : memref<163840x128xf32, #tpu.memory_space<hbm>> -> memref<64x128xf32, #tpu.memory_space<hbm>>
      tpu.enqueue_dma source(%arg12 : memref<64x128xf32, #tpu.memory_space<vmem>>) target(%dma_start3A_282 : memref<64x128xf32, #tpu.memory_space<hbm>>) target_semaphore(%arg28 : memref<!tpu.dma_semaphore, #tpu.memory_space<semaphore_mem>>)
      %sub3A_283 = arith.constant 1 : i32
      %sub3A_284 = arith.subi %select_n3A_4, %sub3A_283 : i32
      %lt3A_285 = arith.cmpi slt, %while3A_124, %sub3A_284 : i32
      %convert_element_type3A_286 = arith.extui %lt3A_285 : i1 to i32
      %cond3A_287 = arith.constant 0 : i32
      %cond3A_288 = arith.cmpi ne, %convert_element_type3A_286, %cond3A_287 : i32
      scf.if %cond3A_288 {
        %mul3A_313 = arith.constant 64 : i32
        %mul3A_314 = arith.muli %mul3A_5, %mul3A_313 : i32
        %dma_wait3A_315 = arith.constant 0 : i32
        %dma_wait3A_316 = tpu.memref_slice %arg4[%mul3A_314, %dma_wait3A_315] : memref<163840x128xf32, #tpu.memory_space<hbm>> -> memref<64x128xf32, #tpu.memory_space<hbm>>
        %dma_wait3A_317 = arith.constant 0 : i32
        %dma_wait3A_318 = tpu.memref_slice %arg4[%mul3A_314, %dma_wait3A_317] : memref<163840x128xf32, #tpu.memory_space<hbm>> -> memref<64x128xf32, #tpu.memory_space<hbm>>
        tpu.wait_dma2 semaphore(%arg28 : memref<!tpu.dma_semaphore, #tpu.memory_space<semaphore_mem>>) src(%arg12 : memref<64x128xf32, #tpu.memory_space<vmem>>) dst(%dma_wait3A_318 : memref<64x128xf32, #tpu.memory_space<hbm>>)
        %add3A_319 = arith.constant 8 : i32
        %add3A_320 = arith.addi %add3A_269, %add3A_319 : i32
        %dma_start3A_321 = arith.constant 0 : i32
        %dma_start3A_322 = tpu.memref_slice %arg5[%add3A_320, %dma_start3A_321] : memref<160x64xi32, #tpu.memory_space<vmem>> -> memref<1x64xi32, #tpu.memory_space<vmem>>
        %dma_start3A_323 = tpu.memref_squeeze %dma_start3A_322 : memref<1x64xi32, #tpu.memory_space<vmem>> -> memref<64xi32, #tpu.memory_space<vmem>>
        %dma_start3A_324 = arith.constant 0 : i32
        %dma_start3A_325 = arith.constant 0 : i32
        %dma_start3A_326 = tpu.memref_slice %arg2[%dma_start3A_324, %dma_start3A_325] : memref<10000x128xf32, #tpu.memory_space<hbm>> -> memref<10000x128xf32, #tpu.memory_space<hbm>>
        tpu.enqueue_indirect_dma source(%dma_start3A_326 : memref<10000x128xf32, #tpu.memory_space<hbm>>) target(%arg12 : memref<64x128xf32, #tpu.memory_space<vmem>>) offsets(%dma_start3A_323 : memref<64xi32, #tpu.memory_space<vmem>>) semaphore(%arg20 : memref<!tpu.dma_semaphore, #tpu.memory_space<semaphore_mem>>)
      } else {
      }
      %mul3A_289 = arith.constant 8 : i32
      %mul3A_290 = arith.muli %while3A_124, %mul3A_289 : i32
      %add3A_291 = arith.addi %select_n3A, %mul3A_290 : i32
      %add3A_292 = arith.constant 7 : i32
      %add3A_293 = arith.addi %add3A_291, %add3A_292 : i32
      %dma_wait3A_294 = arith.constant 0 : i32
      %dma_wait3A_295 = tpu.memref_slice %arg5[%add3A_293, %dma_wait3A_294] : memref<160x64xi32, #tpu.memory_space<vmem>> -> memref<1x64xi32, #tpu.memory_space<vmem>>
      %dma_wait3A_296 = tpu.memref_squeeze %dma_wait3A_295 : memref<1x64xi32, #tpu.memory_space<vmem>> -> memref<64xi32, #tpu.memory_space<vmem>>
      %dma_wait3A_297 = arith.constant 0 : i32
      %dma_wait3A_298 = arith.constant 0 : i32
      %dma_wait3A_299 = tpu.memref_slice %arg2[%dma_wait3A_297, %dma_wait3A_298] : memref<10000x128xf32, #tpu.memory_space<hbm>> -> memref<10000x128xf32, #tpu.memory_space<hbm>>
      tpu.wait_indirect_dma semaphore(%arg21 : memref<!tpu.dma_semaphore, #tpu.memory_space<semaphore_mem>>) src(%dma_wait3A_299 : memref<10000x128xf32, #tpu.memory_space<hbm>>) dst(%arg13 : memref<64x128xf32, #tpu.memory_space<vmem>>)
      %add3A_300 = arith.addi %mul3A_5, %add3A_293 : i32
      %mul3A_301 = arith.constant 64 : i32
      %mul3A_302 = arith.muli %add3A_300, %mul3A_301 : i32
      %dma_start3A_303 = arith.constant 0 : i32
      %dma_start3A_304 = tpu.memref_slice %arg4[%mul3A_302, %dma_start3A_303] : memref<163840x128xf32, #tpu.memory_space<hbm>> -> memref<64x128xf32, #tpu.memory_space<hbm>>
      %dma_start3A_305 = arith.constant 0 : i32
      %dma_start3A_306 = tpu.memref_slice %arg4[%mul3A_302, %dma_start3A_305] : memref<163840x128xf32, #tpu.memory_space<hbm>> -> memref<64x128xf32, #tpu.memory_space<hbm>>
      tpu.enqueue_dma source(%arg13 : memref<64x128xf32, #tpu.memory_space<vmem>>) target(%dma_start3A_306 : memref<64x128xf32, #tpu.memory_space<hbm>>) target_semaphore(%arg29 : memref<!tpu.dma_semaphore, #tpu.memory_space<semaphore_mem>>)
      %sub3A_307 = arith.constant 1 : i32
      %sub3A_308 = arith.subi %select_n3A_4, %sub3A_307 : i32
      %lt3A_309 = arith.cmpi slt, %while3A_124, %sub3A_308 : i32
      %convert_element_type3A_310 = arith.extui %lt3A_309 : i1 to i32
      %cond3A_311 = arith.constant 0 : i32
      %cond3A_312 = arith.cmpi ne, %convert_element_type3A_310, %cond3A_311 : i32
      scf.if %cond3A_312 {
        %mul3A_313 = arith.constant 64 : i32
        %mul3A_314 = arith.muli %mul3A_5, %mul3A_313 : i32
        %dma_wait3A_315 = arith.constant 0 : i32
        %dma_wait3A_316 = tpu.memref_slice %arg4[%mul3A_314, %dma_wait3A_315] : memref<163840x128xf32, #tpu.memory_space<hbm>> -> memref<64x128xf32, #tpu.memory_space<hbm>>
        %dma_wait3A_317 = arith.constant 0 : i32
        %dma_wait3A_318 = tpu.memref_slice %arg4[%mul3A_314, %dma_wait3A_317] : memref<163840x128xf32, #tpu.memory_space<hbm>> -> memref<64x128xf32, #tpu.memory_space<hbm>>
        tpu.wait_dma2 semaphore(%arg29 : memref<!tpu.dma_semaphore, #tpu.memory_space<semaphore_mem>>) src(%arg13 : memref<64x128xf32, #tpu.memory_space<vmem>>) dst(%dma_wait3A_318 : memref<64x128xf32, #tpu.memory_space<hbm>>)
        %add3A_319 = arith.constant 8 : i32
        %add3A_320 = arith.addi %add3A_293, %add3A_319 : i32
        %dma_start3A_321 = arith.constant 0 : i32
        %dma_start3A_322 = tpu.memref_slice %arg5[%add3A_320, %dma_start3A_321] : memref<160x64xi32, #tpu.memory_space<vmem>> -> memref<1x64xi32, #tpu.memory_space<vmem>>
        %dma_start3A_323 = tpu.memref_squeeze %dma_start3A_322 : memref<1x64xi32, #tpu.memory_space<vmem>> -> memref<64xi32, #tpu.memory_space<vmem>>
        %dma_start3A_324 = arith.constant 0 : i32
        %dma_start3A_325 = arith.constant 0 : i32
        %dma_start3A_326 = tpu.memref_slice %arg2[%dma_start3A_324, %dma_start3A_325] : memref<10000x128xf32, #tpu.memory_space<hbm>> -> memref<10000x128xf32, #tpu.memory_space<hbm>>
        tpu.enqueue_indirect_dma source(%dma_start3A_326 : memref<10000x128xf32, #tpu.memory_space<hbm>>) target(%arg13 : memref<64x128xf32, #tpu.memory_space<vmem>>) offsets(%dma_start3A_323 : memref<64xi32, #tpu.memory_space<vmem>>) semaphore(%arg21 : memref<!tpu.dma_semaphore, #tpu.memory_space<semaphore_mem>>)
      } else {
      }
    }
    %mul3A_77 = arith.constant 64 : i32
    %mul3A_78 = arith.muli %mul3A_5, %mul3A_77 : i32
    %dma_wait3A = arith.constant 0 : i32
    %dma_wait3A_79 = tpu.memref_slice %arg4[%mul3A_78, %dma_wait3A] : memref<163840x128xf32, #tpu.memory_space<hbm>> -> memref<64x128xf32, #tpu.memory_space<hbm>>
    %dma_wait3A_80 = arith.constant 0 : i32
    %dma_wait3A_81 = tpu.memref_slice %arg4[%mul3A_78, %dma_wait3A_80] : memref<163840x128xf32, #tpu.memory_space<hbm>> -> memref<64x128xf32, #tpu.memory_space<hbm>>
    tpu.wait_dma2 semaphore(%arg22 : memref<!tpu.dma_semaphore, #tpu.memory_space<semaphore_mem>>) src(%arg6 : memref<64x128xf32, #tpu.memory_space<vmem>>) dst(%dma_wait3A_81 : memref<64x128xf32, #tpu.memory_space<hbm>>)
    %mul3A_82 = arith.constant 64 : i32
    %mul3A_83 = arith.muli %mul3A_5, %mul3A_82 : i32
    %dma_wait3A_84 = arith.constant 0 : i32
    %dma_wait3A_85 = tpu.memref_slice %arg4[%mul3A_83, %dma_wait3A_84] : memref<163840x128xf32, #tpu.memory_space<hbm>> -> memref<64x128xf32, #tpu.memory_space<hbm>>
    %dma_wait3A_86 = arith.constant 0 : i32
    %dma_wait3A_87 = tpu.memref_slice %arg4[%mul3A_83, %dma_wait3A_86] : memref<163840x128xf32, #tpu.memory_space<hbm>> -> memref<64x128xf32, #tpu.memory_space<hbm>>
    tpu.wait_dma2 semaphore(%arg23 : memref<!tpu.dma_semaphore, #tpu.memory_space<semaphore_mem>>) src(%arg7 : memref<64x128xf32, #tpu.memory_space<vmem>>) dst(%dma_wait3A_87 : memref<64x128xf32, #tpu.memory_space<hbm>>)
    %mul3A_88 = arith.constant 64 : i32
    %mul3A_89 = arith.muli %mul3A_5, %mul3A_88 : i32
    %dma_wait3A_90 = arith.constant 0 : i32
    %dma_wait3A_91 = tpu.memref_slice %arg4[%mul3A_89, %dma_wait3A_90] : memref<163840x128xf32, #tpu.memory_space<hbm>> -> memref<64x128xf32, #tpu.memory_space<hbm>>
    %dma_wait3A_92 = arith.constant 0 : i32
    %dma_wait3A_93 = tpu.memref_slice %arg4[%mul3A_89, %dma_wait3A_92] : memref<163840x128xf32, #tpu.memory_space<hbm>> -> memref<64x128xf32, #tpu.memory_space<hbm>>
    tpu.wait_dma2 semaphore(%arg24 : memref<!tpu.dma_semaphore, #tpu.memory_space<semaphore_mem>>) src(%arg8 : memref<64x128xf32, #tpu.memory_space<vmem>>) dst(%dma_wait3A_93 : memref<64x128xf32, #tpu.memory_space<hbm>>)
    %mul3A_94 = arith.constant 64 : i32
    %mul3A_95 = arith.muli %mul3A_5, %mul3A_94 : i32
    %dma_wait3A_96 = arith.constant 0 : i32
    %dma_wait3A_97 = tpu.memref_slice %arg4[%mul3A_95, %dma_wait3A_96] : memref<163840x128xf32, #tpu.memory_space<hbm>> -> memref<64x128xf32, #tpu.memory_space<hbm>>
    %dma_wait3A_98 = arith.constant 0 : i32
    %dma_wait3A_99 = tpu.memref_slice %arg4[%mul3A_95, %dma_wait3A_98] : memref<163840x128xf32, #tpu.memory_space<hbm>> -> memref<64x128xf32, #tpu.memory_space<hbm>>
    tpu.wait_dma2 semaphore(%arg25 : memref<!tpu.dma_semaphore, #tpu.memory_space<semaphore_mem>>) src(%arg9 : memref<64x128xf32, #tpu.memory_space<vmem>>) dst(%dma_wait3A_99 : memref<64x128xf32, #tpu.memory_space<hbm>>)
    %mul3A_100 = arith.constant 64 : i32
    %mul3A_101 = arith.muli %mul3A_5, %mul3A_100 : i32
    %dma_wait3A_102 = arith.constant 0 : i32
    %dma_wait3A_103 = tpu.memref_slice %arg4[%mul3A_101, %dma_wait3A_102] : memref<163840x128xf32, #tpu.memory_space<hbm>> -> memref<64x128xf32, #tpu.memory_space<hbm>>
    %dma_wait3A_104 = arith.constant 0 : i32
    %dma_wait3A_105 = tpu.memref_slice %arg4[%mul3A_101, %dma_wait3A_104] : memref<163840x128xf32, #tpu.memory_space<hbm>> -> memref<64x128xf32, #tpu.memory_space<hbm>>
    tpu.wait_dma2 semaphore(%arg26 : memref<!tpu.dma_semaphore, #tpu.memory_space<semaphore_mem>>) src(%arg10 : memref<64x128xf32, #tpu.memory_space<vmem>>) dst(%dma_wait3A_105 : memref<64x128xf32, #tpu.memory_space<hbm>>)
    %mul3A_106 = arith.constant 64 : i32
    %mul3A_107 = arith.muli %mul3A_5, %mul3A_106 : i32
    %dma_wait3A_108 = arith.constant 0 : i32
    %dma_wait3A_109 = tpu.memref_slice %arg4[%mul3A_107, %dma_wait3A_108] : memref<163840x128xf32, #tpu.memory_space<hbm>> -> memref<64x128xf32, #tpu.memory_space<hbm>>
    %dma_wait3A_110 = arith.constant 0 : i32
    %dma_wait3A_111 = tpu.memref_slice %arg4[%mul3A_107, %dma_wait3A_110] : memref<163840x128xf32, #tpu.memory_space<hbm>> -> memref<64x128xf32, #tpu.memory_space<hbm>>
    tpu.wait_dma2 semaphore(%arg27 : memref<!tpu.dma_semaphore, #tpu.memory_space<semaphore_mem>>) src(%arg11 : memref<64x128xf32, #tpu.memory_space<vmem>>) dst(%dma_wait3A_111 : memref<64x128xf32, #tpu.memory_space<hbm>>)
    %mul3A_112 = arith.constant 64 : i32
    %mul3A_113 = arith.muli %mul3A_5, %mul3A_112 : i32
    %dma_wait3A_114 = arith.constant 0 : i32
    %dma_wait3A_115 = tpu.memref_slice %arg4[%mul3A_113, %dma_wait3A_114] : memref<163840x128xf32, #tpu.memory_space<hbm>> -> memref<64x128xf32, #tpu.memory_space<hbm>>
    %dma_wait3A_116 = arith.constant 0 : i32
    %dma_wait3A_117 = tpu.memref_slice %arg4[%mul3A_113, %dma_wait3A_116] : memref<163840x128xf32, #tpu.memory_space<hbm>> -> memref<64x128xf32, #tpu.memory_space<hbm>>
    tpu.wait_dma2 semaphore(%arg28 : memref<!tpu.dma_semaphore, #tpu.memory_space<semaphore_mem>>) src(%arg12 : memref<64x128xf32, #tpu.memory_space<vmem>>) dst(%dma_wait3A_117 : memref<64x128xf32, #tpu.memory_space<hbm>>)
    %mul3A_118 = arith.constant 64 : i32
    %mul3A_119 = arith.muli %mul3A_5, %mul3A_118 : i32
    %dma_wait3A_120 = arith.constant 0 : i32
    %dma_wait3A_121 = tpu.memref_slice %arg4[%mul3A_119, %dma_wait3A_120] : memref<163840x128xf32, #tpu.memory_space<hbm>> -> memref<64x128xf32, #tpu.memory_space<hbm>>
    %dma_wait3A_122 = arith.constant 0 : i32
    %dma_wait3A_123 = tpu.memref_slice %arg4[%mul3A_119, %dma_wait3A_122] : memref<163840x128xf32, #tpu.memory_space<hbm>> -> memref<64x128xf32, #tpu.memory_space<hbm>>
    tpu.wait_dma2 semaphore(%arg29 : memref<!tpu.dma_semaphore, #tpu.memory_space<semaphore_mem>>) src(%arg13 : memref<64x128xf32, #tpu.memory_space<vmem>>) dst(%dma_wait3A_123 : memref<64x128xf32, #tpu.memory_space<hbm>>)
    return
  }
}

#map = affine_map<(d0, d1) -> (0, 0)>
module attributes {stable_mosaic.version = 14 : i64} {
  func.func @gk(%arg0: i32, %arg1: i32, %arg2: memref<10000x128xf32, #tpu.memory_space<hbm>>, %arg3: memref<2560x64xi32, #tpu.memory_space<hbm>>, %arg4: memref<163840x128xf32, #tpu.memory_space<hbm>>, %arg5: memref<160x64xi32, #tpu.memory_space<vmem>>, %arg6: memref<64x128xf32, #tpu.memory_space<vmem>>, %arg7: memref<64x128xf32, #tpu.memory_space<vmem>>, %arg8: memref<64x128xf32, #tpu.memory_space<vmem>>, %arg9: memref<64x128xf32, #tpu.memory_space<vmem>>, %arg10: memref<64x128xf32, #tpu.memory_space<vmem>>, %arg11: memref<64x128xf32, #tpu.memory_space<vmem>>, %arg12: memref<64x128xf32, #tpu.memory_space<vmem>>, %arg13: memref<64x128xf32, #tpu.memory_space<vmem>>, %arg14: memref<!tpu.dma_semaphore, #tpu.memory_space<semaphore_mem>>, %arg15: memref<!tpu.dma_semaphore, #tpu.memory_space<semaphore_mem>>, %arg16: memref<!tpu.dma_semaphore, #tpu.memory_space<semaphore_mem>>, %arg17: memref<!tpu.dma_semaphore, #tpu.memory_space<semaphore_mem>>, %arg18: memref<!tpu.dma_semaphore, #tpu.memory_space<semaphore_mem>>, %arg19: memref<!tpu.dma_semaphore, #tpu.memory_space<semaphore_mem>>, %arg20: memref<!tpu.dma_semaphore, #tpu.memory_space<semaphore_mem>>, %arg21: memref<!tpu.dma_semaphore, #tpu.memory_space<semaphore_mem>>, %arg22: memref<!tpu.dma_semaphore, #tpu.memory_space<semaphore_mem>>, %arg23: memref<!tpu.dma_semaphore, #tpu.memory_space<semaphore_mem>>, %arg24: memref<!tpu.dma_semaphore, #tpu.memory_space<semaphore_mem>>, %arg25: memref<!tpu.dma_semaphore, #tpu.memory_space<semaphore_mem>>, %arg26: memref<!tpu.dma_semaphore, #tpu.memory_space<semaphore_mem>>, %arg27: memref<!tpu.dma_semaphore, #tpu.memory_space<semaphore_mem>>, %arg28: memref<!tpu.dma_semaphore, #tpu.memory_space<semaphore_mem>>, %arg29: memref<!tpu.dma_semaphore, #tpu.memory_space<semaphore_mem>>) attributes {dimension_semantics = [#tpu.dimension_semantics<core_parallel>, #tpu.dimension_semantics<subcore_parallel>], iteration_bounds = array<i64: 2, 16>, scalar_prefetch = 0 : i64, scratch_operands = 25 : i64, tpu.core_type = #tpu.core_type<sc_vector_subcore>, window_params = [{transform_indices = #map}, {transform_indices = #map}, {transform_indices = #map}]} {
    %eq3A = arith.constant 0 : i32
    %eq3A_0 = arith.cmpi eq, %arg0, %eq3A : i32
    %jit3A = arith.constant 0 : i32
    %jit3A_1 = arith.constant 128 : i32
    %select_n3A = arith.select %eq3A_0, %jit3A, %jit3A_1 : i32
    %jit3A_2 = arith.constant 16 : i32
    %jit3A_3 = arith.constant 4 : i32
    %select_n3A_4 = arith.select %eq3A_0, %jit3A_2, %jit3A_3 : i32
    %mul3A = arith.constant 160 : i32
    %mul3A_5 = arith.muli %arg1, %mul3A : i32
    "tpu.region"() ({
      %run_scoped3A = tpu.sem_alloc : memref<!tpu.dma_semaphore, #tpu.memory_space<semaphore_mem>>
      %dma_start3A_124 = arith.constant 0 : i32
      %dma_start3A_125 = tpu.memref_slice %arg3[%mul3A_5, %dma_start3A_124] : memref<2560x64xi32, #tpu.memory_space<hbm>> -> memref<160x64xi32, #tpu.memory_space<hbm>>
      %dma_start3A_126 = arith.constant 0 : i32
      %dma_start3A_127 = tpu.memref_slice %arg3[%mul3A_5, %dma_start3A_126] : memref<2560x64xi32, #tpu.memory_space<hbm>> -> memref<160x64xi32, #tpu.memory_space<hbm>>
      tpu.enqueue_dma source(%dma_start3A_127 : memref<160x64xi32, #tpu.memory_space<hbm>>) target(%arg5 : memref<160x64xi32, #tpu.memory_space<vmem>>) target_semaphore(%run_scoped3A : memref<!tpu.dma_semaphore, #tpu.memory_space<semaphore_mem>>)
      %dma_wait3A_128 = arith.constant 0 : i32
      %dma_wait3A_129 = tpu.memref_slice %arg3[%mul3A_5, %dma_wait3A_128] : memref<2560x64xi32, #tpu.memory_space<hbm>> -> memref<160x64xi32, #tpu.memory_space<hbm>>
      %dma_wait3A_130 = arith.constant 0 : i32
      %dma_wait3A_131 = tpu.memref_slice %arg3[%mul3A_5, %dma_wait3A_130] : memref<2560x64xi32, #tpu.memory_space<hbm>> -> memref<160x64xi32, #tpu.memory_space<hbm>>
      tpu.wait_dma2 semaphore(%run_scoped3A : memref<!tpu.dma_semaphore, #tpu.memory_space<semaphore_mem>>) src(%dma_wait3A_131 : memref<160x64xi32, #tpu.memory_space<hbm>>) dst(%arg5 : memref<160x64xi32, #tpu.memory_space<vmem>>)
      tpu.yield
    }) : () -> ()
    %add3A = arith.constant 0 : i32
    %add3A_6 = arith.addi %select_n3A, %add3A : i32
    %dma_start3A = arith.constant 0 : i32
    %dma_start3A_7 = tpu.memref_slice %arg5[%add3A_6, %dma_start3A] : memref<160x64xi32, #tpu.memory_space<vmem>> -> memref<1x64xi32, #tpu.memory_space<vmem>>
    %dma_start3A_8 = tpu.memref_squeeze %dma_start3A_7 : memref<1x64xi32, #tpu.memory_space<vmem>> -> memref<64xi32, #tpu.memory_space<vmem>>
    %dma_start3A_9 = arith.constant 0 : i32
    %dma_start3A_10 = arith.constant 0 : i32
    %dma_start3A_11 = tpu.memref_slice %arg2[%dma_start3A_9, %dma_start3A_10] : memref<10000x128xf32, #tpu.memory_space<hbm>> -> memref<10000x128xf32, #tpu.memory_space<hbm>>
    tpu.enqueue_indirect_dma source(%dma_start3A_11 : memref<10000x128xf32, #tpu.memory_space<hbm>>) target(%arg6 : memref<64x128xf32, #tpu.memory_space<vmem>>) offsets(%dma_start3A_8 : memref<64xi32, #tpu.memory_space<vmem>>) semaphore(%arg14 : memref<!tpu.dma_semaphore, #tpu.memory_space<semaphore_mem>>)
    %add3A_12 = arith.constant 1 : i32
    %add3A_13 = arith.addi %select_n3A, %add3A_12 : i32
    %dma_start3A_14 = arith.constant 0 : i32
    %dma_start3A_15 = tpu.memref_slice %arg5[%add3A_13, %dma_start3A_14] : memref<160x64xi32, #tpu.memory_space<vmem>> -> memref<1x64xi32, #tpu.memory_space<vmem>>
    %dma_start3A_16 = tpu.memref_squeeze %dma_start3A_15 : memref<1x64xi32, #tpu.memory_space<vmem>> -> memref<64xi32, #tpu.memory_space<vmem>>
    %dma_start3A_17 = arith.constant 0 : i32
    %dma_start3A_18 = arith.constant 0 : i32
    %dma_start3A_19 = tpu.memref_slice %arg2[%dma_start3A_17, %dma_start3A_18] : memref<10000x128xf32, #tpu.memory_space<hbm>> -> memref<10000x128xf32, #tpu.memory_space<hbm>>
    tpu.enqueue_indirect_dma source(%dma_start3A_19 : memref<10000x128xf32, #tpu.memory_space<hbm>>) target(%arg7 : memref<64x128xf32, #tpu.memory_space<vmem>>) offsets(%dma_start3A_16 : memref<64xi32, #tpu.memory_space<vmem>>) semaphore(%arg15 : memref<!tpu.dma_semaphore, #tpu.memory_space<semaphore_mem>>)
    %add3A_20 = arith.constant 2 : i32
    %add3A_21 = arith.addi %select_n3A, %add3A_20 : i32
    %dma_start3A_22 = arith.constant 0 : i32
    %dma_start3A_23 = tpu.memref_slice %arg5[%add3A_21, %dma_start3A_22] : memref<160x64xi32, #tpu.memory_space<vmem>> -> memref<1x64xi32, #tpu.memory_space<vmem>>
    %dma_start3A_24 = tpu.memref_squeeze %dma_start3A_23 : memref<1x64xi32, #tpu.memory_space<vmem>> -> memref<64xi32, #tpu.memory_space<vmem>>
    %dma_start3A_25 = arith.constant 0 : i32
    %dma_start3A_26 = arith.constant 0 : i32
    %dma_start3A_27 = tpu.memref_slice %arg2[%dma_start3A_25, %dma_start3A_26] : memref<10000x128xf32, #tpu.memory_space<hbm>> -> memref<10000x128xf32, #tpu.memory_space<hbm>>
    tpu.enqueue_indirect_dma source(%dma_start3A_27 : memref<10000x128xf32, #tpu.memory_space<hbm>>) target(%arg8 : memref<64x128xf32, #tpu.memory_space<vmem>>) offsets(%dma_start3A_24 : memref<64xi32, #tpu.memory_space<vmem>>) semaphore(%arg16 : memref<!tpu.dma_semaphore, #tpu.memory_space<semaphore_mem>>)
    %add3A_28 = arith.constant 3 : i32
    %add3A_29 = arith.addi %select_n3A, %add3A_28 : i32
    %dma_start3A_30 = arith.constant 0 : i32
    %dma_start3A_31 = tpu.memref_slice %arg5[%add3A_29, %dma_start3A_30] : memref<160x64xi32, #tpu.memory_space<vmem>> -> memref<1x64xi32, #tpu.memory_space<vmem>>
    %dma_start3A_32 = tpu.memref_squeeze %dma_start3A_31 : memref<1x64xi32, #tpu.memory_space<vmem>> -> memref<64xi32, #tpu.memory_space<vmem>>
    %dma_start3A_33 = arith.constant 0 : i32
    %dma_start3A_34 = arith.constant 0 : i32
    %dma_start3A_35 = tpu.memref_slice %arg2[%dma_start3A_33, %dma_start3A_34] : memref<10000x128xf32, #tpu.memory_space<hbm>> -> memref<10000x128xf32, #tpu.memory_space<hbm>>
    tpu.enqueue_indirect_dma source(%dma_start3A_35 : memref<10000x128xf32, #tpu.memory_space<hbm>>) target(%arg9 : memref<64x128xf32, #tpu.memory_space<vmem>>) offsets(%dma_start3A_32 : memref<64xi32, #tpu.memory_space<vmem>>) semaphore(%arg17 : memref<!tpu.dma_semaphore, #tpu.memory_space<semaphore_mem>>)
    %add3A_36 = arith.constant 4 : i32
    %add3A_37 = arith.addi %select_n3A, %add3A_36 : i32
    %dma_start3A_38 = arith.constant 0 : i32
    %dma_start3A_39 = tpu.memref_slice %arg5[%add3A_37, %dma_start3A_38] : memref<160x64xi32, #tpu.memory_space<vmem>> -> memref<1x64xi32, #tpu.memory_space<vmem>>
    %dma_start3A_40 = tpu.memref_squeeze %dma_start3A_39 : memref<1x64xi32, #tpu.memory_space<vmem>> -> memref<64xi32, #tpu.memory_space<vmem>>
    %dma_start3A_41 = arith.constant 0 : i32
    %dma_start3A_42 = arith.constant 0 : i32
    %dma_start3A_43 = tpu.memref_slice %arg2[%dma_start3A_41, %dma_start3A_42] : memref<10000x128xf32, #tpu.memory_space<hbm>> -> memref<10000x128xf32, #tpu.memory_space<hbm>>
    tpu.enqueue_indirect_dma source(%dma_start3A_43 : memref<10000x128xf32, #tpu.memory_space<hbm>>) target(%arg10 : memref<64x128xf32, #tpu.memory_space<vmem>>) offsets(%dma_start3A_40 : memref<64xi32, #tpu.memory_space<vmem>>) semaphore(%arg18 : memref<!tpu.dma_semaphore, #tpu.memory_space<semaphore_mem>>)
    %add3A_44 = arith.constant 5 : i32
    %add3A_45 = arith.addi %select_n3A, %add3A_44 : i32
    %dma_start3A_46 = arith.constant 0 : i32
    %dma_start3A_47 = tpu.memref_slice %arg5[%add3A_45, %dma_start3A_46] : memref<160x64xi32, #tpu.memory_space<vmem>> -> memref<1x64xi32, #tpu.memory_space<vmem>>
    %dma_start3A_48 = tpu.memref_squeeze %dma_start3A_47 : memref<1x64xi32, #tpu.memory_space<vmem>> -> memref<64xi32, #tpu.memory_space<vmem>>
    %dma_start3A_49 = arith.constant 0 : i32
    %dma_start3A_50 = arith.constant 0 : i32
    %dma_start3A_51 = tpu.memref_slice %arg2[%dma_start3A_49, %dma_start3A_50] : memref<10000x128xf32, #tpu.memory_space<hbm>> -> memref<10000x128xf32, #tpu.memory_space<hbm>>
    tpu.enqueue_indirect_dma source(%dma_start3A_51 : memref<10000x128xf32, #tpu.memory_space<hbm>>) target(%arg11 : memref<64x128xf32, #tpu.memory_space<vmem>>) offsets(%dma_start3A_48 : memref<64xi32, #tpu.memory_space<vmem>>) semaphore(%arg19 : memref<!tpu.dma_semaphore, #tpu.memory_space<semaphore_mem>>)
    %add3A_52 = arith.constant 6 : i32
    %add3A_53 = arith.addi %select_n3A, %add3A_52 : i32
    %dma_start3A_54 = arith.constant 0 : i32
    %dma_start3A_55 = tpu.memref_slice %arg5[%add3A_53, %dma_start3A_54] : memref<160x64xi32, #tpu.memory_space<vmem>> -> memref<1x64xi32, #tpu.memory_space<vmem>>
    %dma_start3A_56 = tpu.memref_squeeze %dma_start3A_55 : memref<1x64xi32, #tpu.memory_space<vmem>> -> memref<64xi32, #tpu.memory_space<vmem>>
    %dma_start3A_57 = arith.constant 0 : i32
    %dma_start3A_58 = arith.constant 0 : i32
    %dma_start3A_59 = tpu.memref_slice %arg2[%dma_start3A_57, %dma_start3A_58] : memref<10000x128xf32, #tpu.memory_space<hbm>> -> memref<10000x128xf32, #tpu.memory_space<hbm>>
    tpu.enqueue_indirect_dma source(%dma_start3A_59 : memref<10000x128xf32, #tpu.memory_space<hbm>>) target(%arg12 : memref<64x128xf32, #tpu.memory_space<vmem>>) offsets(%dma_start3A_56 : memref<64xi32, #tpu.memory_space<vmem>>) semaphore(%arg20 : memref<!tpu.dma_semaphore, #tpu.memory_space<semaphore_mem>>)
    %add3A_60 = arith.constant 7 : i32
    %add3A_61 = arith.addi %select_n3A, %add3A_60 : i32
    %dma_start3A_62 = arith.constant 0 : i32
    %dma_start3A_63 = tpu.memref_slice %arg5[%add3A_61, %dma_start3A_62] : memref<160x64xi32, #tpu.memory_space<vmem>> -> memref<1x64xi32, #tpu.memory_space<vmem>>
    %dma_start3A_64 = tpu.memref_squeeze %dma_start3A_63 : memref<1x64xi32, #tpu.memory_space<vmem>> -> memref<64xi32, #tpu.memory_space<vmem>>
    %dma_start3A_65 = arith.constant 0 : i32
    %dma_start3A_66 = arith.constant 0 : i32
    %dma_start3A_67 = tpu.memref_slice %arg2[%dma_start3A_65, %dma_start3A_66] : memref<10000x128xf32, #tpu.memory_space<hbm>> -> memref<10000x128xf32, #tpu.memory_space<hbm>>
    tpu.enqueue_indirect_dma source(%dma_start3A_67 : memref<10000x128xf32, #tpu.memory_space<hbm>>) target(%arg13 : memref<64x128xf32, #tpu.memory_space<vmem>>) offsets(%dma_start3A_64 : memref<64xi32, #tpu.memory_space<vmem>>) semaphore(%arg21 : memref<!tpu.dma_semaphore, #tpu.memory_space<semaphore_mem>>)
    %while3A = arith.constant 0 : i32
    %while3A_68 = arith.constant 0 : i32
    %while3A_69 = arith.subi %select_n3A_4, %while3A_68 : i32
    %while3A_70 = arith.addi %while3A_68, %while3A_69 : i32
    %while3A_71 = arith.constant 1 : i32
    %while3A_72 = arith.divsi %while3A_69, %while3A_71 : i32
    %while3A_73 = arith.muli %while3A_72, %while3A_71 : i32
    %while3A_74 = arith.addi %while3A_68, %while3A_73 : i32
    %while3A_75 = arith.constant 1 : i32
    scf.for %while3A_124 = %while3A_68 to %while3A_74 step %while3A_75  : i32 {
      %mul3A_125 = arith.constant 8 : i32
      %mul3A_126 = arith.muli %while3A_124, %mul3A_125 : i32
      %add3A_127 = arith.addi %select_n3A, %mul3A_126 : i32
      %add3A_128 = arith.constant 0 : i32
      %add3A_129 = arith.addi %add3A_127, %add3A_128 : i32
      %dma_wait3A_130 = arith.constant 0 : i32
      %dma_wait3A_131 = tpu.memref_slice %arg5[%add3A_129, %dma_wait3A_130] : memref<160x64xi32, #tpu.memory_space<vmem>> -> memref<1x64xi32, #tpu.memory_space<vmem>>
      %dma_wait3A_132 = tpu.memref_squeeze %dma_wait3A_131 : memref<1x64xi32, #tpu.memory_space<vmem>> -> memref<64xi32, #tpu.memory_space<vmem>>
      %dma_wait3A_133 = arith.constant 0 : i32
      %dma_wait3A_134 = arith.constant 0 : i32
      %dma_wait3A_135 = tpu.memref_slice %arg2[%dma_wait3A_133, %dma_wait3A_134] : memref<10000x128xf32, #tpu.memory_space<hbm>> -> memref<10000x128xf32, #tpu.memory_space<hbm>>
      tpu.wait_indirect_dma semaphore(%arg14 : memref<!tpu.dma_semaphore, #tpu.memory_space<semaphore_mem>>) src(%dma_wait3A_135 : memref<10000x128xf32, #tpu.memory_space<hbm>>) dst(%arg6 : memref<64x128xf32, #tpu.memory_space<vmem>>)
      %add3A_136 = arith.addi %mul3A_5, %add3A_129 : i32
      %mul3A_137 = arith.constant 64 : i32
      %mul3A_138 = arith.muli %add3A_136, %mul3A_137 : i32
      %dma_start3A_139 = arith.constant 0 : i32
      %dma_start3A_140 = tpu.memref_slice %arg4[%mul3A_138, %dma_start3A_139] : memref<163840x128xf32, #tpu.memory_space<hbm>> -> memref<64x128xf32, #tpu.memory_space<hbm>>
      %dma_start3A_141 = arith.constant 0 : i32
      %dma_start3A_142 = tpu.memref_slice %arg4[%mul3A_138, %dma_start3A_141] : memref<163840x128xf32, #tpu.memory_space<hbm>> -> memref<64x128xf32, #tpu.memory_space<hbm>>
      tpu.enqueue_dma source(%arg6 : memref<64x128xf32, #tpu.memory_space<vmem>>) target(%dma_start3A_142 : memref<64x128xf32, #tpu.memory_space<hbm>>) target_semaphore(%arg22 : memref<!tpu.dma_semaphore, #tpu.memory_space<semaphore_mem>>)
      %sub3A = arith.constant 1 : i32
      %sub3A_143 = arith.subi %select_n3A_4, %sub3A : i32
      %lt3A = arith.cmpi slt, %while3A_124, %sub3A_143 : i32
      %convert_element_type3A = arith.extui %lt3A : i1 to i32
      %cond3A = arith.constant 0 : i32
      %cond3A_144 = arith.cmpi ne, %convert_element_type3A, %cond3A : i32
      scf.if %cond3A_144 {
        %mul3A_313 = arith.constant 64 : i32
        %mul3A_314 = arith.muli %mul3A_5, %mul3A_313 : i32
        %dma_wait3A_315 = arith.constant 0 : i32
        %dma_wait3A_316 = tpu.memref_slice %arg4[%mul3A_314, %dma_wait3A_315] : memref<163840x128xf32, #tpu.memory_space<hbm>> -> memref<64x128xf32, #tpu.memory_space<hbm>>
        %dma_wait3A_317 = arith.constant 0 : i32
        %dma_wait3A_318 = tpu.memref_slice %arg4[%mul3A_314, %dma_wait3A_317] : memref<163840x128xf32, #tpu.memory_space<hbm>> -> memref<64x128xf32, #tpu.memory_space<hbm>>
        tpu.wait_dma2 semaphore(%arg22 : memref<!tpu.dma_semaphore, #tpu.memory_space<semaphore_mem>>) src(%arg6 : memref<64x128xf32, #tpu.memory_space<vmem>>) dst(%dma_wait3A_318 : memref<64x128xf32, #tpu.memory_space<hbm>>)
        %add3A_319 = arith.constant 8 : i32
        %add3A_320 = arith.addi %add3A_129, %add3A_319 : i32
        %dma_start3A_321 = arith.constant 0 : i32
        %dma_start3A_322 = tpu.memref_slice %arg5[%add3A_320, %dma_start3A_321] : memref<160x64xi32, #tpu.memory_space<vmem>> -> memref<1x64xi32, #tpu.memory_space<vmem>>
        %dma_start3A_323 = tpu.memref_squeeze %dma_start3A_322 : memref<1x64xi32, #tpu.memory_space<vmem>> -> memref<64xi32, #tpu.memory_space<vmem>>
        %dma_start3A_324 = arith.constant 0 : i32
        %dma_start3A_325 = arith.constant 0 : i32
        %dma_start3A_326 = tpu.memref_slice %arg2[%dma_start3A_324, %dma_start3A_325] : memref<10000x128xf32, #tpu.memory_space<hbm>> -> memref<10000x128xf32, #tpu.memory_space<hbm>>
        tpu.enqueue_indirect_dma source(%dma_start3A_326 : memref<10000x128xf32, #tpu.memory_space<hbm>>) target(%arg6 : memref<64x128xf32, #tpu.memory_space<vmem>>) offsets(%dma_start3A_323 : memref<64xi32, #tpu.memory_space<vmem>>) semaphore(%arg14 : memref<!tpu.dma_semaphore, #tpu.memory_space<semaphore_mem>>)
      } else {
      }
      %mul3A_145 = arith.constant 8 : i32
      %mul3A_146 = arith.muli %while3A_124, %mul3A_145 : i32
      %add3A_147 = arith.addi %select_n3A, %mul3A_146 : i32
      %add3A_148 = arith.constant 1 : i32
      %add3A_149 = arith.addi %add3A_147, %add3A_148 : i32
      %dma_wait3A_150 = arith.constant 0 : i32
      %dma_wait3A_151 = tpu.memref_slice %arg5[%add3A_149, %dma_wait3A_150] : memref<160x64xi32, #tpu.memory_space<vmem>> -> memref<1x64xi32, #tpu.memory_space<vmem>>
      %dma_wait3A_152 = tpu.memref_squeeze %dma_wait3A_151 : memref<1x64xi32, #tpu.memory_space<vmem>> -> memref<64xi32, #tpu.memory_space<vmem>>
      %dma_wait3A_153 = arith.constant 0 : i32
      %dma_wait3A_154 = arith.constant 0 : i32
      %dma_wait3A_155 = tpu.memref_slice %arg2[%dma_wait3A_153, %dma_wait3A_154] : memref<10000x128xf32, #tpu.memory_space<hbm>> -> memref<10000x128xf32, #tpu.memory_space<hbm>>
      tpu.wait_indirect_dma semaphore(%arg15 : memref<!tpu.dma_semaphore, #tpu.memory_space<semaphore_mem>>) src(%dma_wait3A_155 : memref<10000x128xf32, #tpu.memory_space<hbm>>) dst(%arg7 : memref<64x128xf32, #tpu.memory_space<vmem>>)
      %add3A_156 = arith.addi %mul3A_5, %add3A_149 : i32
      %mul3A_157 = arith.constant 64 : i32
      %mul3A_158 = arith.muli %add3A_156, %mul3A_157 : i32
      %dma_start3A_159 = arith.constant 0 : i32
      %dma_start3A_160 = tpu.memref_slice %arg4[%mul3A_158, %dma_start3A_159] : memref<163840x128xf32, #tpu.memory_space<hbm>> -> memref<64x128xf32, #tpu.memory_space<hbm>>
      %dma_start3A_161 = arith.constant 0 : i32
      %dma_start3A_162 = tpu.memref_slice %arg4[%mul3A_158, %dma_start3A_161] : memref<163840x128xf32, #tpu.memory_space<hbm>> -> memref<64x128xf32, #tpu.memory_space<hbm>>
      tpu.enqueue_dma source(%arg7 : memref<64x128xf32, #tpu.memory_space<vmem>>) target(%dma_start3A_162 : memref<64x128xf32, #tpu.memory_space<hbm>>) target_semaphore(%arg23 : memref<!tpu.dma_semaphore, #tpu.memory_space<semaphore_mem>>)
      %sub3A_163 = arith.constant 1 : i32
      %sub3A_164 = arith.subi %select_n3A_4, %sub3A_163 : i32
      %lt3A_165 = arith.cmpi slt, %while3A_124, %sub3A_164 : i32
      %convert_element_type3A_166 = arith.extui %lt3A_165 : i1 to i32
      %cond3A_167 = arith.constant 0 : i32
      %cond3A_168 = arith.cmpi ne, %convert_element_type3A_166, %cond3A_167 : i32
      scf.if %cond3A_168 {
        %mul3A_313 = arith.constant 64 : i32
        %mul3A_314 = arith.muli %mul3A_5, %mul3A_313 : i32
        %dma_wait3A_315 = arith.constant 0 : i32
        %dma_wait3A_316 = tpu.memref_slice %arg4[%mul3A_314, %dma_wait3A_315] : memref<163840x128xf32, #tpu.memory_space<hbm>> -> memref<64x128xf32, #tpu.memory_space<hbm>>
        %dma_wait3A_317 = arith.constant 0 : i32
        %dma_wait3A_318 = tpu.memref_slice %arg4[%mul3A_314, %dma_wait3A_317] : memref<163840x128xf32, #tpu.memory_space<hbm>> -> memref<64x128xf32, #tpu.memory_space<hbm>>
        tpu.wait_dma2 semaphore(%arg23 : memref<!tpu.dma_semaphore, #tpu.memory_space<semaphore_mem>>) src(%arg7 : memref<64x128xf32, #tpu.memory_space<vmem>>) dst(%dma_wait3A_318 : memref<64x128xf32, #tpu.memory_space<hbm>>)
        %add3A_319 = arith.constant 8 : i32
        %add3A_320 = arith.addi %add3A_149, %add3A_319 : i32
        %dma_start3A_321 = arith.constant 0 : i32
        %dma_start3A_322 = tpu.memref_slice %arg5[%add3A_320, %dma_start3A_321] : memref<160x64xi32, #tpu.memory_space<vmem>> -> memref<1x64xi32, #tpu.memory_space<vmem>>
        %dma_start3A_323 = tpu.memref_squeeze %dma_start3A_322 : memref<1x64xi32, #tpu.memory_space<vmem>> -> memref<64xi32, #tpu.memory_space<vmem>>
        %dma_start3A_324 = arith.constant 0 : i32
        %dma_start3A_325 = arith.constant 0 : i32
        %dma_start3A_326 = tpu.memref_slice %arg2[%dma_start3A_324, %dma_start3A_325] : memref<10000x128xf32, #tpu.memory_space<hbm>> -> memref<10000x128xf32, #tpu.memory_space<hbm>>
        tpu.enqueue_indirect_dma source(%dma_start3A_326 : memref<10000x128xf32, #tpu.memory_space<hbm>>) target(%arg7 : memref<64x128xf32, #tpu.memory_space<vmem>>) offsets(%dma_start3A_323 : memref<64xi32, #tpu.memory_space<vmem>>) semaphore(%arg15 : memref<!tpu.dma_semaphore, #tpu.memory_space<semaphore_mem>>)
      } else {
      }
      %mul3A_169 = arith.constant 8 : i32
      %mul3A_170 = arith.muli %while3A_124, %mul3A_169 : i32
      %add3A_171 = arith.addi %select_n3A, %mul3A_170 : i32
      %add3A_172 = arith.constant 2 : i32
      %add3A_173 = arith.addi %add3A_171, %add3A_172 : i32
      %dma_wait3A_174 = arith.constant 0 : i32
      %dma_wait3A_175 = tpu.memref_slice %arg5[%add3A_173, %dma_wait3A_174] : memref<160x64xi32, #tpu.memory_space<vmem>> -> memref<1x64xi32, #tpu.memory_space<vmem>>
      %dma_wait3A_176 = tpu.memref_squeeze %dma_wait3A_175 : memref<1x64xi32, #tpu.memory_space<vmem>> -> memref<64xi32, #tpu.memory_space<vmem>>
      %dma_wait3A_177 = arith.constant 0 : i32
      %dma_wait3A_178 = arith.constant 0 : i32
      %dma_wait3A_179 = tpu.memref_slice %arg2[%dma_wait3A_177, %dma_wait3A_178] : memref<10000x128xf32, #tpu.memory_space<hbm>> -> memref<10000x128xf32, #tpu.memory_space<hbm>>
      tpu.wait_indirect_dma semaphore(%arg16 : memref<!tpu.dma_semaphore, #tpu.memory_space<semaphore_mem>>) src(%dma_wait3A_179 : memref<10000x128xf32, #tpu.memory_space<hbm>>) dst(%arg8 : memref<64x128xf32, #tpu.memory_space<vmem>>)
      %add3A_180 = arith.addi %mul3A_5, %add3A_173 : i32
      %mul3A_181 = arith.constant 64 : i32
      %mul3A_182 = arith.muli %add3A_180, %mul3A_181 : i32
      %dma_start3A_183 = arith.constant 0 : i32
      %dma_start3A_184 = tpu.memref_slice %arg4[%mul3A_182, %dma_start3A_183] : memref<163840x128xf32, #tpu.memory_space<hbm>> -> memref<64x128xf32, #tpu.memory_space<hbm>>
      %dma_start3A_185 = arith.constant 0 : i32
      %dma_start3A_186 = tpu.memref_slice %arg4[%mul3A_182, %dma_start3A_185] : memref<163840x128xf32, #tpu.memory_space<hbm>> -> memref<64x128xf32, #tpu.memory_space<hbm>>
      tpu.enqueue_dma source(%arg8 : memref<64x128xf32, #tpu.memory_space<vmem>>) target(%dma_start3A_186 : memref<64x128xf32, #tpu.memory_space<hbm>>) target_semaphore(%arg24 : memref<!tpu.dma_semaphore, #tpu.memory_space<semaphore_mem>>)
      %sub3A_187 = arith.constant 1 : i32
      %sub3A_188 = arith.subi %select_n3A_4, %sub3A_187 : i32
      %lt3A_189 = arith.cmpi slt, %while3A_124, %sub3A_188 : i32
      %convert_element_type3A_190 = arith.extui %lt3A_189 : i1 to i32
      %cond3A_191 = arith.constant 0 : i32
      %cond3A_192 = arith.cmpi ne, %convert_element_type3A_190, %cond3A_191 : i32
      scf.if %cond3A_192 {
        %mul3A_313 = arith.constant 64 : i32
        %mul3A_314 = arith.muli %mul3A_5, %mul3A_313 : i32
        %dma_wait3A_315 = arith.constant 0 : i32
        %dma_wait3A_316 = tpu.memref_slice %arg4[%mul3A_314, %dma_wait3A_315] : memref<163840x128xf32, #tpu.memory_space<hbm>> -> memref<64x128xf32, #tpu.memory_space<hbm>>
        %dma_wait3A_317 = arith.constant 0 : i32
        %dma_wait3A_318 = tpu.memref_slice %arg4[%mul3A_314, %dma_wait3A_317] : memref<163840x128xf32, #tpu.memory_space<hbm>> -> memref<64x128xf32, #tpu.memory_space<hbm>>
        tpu.wait_dma2 semaphore(%arg24 : memref<!tpu.dma_semaphore, #tpu.memory_space<semaphore_mem>>) src(%arg8 : memref<64x128xf32, #tpu.memory_space<vmem>>) dst(%dma_wait3A_318 : memref<64x128xf32, #tpu.memory_space<hbm>>)
        %add3A_319 = arith.constant 8 : i32
        %add3A_320 = arith.addi %add3A_173, %add3A_319 : i32
        %dma_start3A_321 = arith.constant 0 : i32
        %dma_start3A_322 = tpu.memref_slice %arg5[%add3A_320, %dma_start3A_321] : memref<160x64xi32, #tpu.memory_space<vmem>> -> memref<1x64xi32, #tpu.memory_space<vmem>>
        %dma_start3A_323 = tpu.memref_squeeze %dma_start3A_322 : memref<1x64xi32, #tpu.memory_space<vmem>> -> memref<64xi32, #tpu.memory_space<vmem>>
        %dma_start3A_324 = arith.constant 0 : i32
        %dma_start3A_325 = arith.constant 0 : i32
        %dma_start3A_326 = tpu.memref_slice %arg2[%dma_start3A_324, %dma_start3A_325] : memref<10000x128xf32, #tpu.memory_space<hbm>> -> memref<10000x128xf32, #tpu.memory_space<hbm>>
        tpu.enqueue_indirect_dma source(%dma_start3A_326 : memref<10000x128xf32, #tpu.memory_space<hbm>>) target(%arg8 : memref<64x128xf32, #tpu.memory_space<vmem>>) offsets(%dma_start3A_323 : memref<64xi32, #tpu.memory_space<vmem>>) semaphore(%arg16 : memref<!tpu.dma_semaphore, #tpu.memory_space<semaphore_mem>>)
      } else {
      }
      %mul3A_193 = arith.constant 8 : i32
      %mul3A_194 = arith.muli %while3A_124, %mul3A_193 : i32
      %add3A_195 = arith.addi %select_n3A, %mul3A_194 : i32
      %add3A_196 = arith.constant 3 : i32
      %add3A_197 = arith.addi %add3A_195, %add3A_196 : i32
      %dma_wait3A_198 = arith.constant 0 : i32
      %dma_wait3A_199 = tpu.memref_slice %arg5[%add3A_197, %dma_wait3A_198] : memref<160x64xi32, #tpu.memory_space<vmem>> -> memref<1x64xi32, #tpu.memory_space<vmem>>
      %dma_wait3A_200 = tpu.memref_squeeze %dma_wait3A_199 : memref<1x64xi32, #tpu.memory_space<vmem>> -> memref<64xi32, #tpu.memory_space<vmem>>
      %dma_wait3A_201 = arith.constant 0 : i32
      %dma_wait3A_202 = arith.constant 0 : i32
      %dma_wait3A_203 = tpu.memref_slice %arg2[%dma_wait3A_201, %dma_wait3A_202] : memref<10000x128xf32, #tpu.memory_space<hbm>> -> memref<10000x128xf32, #tpu.memory_space<hbm>>
      tpu.wait_indirect_dma semaphore(%arg17 : memref<!tpu.dma_semaphore, #tpu.memory_space<semaphore_mem>>) src(%dma_wait3A_203 : memref<10000x128xf32, #tpu.memory_space<hbm>>) dst(%arg9 : memref<64x128xf32, #tpu.memory_space<vmem>>)
      %add3A_204 = arith.addi %mul3A_5, %add3A_197 : i32
      %mul3A_205 = arith.constant 64 : i32
      %mul3A_206 = arith.muli %add3A_204, %mul3A_205 : i32
      %dma_start3A_207 = arith.constant 0 : i32
      %dma_start3A_208 = tpu.memref_slice %arg4[%mul3A_206, %dma_start3A_207] : memref<163840x128xf32, #tpu.memory_space<hbm>> -> memref<64x128xf32, #tpu.memory_space<hbm>>
      %dma_start3A_209 = arith.constant 0 : i32
      %dma_start3A_210 = tpu.memref_slice %arg4[%mul3A_206, %dma_start3A_209] : memref<163840x128xf32, #tpu.memory_space<hbm>> -> memref<64x128xf32, #tpu.memory_space<hbm>>
      tpu.enqueue_dma source(%arg9 : memref<64x128xf32, #tpu.memory_space<vmem>>) target(%dma_start3A_210 : memref<64x128xf32, #tpu.memory_space<hbm>>) target_semaphore(%arg25 : memref<!tpu.dma_semaphore, #tpu.memory_space<semaphore_mem>>)
      %sub3A_211 = arith.constant 1 : i32
      %sub3A_212 = arith.subi %select_n3A_4, %sub3A_211 : i32
      %lt3A_213 = arith.cmpi slt, %while3A_124, %sub3A_212 : i32
      %convert_element_type3A_214 = arith.extui %lt3A_213 : i1 to i32
      %cond3A_215 = arith.constant 0 : i32
      %cond3A_216 = arith.cmpi ne, %convert_element_type3A_214, %cond3A_215 : i32
      scf.if %cond3A_216 {
        %mul3A_313 = arith.constant 64 : i32
        %mul3A_314 = arith.muli %mul3A_5, %mul3A_313 : i32
        %dma_wait3A_315 = arith.constant 0 : i32
        %dma_wait3A_316 = tpu.memref_slice %arg4[%mul3A_314, %dma_wait3A_315] : memref<163840x128xf32, #tpu.memory_space<hbm>> -> memref<64x128xf32, #tpu.memory_space<hbm>>
        %dma_wait3A_317 = arith.constant 0 : i32
        %dma_wait3A_318 = tpu.memref_slice %arg4[%mul3A_314, %dma_wait3A_317] : memref<163840x128xf32, #tpu.memory_space<hbm>> -> memref<64x128xf32, #tpu.memory_space<hbm>>
        tpu.wait_dma2 semaphore(%arg25 : memref<!tpu.dma_semaphore, #tpu.memory_space<semaphore_mem>>) src(%arg9 : memref<64x128xf32, #tpu.memory_space<vmem>>) dst(%dma_wait3A_318 : memref<64x128xf32, #tpu.memory_space<hbm>>)
        %add3A_319 = arith.constant 8 : i32
        %add3A_320 = arith.addi %add3A_197, %add3A_319 : i32
        %dma_start3A_321 = arith.constant 0 : i32
        %dma_start3A_322 = tpu.memref_slice %arg5[%add3A_320, %dma_start3A_321] : memref<160x64xi32, #tpu.memory_space<vmem>> -> memref<1x64xi32, #tpu.memory_space<vmem>>
        %dma_start3A_323 = tpu.memref_squeeze %dma_start3A_322 : memref<1x64xi32, #tpu.memory_space<vmem>> -> memref<64xi32, #tpu.memory_space<vmem>>
        %dma_start3A_324 = arith.constant 0 : i32
        %dma_start3A_325 = arith.constant 0 : i32
        %dma_start3A_326 = tpu.memref_slice %arg2[%dma_start3A_324, %dma_start3A_325] : memref<10000x128xf32, #tpu.memory_space<hbm>> -> memref<10000x128xf32, #tpu.memory_space<hbm>>
        tpu.enqueue_indirect_dma source(%dma_start3A_326 : memref<10000x128xf32, #tpu.memory_space<hbm>>) target(%arg9 : memref<64x128xf32, #tpu.memory_space<vmem>>) offsets(%dma_start3A_323 : memref<64xi32, #tpu.memory_space<vmem>>) semaphore(%arg17 : memref<!tpu.dma_semaphore, #tpu.memory_space<semaphore_mem>>)
      } else {
      }
      %mul3A_217 = arith.constant 8 : i32
      %mul3A_218 = arith.muli %while3A_124, %mul3A_217 : i32
      %add3A_219 = arith.addi %select_n3A, %mul3A_218 : i32
      %add3A_220 = arith.constant 4 : i32
      %add3A_221 = arith.addi %add3A_219, %add3A_220 : i32
      %dma_wait3A_222 = arith.constant 0 : i32
      %dma_wait3A_223 = tpu.memref_slice %arg5[%add3A_221, %dma_wait3A_222] : memref<160x64xi32, #tpu.memory_space<vmem>> -> memref<1x64xi32, #tpu.memory_space<vmem>>
      %dma_wait3A_224 = tpu.memref_squeeze %dma_wait3A_223 : memref<1x64xi32, #tpu.memory_space<vmem>> -> memref<64xi32, #tpu.memory_space<vmem>>
      %dma_wait3A_225 = arith.constant 0 : i32
      %dma_wait3A_226 = arith.constant 0 : i32
      %dma_wait3A_227 = tpu.memref_slice %arg2[%dma_wait3A_225, %dma_wait3A_226] : memref<10000x128xf32, #tpu.memory_space<hbm>> -> memref<10000x128xf32, #tpu.memory_space<hbm>>
      tpu.wait_indirect_dma semaphore(%arg18 : memref<!tpu.dma_semaphore, #tpu.memory_space<semaphore_mem>>) src(%dma_wait3A_227 : memref<10000x128xf32, #tpu.memory_space<hbm>>) dst(%arg10 : memref<64x128xf32, #tpu.memory_space<vmem>>)
      %add3A_228 = arith.addi %mul3A_5, %add3A_221 : i32
      %mul3A_229 = arith.constant 64 : i32
      %mul3A_230 = arith.muli %add3A_228, %mul3A_229 : i32
      %dma_start3A_231 = arith.constant 0 : i32
      %dma_start3A_232 = tpu.memref_slice %arg4[%mul3A_230, %dma_start3A_231] : memref<163840x128xf32, #tpu.memory_space<hbm>> -> memref<64x128xf32, #tpu.memory_space<hbm>>
      %dma_start3A_233 = arith.constant 0 : i32
      %dma_start3A_234 = tpu.memref_slice %arg4[%mul3A_230, %dma_start3A_233] : memref<163840x128xf32, #tpu.memory_space<hbm>> -> memref<64x128xf32, #tpu.memory_space<hbm>>
      tpu.enqueue_dma source(%arg10 : memref<64x128xf32, #tpu.memory_space<vmem>>) target(%dma_start3A_234 : memref<64x128xf32, #tpu.memory_space<hbm>>) target_semaphore(%arg26 : memref<!tpu.dma_semaphore, #tpu.memory_space<semaphore_mem>>)
      %sub3A_235 = arith.constant 1 : i32
      %sub3A_236 = arith.subi %select_n3A_4, %sub3A_235 : i32
      %lt3A_237 = arith.cmpi slt, %while3A_124, %sub3A_236 : i32
      %convert_element_type3A_238 = arith.extui %lt3A_237 : i1 to i32
      %cond3A_239 = arith.constant 0 : i32
      %cond3A_240 = arith.cmpi ne, %convert_element_type3A_238, %cond3A_239 : i32
      scf.if %cond3A_240 {
        %mul3A_313 = arith.constant 64 : i32
        %mul3A_314 = arith.muli %mul3A_5, %mul3A_313 : i32
        %dma_wait3A_315 = arith.constant 0 : i32
        %dma_wait3A_316 = tpu.memref_slice %arg4[%mul3A_314, %dma_wait3A_315] : memref<163840x128xf32, #tpu.memory_space<hbm>> -> memref<64x128xf32, #tpu.memory_space<hbm>>
        %dma_wait3A_317 = arith.constant 0 : i32
        %dma_wait3A_318 = tpu.memref_slice %arg4[%mul3A_314, %dma_wait3A_317] : memref<163840x128xf32, #tpu.memory_space<hbm>> -> memref<64x128xf32, #tpu.memory_space<hbm>>
        tpu.wait_dma2 semaphore(%arg26 : memref<!tpu.dma_semaphore, #tpu.memory_space<semaphore_mem>>) src(%arg10 : memref<64x128xf32, #tpu.memory_space<vmem>>) dst(%dma_wait3A_318 : memref<64x128xf32, #tpu.memory_space<hbm>>)
        %add3A_319 = arith.constant 8 : i32
        %add3A_320 = arith.addi %add3A_221, %add3A_319 : i32
        %dma_start3A_321 = arith.constant 0 : i32
        %dma_start3A_322 = tpu.memref_slice %arg5[%add3A_320, %dma_start3A_321] : memref<160x64xi32, #tpu.memory_space<vmem>> -> memref<1x64xi32, #tpu.memory_space<vmem>>
        %dma_start3A_323 = tpu.memref_squeeze %dma_start3A_322 : memref<1x64xi32, #tpu.memory_space<vmem>> -> memref<64xi32, #tpu.memory_space<vmem>>
        %dma_start3A_324 = arith.constant 0 : i32
        %dma_start3A_325 = arith.constant 0 : i32
        %dma_start3A_326 = tpu.memref_slice %arg2[%dma_start3A_324, %dma_start3A_325] : memref<10000x128xf32, #tpu.memory_space<hbm>> -> memref<10000x128xf32, #tpu.memory_space<hbm>>
        tpu.enqueue_indirect_dma source(%dma_start3A_326 : memref<10000x128xf32, #tpu.memory_space<hbm>>) target(%arg10 : memref<64x128xf32, #tpu.memory_space<vmem>>) offsets(%dma_start3A_323 : memref<64xi32, #tpu.memory_space<vmem>>) semaphore(%arg18 : memref<!tpu.dma_semaphore, #tpu.memory_space<semaphore_mem>>)
      } else {
      }
      %mul3A_241 = arith.constant 8 : i32
      %mul3A_242 = arith.muli %while3A_124, %mul3A_241 : i32
      %add3A_243 = arith.addi %select_n3A, %mul3A_242 : i32
      %add3A_244 = arith.constant 5 : i32
      %add3A_245 = arith.addi %add3A_243, %add3A_244 : i32
      %dma_wait3A_246 = arith.constant 0 : i32
      %dma_wait3A_247 = tpu.memref_slice %arg5[%add3A_245, %dma_wait3A_246] : memref<160x64xi32, #tpu.memory_space<vmem>> -> memref<1x64xi32, #tpu.memory_space<vmem>>
      %dma_wait3A_248 = tpu.memref_squeeze %dma_wait3A_247 : memref<1x64xi32, #tpu.memory_space<vmem>> -> memref<64xi32, #tpu.memory_space<vmem>>
      %dma_wait3A_249 = arith.constant 0 : i32
      %dma_wait3A_250 = arith.constant 0 : i32
      %dma_wait3A_251 = tpu.memref_slice %arg2[%dma_wait3A_249, %dma_wait3A_250] : memref<10000x128xf32, #tpu.memory_space<hbm>> -> memref<10000x128xf32, #tpu.memory_space<hbm>>
      tpu.wait_indirect_dma semaphore(%arg19 : memref<!tpu.dma_semaphore, #tpu.memory_space<semaphore_mem>>) src(%dma_wait3A_251 : memref<10000x128xf32, #tpu.memory_space<hbm>>) dst(%arg11 : memref<64x128xf32, #tpu.memory_space<vmem>>)
      %add3A_252 = arith.addi %mul3A_5, %add3A_245 : i32
      %mul3A_253 = arith.constant 64 : i32
      %mul3A_254 = arith.muli %add3A_252, %mul3A_253 : i32
      %dma_start3A_255 = arith.constant 0 : i32
      %dma_start3A_256 = tpu.memref_slice %arg4[%mul3A_254, %dma_start3A_255] : memref<163840x128xf32, #tpu.memory_space<hbm>> -> memref<64x128xf32, #tpu.memory_space<hbm>>
      %dma_start3A_257 = arith.constant 0 : i32
      %dma_start3A_258 = tpu.memref_slice %arg4[%mul3A_254, %dma_start3A_257] : memref<163840x128xf32, #tpu.memory_space<hbm>> -> memref<64x128xf32, #tpu.memory_space<hbm>>
      tpu.enqueue_dma source(%arg11 : memref<64x128xf32, #tpu.memory_space<vmem>>) target(%dma_start3A_258 : memref<64x128xf32, #tpu.memory_space<hbm>>) target_semaphore(%arg27 : memref<!tpu.dma_semaphore, #tpu.memory_space<semaphore_mem>>)
      %sub3A_259 = arith.constant 1 : i32
      %sub3A_260 = arith.subi %select_n3A_4, %sub3A_259 : i32
      %lt3A_261 = arith.cmpi slt, %while3A_124, %sub3A_260 : i32
      %convert_element_type3A_262 = arith.extui %lt3A_261 : i1 to i32
      %cond3A_263 = arith.constant 0 : i32
      %cond3A_264 = arith.cmpi ne, %convert_element_type3A_262, %cond3A_263 : i32
      scf.if %cond3A_264 {
        %mul3A_313 = arith.constant 64 : i32
        %mul3A_314 = arith.muli %mul3A_5, %mul3A_313 : i32
        %dma_wait3A_315 = arith.constant 0 : i32
        %dma_wait3A_316 = tpu.memref_slice %arg4[%mul3A_314, %dma_wait3A_315] : memref<163840x128xf32, #tpu.memory_space<hbm>> -> memref<64x128xf32, #tpu.memory_space<hbm>>
        %dma_wait3A_317 = arith.constant 0 : i32
        %dma_wait3A_318 = tpu.memref_slice %arg4[%mul3A_314, %dma_wait3A_317] : memref<163840x128xf32, #tpu.memory_space<hbm>> -> memref<64x128xf32, #tpu.memory_space<hbm>>
        tpu.wait_dma2 semaphore(%arg27 : memref<!tpu.dma_semaphore, #tpu.memory_space<semaphore_mem>>) src(%arg11 : memref<64x128xf32, #tpu.memory_space<vmem>>) dst(%dma_wait3A_318 : memref<64x128xf32, #tpu.memory_space<hbm>>)
        %add3A_319 = arith.constant 8 : i32
        %add3A_320 = arith.addi %add3A_245, %add3A_319 : i32
        %dma_start3A_321 = arith.constant 0 : i32
        %dma_start3A_322 = tpu.memref_slice %arg5[%add3A_320, %dma_start3A_321] : memref<160x64xi32, #tpu.memory_space<vmem>> -> memref<1x64xi32, #tpu.memory_space<vmem>>
        %dma_start3A_323 = tpu.memref_squeeze %dma_start3A_322 : memref<1x64xi32, #tpu.memory_space<vmem>> -> memref<64xi32, #tpu.memory_space<vmem>>
        %dma_start3A_324 = arith.constant 0 : i32
        %dma_start3A_325 = arith.constant 0 : i32
        %dma_start3A_326 = tpu.memref_slice %arg2[%dma_start3A_324, %dma_start3A_325] : memref<10000x128xf32, #tpu.memory_space<hbm>> -> memref<10000x128xf32, #tpu.memory_space<hbm>>
        tpu.enqueue_indirect_dma source(%dma_start3A_326 : memref<10000x128xf32, #tpu.memory_space<hbm>>) target(%arg11 : memref<64x128xf32, #tpu.memory_space<vmem>>) offsets(%dma_start3A_323 : memref<64xi32, #tpu.memory_space<vmem>>) semaphore(%arg19 : memref<!tpu.dma_semaphore, #tpu.memory_space<semaphore_mem>>)
      } else {
      }
      %mul3A_265 = arith.constant 8 : i32
      %mul3A_266 = arith.muli %while3A_124, %mul3A_265 : i32
      %add3A_267 = arith.addi %select_n3A, %mul3A_266 : i32
      %add3A_268 = arith.constant 6 : i32
      %add3A_269 = arith.addi %add3A_267, %add3A_268 : i32
      %dma_wait3A_270 = arith.constant 0 : i32
      %dma_wait3A_271 = tpu.memref_slice %arg5[%add3A_269, %dma_wait3A_270] : memref<160x64xi32, #tpu.memory_space<vmem>> -> memref<1x64xi32, #tpu.memory_space<vmem>>
      %dma_wait3A_272 = tpu.memref_squeeze %dma_wait3A_271 : memref<1x64xi32, #tpu.memory_space<vmem>> -> memref<64xi32, #tpu.memory_space<vmem>>
      %dma_wait3A_273 = arith.constant 0 : i32
      %dma_wait3A_274 = arith.constant 0 : i32
      %dma_wait3A_275 = tpu.memref_slice %arg2[%dma_wait3A_273, %dma_wait3A_274] : memref<10000x128xf32, #tpu.memory_space<hbm>> -> memref<10000x128xf32, #tpu.memory_space<hbm>>
      tpu.wait_indirect_dma semaphore(%arg20 : memref<!tpu.dma_semaphore, #tpu.memory_space<semaphore_mem>>) src(%dma_wait3A_275 : memref<10000x128xf32, #tpu.memory_space<hbm>>) dst(%arg12 : memref<64x128xf32, #tpu.memory_space<vmem>>)
      %add3A_276 = arith.addi %mul3A_5, %add3A_269 : i32
      %mul3A_277 = arith.constant 64 : i32
      %mul3A_278 = arith.muli %add3A_276, %mul3A_277 : i32
      %dma_start3A_279 = arith.constant 0 : i32
      %dma_start3A_280 = tpu.memref_slice %arg4[%mul3A_278, %dma_start3A_279] : memref<163840x128xf32, #tpu.memory_space<hbm>> -> memref<64x128xf32, #tpu.memory_space<hbm>>
      %dma_start3A_281 = arith.constant 0 : i32
      %dma_start3A_282 = tpu.memref_slice %arg4[%mul3A_278, %dma_start3A_281] : memref<163840x128xf32, #tpu.memory_space<hbm>> -> memref<64x128xf32, #tpu.memory_space<hbm>>
      tpu.enqueue_dma source(%arg12 : memref<64x128xf32, #tpu.memory_space<vmem>>) target(%dma_start3A_282 : memref<64x128xf32, #tpu.memory_space<hbm>>) target_semaphore(%arg28 : memref<!tpu.dma_semaphore, #tpu.memory_space<semaphore_mem>>)
      %sub3A_283 = arith.constant 1 : i32
      %sub3A_284 = arith.subi %select_n3A_4, %sub3A_283 : i32
      %lt3A_285 = arith.cmpi slt, %while3A_124, %sub3A_284 : i32
      %convert_element_type3A_286 = arith.extui %lt3A_285 : i1 to i32
      %cond3A_287 = arith.constant 0 : i32
      %cond3A_288 = arith.cmpi ne, %convert_element_type3A_286, %cond3A_287 : i32
      scf.if %cond3A_288 {
        %mul3A_313 = arith.constant 64 : i32
        %mul3A_314 = arith.muli %mul3A_5, %mul3A_313 : i32
        %dma_wait3A_315 = arith.constant 0 : i32
        %dma_wait3A_316 = tpu.memref_slice %arg4[%mul3A_314, %dma_wait3A_315] : memref<163840x128xf32, #tpu.memory_space<hbm>> -> memref<64x128xf32, #tpu.memory_space<hbm>>
        %dma_wait3A_317 = arith.constant 0 : i32
        %dma_wait3A_318 = tpu.memref_slice %arg4[%mul3A_314, %dma_wait3A_317] : memref<163840x128xf32, #tpu.memory_space<hbm>> -> memref<64x128xf32, #tpu.memory_space<hbm>>
        tpu.wait_dma2 semaphore(%arg28 : memref<!tpu.dma_semaphore, #tpu.memory_space<semaphore_mem>>) src(%arg12 : memref<64x128xf32, #tpu.memory_space<vmem>>) dst(%dma_wait3A_318 : memref<64x128xf32, #tpu.memory_space<hbm>>)
        %add3A_319 = arith.constant 8 : i32
        %add3A_320 = arith.addi %add3A_269, %add3A_319 : i32
        %dma_start3A_321 = arith.constant 0 : i32
        %dma_start3A_322 = tpu.memref_slice %arg5[%add3A_320, %dma_start3A_321] : memref<160x64xi32, #tpu.memory_space<vmem>> -> memref<1x64xi32, #tpu.memory_space<vmem>>
        %dma_start3A_323 = tpu.memref_squeeze %dma_start3A_322 : memref<1x64xi32, #tpu.memory_space<vmem>> -> memref<64xi32, #tpu.memory_space<vmem>>
        %dma_start3A_324 = arith.constant 0 : i32
        %dma_start3A_325 = arith.constant 0 : i32
        %dma_start3A_326 = tpu.memref_slice %arg2[%dma_start3A_324, %dma_start3A_325] : memref<10000x128xf32, #tpu.memory_space<hbm>> -> memref<10000x128xf32, #tpu.memory_space<hbm>>
        tpu.enqueue_indirect_dma source(%dma_start3A_326 : memref<10000x128xf32, #tpu.memory_space<hbm>>) target(%arg12 : memref<64x128xf32, #tpu.memory_space<vmem>>) offsets(%dma_start3A_323 : memref<64xi32, #tpu.memory_space<vmem>>) semaphore(%arg20 : memref<!tpu.dma_semaphore, #tpu.memory_space<semaphore_mem>>)
      } else {
      }
      %mul3A_289 = arith.constant 8 : i32
      %mul3A_290 = arith.muli %while3A_124, %mul3A_289 : i32
      %add3A_291 = arith.addi %select_n3A, %mul3A_290 : i32
      %add3A_292 = arith.constant 7 : i32
      %add3A_293 = arith.addi %add3A_291, %add3A_292 : i32
      %dma_wait3A_294 = arith.constant 0 : i32
      %dma_wait3A_295 = tpu.memref_slice %arg5[%add3A_293, %dma_wait3A_294] : memref<160x64xi32, #tpu.memory_space<vmem>> -> memref<1x64xi32, #tpu.memory_space<vmem>>
      %dma_wait3A_296 = tpu.memref_squeeze %dma_wait3A_295 : memref<1x64xi32, #tpu.memory_space<vmem>> -> memref<64xi32, #tpu.memory_space<vmem>>
      %dma_wait3A_297 = arith.constant 0 : i32
      %dma_wait3A_298 = arith.constant 0 : i32
      %dma_wait3A_299 = tpu.memref_slice %arg2[%dma_wait3A_297, %dma_wait3A_298] : memref<10000x128xf32, #tpu.memory_space<hbm>> -> memref<10000x128xf32, #tpu.memory_space<hbm>>
      tpu.wait_indirect_dma semaphore(%arg21 : memref<!tpu.dma_semaphore, #tpu.memory_space<semaphore_mem>>) src(%dma_wait3A_299 : memref<10000x128xf32, #tpu.memory_space<hbm>>) dst(%arg13 : memref<64x128xf32, #tpu.memory_space<vmem>>)
      %add3A_300 = arith.addi %mul3A_5, %add3A_293 : i32
      %mul3A_301 = arith.constant 64 : i32
      %mul3A_302 = arith.muli %add3A_300, %mul3A_301 : i32
      %dma_start3A_303 = arith.constant 0 : i32
      %dma_start3A_304 = tpu.memref_slice %arg4[%mul3A_302, %dma_start3A_303] : memref<163840x128xf32, #tpu.memory_space<hbm>> -> memref<64x128xf32, #tpu.memory_space<hbm>>
      %dma_start3A_305 = arith.constant 0 : i32
      %dma_start3A_306 = tpu.memref_slice %arg4[%mul3A_302, %dma_start3A_305] : memref<163840x128xf32, #tpu.memory_space<hbm>> -> memref<64x128xf32, #tpu.memory_space<hbm>>
      tpu.enqueue_dma source(%arg13 : memref<64x128xf32, #tpu.memory_space<vmem>>) target(%dma_start3A_306 : memref<64x128xf32, #tpu.memory_space<hbm>>) target_semaphore(%arg29 : memref<!tpu.dma_semaphore, #tpu.memory_space<semaphore_mem>>)
      %sub3A_307 = arith.constant 1 : i32
      %sub3A_308 = arith.subi %select_n3A_4, %sub3A_307 : i32
      %lt3A_309 = arith.cmpi slt, %while3A_124, %sub3A_308 : i32
      %convert_element_type3A_310 = arith.extui %lt3A_309 : i1 to i32
      %cond3A_311 = arith.constant 0 : i32
      %cond3A_312 = arith.cmpi ne, %convert_element_type3A_310, %cond3A_311 : i32
      scf.if %cond3A_312 {
        %mul3A_313 = arith.constant 64 : i32
        %mul3A_314 = arith.muli %mul3A_5, %mul3A_313 : i32
        %dma_wait3A_315 = arith.constant 0 : i32
        %dma_wait3A_316 = tpu.memref_slice %arg4[%mul3A_314, %dma_wait3A_315] : memref<163840x128xf32, #tpu.memory_space<hbm>> -> memref<64x128xf32, #tpu.memory_space<hbm>>
        %dma_wait3A_317 = arith.constant 0 : i32
        %dma_wait3A_318 = tpu.memref_slice %arg4[%mul3A_314, %dma_wait3A_317] : memref<163840x128xf32, #tpu.memory_space<hbm>> -> memref<64x128xf32, #tpu.memory_space<hbm>>
        tpu.wait_dma2 semaphore(%arg29 : memref<!tpu.dma_semaphore, #tpu.memory_space<semaphore_mem>>) src(%arg13 : memref<64x128xf32, #tpu.memory_space<vmem>>) dst(%dma_wait3A_318 : memref<64x128xf32, #tpu.memory_space<hbm>>)
        %add3A_319 = arith.constant 8 : i32
        %add3A_320 = arith.addi %add3A_293, %add3A_319 : i32
        %dma_start3A_321 = arith.constant 0 : i32
        %dma_start3A_322 = tpu.memref_slice %arg5[%add3A_320, %dma_start3A_321] : memref<160x64xi32, #tpu.memory_space<vmem>> -> memref<1x64xi32, #tpu.memory_space<vmem>>
        %dma_start3A_323 = tpu.memref_squeeze %dma_start3A_322 : memref<1x64xi32, #tpu.memory_space<vmem>> -> memref<64xi32, #tpu.memory_space<vmem>>
        %dma_start3A_324 = arith.constant 0 : i32
        %dma_start3A_325 = arith.constant 0 : i32
        %dma_start3A_326 = tpu.memref_slice %arg2[%dma_start3A_324, %dma_start3A_325] : memref<10000x128xf32, #tpu.memory_space<hbm>> -> memref<10000x128xf32, #tpu.memory_space<hbm>>
        tpu.enqueue_indirect_dma source(%dma_start3A_326 : memref<10000x128xf32, #tpu.memory_space<hbm>>) target(%arg13 : memref<64x128xf32, #tpu.memory_space<vmem>>) offsets(%dma_start3A_323 : memref<64xi32, #tpu.memory_space<vmem>>) semaphore(%arg21 : memref<!tpu.dma_semaphore, #tpu.memory_space<semaphore_mem>>)
      } else {
      }
    }
    %while3A_76 = arith.constant 1 : i32
    scf.for %while3A_124 = %while3A_74 to %while3A_70 step %while3A_76  : i32 {
      %mul3A_125 = arith.constant 8 : i32
      %mul3A_126 = arith.muli %while3A_124, %mul3A_125 : i32
      %add3A_127 = arith.addi %select_n3A, %mul3A_126 : i32
      %add3A_128 = arith.constant 0 : i32
      %add3A_129 = arith.addi %add3A_127, %add3A_128 : i32
      %dma_wait3A_130 = arith.constant 0 : i32
      %dma_wait3A_131 = tpu.memref_slice %arg5[%add3A_129, %dma_wait3A_130] : memref<160x64xi32, #tpu.memory_space<vmem>> -> memref<1x64xi32, #tpu.memory_space<vmem>>
      %dma_wait3A_132 = tpu.memref_squeeze %dma_wait3A_131 : memref<1x64xi32, #tpu.memory_space<vmem>> -> memref<64xi32, #tpu.memory_space<vmem>>
      %dma_wait3A_133 = arith.constant 0 : i32
      %dma_wait3A_134 = arith.constant 0 : i32
      %dma_wait3A_135 = tpu.memref_slice %arg2[%dma_wait3A_133, %dma_wait3A_134] : memref<10000x128xf32, #tpu.memory_space<hbm>> -> memref<10000x128xf32, #tpu.memory_space<hbm>>
      tpu.wait_indirect_dma semaphore(%arg14 : memref<!tpu.dma_semaphore, #tpu.memory_space<semaphore_mem>>) src(%dma_wait3A_135 : memref<10000x128xf32, #tpu.memory_space<hbm>>) dst(%arg6 : memref<64x128xf32, #tpu.memory_space<vmem>>)
      %add3A_136 = arith.addi %mul3A_5, %add3A_129 : i32
      %mul3A_137 = arith.constant 64 : i32
      %mul3A_138 = arith.muli %add3A_136, %mul3A_137 : i32
      %dma_start3A_139 = arith.constant 0 : i32
      %dma_start3A_140 = tpu.memref_slice %arg4[%mul3A_138, %dma_start3A_139] : memref<163840x128xf32, #tpu.memory_space<hbm>> -> memref<64x128xf32, #tpu.memory_space<hbm>>
      %dma_start3A_141 = arith.constant 0 : i32
      %dma_start3A_142 = tpu.memref_slice %arg4[%mul3A_138, %dma_start3A_141] : memref<163840x128xf32, #tpu.memory_space<hbm>> -> memref<64x128xf32, #tpu.memory_space<hbm>>
      tpu.enqueue_dma source(%arg6 : memref<64x128xf32, #tpu.memory_space<vmem>>) target(%dma_start3A_142 : memref<64x128xf32, #tpu.memory_space<hbm>>) target_semaphore(%arg22 : memref<!tpu.dma_semaphore, #tpu.memory_space<semaphore_mem>>)
      %sub3A = arith.constant 1 : i32
      %sub3A_143 = arith.subi %select_n3A_4, %sub3A : i32
      %lt3A = arith.cmpi slt, %while3A_124, %sub3A_143 : i32
      %convert_element_type3A = arith.extui %lt3A : i1 to i32
      %cond3A = arith.constant 0 : i32
      %cond3A_144 = arith.cmpi ne, %convert_element_type3A, %cond3A : i32
      scf.if %cond3A_144 {
        %mul3A_313 = arith.constant 64 : i32
        %mul3A_314 = arith.muli %mul3A_5, %mul3A_313 : i32
        %dma_wait3A_315 = arith.constant 0 : i32
        %dma_wait3A_316 = tpu.memref_slice %arg4[%mul3A_314, %dma_wait3A_315] : memref<163840x128xf32, #tpu.memory_space<hbm>> -> memref<64x128xf32, #tpu.memory_space<hbm>>
        %dma_wait3A_317 = arith.constant 0 : i32
        %dma_wait3A_318 = tpu.memref_slice %arg4[%mul3A_314, %dma_wait3A_317] : memref<163840x128xf32, #tpu.memory_space<hbm>> -> memref<64x128xf32, #tpu.memory_space<hbm>>
        tpu.wait_dma2 semaphore(%arg22 : memref<!tpu.dma_semaphore, #tpu.memory_space<semaphore_mem>>) src(%arg6 : memref<64x128xf32, #tpu.memory_space<vmem>>) dst(%dma_wait3A_318 : memref<64x128xf32, #tpu.memory_space<hbm>>)
        %add3A_319 = arith.constant 8 : i32
        %add3A_320 = arith.addi %add3A_129, %add3A_319 : i32
        %dma_start3A_321 = arith.constant 0 : i32
        %dma_start3A_322 = tpu.memref_slice %arg5[%add3A_320, %dma_start3A_321] : memref<160x64xi32, #tpu.memory_space<vmem>> -> memref<1x64xi32, #tpu.memory_space<vmem>>
        %dma_start3A_323 = tpu.memref_squeeze %dma_start3A_322 : memref<1x64xi32, #tpu.memory_space<vmem>> -> memref<64xi32, #tpu.memory_space<vmem>>
        %dma_start3A_324 = arith.constant 0 : i32
        %dma_start3A_325 = arith.constant 0 : i32
        %dma_start3A_326 = tpu.memref_slice %arg2[%dma_start3A_324, %dma_start3A_325] : memref<10000x128xf32, #tpu.memory_space<hbm>> -> memref<10000x128xf32, #tpu.memory_space<hbm>>
        tpu.enqueue_indirect_dma source(%dma_start3A_326 : memref<10000x128xf32, #tpu.memory_space<hbm>>) target(%arg6 : memref<64x128xf32, #tpu.memory_space<vmem>>) offsets(%dma_start3A_323 : memref<64xi32, #tpu.memory_space<vmem>>) semaphore(%arg14 : memref<!tpu.dma_semaphore, #tpu.memory_space<semaphore_mem>>)
      } else {
      }
      %mul3A_145 = arith.constant 8 : i32
      %mul3A_146 = arith.muli %while3A_124, %mul3A_145 : i32
      %add3A_147 = arith.addi %select_n3A, %mul3A_146 : i32
      %add3A_148 = arith.constant 1 : i32
      %add3A_149 = arith.addi %add3A_147, %add3A_148 : i32
      %dma_wait3A_150 = arith.constant 0 : i32
      %dma_wait3A_151 = tpu.memref_slice %arg5[%add3A_149, %dma_wait3A_150] : memref<160x64xi32, #tpu.memory_space<vmem>> -> memref<1x64xi32, #tpu.memory_space<vmem>>
      %dma_wait3A_152 = tpu.memref_squeeze %dma_wait3A_151 : memref<1x64xi32, #tpu.memory_space<vmem>> -> memref<64xi32, #tpu.memory_space<vmem>>
      %dma_wait3A_153 = arith.constant 0 : i32
      %dma_wait3A_154 = arith.constant 0 : i32
      %dma_wait3A_155 = tpu.memref_slice %arg2[%dma_wait3A_153, %dma_wait3A_154] : memref<10000x128xf32, #tpu.memory_space<hbm>> -> memref<10000x128xf32, #tpu.memory_space<hbm>>
      tpu.wait_indirect_dma semaphore(%arg15 : memref<!tpu.dma_semaphore, #tpu.memory_space<semaphore_mem>>) src(%dma_wait3A_155 : memref<10000x128xf32, #tpu.memory_space<hbm>>) dst(%arg7 : memref<64x128xf32, #tpu.memory_space<vmem>>)
      %add3A_156 = arith.addi %mul3A_5, %add3A_149 : i32
      %mul3A_157 = arith.constant 64 : i32
      %mul3A_158 = arith.muli %add3A_156, %mul3A_157 : i32
      %dma_start3A_159 = arith.constant 0 : i32
      %dma_start3A_160 = tpu.memref_slice %arg4[%mul3A_158, %dma_start3A_159] : memref<163840x128xf32, #tpu.memory_space<hbm>> -> memref<64x128xf32, #tpu.memory_space<hbm>>
      %dma_start3A_161 = arith.constant 0 : i32
      %dma_start3A_162 = tpu.memref_slice %arg4[%mul3A_158, %dma_start3A_161] : memref<163840x128xf32, #tpu.memory_space<hbm>> -> memref<64x128xf32, #tpu.memory_space<hbm>>
      tpu.enqueue_dma source(%arg7 : memref<64x128xf32, #tpu.memory_space<vmem>>) target(%dma_start3A_162 : memref<64x128xf32, #tpu.memory_space<hbm>>) target_semaphore(%arg23 : memref<!tpu.dma_semaphore, #tpu.memory_space<semaphore_mem>>)
      %sub3A_163 = arith.constant 1 : i32
      %sub3A_164 = arith.subi %select_n3A_4, %sub3A_163 : i32
      %lt3A_165 = arith.cmpi slt, %while3A_124, %sub3A_164 : i32
      %convert_element_type3A_166 = arith.extui %lt3A_165 : i1 to i32
      %cond3A_167 = arith.constant 0 : i32
      %cond3A_168 = arith.cmpi ne, %convert_element_type3A_166, %cond3A_167 : i32
      scf.if %cond3A_168 {
        %mul3A_313 = arith.constant 64 : i32
        %mul3A_314 = arith.muli %mul3A_5, %mul3A_313 : i32
        %dma_wait3A_315 = arith.constant 0 : i32
        %dma_wait3A_316 = tpu.memref_slice %arg4[%mul3A_314, %dma_wait3A_315] : memref<163840x128xf32, #tpu.memory_space<hbm>> -> memref<64x128xf32, #tpu.memory_space<hbm>>
        %dma_wait3A_317 = arith.constant 0 : i32
        %dma_wait3A_318 = tpu.memref_slice %arg4[%mul3A_314, %dma_wait3A_317] : memref<163840x128xf32, #tpu.memory_space<hbm>> -> memref<64x128xf32, #tpu.memory_space<hbm>>
        tpu.wait_dma2 semaphore(%arg23 : memref<!tpu.dma_semaphore, #tpu.memory_space<semaphore_mem>>) src(%arg7 : memref<64x128xf32, #tpu.memory_space<vmem>>) dst(%dma_wait3A_318 : memref<64x128xf32, #tpu.memory_space<hbm>>)
        %add3A_319 = arith.constant 8 : i32
        %add3A_320 = arith.addi %add3A_149, %add3A_319 : i32
        %dma_start3A_321 = arith.constant 0 : i32
        %dma_start3A_322 = tpu.memref_slice %arg5[%add3A_320, %dma_start3A_321] : memref<160x64xi32, #tpu.memory_space<vmem>> -> memref<1x64xi32, #tpu.memory_space<vmem>>
        %dma_start3A_323 = tpu.memref_squeeze %dma_start3A_322 : memref<1x64xi32, #tpu.memory_space<vmem>> -> memref<64xi32, #tpu.memory_space<vmem>>
        %dma_start3A_324 = arith.constant 0 : i32
        %dma_start3A_325 = arith.constant 0 : i32
        %dma_start3A_326 = tpu.memref_slice %arg2[%dma_start3A_324, %dma_start3A_325] : memref<10000x128xf32, #tpu.memory_space<hbm>> -> memref<10000x128xf32, #tpu.memory_space<hbm>>
        tpu.enqueue_indirect_dma source(%dma_start3A_326 : memref<10000x128xf32, #tpu.memory_space<hbm>>) target(%arg7 : memref<64x128xf32, #tpu.memory_space<vmem>>) offsets(%dma_start3A_323 : memref<64xi32, #tpu.memory_space<vmem>>) semaphore(%arg15 : memref<!tpu.dma_semaphore, #tpu.memory_space<semaphore_mem>>)
      } else {
      }
      %mul3A_169 = arith.constant 8 : i32
      %mul3A_170 = arith.muli %while3A_124, %mul3A_169 : i32
      %add3A_171 = arith.addi %select_n3A, %mul3A_170 : i32
      %add3A_172 = arith.constant 2 : i32
      %add3A_173 = arith.addi %add3A_171, %add3A_172 : i32
      %dma_wait3A_174 = arith.constant 0 : i32
      %dma_wait3A_175 = tpu.memref_slice %arg5[%add3A_173, %dma_wait3A_174] : memref<160x64xi32, #tpu.memory_space<vmem>> -> memref<1x64xi32, #tpu.memory_space<vmem>>
      %dma_wait3A_176 = tpu.memref_squeeze %dma_wait3A_175 : memref<1x64xi32, #tpu.memory_space<vmem>> -> memref<64xi32, #tpu.memory_space<vmem>>
      %dma_wait3A_177 = arith.constant 0 : i32
      %dma_wait3A_178 = arith.constant 0 : i32
      %dma_wait3A_179 = tpu.memref_slice %arg2[%dma_wait3A_177, %dma_wait3A_178] : memref<10000x128xf32, #tpu.memory_space<hbm>> -> memref<10000x128xf32, #tpu.memory_space<hbm>>
      tpu.wait_indirect_dma semaphore(%arg16 : memref<!tpu.dma_semaphore, #tpu.memory_space<semaphore_mem>>) src(%dma_wait3A_179 : memref<10000x128xf32, #tpu.memory_space<hbm>>) dst(%arg8 : memref<64x128xf32, #tpu.memory_space<vmem>>)
      %add3A_180 = arith.addi %mul3A_5, %add3A_173 : i32
      %mul3A_181 = arith.constant 64 : i32
      %mul3A_182 = arith.muli %add3A_180, %mul3A_181 : i32
      %dma_start3A_183 = arith.constant 0 : i32
      %dma_start3A_184 = tpu.memref_slice %arg4[%mul3A_182, %dma_start3A_183] : memref<163840x128xf32, #tpu.memory_space<hbm>> -> memref<64x128xf32, #tpu.memory_space<hbm>>
      %dma_start3A_185 = arith.constant 0 : i32
      %dma_start3A_186 = tpu.memref_slice %arg4[%mul3A_182, %dma_start3A_185] : memref<163840x128xf32, #tpu.memory_space<hbm>> -> memref<64x128xf32, #tpu.memory_space<hbm>>
      tpu.enqueue_dma source(%arg8 : memref<64x128xf32, #tpu.memory_space<vmem>>) target(%dma_start3A_186 : memref<64x128xf32, #tpu.memory_space<hbm>>) target_semaphore(%arg24 : memref<!tpu.dma_semaphore, #tpu.memory_space<semaphore_mem>>)
      %sub3A_187 = arith.constant 1 : i32
      %sub3A_188 = arith.subi %select_n3A_4, %sub3A_187 : i32
      %lt3A_189 = arith.cmpi slt, %while3A_124, %sub3A_188 : i32
      %convert_element_type3A_190 = arith.extui %lt3A_189 : i1 to i32
      %cond3A_191 = arith.constant 0 : i32
      %cond3A_192 = arith.cmpi ne, %convert_element_type3A_190, %cond3A_191 : i32
      scf.if %cond3A_192 {
        %mul3A_313 = arith.constant 64 : i32
        %mul3A_314 = arith.muli %mul3A_5, %mul3A_313 : i32
        %dma_wait3A_315 = arith.constant 0 : i32
        %dma_wait3A_316 = tpu.memref_slice %arg4[%mul3A_314, %dma_wait3A_315] : memref<163840x128xf32, #tpu.memory_space<hbm>> -> memref<64x128xf32, #tpu.memory_space<hbm>>
        %dma_wait3A_317 = arith.constant 0 : i32
        %dma_wait3A_318 = tpu.memref_slice %arg4[%mul3A_314, %dma_wait3A_317] : memref<163840x128xf32, #tpu.memory_space<hbm>> -> memref<64x128xf32, #tpu.memory_space<hbm>>
        tpu.wait_dma2 semaphore(%arg24 : memref<!tpu.dma_semaphore, #tpu.memory_space<semaphore_mem>>) src(%arg8 : memref<64x128xf32, #tpu.memory_space<vmem>>) dst(%dma_wait3A_318 : memref<64x128xf32, #tpu.memory_space<hbm>>)
        %add3A_319 = arith.constant 8 : i32
        %add3A_320 = arith.addi %add3A_173, %add3A_319 : i32
        %dma_start3A_321 = arith.constant 0 : i32
        %dma_start3A_322 = tpu.memref_slice %arg5[%add3A_320, %dma_start3A_321] : memref<160x64xi32, #tpu.memory_space<vmem>> -> memref<1x64xi32, #tpu.memory_space<vmem>>
        %dma_start3A_323 = tpu.memref_squeeze %dma_start3A_322 : memref<1x64xi32, #tpu.memory_space<vmem>> -> memref<64xi32, #tpu.memory_space<vmem>>
        %dma_start3A_324 = arith.constant 0 : i32
        %dma_start3A_325 = arith.constant 0 : i32
        %dma_start3A_326 = tpu.memref_slice %arg2[%dma_start3A_324, %dma_start3A_325] : memref<10000x128xf32, #tpu.memory_space<hbm>> -> memref<10000x128xf32, #tpu.memory_space<hbm>>
        tpu.enqueue_indirect_dma source(%dma_start3A_326 : memref<10000x128xf32, #tpu.memory_space<hbm>>) target(%arg8 : memref<64x128xf32, #tpu.memory_space<vmem>>) offsets(%dma_start3A_323 : memref<64xi32, #tpu.memory_space<vmem>>) semaphore(%arg16 : memref<!tpu.dma_semaphore, #tpu.memory_space<semaphore_mem>>)
      } else {
      }
      %mul3A_193 = arith.constant 8 : i32
      %mul3A_194 = arith.muli %while3A_124, %mul3A_193 : i32
      %add3A_195 = arith.addi %select_n3A, %mul3A_194 : i32
      %add3A_196 = arith.constant 3 : i32
      %add3A_197 = arith.addi %add3A_195, %add3A_196 : i32
      %dma_wait3A_198 = arith.constant 0 : i32
      %dma_wait3A_199 = tpu.memref_slice %arg5[%add3A_197, %dma_wait3A_198] : memref<160x64xi32, #tpu.memory_space<vmem>> -> memref<1x64xi32, #tpu.memory_space<vmem>>
      %dma_wait3A_200 = tpu.memref_squeeze %dma_wait3A_199 : memref<1x64xi32, #tpu.memory_space<vmem>> -> memref<64xi32, #tpu.memory_space<vmem>>
      %dma_wait3A_201 = arith.constant 0 : i32
      %dma_wait3A_202 = arith.constant 0 : i32
      %dma_wait3A_203 = tpu.memref_slice %arg2[%dma_wait3A_201, %dma_wait3A_202] : memref<10000x128xf32, #tpu.memory_space<hbm>> -> memref<10000x128xf32, #tpu.memory_space<hbm>>
      tpu.wait_indirect_dma semaphore(%arg17 : memref<!tpu.dma_semaphore, #tpu.memory_space<semaphore_mem>>) src(%dma_wait3A_203 : memref<10000x128xf32, #tpu.memory_space<hbm>>) dst(%arg9 : memref<64x128xf32, #tpu.memory_space<vmem>>)
      %add3A_204 = arith.addi %mul3A_5, %add3A_197 : i32
      %mul3A_205 = arith.constant 64 : i32
      %mul3A_206 = arith.muli %add3A_204, %mul3A_205 : i32
      %dma_start3A_207 = arith.constant 0 : i32
      %dma_start3A_208 = tpu.memref_slice %arg4[%mul3A_206, %dma_start3A_207] : memref<163840x128xf32, #tpu.memory_space<hbm>> -> memref<64x128xf32, #tpu.memory_space<hbm>>
      %dma_start3A_209 = arith.constant 0 : i32
      %dma_start3A_210 = tpu.memref_slice %arg4[%mul3A_206, %dma_start3A_209] : memref<163840x128xf32, #tpu.memory_space<hbm>> -> memref<64x128xf32, #tpu.memory_space<hbm>>
      tpu.enqueue_dma source(%arg9 : memref<64x128xf32, #tpu.memory_space<vmem>>) target(%dma_start3A_210 : memref<64x128xf32, #tpu.memory_space<hbm>>) target_semaphore(%arg25 : memref<!tpu.dma_semaphore, #tpu.memory_space<semaphore_mem>>)
      %sub3A_211 = arith.constant 1 : i32
      %sub3A_212 = arith.subi %select_n3A_4, %sub3A_211 : i32
      %lt3A_213 = arith.cmpi slt, %while3A_124, %sub3A_212 : i32
      %convert_element_type3A_214 = arith.extui %lt3A_213 : i1 to i32
      %cond3A_215 = arith.constant 0 : i32
      %cond3A_216 = arith.cmpi ne, %convert_element_type3A_214, %cond3A_215 : i32
      scf.if %cond3A_216 {
        %mul3A_313 = arith.constant 64 : i32
        %mul3A_314 = arith.muli %mul3A_5, %mul3A_313 : i32
        %dma_wait3A_315 = arith.constant 0 : i32
        %dma_wait3A_316 = tpu.memref_slice %arg4[%mul3A_314, %dma_wait3A_315] : memref<163840x128xf32, #tpu.memory_space<hbm>> -> memref<64x128xf32, #tpu.memory_space<hbm>>
        %dma_wait3A_317 = arith.constant 0 : i32
        %dma_wait3A_318 = tpu.memref_slice %arg4[%mul3A_314, %dma_wait3A_317] : memref<163840x128xf32, #tpu.memory_space<hbm>> -> memref<64x128xf32, #tpu.memory_space<hbm>>
        tpu.wait_dma2 semaphore(%arg25 : memref<!tpu.dma_semaphore, #tpu.memory_space<semaphore_mem>>) src(%arg9 : memref<64x128xf32, #tpu.memory_space<vmem>>) dst(%dma_wait3A_318 : memref<64x128xf32, #tpu.memory_space<hbm>>)
        %add3A_319 = arith.constant 8 : i32
        %add3A_320 = arith.addi %add3A_197, %add3A_319 : i32
        %dma_start3A_321 = arith.constant 0 : i32
        %dma_start3A_322 = tpu.memref_slice %arg5[%add3A_320, %dma_start3A_321] : memref<160x64xi32, #tpu.memory_space<vmem>> -> memref<1x64xi32, #tpu.memory_space<vmem>>
        %dma_start3A_323 = tpu.memref_squeeze %dma_start3A_322 : memref<1x64xi32, #tpu.memory_space<vmem>> -> memref<64xi32, #tpu.memory_space<vmem>>
        %dma_start3A_324 = arith.constant 0 : i32
        %dma_start3A_325 = arith.constant 0 : i32
        %dma_start3A_326 = tpu.memref_slice %arg2[%dma_start3A_324, %dma_start3A_325] : memref<10000x128xf32, #tpu.memory_space<hbm>> -> memref<10000x128xf32, #tpu.memory_space<hbm>>
        tpu.enqueue_indirect_dma source(%dma_start3A_326 : memref<10000x128xf32, #tpu.memory_space<hbm>>) target(%arg9 : memref<64x128xf32, #tpu.memory_space<vmem>>) offsets(%dma_start3A_323 : memref<64xi32, #tpu.memory_space<vmem>>) semaphore(%arg17 : memref<!tpu.dma_semaphore, #tpu.memory_space<semaphore_mem>>)
      } else {
      }
      %mul3A_217 = arith.constant 8 : i32
      %mul3A_218 = arith.muli %while3A_124, %mul3A_217 : i32
      %add3A_219 = arith.addi %select_n3A, %mul3A_218 : i32
      %add3A_220 = arith.constant 4 : i32
      %add3A_221 = arith.addi %add3A_219, %add3A_220 : i32
      %dma_wait3A_222 = arith.constant 0 : i32
      %dma_wait3A_223 = tpu.memref_slice %arg5[%add3A_221, %dma_wait3A_222] : memref<160x64xi32, #tpu.memory_space<vmem>> -> memref<1x64xi32, #tpu.memory_space<vmem>>
      %dma_wait3A_224 = tpu.memref_squeeze %dma_wait3A_223 : memref<1x64xi32, #tpu.memory_space<vmem>> -> memref<64xi32, #tpu.memory_space<vmem>>
      %dma_wait3A_225 = arith.constant 0 : i32
      %dma_wait3A_226 = arith.constant 0 : i32
      %dma_wait3A_227 = tpu.memref_slice %arg2[%dma_wait3A_225, %dma_wait3A_226] : memref<10000x128xf32, #tpu.memory_space<hbm>> -> memref<10000x128xf32, #tpu.memory_space<hbm>>
      tpu.wait_indirect_dma semaphore(%arg18 : memref<!tpu.dma_semaphore, #tpu.memory_space<semaphore_mem>>) src(%dma_wait3A_227 : memref<10000x128xf32, #tpu.memory_space<hbm>>) dst(%arg10 : memref<64x128xf32, #tpu.memory_space<vmem>>)
      %add3A_228 = arith.addi %mul3A_5, %add3A_221 : i32
      %mul3A_229 = arith.constant 64 : i32
      %mul3A_230 = arith.muli %add3A_228, %mul3A_229 : i32
      %dma_start3A_231 = arith.constant 0 : i32
      %dma_start3A_232 = tpu.memref_slice %arg4[%mul3A_230, %dma_start3A_231] : memref<163840x128xf32, #tpu.memory_space<hbm>> -> memref<64x128xf32, #tpu.memory_space<hbm>>
      %dma_start3A_233 = arith.constant 0 : i32
      %dma_start3A_234 = tpu.memref_slice %arg4[%mul3A_230, %dma_start3A_233] : memref<163840x128xf32, #tpu.memory_space<hbm>> -> memref<64x128xf32, #tpu.memory_space<hbm>>
      tpu.enqueue_dma source(%arg10 : memref<64x128xf32, #tpu.memory_space<vmem>>) target(%dma_start3A_234 : memref<64x128xf32, #tpu.memory_space<hbm>>) target_semaphore(%arg26 : memref<!tpu.dma_semaphore, #tpu.memory_space<semaphore_mem>>)
      %sub3A_235 = arith.constant 1 : i32
      %sub3A_236 = arith.subi %select_n3A_4, %sub3A_235 : i32
      %lt3A_237 = arith.cmpi slt, %while3A_124, %sub3A_236 : i32
      %convert_element_type3A_238 = arith.extui %lt3A_237 : i1 to i32
      %cond3A_239 = arith.constant 0 : i32
      %cond3A_240 = arith.cmpi ne, %convert_element_type3A_238, %cond3A_239 : i32
      scf.if %cond3A_240 {
        %mul3A_313 = arith.constant 64 : i32
        %mul3A_314 = arith.muli %mul3A_5, %mul3A_313 : i32
        %dma_wait3A_315 = arith.constant 0 : i32
        %dma_wait3A_316 = tpu.memref_slice %arg4[%mul3A_314, %dma_wait3A_315] : memref<163840x128xf32, #tpu.memory_space<hbm>> -> memref<64x128xf32, #tpu.memory_space<hbm>>
        %dma_wait3A_317 = arith.constant 0 : i32
        %dma_wait3A_318 = tpu.memref_slice %arg4[%mul3A_314, %dma_wait3A_317] : memref<163840x128xf32, #tpu.memory_space<hbm>> -> memref<64x128xf32, #tpu.memory_space<hbm>>
        tpu.wait_dma2 semaphore(%arg26 : memref<!tpu.dma_semaphore, #tpu.memory_space<semaphore_mem>>) src(%arg10 : memref<64x128xf32, #tpu.memory_space<vmem>>) dst(%dma_wait3A_318 : memref<64x128xf32, #tpu.memory_space<hbm>>)
        %add3A_319 = arith.constant 8 : i32
        %add3A_320 = arith.addi %add3A_221, %add3A_319 : i32
        %dma_start3A_321 = arith.constant 0 : i32
        %dma_start3A_322 = tpu.memref_slice %arg5[%add3A_320, %dma_start3A_321] : memref<160x64xi32, #tpu.memory_space<vmem>> -> memref<1x64xi32, #tpu.memory_space<vmem>>
        %dma_start3A_323 = tpu.memref_squeeze %dma_start3A_322 : memref<1x64xi32, #tpu.memory_space<vmem>> -> memref<64xi32, #tpu.memory_space<vmem>>
        %dma_start3A_324 = arith.constant 0 : i32
        %dma_start3A_325 = arith.constant 0 : i32
        %dma_start3A_326 = tpu.memref_slice %arg2[%dma_start3A_324, %dma_start3A_325] : memref<10000x128xf32, #tpu.memory_space<hbm>> -> memref<10000x128xf32, #tpu.memory_space<hbm>>
        tpu.enqueue_indirect_dma source(%dma_start3A_326 : memref<10000x128xf32, #tpu.memory_space<hbm>>) target(%arg10 : memref<64x128xf32, #tpu.memory_space<vmem>>) offsets(%dma_start3A_323 : memref<64xi32, #tpu.memory_space<vmem>>) semaphore(%arg18 : memref<!tpu.dma_semaphore, #tpu.memory_space<semaphore_mem>>)
      } else {
      }
      %mul3A_241 = arith.constant 8 : i32
      %mul3A_242 = arith.muli %while3A_124, %mul3A_241 : i32
      %add3A_243 = arith.addi %select_n3A, %mul3A_242 : i32
      %add3A_244 = arith.constant 5 : i32
      %add3A_245 = arith.addi %add3A_243, %add3A_244 : i32
      %dma_wait3A_246 = arith.constant 0 : i32
      %dma_wait3A_247 = tpu.memref_slice %arg5[%add3A_245, %dma_wait3A_246] : memref<160x64xi32, #tpu.memory_space<vmem>> -> memref<1x64xi32, #tpu.memory_space<vmem>>
      %dma_wait3A_248 = tpu.memref_squeeze %dma_wait3A_247 : memref<1x64xi32, #tpu.memory_space<vmem>> -> memref<64xi32, #tpu.memory_space<vmem>>
      %dma_wait3A_249 = arith.constant 0 : i32
      %dma_wait3A_250 = arith.constant 0 : i32
      %dma_wait3A_251 = tpu.memref_slice %arg2[%dma_wait3A_249, %dma_wait3A_250] : memref<10000x128xf32, #tpu.memory_space<hbm>> -> memref<10000x128xf32, #tpu.memory_space<hbm>>
      tpu.wait_indirect_dma semaphore(%arg19 : memref<!tpu.dma_semaphore, #tpu.memory_space<semaphore_mem>>) src(%dma_wait3A_251 : memref<10000x128xf32, #tpu.memory_space<hbm>>) dst(%arg11 : memref<64x128xf32, #tpu.memory_space<vmem>>)
      %add3A_252 = arith.addi %mul3A_5, %add3A_245 : i32
      %mul3A_253 = arith.constant 64 : i32
      %mul3A_254 = arith.muli %add3A_252, %mul3A_253 : i32
      %dma_start3A_255 = arith.constant 0 : i32
      %dma_start3A_256 = tpu.memref_slice %arg4[%mul3A_254, %dma_start3A_255] : memref<163840x128xf32, #tpu.memory_space<hbm>> -> memref<64x128xf32, #tpu.memory_space<hbm>>
      %dma_start3A_257 = arith.constant 0 : i32
      %dma_start3A_258 = tpu.memref_slice %arg4[%mul3A_254, %dma_start3A_257] : memref<163840x128xf32, #tpu.memory_space<hbm>> -> memref<64x128xf32, #tpu.memory_space<hbm>>
      tpu.enqueue_dma source(%arg11 : memref<64x128xf32, #tpu.memory_space<vmem>>) target(%dma_start3A_258 : memref<64x128xf32, #tpu.memory_space<hbm>>) target_semaphore(%arg27 : memref<!tpu.dma_semaphore, #tpu.memory_space<semaphore_mem>>)
      %sub3A_259 = arith.constant 1 : i32
      %sub3A_260 = arith.subi %select_n3A_4, %sub3A_259 : i32
      %lt3A_261 = arith.cmpi slt, %while3A_124, %sub3A_260 : i32
      %convert_element_type3A_262 = arith.extui %lt3A_261 : i1 to i32
      %cond3A_263 = arith.constant 0 : i32
      %cond3A_264 = arith.cmpi ne, %convert_element_type3A_262, %cond3A_263 : i32
      scf.if %cond3A_264 {
        %mul3A_313 = arith.constant 64 : i32
        %mul3A_314 = arith.muli %mul3A_5, %mul3A_313 : i32
        %dma_wait3A_315 = arith.constant 0 : i32
        %dma_wait3A_316 = tpu.memref_slice %arg4[%mul3A_314, %dma_wait3A_315] : memref<163840x128xf32, #tpu.memory_space<hbm>> -> memref<64x128xf32, #tpu.memory_space<hbm>>
        %dma_wait3A_317 = arith.constant 0 : i32
        %dma_wait3A_318 = tpu.memref_slice %arg4[%mul3A_314, %dma_wait3A_317] : memref<163840x128xf32, #tpu.memory_space<hbm>> -> memref<64x128xf32, #tpu.memory_space<hbm>>
        tpu.wait_dma2 semaphore(%arg27 : memref<!tpu.dma_semaphore, #tpu.memory_space<semaphore_mem>>) src(%arg11 : memref<64x128xf32, #tpu.memory_space<vmem>>) dst(%dma_wait3A_318 : memref<64x128xf32, #tpu.memory_space<hbm>>)
        %add3A_319 = arith.constant 8 : i32
        %add3A_320 = arith.addi %add3A_245, %add3A_319 : i32
        %dma_start3A_321 = arith.constant 0 : i32
        %dma_start3A_322 = tpu.memref_slice %arg5[%add3A_320, %dma_start3A_321] : memref<160x64xi32, #tpu.memory_space<vmem>> -> memref<1x64xi32, #tpu.memory_space<vmem>>
        %dma_start3A_323 = tpu.memref_squeeze %dma_start3A_322 : memref<1x64xi32, #tpu.memory_space<vmem>> -> memref<64xi32, #tpu.memory_space<vmem>>
        %dma_start3A_324 = arith.constant 0 : i32
        %dma_start3A_325 = arith.constant 0 : i32
        %dma_start3A_326 = tpu.memref_slice %arg2[%dma_start3A_324, %dma_start3A_325] : memref<10000x128xf32, #tpu.memory_space<hbm>> -> memref<10000x128xf32, #tpu.memory_space<hbm>>
        tpu.enqueue_indirect_dma source(%dma_start3A_326 : memref<10000x128xf32, #tpu.memory_space<hbm>>) target(%arg11 : memref<64x128xf32, #tpu.memory_space<vmem>>) offsets(%dma_start3A_323 : memref<64xi32, #tpu.memory_space<vmem>>) semaphore(%arg19 : memref<!tpu.dma_semaphore, #tpu.memory_space<semaphore_mem>>)
      } else {
      }
      %mul3A_265 = arith.constant 8 : i32
      %mul3A_266 = arith.muli %while3A_124, %mul3A_265 : i32
      %add3A_267 = arith.addi %select_n3A, %mul3A_266 : i32
      %add3A_268 = arith.constant 6 : i32
      %add3A_269 = arith.addi %add3A_267, %add3A_268 : i32
      %dma_wait3A_270 = arith.constant 0 : i32
      %dma_wait3A_271 = tpu.memref_slice %arg5[%add3A_269, %dma_wait3A_270] : memref<160x64xi32, #tpu.memory_space<vmem>> -> memref<1x64xi32, #tpu.memory_space<vmem>>
      %dma_wait3A_272 = tpu.memref_squeeze %dma_wait3A_271 : memref<1x64xi32, #tpu.memory_space<vmem>> -> memref<64xi32, #tpu.memory_space<vmem>>
      %dma_wait3A_273 = arith.constant 0 : i32
      %dma_wait3A_274 = arith.constant 0 : i32
      %dma_wait3A_275 = tpu.memref_slice %arg2[%dma_wait3A_273, %dma_wait3A_274] : memref<10000x128xf32, #tpu.memory_space<hbm>> -> memref<10000x128xf32, #tpu.memory_space<hbm>>
      tpu.wait_indirect_dma semaphore(%arg20 : memref<!tpu.dma_semaphore, #tpu.memory_space<semaphore_mem>>) src(%dma_wait3A_275 : memref<10000x128xf32, #tpu.memory_space<hbm>>) dst(%arg12 : memref<64x128xf32, #tpu.memory_space<vmem>>)
      %add3A_276 = arith.addi %mul3A_5, %add3A_269 : i32
      %mul3A_277 = arith.constant 64 : i32
      %mul3A_278 = arith.muli %add3A_276, %mul3A_277 : i32
      %dma_start3A_279 = arith.constant 0 : i32
      %dma_start3A_280 = tpu.memref_slice %arg4[%mul3A_278, %dma_start3A_279] : memref<163840x128xf32, #tpu.memory_space<hbm>> -> memref<64x128xf32, #tpu.memory_space<hbm>>
      %dma_start3A_281 = arith.constant 0 : i32
      %dma_start3A_282 = tpu.memref_slice %arg4[%mul3A_278, %dma_start3A_281] : memref<163840x128xf32, #tpu.memory_space<hbm>> -> memref<64x128xf32, #tpu.memory_space<hbm>>
      tpu.enqueue_dma source(%arg12 : memref<64x128xf32, #tpu.memory_space<vmem>>) target(%dma_start3A_282 : memref<64x128xf32, #tpu.memory_space<hbm>>) target_semaphore(%arg28 : memref<!tpu.dma_semaphore, #tpu.memory_space<semaphore_mem>>)
      %sub3A_283 = arith.constant 1 : i32
      %sub3A_284 = arith.subi %select_n3A_4, %sub3A_283 : i32
      %lt3A_285 = arith.cmpi slt, %while3A_124, %sub3A_284 : i32
      %convert_element_type3A_286 = arith.extui %lt3A_285 : i1 to i32
      %cond3A_287 = arith.constant 0 : i32
      %cond3A_288 = arith.cmpi ne, %convert_element_type3A_286, %cond3A_287 : i32
      scf.if %cond3A_288 {
        %mul3A_313 = arith.constant 64 : i32
        %mul3A_314 = arith.muli %mul3A_5, %mul3A_313 : i32
        %dma_wait3A_315 = arith.constant 0 : i32
        %dma_wait3A_316 = tpu.memref_slice %arg4[%mul3A_314, %dma_wait3A_315] : memref<163840x128xf32, #tpu.memory_space<hbm>> -> memref<64x128xf32, #tpu.memory_space<hbm>>
        %dma_wait3A_317 = arith.constant 0 : i32
        %dma_wait3A_318 = tpu.memref_slice %arg4[%mul3A_314, %dma_wait3A_317] : memref<163840x128xf32, #tpu.memory_space<hbm>> -> memref<64x128xf32, #tpu.memory_space<hbm>>
        tpu.wait_dma2 semaphore(%arg28 : memref<!tpu.dma_semaphore, #tpu.memory_space<semaphore_mem>>) src(%arg12 : memref<64x128xf32, #tpu.memory_space<vmem>>) dst(%dma_wait3A_318 : memref<64x128xf32, #tpu.memory_space<hbm>>)
        %add3A_319 = arith.constant 8 : i32
        %add3A_320 = arith.addi %add3A_269, %add3A_319 : i32
        %dma_start3A_321 = arith.constant 0 : i32
        %dma_start3A_322 = tpu.memref_slice %arg5[%add3A_320, %dma_start3A_321] : memref<160x64xi32, #tpu.memory_space<vmem>> -> memref<1x64xi32, #tpu.memory_space<vmem>>
        %dma_start3A_323 = tpu.memref_squeeze %dma_start3A_322 : memref<1x64xi32, #tpu.memory_space<vmem>> -> memref<64xi32, #tpu.memory_space<vmem>>
        %dma_start3A_324 = arith.constant 0 : i32
        %dma_start3A_325 = arith.constant 0 : i32
        %dma_start3A_326 = tpu.memref_slice %arg2[%dma_start3A_324, %dma_start3A_325] : memref<10000x128xf32, #tpu.memory_space<hbm>> -> memref<10000x128xf32, #tpu.memory_space<hbm>>
        tpu.enqueue_indirect_dma source(%dma_start3A_326 : memref<10000x128xf32, #tpu.memory_space<hbm>>) target(%arg12 : memref<64x128xf32, #tpu.memory_space<vmem>>) offsets(%dma_start3A_323 : memref<64xi32, #tpu.memory_space<vmem>>) semaphore(%arg20 : memref<!tpu.dma_semaphore, #tpu.memory_space<semaphore_mem>>)
      } else {
      }
      %mul3A_289 = arith.constant 8 : i32
      %mul3A_290 = arith.muli %while3A_124, %mul3A_289 : i32
      %add3A_291 = arith.addi %select_n3A, %mul3A_290 : i32
      %add3A_292 = arith.constant 7 : i32
      %add3A_293 = arith.addi %add3A_291, %add3A_292 : i32
      %dma_wait3A_294 = arith.constant 0 : i32
      %dma_wait3A_295 = tpu.memref_slice %arg5[%add3A_293, %dma_wait3A_294] : memref<160x64xi32, #tpu.memory_space<vmem>> -> memref<1x64xi32, #tpu.memory_space<vmem>>
      %dma_wait3A_296 = tpu.memref_squeeze %dma_wait3A_295 : memref<1x64xi32, #tpu.memory_space<vmem>> -> memref<64xi32, #tpu.memory_space<vmem>>
      %dma_wait3A_297 = arith.constant 0 : i32
      %dma_wait3A_298 = arith.constant 0 : i32
      %dma_wait3A_299 = tpu.memref_slice %arg2[%dma_wait3A_297, %dma_wait3A_298] : memref<10000x128xf32, #tpu.memory_space<hbm>> -> memref<10000x128xf32, #tpu.memory_space<hbm>>
      tpu.wait_indirect_dma semaphore(%arg21 : memref<!tpu.dma_semaphore, #tpu.memory_space<semaphore_mem>>) src(%dma_wait3A_299 : memref<10000x128xf32, #tpu.memory_space<hbm>>) dst(%arg13 : memref<64x128xf32, #tpu.memory_space<vmem>>)
      %add3A_300 = arith.addi %mul3A_5, %add3A_293 : i32
      %mul3A_301 = arith.constant 64 : i32
      %mul3A_302 = arith.muli %add3A_300, %mul3A_301 : i32
      %dma_start3A_303 = arith.constant 0 : i32
      %dma_start3A_304 = tpu.memref_slice %arg4[%mul3A_302, %dma_start3A_303] : memref<163840x128xf32, #tpu.memory_space<hbm>> -> memref<64x128xf32, #tpu.memory_space<hbm>>
      %dma_start3A_305 = arith.constant 0 : i32
      %dma_start3A_306 = tpu.memref_slice %arg4[%mul3A_302, %dma_start3A_305] : memref<163840x128xf32, #tpu.memory_space<hbm>> -> memref<64x128xf32, #tpu.memory_space<hbm>>
      tpu.enqueue_dma source(%arg13 : memref<64x128xf32, #tpu.memory_space<vmem>>) target(%dma_start3A_306 : memref<64x128xf32, #tpu.memory_space<hbm>>) target_semaphore(%arg29 : memref<!tpu.dma_semaphore, #tpu.memory_space<semaphore_mem>>)
      %sub3A_307 = arith.constant 1 : i32
      %sub3A_308 = arith.subi %select_n3A_4, %sub3A_307 : i32
      %lt3A_309 = arith.cmpi slt, %while3A_124, %sub3A_308 : i32
      %convert_element_type3A_310 = arith.extui %lt3A_309 : i1 to i32
      %cond3A_311 = arith.constant 0 : i32
      %cond3A_312 = arith.cmpi ne, %convert_element_type3A_310, %cond3A_311 : i32
      scf.if %cond3A_312 {
        %mul3A_313 = arith.constant 64 : i32
        %mul3A_314 = arith.muli %mul3A_5, %mul3A_313 : i32
        %dma_wait3A_315 = arith.constant 0 : i32
        %dma_wait3A_316 = tpu.memref_slice %arg4[%mul3A_314, %dma_wait3A_315] : memref<163840x128xf32, #tpu.memory_space<hbm>> -> memref<64x128xf32, #tpu.memory_space<hbm>>
        %dma_wait3A_317 = arith.constant 0 : i32
        %dma_wait3A_318 = tpu.memref_slice %arg4[%mul3A_314, %dma_wait3A_317] : memref<163840x128xf32, #tpu.memory_space<hbm>> -> memref<64x128xf32, #tpu.memory_space<hbm>>
        tpu.wait_dma2 semaphore(%arg29 : memref<!tpu.dma_semaphore, #tpu.memory_space<semaphore_mem>>) src(%arg13 : memref<64x128xf32, #tpu.memory_space<vmem>>) dst(%dma_wait3A_318 : memref<64x128xf32, #tpu.memory_space<hbm>>)
        %add3A_319 = arith.constant 8 : i32
        %add3A_320 = arith.addi %add3A_293, %add3A_319 : i32
        %dma_start3A_321 = arith.constant 0 : i32
        %dma_start3A_322 = tpu.memref_slice %arg5[%add3A_320, %dma_start3A_321] : memref<160x64xi32, #tpu.memory_space<vmem>> -> memref<1x64xi32, #tpu.memory_space<vmem>>
        %dma_start3A_323 = tpu.memref_squeeze %dma_start3A_322 : memref<1x64xi32, #tpu.memory_space<vmem>> -> memref<64xi32, #tpu.memory_space<vmem>>
        %dma_start3A_324 = arith.constant 0 : i32
        %dma_start3A_325 = arith.constant 0 : i32
        %dma_start3A_326 = tpu.memref_slice %arg2[%dma_start3A_324, %dma_start3A_325] : memref<10000x128xf32, #tpu.memory_space<hbm>> -> memref<10000x128xf32, #tpu.memory_space<hbm>>
        tpu.enqueue_indirect_dma source(%dma_start3A_326 : memref<10000x128xf32, #tpu.memory_space<hbm>>) target(%arg13 : memref<64x128xf32, #tpu.memory_space<vmem>>) offsets(%dma_start3A_323 : memref<64xi32, #tpu.memory_space<vmem>>) semaphore(%arg21 : memref<!tpu.dma_semaphore, #tpu.memory_space<semaphore_mem>>)
      } else {
      }
    }
    %mul3A_77 = arith.constant 64 : i32
    %mul3A_78 = arith.muli %mul3A_5, %mul3A_77 : i32
    %dma_wait3A = arith.constant 0 : i32
    %dma_wait3A_79 = tpu.memref_slice %arg4[%mul3A_78, %dma_wait3A] : memref<163840x128xf32, #tpu.memory_space<hbm>> -> memref<64x128xf32, #tpu.memory_space<hbm>>
    %dma_wait3A_80 = arith.constant 0 : i32
    %dma_wait3A_81 = tpu.memref_slice %arg4[%mul3A_78, %dma_wait3A_80] : memref<163840x128xf32, #tpu.memory_space<hbm>> -> memref<64x128xf32, #tpu.memory_space<hbm>>
    tpu.wait_dma2 semaphore(%arg22 : memref<!tpu.dma_semaphore, #tpu.memory_space<semaphore_mem>>) src(%arg6 : memref<64x128xf32, #tpu.memory_space<vmem>>) dst(%dma_wait3A_81 : memref<64x128xf32, #tpu.memory_space<hbm>>)
    %mul3A_82 = arith.constant 64 : i32
    %mul3A_83 = arith.muli %mul3A_5, %mul3A_82 : i32
    %dma_wait3A_84 = arith.constant 0 : i32
    %dma_wait3A_85 = tpu.memref_slice %arg4[%mul3A_83, %dma_wait3A_84] : memref<163840x128xf32, #tpu.memory_space<hbm>> -> memref<64x128xf32, #tpu.memory_space<hbm>>
    %dma_wait3A_86 = arith.constant 0 : i32
    %dma_wait3A_87 = tpu.memref_slice %arg4[%mul3A_83, %dma_wait3A_86] : memref<163840x128xf32, #tpu.memory_space<hbm>> -> memref<64x128xf32, #tpu.memory_space<hbm>>
    tpu.wait_dma2 semaphore(%arg23 : memref<!tpu.dma_semaphore, #tpu.memory_space<semaphore_mem>>) src(%arg7 : memref<64x128xf32, #tpu.memory_space<vmem>>) dst(%dma_wait3A_87 : memref<64x128xf32, #tpu.memory_space<hbm>>)
    %mul3A_88 = arith.constant 64 : i32
    %mul3A_89 = arith.muli %mul3A_5, %mul3A_88 : i32
    %dma_wait3A_90 = arith.constant 0 : i32
    %dma_wait3A_91 = tpu.memref_slice %arg4[%mul3A_89, %dma_wait3A_90] : memref<163840x128xf32, #tpu.memory_space<hbm>> -> memref<64x128xf32, #tpu.memory_space<hbm>>
    %dma_wait3A_92 = arith.constant 0 : i32
    %dma_wait3A_93 = tpu.memref_slice %arg4[%mul3A_89, %dma_wait3A_92] : memref<163840x128xf32, #tpu.memory_space<hbm>> -> memref<64x128xf32, #tpu.memory_space<hbm>>
    tpu.wait_dma2 semaphore(%arg24 : memref<!tpu.dma_semaphore, #tpu.memory_space<semaphore_mem>>) src(%arg8 : memref<64x128xf32, #tpu.memory_space<vmem>>) dst(%dma_wait3A_93 : memref<64x128xf32, #tpu.memory_space<hbm>>)
    %mul3A_94 = arith.constant 64 : i32
    %mul3A_95 = arith.muli %mul3A_5, %mul3A_94 : i32
    %dma_wait3A_96 = arith.constant 0 : i32
    %dma_wait3A_97 = tpu.memref_slice %arg4[%mul3A_95, %dma_wait3A_96] : memref<163840x128xf32, #tpu.memory_space<hbm>> -> memref<64x128xf32, #tpu.memory_space<hbm>>
    %dma_wait3A_98 = arith.constant 0 : i32
    %dma_wait3A_99 = tpu.memref_slice %arg4[%mul3A_95, %dma_wait3A_98] : memref<163840x128xf32, #tpu.memory_space<hbm>> -> memref<64x128xf32, #tpu.memory_space<hbm>>
    tpu.wait_dma2 semaphore(%arg25 : memref<!tpu.dma_semaphore, #tpu.memory_space<semaphore_mem>>) src(%arg9 : memref<64x128xf32, #tpu.memory_space<vmem>>) dst(%dma_wait3A_99 : memref<64x128xf32, #tpu.memory_space<hbm>>)
    %mul3A_100 = arith.constant 64 : i32
    %mul3A_101 = arith.muli %mul3A_5, %mul3A_100 : i32
    %dma_wait3A_102 = arith.constant 0 : i32
    %dma_wait3A_103 = tpu.memref_slice %arg4[%mul3A_101, %dma_wait3A_102] : memref<163840x128xf32, #tpu.memory_space<hbm>> -> memref<64x128xf32, #tpu.memory_space<hbm>>
    %dma_wait3A_104 = arith.constant 0 : i32
    %dma_wait3A_105 = tpu.memref_slice %arg4[%mul3A_101, %dma_wait3A_104] : memref<163840x128xf32, #tpu.memory_space<hbm>> -> memref<64x128xf32, #tpu.memory_space<hbm>>
    tpu.wait_dma2 semaphore(%arg26 : memref<!tpu.dma_semaphore, #tpu.memory_space<semaphore_mem>>) src(%arg10 : memref<64x128xf32, #tpu.memory_space<vmem>>) dst(%dma_wait3A_105 : memref<64x128xf32, #tpu.memory_space<hbm>>)
    %mul3A_106 = arith.constant 64 : i32
    %mul3A_107 = arith.muli %mul3A_5, %mul3A_106 : i32
    %dma_wait3A_108 = arith.constant 0 : i32
    %dma_wait3A_109 = tpu.memref_slice %arg4[%mul3A_107, %dma_wait3A_108] : memref<163840x128xf32, #tpu.memory_space<hbm>> -> memref<64x128xf32, #tpu.memory_space<hbm>>
    %dma_wait3A_110 = arith.constant 0 : i32
    %dma_wait3A_111 = tpu.memref_slice %arg4[%mul3A_107, %dma_wait3A_110] : memref<163840x128xf32, #tpu.memory_space<hbm>> -> memref<64x128xf32, #tpu.memory_space<hbm>>
    tpu.wait_dma2 semaphore(%arg27 : memref<!tpu.dma_semaphore, #tpu.memory_space<semaphore_mem>>) src(%arg11 : memref<64x128xf32, #tpu.memory_space<vmem>>) dst(%dma_wait3A_111 : memref<64x128xf32, #tpu.memory_space<hbm>>)
    %mul3A_112 = arith.constant 64 : i32
    %mul3A_113 = arith.muli %mul3A_5, %mul3A_112 : i32
    %dma_wait3A_114 = arith.constant 0 : i32
    %dma_wait3A_115 = tpu.memref_slice %arg4[%mul3A_113, %dma_wait3A_114] : memref<163840x128xf32, #tpu.memory_space<hbm>> -> memref<64x128xf32, #tpu.memory_space<hbm>>
    %dma_wait3A_116 = arith.constant 0 : i32
    %dma_wait3A_117 = tpu.memref_slice %arg4[%mul3A_113, %dma_wait3A_116] : memref<163840x128xf32, #tpu.memory_space<hbm>> -> memref<64x128xf32, #tpu.memory_space<hbm>>
    tpu.wait_dma2 semaphore(%arg28 : memref<!tpu.dma_semaphore, #tpu.memory_space<semaphore_mem>>) src(%arg12 : memref<64x128xf32, #tpu.memory_space<vmem>>) dst(%dma_wait3A_117 : memref<64x128xf32, #tpu.memory_space<hbm>>)
    %mul3A_118 = arith.constant 64 : i32
    %mul3A_119 = arith.muli %mul3A_5, %mul3A_118 : i32
    %dma_wait3A_120 = arith.constant 0 : i32
    %dma_wait3A_121 = tpu.memref_slice %arg4[%mul3A_119, %dma_wait3A_120] : memref<163840x128xf32, #tpu.memory_space<hbm>> -> memref<64x128xf32, #tpu.memory_space<hbm>>
    %dma_wait3A_122 = arith.constant 0 : i32
    %dma_wait3A_123 = tpu.memref_slice %arg4[%mul3A_119, %dma_wait3A_122] : memref<163840x128xf32, #tpu.memory_space<hbm>> -> memref<64x128xf32, #tpu.memory_space<hbm>>
    tpu.wait_dma2 semaphore(%arg29 : memref<!tpu.dma_semaphore, #tpu.memory_space<semaphore_mem>>) src(%arg13 : memref<64x128xf32, #tpu.memory_space<vmem>>) dst(%dma_wait3A_123 : memref<64x128xf32, #tpu.memory_space<hbm>>)
    return
  }
}

module attributes {stable_mosaic.version = 14 : i64} {
  func.func @_init_body(%arg0: i32, %arg1: memref<6400x128xf32, #tpu.memory_space<vmem>>, %arg2: memref<400x1xf32, #tpu.memory_space<vmem>>, %arg3: memref<128x128xf32, #tpu.memory_space<vmem>>, %arg4: memref<1x128xf32, #tpu.memory_space<vmem>>, %arg5: memref<128x128xf32, #tpu.memory_space<vmem>>, %arg6: memref<1x128xf32, #tpu.memory_space<vmem>>, %arg7: memref<128x128xf32, #tpu.memory_space<vmem>>, %arg8: memref<1x128xf32, #tpu.memory_space<vmem>>, %arg9: memref<1x128xf32, #tpu.memory_space<vmem>>, %arg10: memref<1x128xf32, #tpu.memory_space<vmem>>, %arg11: memref<128x128xf32, #tpu.memory_space<vmem>>, %arg12: memref<1x128xf32, #tpu.memory_space<vmem>>, %arg13: memref<128x128xf32, #tpu.memory_space<vmem>>, %arg14: memref<1x128xf32, #tpu.memory_space<vmem>>, %arg15: memref<1x128xf32, #tpu.memory_space<vmem>>, %arg16: memref<1x128xf32, #tpu.memory_space<vmem>>, %arg17: memref<400x128xf32, #tpu.memory_space<vmem>>) attributes {dimension_semantics = [#tpu.dimension_semantics<arbitrary>], iteration_bounds = array<i64: 25>, scalar_prefetch = 0 : i64, scratch_operands = 0 : i64, tpu.core_type = #tpu.core_type<tc>, window_params = [{transform_indices = @transform_0, window_bounds = array<i64: 6400, 128>}, {transform_indices = @transform_1, window_bounds = array<i64: 400, 1>}, {pipeline_mode = #tpu.pipeline_mode<synchronous>, transform_indices = @transform_2, window_bounds = array<i64: 128, 128>}, {pipeline_mode = #tpu.pipeline_mode<synchronous>, transform_indices = @transform_3, window_bounds = array<i64: 1, 128>}, {pipeline_mode = #tpu.pipeline_mode<synchronous>, transform_indices = @transform_4, window_bounds = array<i64: 128, 128>}, {pipeline_mode = #tpu.pipeline_mode<synchronous>, transform_indices = @transform_5, window_bounds = array<i64: 1, 128>}, {pipeline_mode = #tpu.pipeline_mode<synchronous>, transform_indices = @transform_6, window_bounds = array<i64: 128, 128>}, {pipeline_mode = #tpu.pipeline_mode<synchronous>, transform_indices = @transform_7, window_bounds = array<i64: 1, 128>}, {pipeline_mode = #tpu.pipeline_mode<synchronous>, transform_indices = @transform_8, window_bounds = array<i64: 1, 128>}, {pipeline_mode = #tpu.pipeline_mode<synchronous>, transform_indices = @transform_9, window_bounds = array<i64: 1, 128>}, {pipeline_mode = #tpu.pipeline_mode<synchronous>, transform_indices = @transform_10, window_bounds = array<i64: 128, 128>}, {pipeline_mode = #tpu.pipeline_mode<synchronous>, transform_indices = @transform_11, window_bounds = array<i64: 1, 128>}, {pipeline_mode = #tpu.pipeline_mode<synchronous>, transform_indices = @transform_12, window_bounds = array<i64: 128, 128>}, {pipeline_mode = #tpu.pipeline_mode<synchronous>, transform_indices = @transform_13, window_bounds = array<i64: 1, 128>}, {pipeline_mode = #tpu.pipeline_mode<synchronous>, transform_indices = @transform_14, window_bounds = array<i64: 1, 128>}, {pipeline_mode = #tpu.pipeline_mode<synchronous>, transform_indices = @transform_15, window_bounds = array<i64: 1, 128>}, {transform_indices = @transform_16, window_bounds = array<i64: 400, 128>}]} {
    %get3A = arith.constant 0 : index
    %get3A_0 = arith.constant 0 : index
    %get3A_1 = vector.load %arg1[%get3A, %get3A_0] : memref<6400x128xf32, #tpu.memory_space<vmem>>, vector<6400x128xf32>
    %get3A_2 = arith.constant 0 : index
    %get3A_3 = arith.constant 0 : index
    %get3A_4 = vector.load %arg3[%get3A_2, %get3A_3] : memref<128x128xf32, #tpu.memory_space<vmem>>, vector<128x128xf32>
    %convert_element_type3A = arith.truncf %get3A_1 : vector<6400x128xf32> to vector<6400x128xbf16>
    %convert_element_type3A_5 = arith.truncf %get3A_4 : vector<128x128xf32> to vector<128x128xbf16>
    %dot_general3A = arith.constant dense<0.000000e+00> : vector<6400x128xf32>
    %dot_general3A_6 = tpu.matmul %convert_element_type3A, %convert_element_type3A_5, %dot_general3A {dimension_numbers = #tpu.dot_dimension_numbers<[1], [0], [0], [1], [0, 0, 1, 1], [], []>, transpose_lhs_hint = false} : vector<6400x128xbf16>, vector<128x128xbf16>, vector<6400x128xf32> -> vector<6400x128xf32>
    %get3A_7 = arith.constant 0 : index
    %get3A_8 = arith.constant 0 : index
    %get3A_9 = vector.load %arg4[%get3A_7, %get3A_8] : memref<1x128xf32, #tpu.memory_space<vmem>>, vector<1x128xf32>
    %add3A = vector.broadcast %get3A_9 : vector<1x128xf32> to vector<6400x128xf32>
    %add3A_10 = arith.addf %dot_general3A_6, %add3A : vector<6400x128xf32>
    %mul3A = arith.constant 0.707106769 : f32
    %mul3A_11 = vector.broadcast %mul3A : f32 to vector<6400x128xf32>
    %mul3A_12 = arith.mulf %add3A_10, %mul3A_11 : vector<6400x128xf32>
    %erf3A = math.erf %mul3A_12 : vector<6400x128xf32>
    %mul3A_13 = arith.constant 5.000000e-01 : f32
    %mul3A_14 = vector.broadcast %mul3A_13 : f32 to vector<6400x128xf32>
    %mul3A_15 = arith.mulf %erf3A, %mul3A_14 : vector<6400x128xf32>
    %add3A_16 = arith.constant 5.000000e-01 : f32
    %add3A_17 = vector.broadcast %add3A_16 : f32 to vector<6400x128xf32>
    %add3A_18 = arith.addf %mul3A_15, %add3A_17 : vector<6400x128xf32>
    %mul3A_19 = arith.mulf %add3A_10, %add3A_18 : vector<6400x128xf32>
    %get3A_20 = arith.constant 0 : index
    %get3A_21 = arith.constant 0 : index
    %get3A_22 = vector.load %arg5[%get3A_20, %get3A_21] : memref<128x128xf32, #tpu.memory_space<vmem>>, vector<128x128xf32>
    %convert_element_type3A_23 = arith.truncf %mul3A_19 : vector<6400x128xf32> to vector<6400x128xbf16>
    %convert_element_type3A_24 = arith.truncf %get3A_22 : vector<128x128xf32> to vector<128x128xbf16>
    %dot_general3A_25 = arith.constant dense<0.000000e+00> : vector<6400x128xf32>
    %dot_general3A_26 = tpu.matmul %convert_element_type3A_23, %convert_element_type3A_24, %dot_general3A_25 {dimension_numbers = #tpu.dot_dimension_numbers<[1], [0], [0], [1], [0, 0, 1, 1], [], []>, transpose_lhs_hint = false} : vector<6400x128xbf16>, vector<128x128xbf16>, vector<6400x128xf32> -> vector<6400x128xf32>
    %get3A_27 = arith.constant 0 : index
    %get3A_28 = arith.constant 0 : index
    %get3A_29 = vector.load %arg6[%get3A_27, %get3A_28] : memref<1x128xf32, #tpu.memory_space<vmem>>, vector<1x128xf32>
    %add3A_30 = vector.broadcast %get3A_29 : vector<1x128xf32> to vector<6400x128xf32>
    %add3A_31 = arith.addf %dot_general3A_26, %add3A_30 : vector<6400x128xf32>
    %mul3A_32 = arith.constant 0.707106769 : f32
    %mul3A_33 = vector.broadcast %mul3A_32 : f32 to vector<6400x128xf32>
    %mul3A_34 = arith.mulf %add3A_31, %mul3A_33 : vector<6400x128xf32>
    %erf3A_35 = math.erf %mul3A_34 : vector<6400x128xf32>
    %mul3A_36 = arith.constant 5.000000e-01 : f32
    %mul3A_37 = vector.broadcast %mul3A_36 : f32 to vector<6400x128xf32>
    %mul3A_38 = arith.mulf %erf3A_35, %mul3A_37 : vector<6400x128xf32>
    %add3A_39 = arith.constant 5.000000e-01 : f32
    %add3A_40 = vector.broadcast %add3A_39 : f32 to vector<6400x128xf32>
    %add3A_41 = arith.addf %mul3A_38, %add3A_40 : vector<6400x128xf32>
    %mul3A_42 = arith.mulf %add3A_31, %add3A_41 : vector<6400x128xf32>
    %reshape3A = vector.shape_cast %mul3A_42 : vector<6400x128xf32> to vector<400x16x128xf32>
    %reduce_sum3A = arith.constant dense<0.000000e+00> : vector<400x128xf32>
    %reduce_sum3A_43 = vector.multi_reduction <add>, %reshape3A, %reduce_sum3A [1] : vector<400x16x128xf32> to vector<400x128xf32>
    %get3A_44 = arith.constant 0 : index
    %get3A_45 = arith.constant 0 : index
    %get3A_46 = vector.load %arg7[%get3A_44, %get3A_45] : memref<128x128xf32, #tpu.memory_space<vmem>>, vector<128x128xf32>
    %convert_element_type3A_47 = arith.truncf %reduce_sum3A_43 : vector<400x128xf32> to vector<400x128xbf16>
    %convert_element_type3A_48 = arith.truncf %get3A_46 : vector<128x128xf32> to vector<128x128xbf16>
    %dot_general3A_49 = arith.constant dense<0.000000e+00> : vector<400x128xf32>
    %dot_general3A_50 = tpu.matmul %convert_element_type3A_47, %convert_element_type3A_48, %dot_general3A_49 {dimension_numbers = #tpu.dot_dimension_numbers<[1], [0], [0], [1], [0, 0, 1, 1], [], []>, transpose_lhs_hint = false} : vector<400x128xbf16>, vector<128x128xbf16>, vector<400x128xf32> -> vector<400x128xf32>
    %get3A_51 = arith.constant 0 : index
    %get3A_52 = arith.constant 0 : index
    %get3A_53 = vector.load %arg8[%get3A_51, %get3A_52] : memref<1x128xf32, #tpu.memory_space<vmem>>, vector<1x128xf32>
    %mul3A_54 = arith.constant 1.600000e+01 : f32
    %mul3A_55 = vector.broadcast %mul3A_54 : f32 to vector<1x128xf32>
    %mul3A_56 = arith.mulf %mul3A_55, %get3A_53 : vector<1x128xf32>
    %add3A_57 = vector.broadcast %mul3A_56 : vector<1x128xf32> to vector<400x128xf32>
    %add3A_58 = arith.addf %dot_general3A_50, %add3A_57 : vector<400x128xf32>
    %broadcast_in_dim3A = arith.constant 0.000000e+00 : f32
    %broadcast_in_dim3A_59 = vector.broadcast %broadcast_in_dim3A : f32 to vector<400x128xf32>
    %get3A_60 = arith.constant 0 : index
    %get3A_61 = arith.constant 0 : index
    %get3A_62 = vector.load %arg9[%get3A_60, %get3A_61] : memref<1x128xf32, #tpu.memory_space<vmem>>, vector<1x128xf32>
    %get3A_63 = arith.constant 0 : index
    %get3A_64 = arith.constant 0 : index
    %get3A_65 = vector.load %arg10[%get3A_63, %get3A_64] : memref<1x128xf32, #tpu.memory_space<vmem>>, vector<1x128xf32>
    %get3A_66 = arith.constant 0 : index
    %get3A_67 = arith.constant 0 : index
    %get3A_68 = vector.load %arg11[%get3A_66, %get3A_67] : memref<128x128xf32, #tpu.memory_space<vmem>>, vector<128x128xf32>
    %get3A_69 = arith.constant 0 : index
    %get3A_70 = arith.constant 0 : index
    %get3A_71 = vector.load %arg12[%get3A_69, %get3A_70] : memref<1x128xf32, #tpu.memory_space<vmem>>, vector<1x128xf32>
    %get3A_72 = arith.constant 0 : index
    %get3A_73 = arith.constant 0 : index
    %get3A_74 = vector.load %arg13[%get3A_72, %get3A_73] : memref<128x128xf32, #tpu.memory_space<vmem>>, vector<128x128xf32>
    %get3A_75 = arith.constant 0 : index
    %get3A_76 = arith.constant 0 : index
    %get3A_77 = vector.load %arg14[%get3A_75, %get3A_76] : memref<1x128xf32, #tpu.memory_space<vmem>>, vector<1x128xf32>
    %get3A_78 = arith.constant 0 : index
    %get3A_79 = arith.constant 0 : index
    %get3A_80 = vector.load %arg15[%get3A_78, %get3A_79] : memref<1x128xf32, #tpu.memory_space<vmem>>, vector<1x128xf32>
    %get3A_81 = arith.constant 0 : index
    %get3A_82 = arith.constant 0 : index
    %get3A_83 = vector.load %arg16[%get3A_81, %get3A_82] : memref<1x128xf32, #tpu.memory_space<vmem>>, vector<1x128xf32>
    %get3A_84 = arith.constant 0 : index
    %get3A_85 = arith.constant 0 : index
    %get3A_86 = vector.load %arg2[%get3A_84, %get3A_85] : memref<400x1xf32, #tpu.memory_space<vmem>>, vector<400x1xf32>
    %mul3A_87 = arith.constant 0.0333333351 : f32
    %mul3A_88 = vector.broadcast %mul3A_87 : f32 to vector<400x128xf32>
    %mul3A_89 = arith.mulf %add3A_58, %mul3A_88 : vector<400x128xf32>
    %add3A_90 = arith.addf %broadcast_in_dim3A_59, %mul3A_89 : vector<400x128xf32>
    %reduce_sum3A_91 = arith.constant dense<0.000000e+00> : vector<400xf32>
    %reduce_sum3A_92 = vector.multi_reduction <add>, %add3A_90, %reduce_sum3A_91 [1] : vector<400x128xf32> to vector<400xf32>
    %broadcast_in_dim3A_93 = vector.shape_cast %reduce_sum3A_92 : vector<400xf32> to vector<400x1xf32>
    %div3A = arith.constant 1.280000e+02 : f32
    %div3A_94 = vector.broadcast %div3A : f32 to vector<400x1xf32>
    %div3A_95 = arith.divf %broadcast_in_dim3A_93, %div3A_94 : vector<400x1xf32>
    %jit3A = arith.constant 0 : i32
    %reduce_sum3A_96 = arith.constant dense<0.000000e+00> : vector<400xf32>
    %reduce_sum3A_97 = vector.multi_reduction <add>, %add3A_90, %reduce_sum3A_96 [1] : vector<400x128xf32> to vector<400xf32>
    %broadcast_in_dim3A_98 = vector.shape_cast %reduce_sum3A_97 : vector<400xf32> to vector<400x1xf32>
    %div3A_99 = arith.constant 1.280000e+02 : f32
    %div3A_100 = vector.broadcast %div3A_99 : f32 to vector<400x1xf32>
    %div3A_101 = arith.divf %broadcast_in_dim3A_98, %div3A_100 : vector<400x1xf32>
    %sub3A = vector.broadcast %div3A_101 : vector<400x1xf32> to vector<400x128xf32>
    %sub3A_102 = arith.subf %add3A_90, %sub3A : vector<400x128xf32>
    %square3A = arith.mulf %sub3A_102, %sub3A_102 : vector<400x128xf32>
    %convert_element_type3A_103 = arith.sitofp %jit3A : i32 to f32
    %sub3A_104 = arith.constant 1.280000e+02 : f32
    %sub3A_105 = arith.subf %sub3A_104, %convert_element_type3A_103 : f32
    %reduce_sum3A_106 = arith.constant dense<0.000000e+00> : vector<400xf32>
    %reduce_sum3A_107 = vector.multi_reduction <add>, %square3A, %reduce_sum3A_106 [1] : vector<400x128xf32> to vector<400xf32>
    %broadcast_in_dim3A_108 = vector.shape_cast %reduce_sum3A_107 : vector<400xf32> to vector<400x1xf32>
    %div3A_109 = vector.broadcast %sub3A_105 : f32 to vector<400x1xf32>
    %div3A_110 = arith.divf %broadcast_in_dim3A_108, %div3A_109 : vector<400x1xf32>
    %gt3A = arith.constant 0.000000e+00 : f32
    %gt3A_111 = arith.cmpf ogt, %sub3A_105, %gt3A : f32
    %jit3A_112 = arith.constant 0x7FC00000 : f32
    %broadcast_in_dim3A_113 = vector.broadcast %jit3A_112 : f32 to vector<400x1xf32>
    %select_n3A = arith.select %gt3A_111, %div3A_110, %broadcast_in_dim3A_113 : vector<400x1xf32>
    %sub3A_114 = vector.broadcast %div3A_95 : vector<400x1xf32> to vector<400x128xf32>
    %sub3A_115 = arith.subf %add3A_90, %sub3A_114 : vector<400x128xf32>
    %add3A_116 = arith.constant 9.99999974E-6 : f32
    %add3A_117 = vector.broadcast %add3A_116 : f32 to vector<400x1xf32>
    %add3A_118 = arith.addf %select_n3A, %add3A_117 : vector<400x1xf32>
    %sqrt3A = math.sqrt %add3A_118 : vector<400x1xf32>
    %div3A_119 = vector.broadcast %sqrt3A : vector<400x1xf32> to vector<400x128xf32>
    %div3A_120 = arith.divf %sub3A_115, %div3A_119 : vector<400x128xf32>
    %mul3A_121 = vector.broadcast %get3A_62 : vector<1x128xf32> to vector<400x128xf32>
    %mul3A_122 = arith.mulf %div3A_120, %mul3A_121 : vector<400x128xf32>
    %add3A_123 = vector.broadcast %get3A_65 : vector<1x128xf32> to vector<400x128xf32>
    %add3A_124 = arith.addf %mul3A_122, %add3A_123 : vector<400x128xf32>
    %convert_element_type3A_125 = arith.truncf %add3A_124 : vector<400x128xf32> to vector<400x128xbf16>
    %convert_element_type3A_126 = arith.truncf %get3A_68 : vector<128x128xf32> to vector<128x128xbf16>
    %dot_general3A_127 = arith.constant dense<0.000000e+00> : vector<400x128xf32>
    %dot_general3A_128 = tpu.matmul %convert_element_type3A_125, %convert_element_type3A_126, %dot_general3A_127 {dimension_numbers = #tpu.dot_dimension_numbers<[1], [0], [0], [1], [0, 0, 1, 1], [], []>, transpose_lhs_hint = false} : vector<400x128xbf16>, vector<128x128xbf16>, vector<400x128xf32> -> vector<400x128xf32>
    %add3A_129 = vector.broadcast %get3A_71 : vector<1x128xf32> to vector<400x128xf32>
    %add3A_130 = arith.addf %dot_general3A_128, %add3A_129 : vector<400x128xf32>
    %mul3A_131 = arith.constant 0.707106769 : f32
    %mul3A_132 = vector.broadcast %mul3A_131 : f32 to vector<400x128xf32>
    %mul3A_133 = arith.mulf %add3A_130, %mul3A_132 : vector<400x128xf32>
    %erf3A_134 = math.erf %mul3A_133 : vector<400x128xf32>
    %mul3A_135 = arith.constant 5.000000e-01 : f32
    %mul3A_136 = vector.broadcast %mul3A_135 : f32 to vector<400x128xf32>
    %mul3A_137 = arith.mulf %erf3A_134, %mul3A_136 : vector<400x128xf32>
    %add3A_138 = arith.constant 5.000000e-01 : f32
    %add3A_139 = vector.broadcast %add3A_138 : f32 to vector<400x128xf32>
    %add3A_140 = arith.addf %mul3A_137, %add3A_139 : vector<400x128xf32>
    %mul3A_141 = arith.mulf %add3A_130, %add3A_140 : vector<400x128xf32>
    %convert_element_type3A_142 = arith.truncf %mul3A_141 : vector<400x128xf32> to vector<400x128xbf16>
    %convert_element_type3A_143 = arith.truncf %get3A_74 : vector<128x128xf32> to vector<128x128xbf16>
    %dot_general3A_144 = arith.constant dense<0.000000e+00> : vector<400x128xf32>
    %dot_general3A_145 = tpu.matmul %convert_element_type3A_142, %convert_element_type3A_143, %dot_general3A_144 {dimension_numbers = #tpu.dot_dimension_numbers<[1], [0], [0], [1], [0, 0, 1, 1], [], []>, transpose_lhs_hint = false} : vector<400x128xbf16>, vector<128x128xbf16>, vector<400x128xf32> -> vector<400x128xf32>
    %add3A_146 = vector.broadcast %get3A_77 : vector<1x128xf32> to vector<400x128xf32>
    %add3A_147 = arith.addf %dot_general3A_145, %add3A_146 : vector<400x128xf32>
    %add3A_148 = arith.addf %add3A_124, %add3A_147 : vector<400x128xf32>
    %reduce_sum3A_149 = arith.constant dense<0.000000e+00> : vector<400xf32>
    %reduce_sum3A_150 = vector.multi_reduction <add>, %add3A_148, %reduce_sum3A_149 [1] : vector<400x128xf32> to vector<400xf32>
    %broadcast_in_dim3A_151 = vector.shape_cast %reduce_sum3A_150 : vector<400xf32> to vector<400x1xf32>
    %div3A_152 = arith.constant 1.280000e+02 : f32
    %div3A_153 = vector.broadcast %div3A_152 : f32 to vector<400x1xf32>
    %div3A_154 = arith.divf %broadcast_in_dim3A_151, %div3A_153 : vector<400x1xf32>
    %jit3A_155 = arith.constant 0 : i32
    %reduce_sum3A_156 = arith.constant dense<0.000000e+00> : vector<400xf32>
    %reduce_sum3A_157 = vector.multi_reduction <add>, %add3A_148, %reduce_sum3A_156 [1] : vector<400x128xf32> to vector<400xf32>
    %broadcast_in_dim3A_158 = vector.shape_cast %reduce_sum3A_157 : vector<400xf32> to vector<400x1xf32>
    %div3A_159 = arith.constant 1.280000e+02 : f32
    %div3A_160 = vector.broadcast %div3A_159 : f32 to vector<400x1xf32>
    %div3A_161 = arith.divf %broadcast_in_dim3A_158, %div3A_160 : vector<400x1xf32>
    %sub3A_162 = vector.broadcast %div3A_161 : vector<400x1xf32> to vector<400x128xf32>
    %sub3A_163 = arith.subf %add3A_148, %sub3A_162 : vector<400x128xf32>
    %square3A_164 = arith.mulf %sub3A_163, %sub3A_163 : vector<400x128xf32>
    %convert_element_type3A_165 = arith.sitofp %jit3A_155 : i32 to f32
    %sub3A_166 = arith.constant 1.280000e+02 : f32
    %sub3A_167 = arith.subf %sub3A_166, %convert_element_type3A_165 : f32
    %reduce_sum3A_168 = arith.constant dense<0.000000e+00> : vector<400xf32>
    %reduce_sum3A_169 = vector.multi_reduction <add>, %square3A_164, %reduce_sum3A_168 [1] : vector<400x128xf32> to vector<400xf32>
    %broadcast_in_dim3A_170 = vector.shape_cast %reduce_sum3A_169 : vector<400xf32> to vector<400x1xf32>
    %div3A_171 = vector.broadcast %sub3A_167 : f32 to vector<400x1xf32>
    %div3A_172 = arith.divf %broadcast_in_dim3A_170, %div3A_171 : vector<400x1xf32>
    %gt3A_173 = arith.constant 0.000000e+00 : f32
    %gt3A_174 = arith.cmpf ogt, %sub3A_167, %gt3A_173 : f32
    %jit3A_175 = arith.constant 0x7FC00000 : f32
    %broadcast_in_dim3A_176 = vector.broadcast %jit3A_175 : f32 to vector<400x1xf32>
    %select_n3A_177 = arith.select %gt3A_174, %div3A_172, %broadcast_in_dim3A_176 : vector<400x1xf32>
    %sub3A_178 = vector.broadcast %div3A_154 : vector<400x1xf32> to vector<400x128xf32>
    %sub3A_179 = arith.subf %add3A_148, %sub3A_178 : vector<400x128xf32>
    %add3A_180 = arith.constant 9.99999974E-6 : f32
    %add3A_181 = vector.broadcast %add3A_180 : f32 to vector<400x1xf32>
    %add3A_182 = arith.addf %select_n3A_177, %add3A_181 : vector<400x1xf32>
    %sqrt3A_183 = math.sqrt %add3A_182 : vector<400x1xf32>
    %div3A_184 = vector.broadcast %sqrt3A_183 : vector<400x1xf32> to vector<400x128xf32>
    %div3A_185 = arith.divf %sub3A_179, %div3A_184 : vector<400x128xf32>
    %mul3A_186 = vector.broadcast %get3A_80 : vector<1x128xf32> to vector<400x128xf32>
    %mul3A_187 = arith.mulf %div3A_185, %mul3A_186 : vector<400x128xf32>
    %add3A_188 = vector.broadcast %get3A_83 : vector<1x128xf32> to vector<400x128xf32>
    %add3A_189 = arith.addf %mul3A_187, %add3A_188 : vector<400x128xf32>
    %mul3A_190 = vector.broadcast %get3A_86 : vector<400x1xf32> to vector<400x128xf32>
    %mul3A_191 = arith.mulf %add3A_189, %mul3A_190 : vector<400x128xf32>
    %swap3A = arith.constant 0 : index
    %swap3A_192 = arith.constant 0 : index
    %swap3A_193 = vector.load %arg17[%swap3A, %swap3A_192] : memref<400x128xf32, #tpu.memory_space<vmem>>, vector<400x128xf32>
    tpu.vector_store %arg17[%swap3A, %swap3A_192], %mul3A_191 {strides = array<i32>} : memref<400x128xf32, #tpu.memory_space<vmem>>, vector<400x128xf32>,
    return
  }
  func.func @transform_0(%arg0: i32) -> (i32, i32) {
    %c0_i32 = arith.constant 0 : i32
    %c0_i32_0 = arith.constant 0 : i32
    return %arg0, %c0_i32 : i32, i32
  }
  func.func @transform_1(%arg0: i32) -> (i32, i32) {
    %c0_i32 = arith.constant 0 : i32
    %c0_i32_0 = arith.constant 0 : i32
    return %arg0, %c0_i32 : i32, i32
  }
  func.func @transform_2(%arg0: i32) -> (i32, i32) {
    %c0_i32 = arith.constant 0 : i32
    %c0_i32_0 = arith.constant 0 : i32
    %c0_i32_1 = arith.constant 0 : i32
    return %c0_i32, %c0_i32_0 : i32, i32
  }
  func.func @transform_3(%arg0: i32) -> (i32, i32) {
    %c0_i32 = arith.constant 0 : i32
    %c0_i32_0 = arith.constant 0 : i32
    %c0_i32_1 = arith.constant 0 : i32
    return %c0_i32, %c0_i32_0 : i32, i32
  }
  func.func @transform_4(%arg0: i32) -> (i32, i32) {
    %c0_i32 = arith.constant 0 : i32
    %c0_i32_0 = arith.constant 0 : i32
    %c0_i32_1 = arith.constant 0 : i32
    return %c0_i32, %c0_i32_0 : i32, i32
  }
  func.func @transform_5(%arg0: i32) -> (i32, i32) {
    %c0_i32 = arith.constant 0 : i32
    %c0_i32_0 = arith.constant 0 : i32
    %c0_i32_1 = arith.constant 0 : i32
    return %c0_i32, %c0_i32_0 : i32, i32
  }
  func.func @transform_6(%arg0: i32) -> (i32, i32) {
    %c0_i32 = arith.constant 0 : i32
    %c0_i32_0 = arith.constant 0 : i32
    %c0_i32_1 = arith.constant 0 : i32
    return %c0_i32, %c0_i32_0 : i32, i32
  }
  func.func @transform_7(%arg0: i32) -> (i32, i32) {
    %c0_i32 = arith.constant 0 : i32
    %c0_i32_0 = arith.constant 0 : i32
    %c0_i32_1 = arith.constant 0 : i32
    return %c0_i32, %c0_i32_0 : i32, i32
  }
  func.func @transform_8(%arg0: i32) -> (i32, i32) {
    %c0_i32 = arith.constant 0 : i32
    %c0_i32_0 = arith.constant 0 : i32
    %c0_i32_1 = arith.constant 0 : i32
    return %c0_i32, %c0_i32_0 : i32, i32
  }
  func.func @transform_9(%arg0: i32) -> (i32, i32) {
    %c0_i32 = arith.constant 0 : i32
    %c0_i32_0 = arith.constant 0 : i32
    %c0_i32_1 = arith.constant 0 : i32
    return %c0_i32, %c0_i32_0 : i32, i32
  }
  func.func @transform_10(%arg0: i32) -> (i32, i32) {
    %c0_i32 = arith.constant 0 : i32
    %c0_i32_0 = arith.constant 0 : i32
    %c0_i32_1 = arith.constant 0 : i32
    return %c0_i32, %c0_i32_0 : i32, i32
  }
  func.func @transform_11(%arg0: i32) -> (i32, i32) {
    %c0_i32 = arith.constant 0 : i32
    %c0_i32_0 = arith.constant 0 : i32
    %c0_i32_1 = arith.constant 0 : i32
    return %c0_i32, %c0_i32_0 : i32, i32
  }
  func.func @transform_12(%arg0: i32) -> (i32, i32) {
    %c0_i32 = arith.constant 0 : i32
    %c0_i32_0 = arith.constant 0 : i32
    %c0_i32_1 = arith.constant 0 : i32
    return %c0_i32, %c0_i32_0 : i32, i32
  }
  func.func @transform_13(%arg0: i32) -> (i32, i32) {
    %c0_i32 = arith.constant 0 : i32
    %c0_i32_0 = arith.constant 0 : i32
    %c0_i32_1 = arith.constant 0 : i32
    return %c0_i32, %c0_i32_0 : i32, i32
  }
  func.func @transform_14(%arg0: i32) -> (i32, i32) {
    %c0_i32 = arith.constant 0 : i32
    %c0_i32_0 = arith.constant 0 : i32
    %c0_i32_1 = arith.constant 0 : i32
    return %c0_i32, %c0_i32_0 : i32, i32
  }
  func.func @transform_15(%arg0: i32) -> (i32, i32) {
    %c0_i32 = arith.constant 0 : i32
    %c0_i32_0 = arith.constant 0 : i32
    %c0_i32_1 = arith.constant 0 : i32
    return %c0_i32, %c0_i32_0 : i32, i32
  }
  func.func @transform_16(%arg0: i32) -> (i32, i32) {
    %c0_i32 = arith.constant 0 : i32
    %c0_i32_0 = arith.constant 0 : i32
    return %arg0, %c0_i32 : i32, i32
  }
}

module attributes {stable_mosaic.version = 14 : i64} {
  func.func @_fused_body(%arg0: i32, %arg1: memref<6400x128xf32, #tpu.memory_space<vmem>>, %arg2: memref<6400x128xf32, #tpu.memory_space<vmem>>, %arg3: memref<400x128xf32, #tpu.memory_space<vmem>>, %arg4: memref<400x1xf32, #tpu.memory_space<vmem>>, %arg5: memref<128x128xf32, #tpu.memory_space<vmem>>, %arg6: memref<128x128xf32, #tpu.memory_space<vmem>>, %arg7: memref<128x128xf32, #tpu.memory_space<vmem>>, %arg8: memref<1x128xf32, #tpu.memory_space<vmem>>, %arg9: memref<128x128xf32, #tpu.memory_space<vmem>>, %arg10: memref<1x128xf32, #tpu.memory_space<vmem>>, %arg11: memref<128x128xf32, #tpu.memory_space<vmem>>, %arg12: memref<1x128xf32, #tpu.memory_space<vmem>>, %arg13: memref<1x128xf32, #tpu.memory_space<vmem>>, %arg14: memref<1x128xf32, #tpu.memory_space<vmem>>, %arg15: memref<128x128xf32, #tpu.memory_space<vmem>>, %arg16: memref<128x128xf32, #tpu.memory_space<vmem>>, %arg17: memref<128x128xf32, #tpu.memory_space<vmem>>, %arg18: memref<1x128xf32, #tpu.memory_space<vmem>>, %arg19: memref<128x128xf32, #tpu.memory_space<vmem>>, %arg20: memref<1x128xf32, #tpu.memory_space<vmem>>, %arg21: memref<128x128xf32, #tpu.memory_space<vmem>>, %arg22: memref<1x128xf32, #tpu.memory_space<vmem>>, %arg23: memref<1x128xf32, #tpu.memory_space<vmem>>, %arg24: memref<1x128xf32, #tpu.memory_space<vmem>>, %arg25: memref<128x128xf32, #tpu.memory_space<vmem>>, %arg26: memref<1x128xf32, #tpu.memory_space<vmem>>, %arg27: memref<128x128xf32, #tpu.memory_space<vmem>>, %arg28: memref<1x128xf32, #tpu.memory_space<vmem>>, %arg29: memref<1x128xf32, #tpu.memory_space<vmem>>, %arg30: memref<1x128xf32, #tpu.memory_space<vmem>>, %arg31: memref<6400x128xf32, #tpu.memory_space<vmem>>, %arg32: memref<400x128xf32, #tpu.memory_space<vmem>>) attributes {dimension_semantics = [#tpu.dimension_semantics<arbitrary>], iteration_bounds = array<i64: 25>, scalar_prefetch = 0 : i64, scratch_operands = 0 : i64, tpu.core_type = #tpu.core_type<tc>, window_params = [{transform_indices = @transform_0, window_bounds = array<i64: 6400, 128>}, {transform_indices = @transform_1, window_bounds = array<i64: 6400, 128>}, {transform_indices = @transform_2, window_bounds = array<i64: 400, 128>}, {transform_indices = @transform_3, window_bounds = array<i64: 400, 1>}, {pipeline_mode = #tpu.pipeline_mode<synchronous>, transform_indices = @transform_4, window_bounds = array<i64: 128, 128>}, {pipeline_mode = #tpu.pipeline_mode<synchronous>, transform_indices = @transform_5, window_bounds = array<i64: 128, 128>}, {pipeline_mode = #tpu.pipeline_mode<synchronous>, transform_indices = @transform_6, window_bounds = array<i64: 128, 128>}, {pipeline_mode = #tpu.pipeline_mode<synchronous>, transform_indices = @transform_7, window_bounds = array<i64: 1, 128>}, {pipeline_mode = #tpu.pipeline_mode<synchronous>, transform_indices = @transform_8, window_bounds = array<i64: 128, 128>}, {pipeline_mode = #tpu.pipeline_mode<synchronous>, transform_indices = @transform_9, window_bounds = array<i64: 1, 128>}, {pipeline_mode = #tpu.pipeline_mode<synchronous>, transform_indices = @transform_10, window_bounds = array<i64: 128, 128>}, {pipeline_mode = #tpu.pipeline_mode<synchronous>, transform_indices = @transform_11, window_bounds = array<i64: 1, 128>}, {pipeline_mode = #tpu.pipeline_mode<synchronous>, transform_indices = @transform_12, window_bounds = array<i64: 1, 128>}, {pipeline_mode = #tpu.pipeline_mode<synchronous>, transform_indices = @transform_13, window_bounds = array<i64: 1, 128>}, {pipeline_mode = #tpu.pipeline_mode<synchronous>, transform_indices = @transform_14, window_bounds = array<i64: 128, 128>}, {pipeline_mode = #tpu.pipeline_mode<synchronous>, transform_indices = @transform_15, window_bounds = array<i64: 128, 128>}, {pipeline_mode = #tpu.pipeline_mode<synchronous>, transform_indices = @transform_16, window_bounds = array<i64: 128, 128>}, {pipeline_mode = #tpu.pipeline_mode<synchronous>, transform_indices = @transform_17, window_bounds = array<i64: 1, 128>}, {pipeline_mode = #tpu.pipeline_mode<synchronous>, transform_indices = @transform_18, window_bounds = array<i64: 128, 128>}, {pipeline_mode = #tpu.pipeline_mode<synchronous>, transform_indices = @transform_19, window_bounds = array<i64: 1, 128>}, {pipeline_mode = #tpu.pipeline_mode<synchronous>, transform_indices = @transform_20, window_bounds = array<i64: 128, 128>}, {pipeline_mode = #tpu.pipeline_mode<synchronous>, transform_indices = @transform_21, window_bounds = array<i64: 1, 128>}, {pipeline_mode = #tpu.pipeline_mode<synchronous>, transform_indices = @transform_22, window_bounds = array<i64: 1, 128>}, {pipeline_mode = #tpu.pipeline_mode<synchronous>, transform_indices = @transform_23, window_bounds = array<i64: 1, 128>}, {pipeline_mode = #tpu.pipeline_mode<synchronous>, transform_indices = @transform_24, window_bounds = array<i64: 128, 128>}, {pipeline_mode = #tpu.pipeline_mode<synchronous>, transform_indices = @transform_25, window_bounds = array<i64: 1, 128>}, {pipeline_mode = #tpu.pipeline_mode<synchronous>, transform_indices = @transform_26, window_bounds = array<i64: 128, 128>}, {pipeline_mode = #tpu.pipeline_mode<synchronous>, transform_indices = @transform_27, window_bounds = array<i64: 1, 128>}, {pipeline_mode = #tpu.pipeline_mode<synchronous>, transform_indices = @transform_28, window_bounds = array<i64: 1, 128>}, {pipeline_mode = #tpu.pipeline_mode<synchronous>, transform_indices = @transform_29, window_bounds = array<i64: 1, 128>}, {transform_indices = @transform_30, window_bounds = array<i64: 6400, 128>}, {transform_indices = @transform_31, window_bounds = array<i64: 400, 128>}]} {
    %get3A = arith.constant 0 : index
    %get3A_0 = arith.constant 0 : index
    %get3A_1 = vector.load %arg1[%get3A, %get3A_0] : memref<6400x128xf32, #tpu.memory_space<vmem>>, vector<6400x128xf32>
    %get3A_2 = arith.constant 0 : index
    %get3A_3 = arith.constant 0 : index
    %get3A_4 = vector.load %arg2[%get3A_2, %get3A_3] : memref<6400x128xf32, #tpu.memory_space<vmem>>, vector<6400x128xf32>
    %get3A_5 = arith.constant 0 : index
    %get3A_6 = arith.constant 0 : index
    %get3A_7 = vector.load %arg3[%get3A_5, %get3A_6] : memref<400x128xf32, #tpu.memory_space<vmem>>, vector<400x128xf32>
    %get3A_8 = arith.constant 0 : index
    %get3A_9 = arith.constant 0 : index
    %get3A_10 = vector.load %arg5[%get3A_8, %get3A_9] : memref<128x128xf32, #tpu.memory_space<vmem>>, vector<128x128xf32>
    %get3A_11 = arith.constant 0 : index
    %get3A_12 = arith.constant 0 : index
    %get3A_13 = vector.load %arg6[%get3A_11, %get3A_12] : memref<128x128xf32, #tpu.memory_space<vmem>>, vector<128x128xf32>
    %get3A_14 = arith.constant 0 : index
    %get3A_15 = arith.constant 0 : index
    %get3A_16 = vector.load %arg7[%get3A_14, %get3A_15] : memref<128x128xf32, #tpu.memory_space<vmem>>, vector<128x128xf32>
    %get3A_17 = arith.constant 0 : index
    %get3A_18 = arith.constant 0 : index
    %get3A_19 = vector.load %arg8[%get3A_17, %get3A_18] : memref<1x128xf32, #tpu.memory_space<vmem>>, vector<1x128xf32>
    %get3A_20 = arith.constant 0 : index
    %get3A_21 = arith.constant 0 : index
    %get3A_22 = vector.load %arg9[%get3A_20, %get3A_21] : memref<128x128xf32, #tpu.memory_space<vmem>>, vector<128x128xf32>
    %get3A_23 = arith.constant 0 : index
    %get3A_24 = arith.constant 0 : index
    %get3A_25 = vector.load %arg10[%get3A_23, %get3A_24] : memref<1x128xf32, #tpu.memory_space<vmem>>, vector<1x128xf32>
    %convert_element_type3A = arith.truncf %get3A_7 : vector<400x128xf32> to vector<400x128xbf16>
    %convert_element_type3A_26 = arith.truncf %get3A_10 : vector<128x128xf32> to vector<128x128xbf16>
    %dot_general3A = arith.constant dense<0.000000e+00> : vector<400x128xf32>
    %dot_general3A_27 = tpu.matmul %convert_element_type3A, %convert_element_type3A_26, %dot_general3A {dimension_numbers = #tpu.dot_dimension_numbers<[1], [0], [0], [1], [0, 0, 1, 1], [], []>, transpose_lhs_hint = false} : vector<400x128xbf16>, vector<128x128xbf16>, vector<400x128xf32> -> vector<400x128xf32>
    %broadcast_in_dim3A = vector.shape_cast %dot_general3A_27 : vector<400x128xf32> to vector<400x1x128xf32>
    %broadcast_in_dim3A_28 = vector.shape_cast %broadcast_in_dim3A : vector<400x1x128xf32> to vector<400x1x128xf32>
    %broadcast_in_dim3A_29 = vector.broadcast %broadcast_in_dim3A_28 : vector<400x1x128xf32> to vector<400x16x128xf32>
    %reshape3A = vector.shape_cast %broadcast_in_dim3A_29 : vector<400x16x128xf32> to vector<6400x128xf32>
    %convert_element_type3A_30 = arith.truncf %get3A_1 : vector<6400x128xf32> to vector<6400x128xbf16>
    %convert_element_type3A_31 = arith.truncf %get3A_13 : vector<128x128xf32> to vector<128x128xbf16>
    %dot_general3A_32 = arith.constant dense<0.000000e+00> : vector<6400x128xf32>
    %dot_general3A_33 = tpu.matmul %convert_element_type3A_30, %convert_element_type3A_31, %dot_general3A_32 {dimension_numbers = #tpu.dot_dimension_numbers<[1], [0], [0], [1], [0, 0, 1, 1], [], []>, transpose_lhs_hint = false} : vector<6400x128xbf16>, vector<128x128xbf16>, vector<6400x128xf32> -> vector<6400x128xf32>
    %add3A = arith.addf %reshape3A, %dot_general3A_33 : vector<6400x128xf32>
    %convert_element_type3A_34 = arith.truncf %get3A_4 : vector<6400x128xf32> to vector<6400x128xbf16>
    %convert_element_type3A_35 = arith.truncf %get3A_16 : vector<128x128xf32> to vector<128x128xbf16>
    %dot_general3A_36 = arith.constant dense<0.000000e+00> : vector<6400x128xf32>
    %dot_general3A_37 = tpu.matmul %convert_element_type3A_34, %convert_element_type3A_35, %dot_general3A_36 {dimension_numbers = #tpu.dot_dimension_numbers<[1], [0], [0], [1], [0, 0, 1, 1], [], []>, transpose_lhs_hint = false} : vector<6400x128xbf16>, vector<128x128xbf16>, vector<6400x128xf32> -> vector<6400x128xf32>
    %add3A_38 = arith.addf %add3A, %dot_general3A_37 : vector<6400x128xf32>
    %add3A_39 = vector.broadcast %get3A_19 : vector<1x128xf32> to vector<6400x128xf32>
    %add3A_40 = arith.addf %add3A_38, %add3A_39 : vector<6400x128xf32>
    %mul3A = arith.constant 0.707106769 : f32
    %mul3A_41 = vector.broadcast %mul3A : f32 to vector<6400x128xf32>
    %mul3A_42 = arith.mulf %add3A_40, %mul3A_41 : vector<6400x128xf32>
    %erf3A = math.erf %mul3A_42 : vector<6400x128xf32>
    %mul3A_43 = arith.constant 5.000000e-01 : f32
    %mul3A_44 = vector.broadcast %mul3A_43 : f32 to vector<6400x128xf32>
    %mul3A_45 = arith.mulf %erf3A, %mul3A_44 : vector<6400x128xf32>
    %add3A_46 = arith.constant 5.000000e-01 : f32
    %add3A_47 = vector.broadcast %add3A_46 : f32 to vector<6400x128xf32>
    %add3A_48 = arith.addf %mul3A_45, %add3A_47 : vector<6400x128xf32>
    %mul3A_49 = arith.mulf %add3A_40, %add3A_48 : vector<6400x128xf32>
    %convert_element_type3A_50 = arith.truncf %mul3A_49 : vector<6400x128xf32> to vector<6400x128xbf16>
    %convert_element_type3A_51 = arith.truncf %get3A_22 : vector<128x128xf32> to vector<128x128xbf16>
    %dot_general3A_52 = arith.constant dense<0.000000e+00> : vector<6400x128xf32>
    %dot_general3A_53 = tpu.matmul %convert_element_type3A_50, %convert_element_type3A_51, %dot_general3A_52 {dimension_numbers = #tpu.dot_dimension_numbers<[1], [0], [0], [1], [0, 0, 1, 1], [], []>, transpose_lhs_hint = false} : vector<6400x128xbf16>, vector<128x128xbf16>, vector<6400x128xf32> -> vector<6400x128xf32>
    %add3A_54 = vector.broadcast %get3A_25 : vector<1x128xf32> to vector<6400x128xf32>
    %add3A_55 = arith.addf %dot_general3A_53, %add3A_54 : vector<6400x128xf32>
    %mul3A_56 = arith.constant 0.707106769 : f32
    %mul3A_57 = vector.broadcast %mul3A_56 : f32 to vector<6400x128xf32>
    %mul3A_58 = arith.mulf %add3A_55, %mul3A_57 : vector<6400x128xf32>
    %erf3A_59 = math.erf %mul3A_58 : vector<6400x128xf32>
    %mul3A_60 = arith.constant 5.000000e-01 : f32
    %mul3A_61 = vector.broadcast %mul3A_60 : f32 to vector<6400x128xf32>
    %mul3A_62 = arith.mulf %erf3A_59, %mul3A_61 : vector<6400x128xf32>
    %add3A_63 = arith.constant 5.000000e-01 : f32
    %add3A_64 = vector.broadcast %add3A_63 : f32 to vector<6400x128xf32>
    %add3A_65 = arith.addf %mul3A_62, %add3A_64 : vector<6400x128xf32>
    %mul3A_66 = arith.mulf %add3A_55, %add3A_65 : vector<6400x128xf32>
    %get3A_67 = arith.constant 0 : index
    %get3A_68 = arith.constant 0 : index
    %get3A_69 = vector.load %arg11[%get3A_67, %get3A_68] : memref<128x128xf32, #tpu.memory_space<vmem>>, vector<128x128xf32>
    %convert_element_type3A_70 = arith.truncf %mul3A_66 : vector<6400x128xf32> to vector<6400x128xbf16>
    %convert_element_type3A_71 = arith.truncf %get3A_69 : vector<128x128xf32> to vector<128x128xbf16>
    %dot_general3A_72 = arith.constant dense<0.000000e+00> : vector<6400x128xf32>
    %dot_general3A_73 = tpu.matmul %convert_element_type3A_70, %convert_element_type3A_71, %dot_general3A_72 {dimension_numbers = #tpu.dot_dimension_numbers<[1], [0], [0], [1], [0, 0, 1, 1], [], []>, transpose_lhs_hint = false} : vector<6400x128xbf16>, vector<128x128xbf16>, vector<6400x128xf32> -> vector<6400x128xf32>
    %get3A_74 = arith.constant 0 : index
    %get3A_75 = arith.constant 0 : index
    %get3A_76 = vector.load %arg12[%get3A_74, %get3A_75] : memref<1x128xf32, #tpu.memory_space<vmem>>, vector<1x128xf32>
    %add3A_77 = vector.broadcast %get3A_76 : vector<1x128xf32> to vector<6400x128xf32>
    %add3A_78 = arith.addf %dot_general3A_73, %add3A_77 : vector<6400x128xf32>
    %add3A_79 = arith.addf %get3A_1, %add3A_78 : vector<6400x128xf32>
    %get3A_80 = arith.constant 0 : index
    %get3A_81 = arith.constant 0 : index
    %get3A_82 = vector.load %arg13[%get3A_80, %get3A_81] : memref<1x128xf32, #tpu.memory_space<vmem>>, vector<1x128xf32>
    %get3A_83 = arith.constant 0 : index
    %get3A_84 = arith.constant 0 : index
    %get3A_85 = vector.load %arg14[%get3A_83, %get3A_84] : memref<1x128xf32, #tpu.memory_space<vmem>>, vector<1x128xf32>
    %reduce_sum3A = arith.constant dense<0.000000e+00> : vector<6400xf32>
    %reduce_sum3A_86 = vector.multi_reduction <add>, %add3A_79, %reduce_sum3A [1] : vector<6400x128xf32> to vector<6400xf32>
    %broadcast_in_dim3A_87 = vector.shape_cast %reduce_sum3A_86 : vector<6400xf32> to vector<6400x1xf32>
    %div3A = arith.constant 1.280000e+02 : f32
    %div3A_88 = vector.broadcast %div3A : f32 to vector<6400x1xf32>
    %div3A_89 = arith.divf %broadcast_in_dim3A_87, %div3A_88 : vector<6400x1xf32>
    %jit3A = arith.constant 0 : i32
    %reduce_sum3A_90 = arith.constant dense<0.000000e+00> : vector<6400xf32>
    %reduce_sum3A_91 = vector.multi_reduction <add>, %add3A_79, %reduce_sum3A_90 [1] : vector<6400x128xf32> to vector<6400xf32>
    %broadcast_in_dim3A_92 = vector.shape_cast %reduce_sum3A_91 : vector<6400xf32> to vector<6400x1xf32>
    %div3A_93 = arith.constant 1.280000e+02 : f32
    %div3A_94 = vector.broadcast %div3A_93 : f32 to vector<6400x1xf32>
    %div3A_95 = arith.divf %broadcast_in_dim3A_92, %div3A_94 : vector<6400x1xf32>
    %sub3A = vector.broadcast %div3A_95 : vector<6400x1xf32> to vector<6400x128xf32>
    %sub3A_96 = arith.subf %add3A_79, %sub3A : vector<6400x128xf32>
    %square3A = arith.mulf %sub3A_96, %sub3A_96 : vector<6400x128xf32>
    %convert_element_type3A_97 = arith.sitofp %jit3A : i32 to f32
    %sub3A_98 = arith.constant 1.280000e+02 : f32
    %sub3A_99 = arith.subf %sub3A_98, %convert_element_type3A_97 : f32
    %reduce_sum3A_100 = arith.constant dense<0.000000e+00> : vector<6400xf32>
    %reduce_sum3A_101 = vector.multi_reduction <add>, %square3A, %reduce_sum3A_100 [1] : vector<6400x128xf32> to vector<6400xf32>
    %broadcast_in_dim3A_102 = vector.shape_cast %reduce_sum3A_101 : vector<6400xf32> to vector<6400x1xf32>
    %div3A_103 = vector.broadcast %sub3A_99 : f32 to vector<6400x1xf32>
    %div3A_104 = arith.divf %broadcast_in_dim3A_102, %div3A_103 : vector<6400x1xf32>
    %gt3A = arith.constant 0.000000e+00 : f32
    %gt3A_105 = arith.cmpf ogt, %sub3A_99, %gt3A : f32
    %jit3A_106 = arith.constant 0x7FC00000 : f32
    %broadcast_in_dim3A_107 = vector.broadcast %jit3A_106 : f32 to vector<6400x1xf32>
    %select_n3A = arith.select %gt3A_105, %div3A_104, %broadcast_in_dim3A_107 : vector<6400x1xf32>
    %sub3A_108 = vector.broadcast %div3A_89 : vector<6400x1xf32> to vector<6400x128xf32>
    %sub3A_109 = arith.subf %add3A_79, %sub3A_108 : vector<6400x128xf32>
    %add3A_110 = arith.constant 9.99999974E-6 : f32
    %add3A_111 = vector.broadcast %add3A_110 : f32 to vector<6400x1xf32>
    %add3A_112 = arith.addf %select_n3A, %add3A_111 : vector<6400x1xf32>
    %sqrt3A = math.sqrt %add3A_112 : vector<6400x1xf32>
    %div3A_113 = vector.broadcast %sqrt3A : vector<6400x1xf32> to vector<6400x128xf32>
    %div3A_114 = arith.divf %sub3A_109, %div3A_113 : vector<6400x128xf32>
    %mul3A_115 = vector.broadcast %get3A_82 : vector<1x128xf32> to vector<6400x128xf32>
    %mul3A_116 = arith.mulf %div3A_114, %mul3A_115 : vector<6400x128xf32>
    %add3A_117 = vector.broadcast %get3A_85 : vector<1x128xf32> to vector<6400x128xf32>
    %add3A_118 = arith.addf %mul3A_116, %add3A_117 : vector<6400x128xf32>
    %swap3A = arith.constant 0 : index
    %swap3A_119 = arith.constant 0 : index
    %swap3A_120 = vector.load %arg31[%swap3A, %swap3A_119] : memref<6400x128xf32, #tpu.memory_space<vmem>>, vector<6400x128xf32>
    tpu.vector_store %arg31[%swap3A, %swap3A_119], %add3A_118 {strides = array<i32>} : memref<6400x128xf32, #tpu.memory_space<vmem>>, vector<6400x128xf32>,
    %get3A_121 = arith.constant 0 : index
    %get3A_122 = arith.constant 0 : index
    %get3A_123 = vector.load %arg15[%get3A_121, %get3A_122] : memref<128x128xf32, #tpu.memory_space<vmem>>, vector<128x128xf32>
    %get3A_124 = arith.constant 0 : index
    %get3A_125 = arith.constant 0 : index
    %get3A_126 = vector.load %arg16[%get3A_124, %get3A_125] : memref<128x128xf32, #tpu.memory_space<vmem>>, vector<128x128xf32>
    %get3A_127 = arith.constant 0 : index
    %get3A_128 = arith.constant 0 : index
    %get3A_129 = vector.load %arg17[%get3A_127, %get3A_128] : memref<128x128xf32, #tpu.memory_space<vmem>>, vector<128x128xf32>
    %get3A_130 = arith.constant 0 : index
    %get3A_131 = arith.constant 0 : index
    %get3A_132 = vector.load %arg18[%get3A_130, %get3A_131] : memref<1x128xf32, #tpu.memory_space<vmem>>, vector<1x128xf32>
    %get3A_133 = arith.constant 0 : index
    %get3A_134 = arith.constant 0 : index
    %get3A_135 = vector.load %arg19[%get3A_133, %get3A_134] : memref<128x128xf32, #tpu.memory_space<vmem>>, vector<128x128xf32>
    %get3A_136 = arith.constant 0 : index
    %get3A_137 = arith.constant 0 : index
    %get3A_138 = vector.load %arg20[%get3A_136, %get3A_137] : memref<1x128xf32, #tpu.memory_space<vmem>>, vector<1x128xf32>
    %convert_element_type3A_139 = arith.truncf %get3A_7 : vector<400x128xf32> to vector<400x128xbf16>
    %convert_element_type3A_140 = arith.truncf %get3A_123 : vector<128x128xf32> to vector<128x128xbf16>
    %dot_general3A_141 = arith.constant dense<0.000000e+00> : vector<400x128xf32>
    %dot_general3A_142 = tpu.matmul %convert_element_type3A_139, %convert_element_type3A_140, %dot_general3A_141 {dimension_numbers = #tpu.dot_dimension_numbers<[1], [0], [0], [1], [0, 0, 1, 1], [], []>, transpose_lhs_hint = false} : vector<400x128xbf16>, vector<128x128xbf16>, vector<400x128xf32> -> vector<400x128xf32>
    %broadcast_in_dim3A_143 = vector.shape_cast %dot_general3A_142 : vector<400x128xf32> to vector<400x1x128xf32>
    %broadcast_in_dim3A_144 = vector.shape_cast %broadcast_in_dim3A_143 : vector<400x1x128xf32> to vector<400x1x128xf32>
    %broadcast_in_dim3A_145 = vector.broadcast %broadcast_in_dim3A_144 : vector<400x1x128xf32> to vector<400x16x128xf32>
    %reshape3A_146 = vector.shape_cast %broadcast_in_dim3A_145 : vector<400x16x128xf32> to vector<6400x128xf32>
    %convert_element_type3A_147 = arith.truncf %add3A_118 : vector<6400x128xf32> to vector<6400x128xbf16>
    %convert_element_type3A_148 = arith.truncf %get3A_126 : vector<128x128xf32> to vector<128x128xbf16>
    %dot_general3A_149 = arith.constant dense<0.000000e+00> : vector<6400x128xf32>
    %dot_general3A_150 = tpu.matmul %convert_element_type3A_147, %convert_element_type3A_148, %dot_general3A_149 {dimension_numbers = #tpu.dot_dimension_numbers<[1], [0], [0], [1], [0, 0, 1, 1], [], []>, transpose_lhs_hint = false} : vector<6400x128xbf16>, vector<128x128xbf16>, vector<6400x128xf32> -> vector<6400x128xf32>
    %add3A_151 = arith.addf %reshape3A_146, %dot_general3A_150 : vector<6400x128xf32>
    %convert_element_type3A_152 = arith.truncf %get3A_4 : vector<6400x128xf32> to vector<6400x128xbf16>
    %convert_element_type3A_153 = arith.truncf %get3A_129 : vector<128x128xf32> to vector<128x128xbf16>
    %dot_general3A_154 = arith.constant dense<0.000000e+00> : vector<6400x128xf32>
    %dot_general3A_155 = tpu.matmul %convert_element_type3A_152, %convert_element_type3A_153, %dot_general3A_154 {dimension_numbers = #tpu.dot_dimension_numbers<[1], [0], [0], [1], [0, 0, 1, 1], [], []>, transpose_lhs_hint = false} : vector<6400x128xbf16>, vector<128x128xbf16>, vector<6400x128xf32> -> vector<6400x128xf32>
    %add3A_156 = arith.addf %add3A_151, %dot_general3A_155 : vector<6400x128xf32>
    %add3A_157 = vector.broadcast %get3A_132 : vector<1x128xf32> to vector<6400x128xf32>
    %add3A_158 = arith.addf %add3A_156, %add3A_157 : vector<6400x128xf32>
    %mul3A_159 = arith.constant 0.707106769 : f32
    %mul3A_160 = vector.broadcast %mul3A_159 : f32 to vector<6400x128xf32>
    %mul3A_161 = arith.mulf %add3A_158, %mul3A_160 : vector<6400x128xf32>
    %erf3A_162 = math.erf %mul3A_161 : vector<6400x128xf32>
    %mul3A_163 = arith.constant 5.000000e-01 : f32
    %mul3A_164 = vector.broadcast %mul3A_163 : f32 to vector<6400x128xf32>
    %mul3A_165 = arith.mulf %erf3A_162, %mul3A_164 : vector<6400x128xf32>
    %add3A_166 = arith.constant 5.000000e-01 : f32
    %add3A_167 = vector.broadcast %add3A_166 : f32 to vector<6400x128xf32>
    %add3A_168 = arith.addf %mul3A_165, %add3A_167 : vector<6400x128xf32>
    %mul3A_169 = arith.mulf %add3A_158, %add3A_168 : vector<6400x128xf32>
    %convert_element_type3A_170 = arith.truncf %mul3A_169 : vector<6400x128xf32> to vector<6400x128xbf16>
    %convert_element_type3A_171 = arith.truncf %get3A_135 : vector<128x128xf32> to vector<128x128xbf16>
    %dot_general3A_172 = arith.constant dense<0.000000e+00> : vector<6400x128xf32>
    %dot_general3A_173 = tpu.matmul %convert_element_type3A_170, %convert_element_type3A_171, %dot_general3A_172 {dimension_numbers = #tpu.dot_dimension_numbers<[1], [0], [0], [1], [0, 0, 1, 1], [], []>, transpose_lhs_hint = false} : vector<6400x128xbf16>, vector<128x128xbf16>, vector<6400x128xf32> -> vector<6400x128xf32>
    %add3A_174 = vector.broadcast %get3A_138 : vector<1x128xf32> to vector<6400x128xf32>
    %add3A_175 = arith.addf %dot_general3A_173, %add3A_174 : vector<6400x128xf32>
    %mul3A_176 = arith.constant 0.707106769 : f32
    %mul3A_177 = vector.broadcast %mul3A_176 : f32 to vector<6400x128xf32>
    %mul3A_178 = arith.mulf %add3A_175, %mul3A_177 : vector<6400x128xf32>
    %erf3A_179 = math.erf %mul3A_178 : vector<6400x128xf32>
    %mul3A_180 = arith.constant 5.000000e-01 : f32
    %mul3A_181 = vector.broadcast %mul3A_180 : f32 to vector<6400x128xf32>
    %mul3A_182 = arith.mulf %erf3A_179, %mul3A_181 : vector<6400x128xf32>
    %add3A_183 = arith.constant 5.000000e-01 : f32
    %add3A_184 = vector.broadcast %add3A_183 : f32 to vector<6400x128xf32>
    %add3A_185 = arith.addf %mul3A_182, %add3A_184 : vector<6400x128xf32>
    %mul3A_186 = arith.mulf %add3A_175, %add3A_185 : vector<6400x128xf32>
    %reshape3A_187 = vector.shape_cast %mul3A_186 : vector<6400x128xf32> to vector<400x16x128xf32>
    %reduce_sum3A_188 = arith.constant dense<0.000000e+00> : vector<400x128xf32>
    %reduce_sum3A_189 = vector.multi_reduction <add>, %reshape3A_187, %reduce_sum3A_188 [1] : vector<400x16x128xf32> to vector<400x128xf32>
    %get3A_190 = arith.constant 0 : index
    %get3A_191 = arith.constant 0 : index
    %get3A_192 = vector.load %arg21[%get3A_190, %get3A_191] : memref<128x128xf32, #tpu.memory_space<vmem>>, vector<128x128xf32>
    %convert_element_type3A_193 = arith.truncf %reduce_sum3A_189 : vector<400x128xf32> to vector<400x128xbf16>
    %convert_element_type3A_194 = arith.truncf %get3A_192 : vector<128x128xf32> to vector<128x128xbf16>
    %dot_general3A_195 = arith.constant dense<0.000000e+00> : vector<400x128xf32>
    %dot_general3A_196 = tpu.matmul %convert_element_type3A_193, %convert_element_type3A_194, %dot_general3A_195 {dimension_numbers = #tpu.dot_dimension_numbers<[1], [0], [0], [1], [0, 0, 1, 1], [], []>, transpose_lhs_hint = false} : vector<400x128xbf16>, vector<128x128xbf16>, vector<400x128xf32> -> vector<400x128xf32>
    %get3A_197 = arith.constant 0 : index
    %get3A_198 = arith.constant 0 : index
    %get3A_199 = vector.load %arg22[%get3A_197, %get3A_198] : memref<1x128xf32, #tpu.memory_space<vmem>>, vector<1x128xf32>
    %mul3A_200 = arith.constant 1.600000e+01 : f32
    %mul3A_201 = vector.broadcast %mul3A_200 : f32 to vector<1x128xf32>
    %mul3A_202 = arith.mulf %mul3A_201, %get3A_199 : vector<1x128xf32>
    %add3A_203 = vector.broadcast %mul3A_202 : vector<1x128xf32> to vector<400x128xf32>
    %add3A_204 = arith.addf %dot_general3A_196, %add3A_203 : vector<400x128xf32>
    %get3A_205 = arith.constant 0 : index
    %get3A_206 = arith.constant 0 : index
    %get3A_207 = vector.load %arg23[%get3A_205, %get3A_206] : memref<1x128xf32, #tpu.memory_space<vmem>>, vector<1x128xf32>
    %get3A_208 = arith.constant 0 : index
    %get3A_209 = arith.constant 0 : index
    %get3A_210 = vector.load %arg24[%get3A_208, %get3A_209] : memref<1x128xf32, #tpu.memory_space<vmem>>, vector<1x128xf32>
    %get3A_211 = arith.constant 0 : index
    %get3A_212 = arith.constant 0 : index
    %get3A_213 = vector.load %arg25[%get3A_211, %get3A_212] : memref<128x128xf32, #tpu.memory_space<vmem>>, vector<128x128xf32>
    %get3A_214 = arith.constant 0 : index
    %get3A_215 = arith.constant 0 : index
    %get3A_216 = vector.load %arg26[%get3A_214, %get3A_215] : memref<1x128xf32, #tpu.memory_space<vmem>>, vector<1x128xf32>
    %get3A_217 = arith.constant 0 : index
    %get3A_218 = arith.constant 0 : index
    %get3A_219 = vector.load %arg27[%get3A_217, %get3A_218] : memref<128x128xf32, #tpu.memory_space<vmem>>, vector<128x128xf32>
    %get3A_220 = arith.constant 0 : index
    %get3A_221 = arith.constant 0 : index
    %get3A_222 = vector.load %arg28[%get3A_220, %get3A_221] : memref<1x128xf32, #tpu.memory_space<vmem>>, vector<1x128xf32>
    %get3A_223 = arith.constant 0 : index
    %get3A_224 = arith.constant 0 : index
    %get3A_225 = vector.load %arg29[%get3A_223, %get3A_224] : memref<1x128xf32, #tpu.memory_space<vmem>>, vector<1x128xf32>
    %get3A_226 = arith.constant 0 : index
    %get3A_227 = arith.constant 0 : index
    %get3A_228 = vector.load %arg30[%get3A_226, %get3A_227] : memref<1x128xf32, #tpu.memory_space<vmem>>, vector<1x128xf32>
    %get3A_229 = arith.constant 0 : index
    %get3A_230 = arith.constant 0 : index
    %get3A_231 = vector.load %arg4[%get3A_229, %get3A_230] : memref<400x1xf32, #tpu.memory_space<vmem>>, vector<400x1xf32>
    %mul3A_232 = arith.constant 0.0333333351 : f32
    %mul3A_233 = vector.broadcast %mul3A_232 : f32 to vector<400x128xf32>
    %mul3A_234 = arith.mulf %add3A_204, %mul3A_233 : vector<400x128xf32>
    %add3A_235 = arith.addf %get3A_7, %mul3A_234 : vector<400x128xf32>
    %reduce_sum3A_236 = arith.constant dense<0.000000e+00> : vector<400xf32>
    %reduce_sum3A_237 = vector.multi_reduction <add>, %add3A_235, %reduce_sum3A_236 [1] : vector<400x128xf32> to vector<400xf32>
    %broadcast_in_dim3A_238 = vector.shape_cast %reduce_sum3A_237 : vector<400xf32> to vector<400x1xf32>
    %div3A_239 = arith.constant 1.280000e+02 : f32
    %div3A_240 = vector.broadcast %div3A_239 : f32 to vector<400x1xf32>
    %div3A_241 = arith.divf %broadcast_in_dim3A_238, %div3A_240 : vector<400x1xf32>
    %jit3A_242 = arith.constant 0 : i32
    %reduce_sum3A_243 = arith.constant dense<0.000000e+00> : vector<400xf32>
    %reduce_sum3A_244 = vector.multi_reduction <add>, %add3A_235, %reduce_sum3A_243 [1] : vector<400x128xf32> to vector<400xf32>
    %broadcast_in_dim3A_245 = vector.shape_cast %reduce_sum3A_244 : vector<400xf32> to vector<400x1xf32>
    %div3A_246 = arith.constant 1.280000e+02 : f32
    %div3A_247 = vector.broadcast %div3A_246 : f32 to vector<400x1xf32>
    %div3A_248 = arith.divf %broadcast_in_dim3A_245, %div3A_247 : vector<400x1xf32>
    %sub3A_249 = vector.broadcast %div3A_248 : vector<400x1xf32> to vector<400x128xf32>
    %sub3A_250 = arith.subf %add3A_235, %sub3A_249 : vector<400x128xf32>
    %square3A_251 = arith.mulf %sub3A_250, %sub3A_250 : vector<400x128xf32>
    %convert_element_type3A_252 = arith.sitofp %jit3A_242 : i32 to f32
    %sub3A_253 = arith.constant 1.280000e+02 : f32
    %sub3A_254 = arith.subf %sub3A_253, %convert_element_type3A_252 : f32
    %reduce_sum3A_255 = arith.constant dense<0.000000e+00> : vector<400xf32>
    %reduce_sum3A_256 = vector.multi_reduction <add>, %square3A_251, %reduce_sum3A_255 [1] : vector<400x128xf32> to vector<400xf32>
    %broadcast_in_dim3A_257 = vector.shape_cast %reduce_sum3A_256 : vector<400xf32> to vector<400x1xf32>
    %div3A_258 = vector.broadcast %sub3A_254 : f32 to vector<400x1xf32>
    %div3A_259 = arith.divf %broadcast_in_dim3A_257, %div3A_258 : vector<400x1xf32>
    %gt3A_260 = arith.constant 0.000000e+00 : f32
    %gt3A_261 = arith.cmpf ogt, %sub3A_254, %gt3A_260 : f32
    %jit3A_262 = arith.constant 0x7FC00000 : f32
    %broadcast_in_dim3A_263 = vector.broadcast %jit3A_262 : f32 to vector<400x1xf32>
    %select_n3A_264 = arith.select %gt3A_261, %div3A_259, %broadcast_in_dim3A_263 : vector<400x1xf32>
    %sub3A_265 = vector.broadcast %div3A_241 : vector<400x1xf32> to vector<400x128xf32>
    %sub3A_266 = arith.subf %add3A_235, %sub3A_265 : vector<400x128xf32>
    %add3A_267 = arith.constant 9.99999974E-6 : f32
    %add3A_268 = vector.broadcast %add3A_267 : f32 to vector<400x1xf32>
    %add3A_269 = arith.addf %select_n3A_264, %add3A_268 : vector<400x1xf32>
    %sqrt3A_270 = math.sqrt %add3A_269 : vector<400x1xf32>
    %div3A_271 = vector.broadcast %sqrt3A_270 : vector<400x1xf32> to vector<400x128xf32>
    %div3A_272 = arith.divf %sub3A_266, %div3A_271 : vector<400x128xf32>
    %mul3A_273 = vector.broadcast %get3A_207 : vector<1x128xf32> to vector<400x128xf32>
    %mul3A_274 = arith.mulf %div3A_272, %mul3A_273 : vector<400x128xf32>
    %add3A_275 = vector.broadcast %get3A_210 : vector<1x128xf32> to vector<400x128xf32>
    %add3A_276 = arith.addf %mul3A_274, %add3A_275 : vector<400x128xf32>
    %convert_element_type3A_277 = arith.truncf %add3A_276 : vector<400x128xf32> to vector<400x128xbf16>
    %convert_element_type3A_278 = arith.truncf %get3A_213 : vector<128x128xf32> to vector<128x128xbf16>
    %dot_general3A_279 = arith.constant dense<0.000000e+00> : vector<400x128xf32>
    %dot_general3A_280 = tpu.matmul %convert_element_type3A_277, %convert_element_type3A_278, %dot_general3A_279 {dimension_numbers = #tpu.dot_dimension_numbers<[1], [0], [0], [1], [0, 0, 1, 1], [], []>, transpose_lhs_hint = false} : vector<400x128xbf16>, vector<128x128xbf16>, vector<400x128xf32> -> vector<400x128xf32>
    %add3A_281 = vector.broadcast %get3A_216 : vector<1x128xf32> to vector<400x128xf32>
    %add3A_282 = arith.addf %dot_general3A_280, %add3A_281 : vector<400x128xf32>
    %mul3A_283 = arith.constant 0.707106769 : f32
    %mul3A_284 = vector.broadcast %mul3A_283 : f32 to vector<400x128xf32>
    %mul3A_285 = arith.mulf %add3A_282, %mul3A_284 : vector<400x128xf32>
    %erf3A_286 = math.erf %mul3A_285 : vector<400x128xf32>
    %mul3A_287 = arith.constant 5.000000e-01 : f32
    %mul3A_288 = vector.broadcast %mul3A_287 : f32 to vector<400x128xf32>
    %mul3A_289 = arith.mulf %erf3A_286, %mul3A_288 : vector<400x128xf32>
    %add3A_290 = arith.constant 5.000000e-01 : f32
    %add3A_291 = vector.broadcast %add3A_290 : f32 to vector<400x128xf32>
    %add3A_292 = arith.addf %mul3A_289, %add3A_291 : vector<400x128xf32>
    %mul3A_293 = arith.mulf %add3A_282, %add3A_292 : vector<400x128xf32>
    %convert_element_type3A_294 = arith.truncf %mul3A_293 : vector<400x128xf32> to vector<400x128xbf16>
    %convert_element_type3A_295 = arith.truncf %get3A_219 : vector<128x128xf32> to vector<128x128xbf16>
    %dot_general3A_296 = arith.constant dense<0.000000e+00> : vector<400x128xf32>
    %dot_general3A_297 = tpu.matmul %convert_element_type3A_294, %convert_element_type3A_295, %dot_general3A_296 {dimension_numbers = #tpu.dot_dimension_numbers<[1], [0], [0], [1], [0, 0, 1, 1], [], []>, transpose_lhs_hint = false} : vector<400x128xbf16>, vector<128x128xbf16>, vector<400x128xf32> -> vector<400x128xf32>
    %add3A_298 = vector.broadcast %get3A_222 : vector<1x128xf32> to vector<400x128xf32>
    %add3A_299 = arith.addf %dot_general3A_297, %add3A_298 : vector<400x128xf32>
    %add3A_300 = arith.addf %add3A_276, %add3A_299 : vector<400x128xf32>
    %reduce_sum3A_301 = arith.constant dense<0.000000e+00> : vector<400xf32>
    %reduce_sum3A_302 = vector.multi_reduction <add>, %add3A_300, %reduce_sum3A_301 [1] : vector<400x128xf32> to vector<400xf32>
    %broadcast_in_dim3A_303 = vector.shape_cast %reduce_sum3A_302 : vector<400xf32> to vector<400x1xf32>
    %div3A_304 = arith.constant 1.280000e+02 : f32
    %div3A_305 = vector.broadcast %div3A_304 : f32 to vector<400x1xf32>
    %div3A_306 = arith.divf %broadcast_in_dim3A_303, %div3A_305 : vector<400x1xf32>
    %jit3A_307 = arith.constant 0 : i32
    %reduce_sum3A_308 = arith.constant dense<0.000000e+00> : vector<400xf32>
    %reduce_sum3A_309 = vector.multi_reduction <add>, %add3A_300, %reduce_sum3A_308 [1] : vector<400x128xf32> to vector<400xf32>
    %broadcast_in_dim3A_310 = vector.shape_cast %reduce_sum3A_309 : vector<400xf32> to vector<400x1xf32>
    %div3A_311 = arith.constant 1.280000e+02 : f32
    %div3A_312 = vector.broadcast %div3A_311 : f32 to vector<400x1xf32>
    %div3A_313 = arith.divf %broadcast_in_dim3A_310, %div3A_312 : vector<400x1xf32>
    %sub3A_314 = vector.broadcast %div3A_313 : vector<400x1xf32> to vector<400x128xf32>
    %sub3A_315 = arith.subf %add3A_300, %sub3A_314 : vector<400x128xf32>
    %square3A_316 = arith.mulf %sub3A_315, %sub3A_315 : vector<400x128xf32>
    %convert_element_type3A_317 = arith.sitofp %jit3A_307 : i32 to f32
    %sub3A_318 = arith.constant 1.280000e+02 : f32
    %sub3A_319 = arith.subf %sub3A_318, %convert_element_type3A_317 : f32
    %reduce_sum3A_320 = arith.constant dense<0.000000e+00> : vector<400xf32>
    %reduce_sum3A_321 = vector.multi_reduction <add>, %square3A_316, %reduce_sum3A_320 [1] : vector<400x128xf32> to vector<400xf32>
    %broadcast_in_dim3A_322 = vector.shape_cast %reduce_sum3A_321 : vector<400xf32> to vector<400x1xf32>
    %div3A_323 = vector.broadcast %sub3A_319 : f32 to vector<400x1xf32>
    %div3A_324 = arith.divf %broadcast_in_dim3A_322, %div3A_323 : vector<400x1xf32>
    %gt3A_325 = arith.constant 0.000000e+00 : f32
    %gt3A_326 = arith.cmpf ogt, %sub3A_319, %gt3A_325 : f32
    %jit3A_327 = arith.constant 0x7FC00000 : f32
    %broadcast_in_dim3A_328 = vector.broadcast %jit3A_327 : f32 to vector<400x1xf32>
    %select_n3A_329 = arith.select %gt3A_326, %div3A_324, %broadcast_in_dim3A_328 : vector<400x1xf32>
    %sub3A_330 = vector.broadcast %div3A_306 : vector<400x1xf32> to vector<400x128xf32>
    %sub3A_331 = arith.subf %add3A_300, %sub3A_330 : vector<400x128xf32>
    %add3A_332 = arith.constant 9.99999974E-6 : f32
    %add3A_333 = vector.broadcast %add3A_332 : f32 to vector<400x1xf32>
    %add3A_334 = arith.addf %select_n3A_329, %add3A_333 : vector<400x1xf32>
    %sqrt3A_335 = math.sqrt %add3A_334 : vector<400x1xf32>
    %div3A_336 = vector.broadcast %sqrt3A_335 : vector<400x1xf32> to vector<400x128xf32>
    %div3A_337 = arith.divf %sub3A_331, %div3A_336 : vector<400x128xf32>
    %mul3A_338 = vector.broadcast %get3A_225 : vector<1x128xf32> to vector<400x128xf32>
    %mul3A_339 = arith.mulf %div3A_337, %mul3A_338 : vector<400x128xf32>
    %add3A_340 = vector.broadcast %get3A_228 : vector<1x128xf32> to vector<400x128xf32>
    %add3A_341 = arith.addf %mul3A_339, %add3A_340 : vector<400x128xf32>
    %mul3A_342 = vector.broadcast %get3A_231 : vector<400x1xf32> to vector<400x128xf32>
    %mul3A_343 = arith.mulf %add3A_341, %mul3A_342 : vector<400x128xf32>
    %swap3A_344 = arith.constant 0 : index
    %swap3A_345 = arith.constant 0 : index
    %swap3A_346 = vector.load %arg32[%swap3A_344, %swap3A_345] : memref<400x128xf32, #tpu.memory_space<vmem>>, vector<400x128xf32>
    tpu.vector_store %arg32[%swap3A_344, %swap3A_345], %mul3A_343 {strides = array<i32>} : memref<400x128xf32, #tpu.memory_space<vmem>>, vector<400x128xf32>,
    return
  }
  func.func @transform_0(%arg0: i32) -> (i32, i32) {
    %c0_i32 = arith.constant 0 : i32
    %c0_i32_0 = arith.constant 0 : i32
    return %arg0, %c0_i32 : i32, i32
  }
  func.func @transform_1(%arg0: i32) -> (i32, i32) {
    %c0_i32 = arith.constant 0 : i32
    %c0_i32_0 = arith.constant 0 : i32
    return %arg0, %c0_i32 : i32, i32
  }
  func.func @transform_2(%arg0: i32) -> (i32, i32) {
    %c0_i32 = arith.constant 0 : i32
    %c0_i32_0 = arith.constant 0 : i32
    return %arg0, %c0_i32 : i32, i32
  }
  func.func @transform_3(%arg0: i32) -> (i32, i32) {
    %c0_i32 = arith.constant 0 : i32
    %c0_i32_0 = arith.constant 0 : i32
    return %arg0, %c0_i32 : i32, i32
  }
  func.func @transform_4(%arg0: i32) -> (i32, i32) {
    %c0_i32 = arith.constant 0 : i32
    %c0_i32_0 = arith.constant 0 : i32
    %c0_i32_1 = arith.constant 0 : i32
    return %c0_i32, %c0_i32_0 : i32, i32
  }
  func.func @transform_5(%arg0: i32) -> (i32, i32) {
    %c0_i32 = arith.constant 0 : i32
    %c0_i32_0 = arith.constant 0 : i32
    %c0_i32_1 = arith.constant 0 : i32
    return %c0_i32, %c0_i32_0 : i32, i32
  }
  func.func @transform_6(%arg0: i32) -> (i32, i32) {
    %c0_i32 = arith.constant 0 : i32
    %c0_i32_0 = arith.constant 0 : i32
    %c0_i32_1 = arith.constant 0 : i32
    return %c0_i32, %c0_i32_0 : i32, i32
  }
  func.func @transform_7(%arg0: i32) -> (i32, i32) {
    %c0_i32 = arith.constant 0 : i32
    %c0_i32_0 = arith.constant 0 : i32
    %c0_i32_1 = arith.constant 0 : i32
    return %c0_i32, %c0_i32_0 : i32, i32
  }
  func.func @transform_8(%arg0: i32) -> (i32, i32) {
    %c0_i32 = arith.constant 0 : i32
    %c0_i32_0 = arith.constant 0 : i32
    %c0_i32_1 = arith.constant 0 : i32
    return %c0_i32, %c0_i32_0 : i32, i32
  }
  func.func @transform_9(%arg0: i32) -> (i32, i32) {
    %c0_i32 = arith.constant 0 : i32
    %c0_i32_0 = arith.constant 0 : i32
    %c0_i32_1 = arith.constant 0 : i32
    return %c0_i32, %c0_i32_0 : i32, i32
  }
  func.func @transform_10(%arg0: i32) -> (i32, i32) {
    %c0_i32 = arith.constant 0 : i32
    %c0_i32_0 = arith.constant 0 : i32
    %c0_i32_1 = arith.constant 0 : i32
    return %c0_i32, %c0_i32_0 : i32, i32
  }
  func.func @transform_11(%arg0: i32) -> (i32, i32) {
    %c0_i32 = arith.constant 0 : i32
    %c0_i32_0 = arith.constant 0 : i32
    %c0_i32_1 = arith.constant 0 : i32
    return %c0_i32, %c0_i32_0 : i32, i32
  }
  func.func @transform_12(%arg0: i32) -> (i32, i32) {
    %c0_i32 = arith.constant 0 : i32
    %c0_i32_0 = arith.constant 0 : i32
    %c0_i32_1 = arith.constant 0 : i32
    return %c0_i32, %c0_i32_0 : i32, i32
  }
  func.func @transform_13(%arg0: i32) -> (i32, i32) {
    %c0_i32 = arith.constant 0 : i32
    %c0_i32_0 = arith.constant 0 : i32
    %c0_i32_1 = arith.constant 0 : i32
    return %c0_i32, %c0_i32_0 : i32, i32
  }
  func.func @transform_14(%arg0: i32) -> (i32, i32) {
    %c0_i32 = arith.constant 0 : i32
    %c0_i32_0 = arith.constant 0 : i32
    %c0_i32_1 = arith.constant 0 : i32
    return %c0_i32, %c0_i32_0 : i32, i32
  }
  func.func @transform_15(%arg0: i32) -> (i32, i32) {
    %c0_i32 = arith.constant 0 : i32
    %c0_i32_0 = arith.constant 0 : i32
    %c0_i32_1 = arith.constant 0 : i32
    return %c0_i32, %c0_i32_0 : i32, i32
  }
  func.func @transform_16(%arg0: i32) -> (i32, i32) {
    %c0_i32 = arith.constant 0 : i32
    %c0_i32_0 = arith.constant 0 : i32
    %c0_i32_1 = arith.constant 0 : i32
    return %c0_i32, %c0_i32_0 : i32, i32
  }
  func.func @transform_17(%arg0: i32) -> (i32, i32) {
    %c0_i32 = arith.constant 0 : i32
    %c0_i32_0 = arith.constant 0 : i32
    %c0_i32_1 = arith.constant 0 : i32
    return %c0_i32, %c0_i32_0 : i32, i32
  }
  func.func @transform_18(%arg0: i32) -> (i32, i32) {
    %c0_i32 = arith.constant 0 : i32
    %c0_i32_0 = arith.constant 0 : i32
    %c0_i32_1 = arith.constant 0 : i32
    return %c0_i32, %c0_i32_0 : i32, i32
  }
  func.func @transform_19(%arg0: i32) -> (i32, i32) {
    %c0_i32 = arith.constant 0 : i32
    %c0_i32_0 = arith.constant 0 : i32
    %c0_i32_1 = arith.constant 0 : i32
    return %c0_i32, %c0_i32_0 : i32, i32
  }
  func.func @transform_20(%arg0: i32) -> (i32, i32) {
    %c0_i32 = arith.constant 0 : i32
    %c0_i32_0 = arith.constant 0 : i32
    %c0_i32_1 = arith.constant 0 : i32
    return %c0_i32, %c0_i32_0 : i32, i32
  }
  func.func @transform_21(%arg0: i32) -> (i32, i32) {
    %c0_i32 = arith.constant 0 : i32
    %c0_i32_0 = arith.constant 0 : i32
    %c0_i32_1 = arith.constant 0 : i32
    return %c0_i32, %c0_i32_0 : i32, i32
  }
  func.func @transform_22(%arg0: i32) -> (i32, i32) {
    %c0_i32 = arith.constant 0 : i32
    %c0_i32_0 = arith.constant 0 : i32
    %c0_i32_1 = arith.constant 0 : i32
    return %c0_i32, %c0_i32_0 : i32, i32
  }
  func.func @transform_23(%arg0: i32) -> (i32, i32) {
    %c0_i32 = arith.constant 0 : i32
    %c0_i32_0 = arith.constant 0 : i32
    %c0_i32_1 = arith.constant 0 : i32
    return %c0_i32, %c0_i32_0 : i32, i32
  }
  func.func @transform_24(%arg0: i32) -> (i32, i32) {
    %c0_i32 = arith.constant 0 : i32
    %c0_i32_0 = arith.constant 0 : i32
    %c0_i32_1 = arith.constant 0 : i32
    return %c0_i32, %c0_i32_0 : i32, i32
  }
  func.func @transform_25(%arg0: i32) -> (i32, i32) {
    %c0_i32 = arith.constant 0 : i32
    %c0_i32_0 = arith.constant 0 : i32
    %c0_i32_1 = arith.constant 0 : i32
    return %c0_i32, %c0_i32_0 : i32, i32
  }
  func.func @transform_26(%arg0: i32) -> (i32, i32) {
    %c0_i32 = arith.constant 0 : i32
    %c0_i32_0 = arith.constant 0 : i32
    %c0_i32_1 = arith.constant 0 : i32
    return %c0_i32, %c0_i32_0 : i32, i32
  }
  func.func @transform_27(%arg0: i32) -> (i32, i32) {
    %c0_i32 = arith.constant 0 : i32
    %c0_i32_0 = arith.constant 0 : i32
    %c0_i32_1 = arith.constant 0 : i32
    return %c0_i32, %c0_i32_0 : i32, i32
  }
  func.func @transform_28(%arg0: i32) -> (i32, i32) {
    %c0_i32 = arith.constant 0 : i32
    %c0_i32_0 = arith.constant 0 : i32
    %c0_i32_1 = arith.constant 0 : i32
    return %c0_i32, %c0_i32_0 : i32, i32
  }
  func.func @transform_29(%arg0: i32) -> (i32, i32) {
    %c0_i32 = arith.constant 0 : i32
    %c0_i32_0 = arith.constant 0 : i32
    %c0_i32_1 = arith.constant 0 : i32
    return %c0_i32, %c0_i32_0 : i32, i32
  }
  func.func @transform_30(%arg0: i32) -> (i32, i32) {
    %c0_i32 = arith.constant 0 : i32
    %c0_i32_0 = arith.constant 0 : i32
    return %arg0, %c0_i32 : i32, i32
  }
  func.func @transform_31(%arg0: i32) -> (i32, i32) {
    %c0_i32 = arith.constant 0 : i32
    %c0_i32_0 = arith.constant 0 : i32
    return %arg0, %c0_i32 : i32, i32
  }
}

module attributes {stable_mosaic.version = 14 : i64} {
  func.func @_fused_body(%arg0: i32, %arg1: memref<6400x128xf32, #tpu.memory_space<vmem>>, %arg2: memref<6400x128xf32, #tpu.memory_space<vmem>>, %arg3: memref<400x128xf32, #tpu.memory_space<vmem>>, %arg4: memref<400x1xf32, #tpu.memory_space<vmem>>, %arg5: memref<128x128xf32, #tpu.memory_space<vmem>>, %arg6: memref<128x128xf32, #tpu.memory_space<vmem>>, %arg7: memref<128x128xf32, #tpu.memory_space<vmem>>, %arg8: memref<1x128xf32, #tpu.memory_space<vmem>>, %arg9: memref<128x128xf32, #tpu.memory_space<vmem>>, %arg10: memref<1x128xf32, #tpu.memory_space<vmem>>, %arg11: memref<128x128xf32, #tpu.memory_space<vmem>>, %arg12: memref<1x128xf32, #tpu.memory_space<vmem>>, %arg13: memref<1x128xf32, #tpu.memory_space<vmem>>, %arg14: memref<1x128xf32, #tpu.memory_space<vmem>>, %arg15: memref<128x128xf32, #tpu.memory_space<vmem>>, %arg16: memref<128x128xf32, #tpu.memory_space<vmem>>, %arg17: memref<128x128xf32, #tpu.memory_space<vmem>>, %arg18: memref<1x128xf32, #tpu.memory_space<vmem>>, %arg19: memref<128x128xf32, #tpu.memory_space<vmem>>, %arg20: memref<1x128xf32, #tpu.memory_space<vmem>>, %arg21: memref<128x128xf32, #tpu.memory_space<vmem>>, %arg22: memref<1x128xf32, #tpu.memory_space<vmem>>, %arg23: memref<1x128xf32, #tpu.memory_space<vmem>>, %arg24: memref<1x128xf32, #tpu.memory_space<vmem>>, %arg25: memref<128x128xf32, #tpu.memory_space<vmem>>, %arg26: memref<1x128xf32, #tpu.memory_space<vmem>>, %arg27: memref<128x128xf32, #tpu.memory_space<vmem>>, %arg28: memref<1x128xf32, #tpu.memory_space<vmem>>, %arg29: memref<1x128xf32, #tpu.memory_space<vmem>>, %arg30: memref<1x128xf32, #tpu.memory_space<vmem>>, %arg31: memref<6400x128xf32, #tpu.memory_space<vmem>>, %arg32: memref<400x128xf32, #tpu.memory_space<vmem>>) attributes {dimension_semantics = [#tpu.dimension_semantics<arbitrary>], iteration_bounds = array<i64: 25>, scalar_prefetch = 0 : i64, scratch_operands = 0 : i64, tpu.core_type = #tpu.core_type<tc>, window_params = [{transform_indices = @transform_0, window_bounds = array<i64: 6400, 128>}, {transform_indices = @transform_1, window_bounds = array<i64: 6400, 128>}, {transform_indices = @transform_2, window_bounds = array<i64: 400, 128>}, {transform_indices = @transform_3, window_bounds = array<i64: 400, 1>}, {pipeline_mode = #tpu.pipeline_mode<synchronous>, transform_indices = @transform_4, window_bounds = array<i64: 128, 128>}, {pipeline_mode = #tpu.pipeline_mode<synchronous>, transform_indices = @transform_5, window_bounds = array<i64: 128, 128>}, {pipeline_mode = #tpu.pipeline_mode<synchronous>, transform_indices = @transform_6, window_bounds = array<i64: 128, 128>}, {pipeline_mode = #tpu.pipeline_mode<synchronous>, transform_indices = @transform_7, window_bounds = array<i64: 1, 128>}, {pipeline_mode = #tpu.pipeline_mode<synchronous>, transform_indices = @transform_8, window_bounds = array<i64: 128, 128>}, {pipeline_mode = #tpu.pipeline_mode<synchronous>, transform_indices = @transform_9, window_bounds = array<i64: 1, 128>}, {pipeline_mode = #tpu.pipeline_mode<synchronous>, transform_indices = @transform_10, window_bounds = array<i64: 128, 128>}, {pipeline_mode = #tpu.pipeline_mode<synchronous>, transform_indices = @transform_11, window_bounds = array<i64: 1, 128>}, {pipeline_mode = #tpu.pipeline_mode<synchronous>, transform_indices = @transform_12, window_bounds = array<i64: 1, 128>}, {pipeline_mode = #tpu.pipeline_mode<synchronous>, transform_indices = @transform_13, window_bounds = array<i64: 1, 128>}, {pipeline_mode = #tpu.pipeline_mode<synchronous>, transform_indices = @transform_14, window_bounds = array<i64: 128, 128>}, {pipeline_mode = #tpu.pipeline_mode<synchronous>, transform_indices = @transform_15, window_bounds = array<i64: 128, 128>}, {pipeline_mode = #tpu.pipeline_mode<synchronous>, transform_indices = @transform_16, window_bounds = array<i64: 128, 128>}, {pipeline_mode = #tpu.pipeline_mode<synchronous>, transform_indices = @transform_17, window_bounds = array<i64: 1, 128>}, {pipeline_mode = #tpu.pipeline_mode<synchronous>, transform_indices = @transform_18, window_bounds = array<i64: 128, 128>}, {pipeline_mode = #tpu.pipeline_mode<synchronous>, transform_indices = @transform_19, window_bounds = array<i64: 1, 128>}, {pipeline_mode = #tpu.pipeline_mode<synchronous>, transform_indices = @transform_20, window_bounds = array<i64: 128, 128>}, {pipeline_mode = #tpu.pipeline_mode<synchronous>, transform_indices = @transform_21, window_bounds = array<i64: 1, 128>}, {pipeline_mode = #tpu.pipeline_mode<synchronous>, transform_indices = @transform_22, window_bounds = array<i64: 1, 128>}, {pipeline_mode = #tpu.pipeline_mode<synchronous>, transform_indices = @transform_23, window_bounds = array<i64: 1, 128>}, {pipeline_mode = #tpu.pipeline_mode<synchronous>, transform_indices = @transform_24, window_bounds = array<i64: 128, 128>}, {pipeline_mode = #tpu.pipeline_mode<synchronous>, transform_indices = @transform_25, window_bounds = array<i64: 1, 128>}, {pipeline_mode = #tpu.pipeline_mode<synchronous>, transform_indices = @transform_26, window_bounds = array<i64: 128, 128>}, {pipeline_mode = #tpu.pipeline_mode<synchronous>, transform_indices = @transform_27, window_bounds = array<i64: 1, 128>}, {pipeline_mode = #tpu.pipeline_mode<synchronous>, transform_indices = @transform_28, window_bounds = array<i64: 1, 128>}, {pipeline_mode = #tpu.pipeline_mode<synchronous>, transform_indices = @transform_29, window_bounds = array<i64: 1, 128>}, {transform_indices = @transform_30, window_bounds = array<i64: 6400, 128>}, {transform_indices = @transform_31, window_bounds = array<i64: 400, 128>}]} {
    %get3A = arith.constant 0 : index
    %get3A_0 = arith.constant 0 : index
    %get3A_1 = vector.load %arg1[%get3A, %get3A_0] : memref<6400x128xf32, #tpu.memory_space<vmem>>, vector<6400x128xf32>
    %get3A_2 = arith.constant 0 : index
    %get3A_3 = arith.constant 0 : index
    %get3A_4 = vector.load %arg2[%get3A_2, %get3A_3] : memref<6400x128xf32, #tpu.memory_space<vmem>>, vector<6400x128xf32>
    %get3A_5 = arith.constant 0 : index
    %get3A_6 = arith.constant 0 : index
    %get3A_7 = vector.load %arg3[%get3A_5, %get3A_6] : memref<400x128xf32, #tpu.memory_space<vmem>>, vector<400x128xf32>
    %get3A_8 = arith.constant 0 : index
    %get3A_9 = arith.constant 0 : index
    %get3A_10 = vector.load %arg5[%get3A_8, %get3A_9] : memref<128x128xf32, #tpu.memory_space<vmem>>, vector<128x128xf32>
    %get3A_11 = arith.constant 0 : index
    %get3A_12 = arith.constant 0 : index
    %get3A_13 = vector.load %arg6[%get3A_11, %get3A_12] : memref<128x128xf32, #tpu.memory_space<vmem>>, vector<128x128xf32>
    %get3A_14 = arith.constant 0 : index
    %get3A_15 = arith.constant 0 : index
    %get3A_16 = vector.load %arg7[%get3A_14, %get3A_15] : memref<128x128xf32, #tpu.memory_space<vmem>>, vector<128x128xf32>
    %get3A_17 = arith.constant 0 : index
    %get3A_18 = arith.constant 0 : index
    %get3A_19 = vector.load %arg8[%get3A_17, %get3A_18] : memref<1x128xf32, #tpu.memory_space<vmem>>, vector<1x128xf32>
    %get3A_20 = arith.constant 0 : index
    %get3A_21 = arith.constant 0 : index
    %get3A_22 = vector.load %arg9[%get3A_20, %get3A_21] : memref<128x128xf32, #tpu.memory_space<vmem>>, vector<128x128xf32>
    %get3A_23 = arith.constant 0 : index
    %get3A_24 = arith.constant 0 : index
    %get3A_25 = vector.load %arg10[%get3A_23, %get3A_24] : memref<1x128xf32, #tpu.memory_space<vmem>>, vector<1x128xf32>
    %convert_element_type3A = arith.truncf %get3A_7 : vector<400x128xf32> to vector<400x128xbf16>
    %convert_element_type3A_26 = arith.truncf %get3A_10 : vector<128x128xf32> to vector<128x128xbf16>
    %dot_general3A = arith.constant dense<0.000000e+00> : vector<400x128xf32>
    %dot_general3A_27 = tpu.matmul %convert_element_type3A, %convert_element_type3A_26, %dot_general3A {dimension_numbers = #tpu.dot_dimension_numbers<[1], [0], [0], [1], [0, 0, 1, 1], [], []>, transpose_lhs_hint = false} : vector<400x128xbf16>, vector<128x128xbf16>, vector<400x128xf32> -> vector<400x128xf32>
    %broadcast_in_dim3A = vector.shape_cast %dot_general3A_27 : vector<400x128xf32> to vector<400x1x128xf32>
    %broadcast_in_dim3A_28 = vector.shape_cast %broadcast_in_dim3A : vector<400x1x128xf32> to vector<400x1x128xf32>
    %broadcast_in_dim3A_29 = vector.broadcast %broadcast_in_dim3A_28 : vector<400x1x128xf32> to vector<400x16x128xf32>
    %reshape3A = vector.shape_cast %broadcast_in_dim3A_29 : vector<400x16x128xf32> to vector<6400x128xf32>
    %convert_element_type3A_30 = arith.truncf %get3A_1 : vector<6400x128xf32> to vector<6400x128xbf16>
    %convert_element_type3A_31 = arith.truncf %get3A_13 : vector<128x128xf32> to vector<128x128xbf16>
    %dot_general3A_32 = arith.constant dense<0.000000e+00> : vector<6400x128xf32>
    %dot_general3A_33 = tpu.matmul %convert_element_type3A_30, %convert_element_type3A_31, %dot_general3A_32 {dimension_numbers = #tpu.dot_dimension_numbers<[1], [0], [0], [1], [0, 0, 1, 1], [], []>, transpose_lhs_hint = false} : vector<6400x128xbf16>, vector<128x128xbf16>, vector<6400x128xf32> -> vector<6400x128xf32>
    %add3A = arith.addf %reshape3A, %dot_general3A_33 : vector<6400x128xf32>
    %convert_element_type3A_34 = arith.truncf %get3A_4 : vector<6400x128xf32> to vector<6400x128xbf16>
    %convert_element_type3A_35 = arith.truncf %get3A_16 : vector<128x128xf32> to vector<128x128xbf16>
    %dot_general3A_36 = arith.constant dense<0.000000e+00> : vector<6400x128xf32>
    %dot_general3A_37 = tpu.matmul %convert_element_type3A_34, %convert_element_type3A_35, %dot_general3A_36 {dimension_numbers = #tpu.dot_dimension_numbers<[1], [0], [0], [1], [0, 0, 1, 1], [], []>, transpose_lhs_hint = false} : vector<6400x128xbf16>, vector<128x128xbf16>, vector<6400x128xf32> -> vector<6400x128xf32>
    %add3A_38 = arith.addf %add3A, %dot_general3A_37 : vector<6400x128xf32>
    %add3A_39 = vector.broadcast %get3A_19 : vector<1x128xf32> to vector<6400x128xf32>
    %add3A_40 = arith.addf %add3A_38, %add3A_39 : vector<6400x128xf32>
    %mul3A = arith.constant 0.707106769 : f32
    %mul3A_41 = vector.broadcast %mul3A : f32 to vector<6400x128xf32>
    %mul3A_42 = arith.mulf %add3A_40, %mul3A_41 : vector<6400x128xf32>
    %erf3A = math.erf %mul3A_42 : vector<6400x128xf32>
    %mul3A_43 = arith.constant 5.000000e-01 : f32
    %mul3A_44 = vector.broadcast %mul3A_43 : f32 to vector<6400x128xf32>
    %mul3A_45 = arith.mulf %erf3A, %mul3A_44 : vector<6400x128xf32>
    %add3A_46 = arith.constant 5.000000e-01 : f32
    %add3A_47 = vector.broadcast %add3A_46 : f32 to vector<6400x128xf32>
    %add3A_48 = arith.addf %mul3A_45, %add3A_47 : vector<6400x128xf32>
    %mul3A_49 = arith.mulf %add3A_40, %add3A_48 : vector<6400x128xf32>
    %convert_element_type3A_50 = arith.truncf %mul3A_49 : vector<6400x128xf32> to vector<6400x128xbf16>
    %convert_element_type3A_51 = arith.truncf %get3A_22 : vector<128x128xf32> to vector<128x128xbf16>
    %dot_general3A_52 = arith.constant dense<0.000000e+00> : vector<6400x128xf32>
    %dot_general3A_53 = tpu.matmul %convert_element_type3A_50, %convert_element_type3A_51, %dot_general3A_52 {dimension_numbers = #tpu.dot_dimension_numbers<[1], [0], [0], [1], [0, 0, 1, 1], [], []>, transpose_lhs_hint = false} : vector<6400x128xbf16>, vector<128x128xbf16>, vector<6400x128xf32> -> vector<6400x128xf32>
    %add3A_54 = vector.broadcast %get3A_25 : vector<1x128xf32> to vector<6400x128xf32>
    %add3A_55 = arith.addf %dot_general3A_53, %add3A_54 : vector<6400x128xf32>
    %mul3A_56 = arith.constant 0.707106769 : f32
    %mul3A_57 = vector.broadcast %mul3A_56 : f32 to vector<6400x128xf32>
    %mul3A_58 = arith.mulf %add3A_55, %mul3A_57 : vector<6400x128xf32>
    %erf3A_59 = math.erf %mul3A_58 : vector<6400x128xf32>
    %mul3A_60 = arith.constant 5.000000e-01 : f32
    %mul3A_61 = vector.broadcast %mul3A_60 : f32 to vector<6400x128xf32>
    %mul3A_62 = arith.mulf %erf3A_59, %mul3A_61 : vector<6400x128xf32>
    %add3A_63 = arith.constant 5.000000e-01 : f32
    %add3A_64 = vector.broadcast %add3A_63 : f32 to vector<6400x128xf32>
    %add3A_65 = arith.addf %mul3A_62, %add3A_64 : vector<6400x128xf32>
    %mul3A_66 = arith.mulf %add3A_55, %add3A_65 : vector<6400x128xf32>
    %get3A_67 = arith.constant 0 : index
    %get3A_68 = arith.constant 0 : index
    %get3A_69 = vector.load %arg11[%get3A_67, %get3A_68] : memref<128x128xf32, #tpu.memory_space<vmem>>, vector<128x128xf32>
    %convert_element_type3A_70 = arith.truncf %mul3A_66 : vector<6400x128xf32> to vector<6400x128xbf16>
    %convert_element_type3A_71 = arith.truncf %get3A_69 : vector<128x128xf32> to vector<128x128xbf16>
    %dot_general3A_72 = arith.constant dense<0.000000e+00> : vector<6400x128xf32>
    %dot_general3A_73 = tpu.matmul %convert_element_type3A_70, %convert_element_type3A_71, %dot_general3A_72 {dimension_numbers = #tpu.dot_dimension_numbers<[1], [0], [0], [1], [0, 0, 1, 1], [], []>, transpose_lhs_hint = false} : vector<6400x128xbf16>, vector<128x128xbf16>, vector<6400x128xf32> -> vector<6400x128xf32>
    %get3A_74 = arith.constant 0 : index
    %get3A_75 = arith.constant 0 : index
    %get3A_76 = vector.load %arg12[%get3A_74, %get3A_75] : memref<1x128xf32, #tpu.memory_space<vmem>>, vector<1x128xf32>
    %add3A_77 = vector.broadcast %get3A_76 : vector<1x128xf32> to vector<6400x128xf32>
    %add3A_78 = arith.addf %dot_general3A_73, %add3A_77 : vector<6400x128xf32>
    %add3A_79 = arith.addf %get3A_1, %add3A_78 : vector<6400x128xf32>
    %get3A_80 = arith.constant 0 : index
    %get3A_81 = arith.constant 0 : index
    %get3A_82 = vector.load %arg13[%get3A_80, %get3A_81] : memref<1x128xf32, #tpu.memory_space<vmem>>, vector<1x128xf32>
    %get3A_83 = arith.constant 0 : index
    %get3A_84 = arith.constant 0 : index
    %get3A_85 = vector.load %arg14[%get3A_83, %get3A_84] : memref<1x128xf32, #tpu.memory_space<vmem>>, vector<1x128xf32>
    %reduce_sum3A = arith.constant dense<0.000000e+00> : vector<6400xf32>
    %reduce_sum3A_86 = vector.multi_reduction <add>, %add3A_79, %reduce_sum3A [1] : vector<6400x128xf32> to vector<6400xf32>
    %broadcast_in_dim3A_87 = vector.shape_cast %reduce_sum3A_86 : vector<6400xf32> to vector<6400x1xf32>
    %div3A = arith.constant 1.280000e+02 : f32
    %div3A_88 = vector.broadcast %div3A : f32 to vector<6400x1xf32>
    %div3A_89 = arith.divf %broadcast_in_dim3A_87, %div3A_88 : vector<6400x1xf32>
    %jit3A = arith.constant 0 : i32
    %reduce_sum3A_90 = arith.constant dense<0.000000e+00> : vector<6400xf32>
    %reduce_sum3A_91 = vector.multi_reduction <add>, %add3A_79, %reduce_sum3A_90 [1] : vector<6400x128xf32> to vector<6400xf32>
    %broadcast_in_dim3A_92 = vector.shape_cast %reduce_sum3A_91 : vector<6400xf32> to vector<6400x1xf32>
    %div3A_93 = arith.constant 1.280000e+02 : f32
    %div3A_94 = vector.broadcast %div3A_93 : f32 to vector<6400x1xf32>
    %div3A_95 = arith.divf %broadcast_in_dim3A_92, %div3A_94 : vector<6400x1xf32>
    %sub3A = vector.broadcast %div3A_95 : vector<6400x1xf32> to vector<6400x128xf32>
    %sub3A_96 = arith.subf %add3A_79, %sub3A : vector<6400x128xf32>
    %square3A = arith.mulf %sub3A_96, %sub3A_96 : vector<6400x128xf32>
    %convert_element_type3A_97 = arith.sitofp %jit3A : i32 to f32
    %sub3A_98 = arith.constant 1.280000e+02 : f32
    %sub3A_99 = arith.subf %sub3A_98, %convert_element_type3A_97 : f32
    %reduce_sum3A_100 = arith.constant dense<0.000000e+00> : vector<6400xf32>
    %reduce_sum3A_101 = vector.multi_reduction <add>, %square3A, %reduce_sum3A_100 [1] : vector<6400x128xf32> to vector<6400xf32>
    %broadcast_in_dim3A_102 = vector.shape_cast %reduce_sum3A_101 : vector<6400xf32> to vector<6400x1xf32>
    %div3A_103 = vector.broadcast %sub3A_99 : f32 to vector<6400x1xf32>
    %div3A_104 = arith.divf %broadcast_in_dim3A_102, %div3A_103 : vector<6400x1xf32>
    %gt3A = arith.constant 0.000000e+00 : f32
    %gt3A_105 = arith.cmpf ogt, %sub3A_99, %gt3A : f32
    %jit3A_106 = arith.constant 0x7FC00000 : f32
    %broadcast_in_dim3A_107 = vector.broadcast %jit3A_106 : f32 to vector<6400x1xf32>
    %select_n3A = arith.select %gt3A_105, %div3A_104, %broadcast_in_dim3A_107 : vector<6400x1xf32>
    %sub3A_108 = vector.broadcast %div3A_89 : vector<6400x1xf32> to vector<6400x128xf32>
    %sub3A_109 = arith.subf %add3A_79, %sub3A_108 : vector<6400x128xf32>
    %add3A_110 = arith.constant 9.99999974E-6 : f32
    %add3A_111 = vector.broadcast %add3A_110 : f32 to vector<6400x1xf32>
    %add3A_112 = arith.addf %select_n3A, %add3A_111 : vector<6400x1xf32>
    %sqrt3A = math.sqrt %add3A_112 : vector<6400x1xf32>
    %div3A_113 = vector.broadcast %sqrt3A : vector<6400x1xf32> to vector<6400x128xf32>
    %div3A_114 = arith.divf %sub3A_109, %div3A_113 : vector<6400x128xf32>
    %mul3A_115 = vector.broadcast %get3A_82 : vector<1x128xf32> to vector<6400x128xf32>
    %mul3A_116 = arith.mulf %div3A_114, %mul3A_115 : vector<6400x128xf32>
    %add3A_117 = vector.broadcast %get3A_85 : vector<1x128xf32> to vector<6400x128xf32>
    %add3A_118 = arith.addf %mul3A_116, %add3A_117 : vector<6400x128xf32>
    %swap3A = arith.constant 0 : index
    %swap3A_119 = arith.constant 0 : index
    %swap3A_120 = vector.load %arg31[%swap3A, %swap3A_119] : memref<6400x128xf32, #tpu.memory_space<vmem>>, vector<6400x128xf32>
    tpu.vector_store %arg31[%swap3A, %swap3A_119], %add3A_118 {strides = array<i32>} : memref<6400x128xf32, #tpu.memory_space<vmem>>, vector<6400x128xf32>,
    %get3A_121 = arith.constant 0 : index
    %get3A_122 = arith.constant 0 : index
    %get3A_123 = vector.load %arg15[%get3A_121, %get3A_122] : memref<128x128xf32, #tpu.memory_space<vmem>>, vector<128x128xf32>
    %get3A_124 = arith.constant 0 : index
    %get3A_125 = arith.constant 0 : index
    %get3A_126 = vector.load %arg16[%get3A_124, %get3A_125] : memref<128x128xf32, #tpu.memory_space<vmem>>, vector<128x128xf32>
    %get3A_127 = arith.constant 0 : index
    %get3A_128 = arith.constant 0 : index
    %get3A_129 = vector.load %arg17[%get3A_127, %get3A_128] : memref<128x128xf32, #tpu.memory_space<vmem>>, vector<128x128xf32>
    %get3A_130 = arith.constant 0 : index
    %get3A_131 = arith.constant 0 : index
    %get3A_132 = vector.load %arg18[%get3A_130, %get3A_131] : memref<1x128xf32, #tpu.memory_space<vmem>>, vector<1x128xf32>
    %get3A_133 = arith.constant 0 : index
    %get3A_134 = arith.constant 0 : index
    %get3A_135 = vector.load %arg19[%get3A_133, %get3A_134] : memref<128x128xf32, #tpu.memory_space<vmem>>, vector<128x128xf32>
    %get3A_136 = arith.constant 0 : index
    %get3A_137 = arith.constant 0 : index
    %get3A_138 = vector.load %arg20[%get3A_136, %get3A_137] : memref<1x128xf32, #tpu.memory_space<vmem>>, vector<1x128xf32>
    %convert_element_type3A_139 = arith.truncf %get3A_7 : vector<400x128xf32> to vector<400x128xbf16>
    %convert_element_type3A_140 = arith.truncf %get3A_123 : vector<128x128xf32> to vector<128x128xbf16>
    %dot_general3A_141 = arith.constant dense<0.000000e+00> : vector<400x128xf32>
    %dot_general3A_142 = tpu.matmul %convert_element_type3A_139, %convert_element_type3A_140, %dot_general3A_141 {dimension_numbers = #tpu.dot_dimension_numbers<[1], [0], [0], [1], [0, 0, 1, 1], [], []>, transpose_lhs_hint = false} : vector<400x128xbf16>, vector<128x128xbf16>, vector<400x128xf32> -> vector<400x128xf32>
    %broadcast_in_dim3A_143 = vector.shape_cast %dot_general3A_142 : vector<400x128xf32> to vector<400x1x128xf32>
    %broadcast_in_dim3A_144 = vector.shape_cast %broadcast_in_dim3A_143 : vector<400x1x128xf32> to vector<400x1x128xf32>
    %broadcast_in_dim3A_145 = vector.broadcast %broadcast_in_dim3A_144 : vector<400x1x128xf32> to vector<400x16x128xf32>
    %reshape3A_146 = vector.shape_cast %broadcast_in_dim3A_145 : vector<400x16x128xf32> to vector<6400x128xf32>
    %convert_element_type3A_147 = arith.truncf %add3A_118 : vector<6400x128xf32> to vector<6400x128xbf16>
    %convert_element_type3A_148 = arith.truncf %get3A_126 : vector<128x128xf32> to vector<128x128xbf16>
    %dot_general3A_149 = arith.constant dense<0.000000e+00> : vector<6400x128xf32>
    %dot_general3A_150 = tpu.matmul %convert_element_type3A_147, %convert_element_type3A_148, %dot_general3A_149 {dimension_numbers = #tpu.dot_dimension_numbers<[1], [0], [0], [1], [0, 0, 1, 1], [], []>, transpose_lhs_hint = false} : vector<6400x128xbf16>, vector<128x128xbf16>, vector<6400x128xf32> -> vector<6400x128xf32>
    %add3A_151 = arith.addf %reshape3A_146, %dot_general3A_150 : vector<6400x128xf32>
    %convert_element_type3A_152 = arith.truncf %get3A_4 : vector<6400x128xf32> to vector<6400x128xbf16>
    %convert_element_type3A_153 = arith.truncf %get3A_129 : vector<128x128xf32> to vector<128x128xbf16>
    %dot_general3A_154 = arith.constant dense<0.000000e+00> : vector<6400x128xf32>
    %dot_general3A_155 = tpu.matmul %convert_element_type3A_152, %convert_element_type3A_153, %dot_general3A_154 {dimension_numbers = #tpu.dot_dimension_numbers<[1], [0], [0], [1], [0, 0, 1, 1], [], []>, transpose_lhs_hint = false} : vector<6400x128xbf16>, vector<128x128xbf16>, vector<6400x128xf32> -> vector<6400x128xf32>
    %add3A_156 = arith.addf %add3A_151, %dot_general3A_155 : vector<6400x128xf32>
    %add3A_157 = vector.broadcast %get3A_132 : vector<1x128xf32> to vector<6400x128xf32>
    %add3A_158 = arith.addf %add3A_156, %add3A_157 : vector<6400x128xf32>
    %mul3A_159 = arith.constant 0.707106769 : f32
    %mul3A_160 = vector.broadcast %mul3A_159 : f32 to vector<6400x128xf32>
    %mul3A_161 = arith.mulf %add3A_158, %mul3A_160 : vector<6400x128xf32>
    %erf3A_162 = math.erf %mul3A_161 : vector<6400x128xf32>
    %mul3A_163 = arith.constant 5.000000e-01 : f32
    %mul3A_164 = vector.broadcast %mul3A_163 : f32 to vector<6400x128xf32>
    %mul3A_165 = arith.mulf %erf3A_162, %mul3A_164 : vector<6400x128xf32>
    %add3A_166 = arith.constant 5.000000e-01 : f32
    %add3A_167 = vector.broadcast %add3A_166 : f32 to vector<6400x128xf32>
    %add3A_168 = arith.addf %mul3A_165, %add3A_167 : vector<6400x128xf32>
    %mul3A_169 = arith.mulf %add3A_158, %add3A_168 : vector<6400x128xf32>
    %convert_element_type3A_170 = arith.truncf %mul3A_169 : vector<6400x128xf32> to vector<6400x128xbf16>
    %convert_element_type3A_171 = arith.truncf %get3A_135 : vector<128x128xf32> to vector<128x128xbf16>
    %dot_general3A_172 = arith.constant dense<0.000000e+00> : vector<6400x128xf32>
    %dot_general3A_173 = tpu.matmul %convert_element_type3A_170, %convert_element_type3A_171, %dot_general3A_172 {dimension_numbers = #tpu.dot_dimension_numbers<[1], [0], [0], [1], [0, 0, 1, 1], [], []>, transpose_lhs_hint = false} : vector<6400x128xbf16>, vector<128x128xbf16>, vector<6400x128xf32> -> vector<6400x128xf32>
    %add3A_174 = vector.broadcast %get3A_138 : vector<1x128xf32> to vector<6400x128xf32>
    %add3A_175 = arith.addf %dot_general3A_173, %add3A_174 : vector<6400x128xf32>
    %mul3A_176 = arith.constant 0.707106769 : f32
    %mul3A_177 = vector.broadcast %mul3A_176 : f32 to vector<6400x128xf32>
    %mul3A_178 = arith.mulf %add3A_175, %mul3A_177 : vector<6400x128xf32>
    %erf3A_179 = math.erf %mul3A_178 : vector<6400x128xf32>
    %mul3A_180 = arith.constant 5.000000e-01 : f32
    %mul3A_181 = vector.broadcast %mul3A_180 : f32 to vector<6400x128xf32>
    %mul3A_182 = arith.mulf %erf3A_179, %mul3A_181 : vector<6400x128xf32>
    %add3A_183 = arith.constant 5.000000e-01 : f32
    %add3A_184 = vector.broadcast %add3A_183 : f32 to vector<6400x128xf32>
    %add3A_185 = arith.addf %mul3A_182, %add3A_184 : vector<6400x128xf32>
    %mul3A_186 = arith.mulf %add3A_175, %add3A_185 : vector<6400x128xf32>
    %reshape3A_187 = vector.shape_cast %mul3A_186 : vector<6400x128xf32> to vector<400x16x128xf32>
    %reduce_sum3A_188 = arith.constant dense<0.000000e+00> : vector<400x128xf32>
    %reduce_sum3A_189 = vector.multi_reduction <add>, %reshape3A_187, %reduce_sum3A_188 [1] : vector<400x16x128xf32> to vector<400x128xf32>
    %get3A_190 = arith.constant 0 : index
    %get3A_191 = arith.constant 0 : index
    %get3A_192 = vector.load %arg21[%get3A_190, %get3A_191] : memref<128x128xf32, #tpu.memory_space<vmem>>, vector<128x128xf32>
    %convert_element_type3A_193 = arith.truncf %reduce_sum3A_189 : vector<400x128xf32> to vector<400x128xbf16>
    %convert_element_type3A_194 = arith.truncf %get3A_192 : vector<128x128xf32> to vector<128x128xbf16>
    %dot_general3A_195 = arith.constant dense<0.000000e+00> : vector<400x128xf32>
    %dot_general3A_196 = tpu.matmul %convert_element_type3A_193, %convert_element_type3A_194, %dot_general3A_195 {dimension_numbers = #tpu.dot_dimension_numbers<[1], [0], [0], [1], [0, 0, 1, 1], [], []>, transpose_lhs_hint = false} : vector<400x128xbf16>, vector<128x128xbf16>, vector<400x128xf32> -> vector<400x128xf32>
    %get3A_197 = arith.constant 0 : index
    %get3A_198 = arith.constant 0 : index
    %get3A_199 = vector.load %arg22[%get3A_197, %get3A_198] : memref<1x128xf32, #tpu.memory_space<vmem>>, vector<1x128xf32>
    %mul3A_200 = arith.constant 1.600000e+01 : f32
    %mul3A_201 = vector.broadcast %mul3A_200 : f32 to vector<1x128xf32>
    %mul3A_202 = arith.mulf %mul3A_201, %get3A_199 : vector<1x128xf32>
    %add3A_203 = vector.broadcast %mul3A_202 : vector<1x128xf32> to vector<400x128xf32>
    %add3A_204 = arith.addf %dot_general3A_196, %add3A_203 : vector<400x128xf32>
    %get3A_205 = arith.constant 0 : index
    %get3A_206 = arith.constant 0 : index
    %get3A_207 = vector.load %arg23[%get3A_205, %get3A_206] : memref<1x128xf32, #tpu.memory_space<vmem>>, vector<1x128xf32>
    %get3A_208 = arith.constant 0 : index
    %get3A_209 = arith.constant 0 : index
    %get3A_210 = vector.load %arg24[%get3A_208, %get3A_209] : memref<1x128xf32, #tpu.memory_space<vmem>>, vector<1x128xf32>
    %get3A_211 = arith.constant 0 : index
    %get3A_212 = arith.constant 0 : index
    %get3A_213 = vector.load %arg25[%get3A_211, %get3A_212] : memref<128x128xf32, #tpu.memory_space<vmem>>, vector<128x128xf32>
    %get3A_214 = arith.constant 0 : index
    %get3A_215 = arith.constant 0 : index
    %get3A_216 = vector.load %arg26[%get3A_214, %get3A_215] : memref<1x128xf32, #tpu.memory_space<vmem>>, vector<1x128xf32>
    %get3A_217 = arith.constant 0 : index
    %get3A_218 = arith.constant 0 : index
    %get3A_219 = vector.load %arg27[%get3A_217, %get3A_218] : memref<128x128xf32, #tpu.memory_space<vmem>>, vector<128x128xf32>
    %get3A_220 = arith.constant 0 : index
    %get3A_221 = arith.constant 0 : index
    %get3A_222 = vector.load %arg28[%get3A_220, %get3A_221] : memref<1x128xf32, #tpu.memory_space<vmem>>, vector<1x128xf32>
    %get3A_223 = arith.constant 0 : index
    %get3A_224 = arith.constant 0 : index
    %get3A_225 = vector.load %arg29[%get3A_223, %get3A_224] : memref<1x128xf32, #tpu.memory_space<vmem>>, vector<1x128xf32>
    %get3A_226 = arith.constant 0 : index
    %get3A_227 = arith.constant 0 : index
    %get3A_228 = vector.load %arg30[%get3A_226, %get3A_227] : memref<1x128xf32, #tpu.memory_space<vmem>>, vector<1x128xf32>
    %get3A_229 = arith.constant 0 : index
    %get3A_230 = arith.constant 0 : index
    %get3A_231 = vector.load %arg4[%get3A_229, %get3A_230] : memref<400x1xf32, #tpu.memory_space<vmem>>, vector<400x1xf32>
    %mul3A_232 = arith.constant 0.0333333351 : f32
    %mul3A_233 = vector.broadcast %mul3A_232 : f32 to vector<400x128xf32>
    %mul3A_234 = arith.mulf %add3A_204, %mul3A_233 : vector<400x128xf32>
    %add3A_235 = arith.addf %get3A_7, %mul3A_234 : vector<400x128xf32>
    %reduce_sum3A_236 = arith.constant dense<0.000000e+00> : vector<400xf32>
    %reduce_sum3A_237 = vector.multi_reduction <add>, %add3A_235, %reduce_sum3A_236 [1] : vector<400x128xf32> to vector<400xf32>
    %broadcast_in_dim3A_238 = vector.shape_cast %reduce_sum3A_237 : vector<400xf32> to vector<400x1xf32>
    %div3A_239 = arith.constant 1.280000e+02 : f32
    %div3A_240 = vector.broadcast %div3A_239 : f32 to vector<400x1xf32>
    %div3A_241 = arith.divf %broadcast_in_dim3A_238, %div3A_240 : vector<400x1xf32>
    %jit3A_242 = arith.constant 0 : i32
    %reduce_sum3A_243 = arith.constant dense<0.000000e+00> : vector<400xf32>
    %reduce_sum3A_244 = vector.multi_reduction <add>, %add3A_235, %reduce_sum3A_243 [1] : vector<400x128xf32> to vector<400xf32>
    %broadcast_in_dim3A_245 = vector.shape_cast %reduce_sum3A_244 : vector<400xf32> to vector<400x1xf32>
    %div3A_246 = arith.constant 1.280000e+02 : f32
    %div3A_247 = vector.broadcast %div3A_246 : f32 to vector<400x1xf32>
    %div3A_248 = arith.divf %broadcast_in_dim3A_245, %div3A_247 : vector<400x1xf32>
    %sub3A_249 = vector.broadcast %div3A_248 : vector<400x1xf32> to vector<400x128xf32>
    %sub3A_250 = arith.subf %add3A_235, %sub3A_249 : vector<400x128xf32>
    %square3A_251 = arith.mulf %sub3A_250, %sub3A_250 : vector<400x128xf32>
    %convert_element_type3A_252 = arith.sitofp %jit3A_242 : i32 to f32
    %sub3A_253 = arith.constant 1.280000e+02 : f32
    %sub3A_254 = arith.subf %sub3A_253, %convert_element_type3A_252 : f32
    %reduce_sum3A_255 = arith.constant dense<0.000000e+00> : vector<400xf32>
    %reduce_sum3A_256 = vector.multi_reduction <add>, %square3A_251, %reduce_sum3A_255 [1] : vector<400x128xf32> to vector<400xf32>
    %broadcast_in_dim3A_257 = vector.shape_cast %reduce_sum3A_256 : vector<400xf32> to vector<400x1xf32>
    %div3A_258 = vector.broadcast %sub3A_254 : f32 to vector<400x1xf32>
    %div3A_259 = arith.divf %broadcast_in_dim3A_257, %div3A_258 : vector<400x1xf32>
    %gt3A_260 = arith.constant 0.000000e+00 : f32
    %gt3A_261 = arith.cmpf ogt, %sub3A_254, %gt3A_260 : f32
    %jit3A_262 = arith.constant 0x7FC00000 : f32
    %broadcast_in_dim3A_263 = vector.broadcast %jit3A_262 : f32 to vector<400x1xf32>
    %select_n3A_264 = arith.select %gt3A_261, %div3A_259, %broadcast_in_dim3A_263 : vector<400x1xf32>
    %sub3A_265 = vector.broadcast %div3A_241 : vector<400x1xf32> to vector<400x128xf32>
    %sub3A_266 = arith.subf %add3A_235, %sub3A_265 : vector<400x128xf32>
    %add3A_267 = arith.constant 9.99999974E-6 : f32
    %add3A_268 = vector.broadcast %add3A_267 : f32 to vector<400x1xf32>
    %add3A_269 = arith.addf %select_n3A_264, %add3A_268 : vector<400x1xf32>
    %sqrt3A_270 = math.sqrt %add3A_269 : vector<400x1xf32>
    %div3A_271 = vector.broadcast %sqrt3A_270 : vector<400x1xf32> to vector<400x128xf32>
    %div3A_272 = arith.divf %sub3A_266, %div3A_271 : vector<400x128xf32>
    %mul3A_273 = vector.broadcast %get3A_207 : vector<1x128xf32> to vector<400x128xf32>
    %mul3A_274 = arith.mulf %div3A_272, %mul3A_273 : vector<400x128xf32>
    %add3A_275 = vector.broadcast %get3A_210 : vector<1x128xf32> to vector<400x128xf32>
    %add3A_276 = arith.addf %mul3A_274, %add3A_275 : vector<400x128xf32>
    %convert_element_type3A_277 = arith.truncf %add3A_276 : vector<400x128xf32> to vector<400x128xbf16>
    %convert_element_type3A_278 = arith.truncf %get3A_213 : vector<128x128xf32> to vector<128x128xbf16>
    %dot_general3A_279 = arith.constant dense<0.000000e+00> : vector<400x128xf32>
    %dot_general3A_280 = tpu.matmul %convert_element_type3A_277, %convert_element_type3A_278, %dot_general3A_279 {dimension_numbers = #tpu.dot_dimension_numbers<[1], [0], [0], [1], [0, 0, 1, 1], [], []>, transpose_lhs_hint = false} : vector<400x128xbf16>, vector<128x128xbf16>, vector<400x128xf32> -> vector<400x128xf32>
    %add3A_281 = vector.broadcast %get3A_216 : vector<1x128xf32> to vector<400x128xf32>
    %add3A_282 = arith.addf %dot_general3A_280, %add3A_281 : vector<400x128xf32>
    %mul3A_283 = arith.constant 0.707106769 : f32
    %mul3A_284 = vector.broadcast %mul3A_283 : f32 to vector<400x128xf32>
    %mul3A_285 = arith.mulf %add3A_282, %mul3A_284 : vector<400x128xf32>
    %erf3A_286 = math.erf %mul3A_285 : vector<400x128xf32>
    %mul3A_287 = arith.constant 5.000000e-01 : f32
    %mul3A_288 = vector.broadcast %mul3A_287 : f32 to vector<400x128xf32>
    %mul3A_289 = arith.mulf %erf3A_286, %mul3A_288 : vector<400x128xf32>
    %add3A_290 = arith.constant 5.000000e-01 : f32
    %add3A_291 = vector.broadcast %add3A_290 : f32 to vector<400x128xf32>
    %add3A_292 = arith.addf %mul3A_289, %add3A_291 : vector<400x128xf32>
    %mul3A_293 = arith.mulf %add3A_282, %add3A_292 : vector<400x128xf32>
    %convert_element_type3A_294 = arith.truncf %mul3A_293 : vector<400x128xf32> to vector<400x128xbf16>
    %convert_element_type3A_295 = arith.truncf %get3A_219 : vector<128x128xf32> to vector<128x128xbf16>
    %dot_general3A_296 = arith.constant dense<0.000000e+00> : vector<400x128xf32>
    %dot_general3A_297 = tpu.matmul %convert_element_type3A_294, %convert_element_type3A_295, %dot_general3A_296 {dimension_numbers = #tpu.dot_dimension_numbers<[1], [0], [0], [1], [0, 0, 1, 1], [], []>, transpose_lhs_hint = false} : vector<400x128xbf16>, vector<128x128xbf16>, vector<400x128xf32> -> vector<400x128xf32>
    %add3A_298 = vector.broadcast %get3A_222 : vector<1x128xf32> to vector<400x128xf32>
    %add3A_299 = arith.addf %dot_general3A_297, %add3A_298 : vector<400x128xf32>
    %add3A_300 = arith.addf %add3A_276, %add3A_299 : vector<400x128xf32>
    %reduce_sum3A_301 = arith.constant dense<0.000000e+00> : vector<400xf32>
    %reduce_sum3A_302 = vector.multi_reduction <add>, %add3A_300, %reduce_sum3A_301 [1] : vector<400x128xf32> to vector<400xf32>
    %broadcast_in_dim3A_303 = vector.shape_cast %reduce_sum3A_302 : vector<400xf32> to vector<400x1xf32>
    %div3A_304 = arith.constant 1.280000e+02 : f32
    %div3A_305 = vector.broadcast %div3A_304 : f32 to vector<400x1xf32>
    %div3A_306 = arith.divf %broadcast_in_dim3A_303, %div3A_305 : vector<400x1xf32>
    %jit3A_307 = arith.constant 0 : i32
    %reduce_sum3A_308 = arith.constant dense<0.000000e+00> : vector<400xf32>
    %reduce_sum3A_309 = vector.multi_reduction <add>, %add3A_300, %reduce_sum3A_308 [1] : vector<400x128xf32> to vector<400xf32>
    %broadcast_in_dim3A_310 = vector.shape_cast %reduce_sum3A_309 : vector<400xf32> to vector<400x1xf32>
    %div3A_311 = arith.constant 1.280000e+02 : f32
    %div3A_312 = vector.broadcast %div3A_311 : f32 to vector<400x1xf32>
    %div3A_313 = arith.divf %broadcast_in_dim3A_310, %div3A_312 : vector<400x1xf32>
    %sub3A_314 = vector.broadcast %div3A_313 : vector<400x1xf32> to vector<400x128xf32>
    %sub3A_315 = arith.subf %add3A_300, %sub3A_314 : vector<400x128xf32>
    %square3A_316 = arith.mulf %sub3A_315, %sub3A_315 : vector<400x128xf32>
    %convert_element_type3A_317 = arith.sitofp %jit3A_307 : i32 to f32
    %sub3A_318 = arith.constant 1.280000e+02 : f32
    %sub3A_319 = arith.subf %sub3A_318, %convert_element_type3A_317 : f32
    %reduce_sum3A_320 = arith.constant dense<0.000000e+00> : vector<400xf32>
    %reduce_sum3A_321 = vector.multi_reduction <add>, %square3A_316, %reduce_sum3A_320 [1] : vector<400x128xf32> to vector<400xf32>
    %broadcast_in_dim3A_322 = vector.shape_cast %reduce_sum3A_321 : vector<400xf32> to vector<400x1xf32>
    %div3A_323 = vector.broadcast %sub3A_319 : f32 to vector<400x1xf32>
    %div3A_324 = arith.divf %broadcast_in_dim3A_322, %div3A_323 : vector<400x1xf32>
    %gt3A_325 = arith.constant 0.000000e+00 : f32
    %gt3A_326 = arith.cmpf ogt, %sub3A_319, %gt3A_325 : f32
    %jit3A_327 = arith.constant 0x7FC00000 : f32
    %broadcast_in_dim3A_328 = vector.broadcast %jit3A_327 : f32 to vector<400x1xf32>
    %select_n3A_329 = arith.select %gt3A_326, %div3A_324, %broadcast_in_dim3A_328 : vector<400x1xf32>
    %sub3A_330 = vector.broadcast %div3A_306 : vector<400x1xf32> to vector<400x128xf32>
    %sub3A_331 = arith.subf %add3A_300, %sub3A_330 : vector<400x128xf32>
    %add3A_332 = arith.constant 9.99999974E-6 : f32
    %add3A_333 = vector.broadcast %add3A_332 : f32 to vector<400x1xf32>
    %add3A_334 = arith.addf %select_n3A_329, %add3A_333 : vector<400x1xf32>
    %sqrt3A_335 = math.sqrt %add3A_334 : vector<400x1xf32>
    %div3A_336 = vector.broadcast %sqrt3A_335 : vector<400x1xf32> to vector<400x128xf32>
    %div3A_337 = arith.divf %sub3A_331, %div3A_336 : vector<400x128xf32>
    %mul3A_338 = vector.broadcast %get3A_225 : vector<1x128xf32> to vector<400x128xf32>
    %mul3A_339 = arith.mulf %div3A_337, %mul3A_338 : vector<400x128xf32>
    %add3A_340 = vector.broadcast %get3A_228 : vector<1x128xf32> to vector<400x128xf32>
    %add3A_341 = arith.addf %mul3A_339, %add3A_340 : vector<400x128xf32>
    %mul3A_342 = vector.broadcast %get3A_231 : vector<400x1xf32> to vector<400x128xf32>
    %mul3A_343 = arith.mulf %add3A_341, %mul3A_342 : vector<400x128xf32>
    %swap3A_344 = arith.constant 0 : index
    %swap3A_345 = arith.constant 0 : index
    %swap3A_346 = vector.load %arg32[%swap3A_344, %swap3A_345] : memref<400x128xf32, #tpu.memory_space<vmem>>, vector<400x128xf32>
    tpu.vector_store %arg32[%swap3A_344, %swap3A_345], %mul3A_343 {strides = array<i32>} : memref<400x128xf32, #tpu.memory_space<vmem>>, vector<400x128xf32>,
    return
  }
  func.func @transform_0(%arg0: i32) -> (i32, i32) {
    %c0_i32 = arith.constant 0 : i32
    %c0_i32_0 = arith.constant 0 : i32
    return %arg0, %c0_i32 : i32, i32
  }
  func.func @transform_1(%arg0: i32) -> (i32, i32) {
    %c0_i32 = arith.constant 0 : i32
    %c0_i32_0 = arith.constant 0 : i32
    return %arg0, %c0_i32 : i32, i32
  }
  func.func @transform_2(%arg0: i32) -> (i32, i32) {
    %c0_i32 = arith.constant 0 : i32
    %c0_i32_0 = arith.constant 0 : i32
    return %arg0, %c0_i32 : i32, i32
  }
  func.func @transform_3(%arg0: i32) -> (i32, i32) {
    %c0_i32 = arith.constant 0 : i32
    %c0_i32_0 = arith.constant 0 : i32
    return %arg0, %c0_i32 : i32, i32
  }
  func.func @transform_4(%arg0: i32) -> (i32, i32) {
    %c0_i32 = arith.constant 0 : i32
    %c0_i32_0 = arith.constant 0 : i32
    %c0_i32_1 = arith.constant 0 : i32
    return %c0_i32, %c0_i32_0 : i32, i32
  }
  func.func @transform_5(%arg0: i32) -> (i32, i32) {
    %c0_i32 = arith.constant 0 : i32
    %c0_i32_0 = arith.constant 0 : i32
    %c0_i32_1 = arith.constant 0 : i32
    return %c0_i32, %c0_i32_0 : i32, i32
  }
  func.func @transform_6(%arg0: i32) -> (i32, i32) {
    %c0_i32 = arith.constant 0 : i32
    %c0_i32_0 = arith.constant 0 : i32
    %c0_i32_1 = arith.constant 0 : i32
    return %c0_i32, %c0_i32_0 : i32, i32
  }
  func.func @transform_7(%arg0: i32) -> (i32, i32) {
    %c0_i32 = arith.constant 0 : i32
    %c0_i32_0 = arith.constant 0 : i32
    %c0_i32_1 = arith.constant 0 : i32
    return %c0_i32, %c0_i32_0 : i32, i32
  }
  func.func @transform_8(%arg0: i32) -> (i32, i32) {
    %c0_i32 = arith.constant 0 : i32
    %c0_i32_0 = arith.constant 0 : i32
    %c0_i32_1 = arith.constant 0 : i32
    return %c0_i32, %c0_i32_0 : i32, i32
  }
  func.func @transform_9(%arg0: i32) -> (i32, i32) {
    %c0_i32 = arith.constant 0 : i32
    %c0_i32_0 = arith.constant 0 : i32
    %c0_i32_1 = arith.constant 0 : i32
    return %c0_i32, %c0_i32_0 : i32, i32
  }
  func.func @transform_10(%arg0: i32) -> (i32, i32) {
    %c0_i32 = arith.constant 0 : i32
    %c0_i32_0 = arith.constant 0 : i32
    %c0_i32_1 = arith.constant 0 : i32
    return %c0_i32, %c0_i32_0 : i32, i32
  }
  func.func @transform_11(%arg0: i32) -> (i32, i32) {
    %c0_i32 = arith.constant 0 : i32
    %c0_i32_0 = arith.constant 0 : i32
    %c0_i32_1 = arith.constant 0 : i32
    return %c0_i32, %c0_i32_0 : i32, i32
  }
  func.func @transform_12(%arg0: i32) -> (i32, i32) {
    %c0_i32 = arith.constant 0 : i32
    %c0_i32_0 = arith.constant 0 : i32
    %c0_i32_1 = arith.constant 0 : i32
    return %c0_i32, %c0_i32_0 : i32, i32
  }
  func.func @transform_13(%arg0: i32) -> (i32, i32) {
    %c0_i32 = arith.constant 0 : i32
    %c0_i32_0 = arith.constant 0 : i32
    %c0_i32_1 = arith.constant 0 : i32
    return %c0_i32, %c0_i32_0 : i32, i32
  }
  func.func @transform_14(%arg0: i32) -> (i32, i32) {
    %c0_i32 = arith.constant 0 : i32
    %c0_i32_0 = arith.constant 0 : i32
    %c0_i32_1 = arith.constant 0 : i32
    return %c0_i32, %c0_i32_0 : i32, i32
  }
  func.func @transform_15(%arg0: i32) -> (i32, i32) {
    %c0_i32 = arith.constant 0 : i32
    %c0_i32_0 = arith.constant 0 : i32
    %c0_i32_1 = arith.constant 0 : i32
    return %c0_i32, %c0_i32_0 : i32, i32
  }
  func.func @transform_16(%arg0: i32) -> (i32, i32) {
    %c0_i32 = arith.constant 0 : i32
    %c0_i32_0 = arith.constant 0 : i32
    %c0_i32_1 = arith.constant 0 : i32
    return %c0_i32, %c0_i32_0 : i32, i32
  }
  func.func @transform_17(%arg0: i32) -> (i32, i32) {
    %c0_i32 = arith.constant 0 : i32
    %c0_i32_0 = arith.constant 0 : i32
    %c0_i32_1 = arith.constant 0 : i32
    return %c0_i32, %c0_i32_0 : i32, i32
  }
  func.func @transform_18(%arg0: i32) -> (i32, i32) {
    %c0_i32 = arith.constant 0 : i32
    %c0_i32_0 = arith.constant 0 : i32
    %c0_i32_1 = arith.constant 0 : i32
    return %c0_i32, %c0_i32_0 : i32, i32
  }
  func.func @transform_19(%arg0: i32) -> (i32, i32) {
    %c0_i32 = arith.constant 0 : i32
    %c0_i32_0 = arith.constant 0 : i32
    %c0_i32_1 = arith.constant 0 : i32
    return %c0_i32, %c0_i32_0 : i32, i32
  }
  func.func @transform_20(%arg0: i32) -> (i32, i32) {
    %c0_i32 = arith.constant 0 : i32
    %c0_i32_0 = arith.constant 0 : i32
    %c0_i32_1 = arith.constant 0 : i32
    return %c0_i32, %c0_i32_0 : i32, i32
  }
  func.func @transform_21(%arg0: i32) -> (i32, i32) {
    %c0_i32 = arith.constant 0 : i32
    %c0_i32_0 = arith.constant 0 : i32
    %c0_i32_1 = arith.constant 0 : i32
    return %c0_i32, %c0_i32_0 : i32, i32
  }
  func.func @transform_22(%arg0: i32) -> (i32, i32) {
    %c0_i32 = arith.constant 0 : i32
    %c0_i32_0 = arith.constant 0 : i32
    %c0_i32_1 = arith.constant 0 : i32
    return %c0_i32, %c0_i32_0 : i32, i32
  }
  func.func @transform_23(%arg0: i32) -> (i32, i32) {
    %c0_i32 = arith.constant 0 : i32
    %c0_i32_0 = arith.constant 0 : i32
    %c0_i32_1 = arith.constant 0 : i32
    return %c0_i32, %c0_i32_0 : i32, i32
  }
  func.func @transform_24(%arg0: i32) -> (i32, i32) {
    %c0_i32 = arith.constant 0 : i32
    %c0_i32_0 = arith.constant 0 : i32
    %c0_i32_1 = arith.constant 0 : i32
    return %c0_i32, %c0_i32_0 : i32, i32
  }
  func.func @transform_25(%arg0: i32) -> (i32, i32) {
    %c0_i32 = arith.constant 0 : i32
    %c0_i32_0 = arith.constant 0 : i32
    %c0_i32_1 = arith.constant 0 : i32
    return %c0_i32, %c0_i32_0 : i32, i32
  }
  func.func @transform_26(%arg0: i32) -> (i32, i32) {
    %c0_i32 = arith.constant 0 : i32
    %c0_i32_0 = arith.constant 0 : i32
    %c0_i32_1 = arith.constant 0 : i32
    return %c0_i32, %c0_i32_0 : i32, i32
  }
  func.func @transform_27(%arg0: i32) -> (i32, i32) {
    %c0_i32 = arith.constant 0 : i32
    %c0_i32_0 = arith.constant 0 : i32
    %c0_i32_1 = arith.constant 0 : i32
    return %c0_i32, %c0_i32_0 : i32, i32
  }
  func.func @transform_28(%arg0: i32) -> (i32, i32) {
    %c0_i32 = arith.constant 0 : i32
    %c0_i32_0 = arith.constant 0 : i32
    %c0_i32_1 = arith.constant 0 : i32
    return %c0_i32, %c0_i32_0 : i32, i32
  }
  func.func @transform_29(%arg0: i32) -> (i32, i32) {
    %c0_i32 = arith.constant 0 : i32
    %c0_i32_0 = arith.constant 0 : i32
    %c0_i32_1 = arith.constant 0 : i32
    return %c0_i32, %c0_i32_0 : i32, i32
  }
  func.func @transform_30(%arg0: i32) -> (i32, i32) {
    %c0_i32 = arith.constant 0 : i32
    %c0_i32_0 = arith.constant 0 : i32
    return %arg0, %c0_i32 : i32, i32
  }
  func.func @transform_31(%arg0: i32) -> (i32, i32) {
    %c0_i32 = arith.constant 0 : i32
    %c0_i32_0 = arith.constant 0 : i32
    return %arg0, %c0_i32 : i32, i32
  }
}

module attributes {stable_mosaic.version = 14 : i64} {
  func.func @_final_body(%arg0: i32, %arg1: memref<6400x128xf32, #tpu.memory_space<vmem>>, %arg2: memref<6400x128xf32, #tpu.memory_space<vmem>>, %arg3: memref<400x128xf32, #tpu.memory_space<vmem>>, %arg4: memref<128x128xf32, #tpu.memory_space<vmem>>, %arg5: memref<128x128xf32, #tpu.memory_space<vmem>>, %arg6: memref<128x128xf32, #tpu.memory_space<vmem>>, %arg7: memref<1x128xf32, #tpu.memory_space<vmem>>, %arg8: memref<128x128xf32, #tpu.memory_space<vmem>>, %arg9: memref<1x128xf32, #tpu.memory_space<vmem>>, %arg10: memref<128x128xf32, #tpu.memory_space<vmem>>, %arg11: memref<1x128xf32, #tpu.memory_space<vmem>>, %arg12: memref<1x128xf32, #tpu.memory_space<vmem>>, %arg13: memref<1x128xf32, #tpu.memory_space<vmem>>, %arg14: memref<6400x128xf32, #tpu.memory_space<vmem>>) attributes {dimension_semantics = [#tpu.dimension_semantics<arbitrary>], iteration_bounds = array<i64: 25>, scalar_prefetch = 0 : i64, scratch_operands = 0 : i64, tpu.core_type = #tpu.core_type<tc>, window_params = [{transform_indices = @transform_0, window_bounds = array<i64: 6400, 128>}, {transform_indices = @transform_1, window_bounds = array<i64: 6400, 128>}, {transform_indices = @transform_2, window_bounds = array<i64: 400, 128>}, {pipeline_mode = #tpu.pipeline_mode<synchronous>, transform_indices = @transform_3, window_bounds = array<i64: 128, 128>}, {pipeline_mode = #tpu.pipeline_mode<synchronous>, transform_indices = @transform_4, window_bounds = array<i64: 128, 128>}, {pipeline_mode = #tpu.pipeline_mode<synchronous>, transform_indices = @transform_5, window_bounds = array<i64: 128, 128>}, {pipeline_mode = #tpu.pipeline_mode<synchronous>, transform_indices = @transform_6, window_bounds = array<i64: 1, 128>}, {pipeline_mode = #tpu.pipeline_mode<synchronous>, transform_indices = @transform_7, window_bounds = array<i64: 128, 128>}, {pipeline_mode = #tpu.pipeline_mode<synchronous>, transform_indices = @transform_8, window_bounds = array<i64: 1, 128>}, {pipeline_mode = #tpu.pipeline_mode<synchronous>, transform_indices = @transform_9, window_bounds = array<i64: 128, 128>}, {pipeline_mode = #tpu.pipeline_mode<synchronous>, transform_indices = @transform_10, window_bounds = array<i64: 1, 128>}, {pipeline_mode = #tpu.pipeline_mode<synchronous>, transform_indices = @transform_11, window_bounds = array<i64: 1, 128>}, {pipeline_mode = #tpu.pipeline_mode<synchronous>, transform_indices = @transform_12, window_bounds = array<i64: 1, 128>}, {transform_indices = @transform_13, window_bounds = array<i64: 6400, 128>}]} {
    %get3A = arith.constant 0 : index
    %get3A_0 = arith.constant 0 : index
    %get3A_1 = vector.load %arg1[%get3A, %get3A_0] : memref<6400x128xf32, #tpu.memory_space<vmem>>, vector<6400x128xf32>
    %get3A_2 = arith.constant 0 : index
    %get3A_3 = arith.constant 0 : index
    %get3A_4 = vector.load %arg3[%get3A_2, %get3A_3] : memref<400x128xf32, #tpu.memory_space<vmem>>, vector<400x128xf32>
    %get3A_5 = arith.constant 0 : index
    %get3A_6 = arith.constant 0 : index
    %get3A_7 = vector.load %arg2[%get3A_5, %get3A_6] : memref<6400x128xf32, #tpu.memory_space<vmem>>, vector<6400x128xf32>
    %get3A_8 = arith.constant 0 : index
    %get3A_9 = arith.constant 0 : index
    %get3A_10 = vector.load %arg4[%get3A_8, %get3A_9] : memref<128x128xf32, #tpu.memory_space<vmem>>, vector<128x128xf32>
    %get3A_11 = arith.constant 0 : index
    %get3A_12 = arith.constant 0 : index
    %get3A_13 = vector.load %arg5[%get3A_11, %get3A_12] : memref<128x128xf32, #tpu.memory_space<vmem>>, vector<128x128xf32>
    %get3A_14 = arith.constant 0 : index
    %get3A_15 = arith.constant 0 : index
    %get3A_16 = vector.load %arg6[%get3A_14, %get3A_15] : memref<128x128xf32, #tpu.memory_space<vmem>>, vector<128x128xf32>
    %get3A_17 = arith.constant 0 : index
    %get3A_18 = arith.constant 0 : index
    %get3A_19 = vector.load %arg7[%get3A_17, %get3A_18] : memref<1x128xf32, #tpu.memory_space<vmem>>, vector<1x128xf32>
    %get3A_20 = arith.constant 0 : index
    %get3A_21 = arith.constant 0 : index
    %get3A_22 = vector.load %arg8[%get3A_20, %get3A_21] : memref<128x128xf32, #tpu.memory_space<vmem>>, vector<128x128xf32>
    %get3A_23 = arith.constant 0 : index
    %get3A_24 = arith.constant 0 : index
    %get3A_25 = vector.load %arg9[%get3A_23, %get3A_24] : memref<1x128xf32, #tpu.memory_space<vmem>>, vector<1x128xf32>
    %convert_element_type3A = arith.truncf %get3A_4 : vector<400x128xf32> to vector<400x128xbf16>
    %convert_element_type3A_26 = arith.truncf %get3A_10 : vector<128x128xf32> to vector<128x128xbf16>
    %dot_general3A = arith.constant dense<0.000000e+00> : vector<400x128xf32>
    %dot_general3A_27 = tpu.matmul %convert_element_type3A, %convert_element_type3A_26, %dot_general3A {dimension_numbers = #tpu.dot_dimension_numbers<[1], [0], [0], [1], [0, 0, 1, 1], [], []>, transpose_lhs_hint = false} : vector<400x128xbf16>, vector<128x128xbf16>, vector<400x128xf32> -> vector<400x128xf32>
    %broadcast_in_dim3A = vector.shape_cast %dot_general3A_27 : vector<400x128xf32> to vector<400x1x128xf32>
    %broadcast_in_dim3A_28 = vector.shape_cast %broadcast_in_dim3A : vector<400x1x128xf32> to vector<400x1x128xf32>
    %broadcast_in_dim3A_29 = vector.broadcast %broadcast_in_dim3A_28 : vector<400x1x128xf32> to vector<400x16x128xf32>
    %reshape3A = vector.shape_cast %broadcast_in_dim3A_29 : vector<400x16x128xf32> to vector<6400x128xf32>
    %convert_element_type3A_30 = arith.truncf %get3A_1 : vector<6400x128xf32> to vector<6400x128xbf16>
    %convert_element_type3A_31 = arith.truncf %get3A_13 : vector<128x128xf32> to vector<128x128xbf16>
    %dot_general3A_32 = arith.constant dense<0.000000e+00> : vector<6400x128xf32>
    %dot_general3A_33 = tpu.matmul %convert_element_type3A_30, %convert_element_type3A_31, %dot_general3A_32 {dimension_numbers = #tpu.dot_dimension_numbers<[1], [0], [0], [1], [0, 0, 1, 1], [], []>, transpose_lhs_hint = false} : vector<6400x128xbf16>, vector<128x128xbf16>, vector<6400x128xf32> -> vector<6400x128xf32>
    %add3A = arith.addf %reshape3A, %dot_general3A_33 : vector<6400x128xf32>
    %convert_element_type3A_34 = arith.truncf %get3A_7 : vector<6400x128xf32> to vector<6400x128xbf16>
    %convert_element_type3A_35 = arith.truncf %get3A_16 : vector<128x128xf32> to vector<128x128xbf16>
    %dot_general3A_36 = arith.constant dense<0.000000e+00> : vector<6400x128xf32>
    %dot_general3A_37 = tpu.matmul %convert_element_type3A_34, %convert_element_type3A_35, %dot_general3A_36 {dimension_numbers = #tpu.dot_dimension_numbers<[1], [0], [0], [1], [0, 0, 1, 1], [], []>, transpose_lhs_hint = false} : vector<6400x128xbf16>, vector<128x128xbf16>, vector<6400x128xf32> -> vector<6400x128xf32>
    %add3A_38 = arith.addf %add3A, %dot_general3A_37 : vector<6400x128xf32>
    %add3A_39 = vector.broadcast %get3A_19 : vector<1x128xf32> to vector<6400x128xf32>
    %add3A_40 = arith.addf %add3A_38, %add3A_39 : vector<6400x128xf32>
    %mul3A = arith.constant 0.707106769 : f32
    %mul3A_41 = vector.broadcast %mul3A : f32 to vector<6400x128xf32>
    %mul3A_42 = arith.mulf %add3A_40, %mul3A_41 : vector<6400x128xf32>
    %erf3A = math.erf %mul3A_42 : vector<6400x128xf32>
    %mul3A_43 = arith.constant 5.000000e-01 : f32
    %mul3A_44 = vector.broadcast %mul3A_43 : f32 to vector<6400x128xf32>
    %mul3A_45 = arith.mulf %erf3A, %mul3A_44 : vector<6400x128xf32>
    %add3A_46 = arith.constant 5.000000e-01 : f32
    %add3A_47 = vector.broadcast %add3A_46 : f32 to vector<6400x128xf32>
    %add3A_48 = arith.addf %mul3A_45, %add3A_47 : vector<6400x128xf32>
    %mul3A_49 = arith.mulf %add3A_40, %add3A_48 : vector<6400x128xf32>
    %convert_element_type3A_50 = arith.truncf %mul3A_49 : vector<6400x128xf32> to vector<6400x128xbf16>
    %convert_element_type3A_51 = arith.truncf %get3A_22 : vector<128x128xf32> to vector<128x128xbf16>
    %dot_general3A_52 = arith.constant dense<0.000000e+00> : vector<6400x128xf32>
    %dot_general3A_53 = tpu.matmul %convert_element_type3A_50, %convert_element_type3A_51, %dot_general3A_52 {dimension_numbers = #tpu.dot_dimension_numbers<[1], [0], [0], [1], [0, 0, 1, 1], [], []>, transpose_lhs_hint = false} : vector<6400x128xbf16>, vector<128x128xbf16>, vector<6400x128xf32> -> vector<6400x128xf32>
    %add3A_54 = vector.broadcast %get3A_25 : vector<1x128xf32> to vector<6400x128xf32>
    %add3A_55 = arith.addf %dot_general3A_53, %add3A_54 : vector<6400x128xf32>
    %mul3A_56 = arith.constant 0.707106769 : f32
    %mul3A_57 = vector.broadcast %mul3A_56 : f32 to vector<6400x128xf32>
    %mul3A_58 = arith.mulf %add3A_55, %mul3A_57 : vector<6400x128xf32>
    %erf3A_59 = math.erf %mul3A_58 : vector<6400x128xf32>
    %mul3A_60 = arith.constant 5.000000e-01 : f32
    %mul3A_61 = vector.broadcast %mul3A_60 : f32 to vector<6400x128xf32>
    %mul3A_62 = arith.mulf %erf3A_59, %mul3A_61 : vector<6400x128xf32>
    %add3A_63 = arith.constant 5.000000e-01 : f32
    %add3A_64 = vector.broadcast %add3A_63 : f32 to vector<6400x128xf32>
    %add3A_65 = arith.addf %mul3A_62, %add3A_64 : vector<6400x128xf32>
    %mul3A_66 = arith.mulf %add3A_55, %add3A_65 : vector<6400x128xf32>
    %get3A_67 = arith.constant 0 : index
    %get3A_68 = arith.constant 0 : index
    %get3A_69 = vector.load %arg10[%get3A_67, %get3A_68] : memref<128x128xf32, #tpu.memory_space<vmem>>, vector<128x128xf32>
    %convert_element_type3A_70 = arith.truncf %mul3A_66 : vector<6400x128xf32> to vector<6400x128xbf16>
    %convert_element_type3A_71 = arith.truncf %get3A_69 : vector<128x128xf32> to vector<128x128xbf16>
    %dot_general3A_72 = arith.constant dense<0.000000e+00> : vector<6400x128xf32>
    %dot_general3A_73 = tpu.matmul %convert_element_type3A_70, %convert_element_type3A_71, %dot_general3A_72 {dimension_numbers = #tpu.dot_dimension_numbers<[1], [0], [0], [1], [0, 0, 1, 1], [], []>, transpose_lhs_hint = false} : vector<6400x128xbf16>, vector<128x128xbf16>, vector<6400x128xf32> -> vector<6400x128xf32>
    %get3A_74 = arith.constant 0 : index
    %get3A_75 = arith.constant 0 : index
    %get3A_76 = vector.load %arg11[%get3A_74, %get3A_75] : memref<1x128xf32, #tpu.memory_space<vmem>>, vector<1x128xf32>
    %add3A_77 = vector.broadcast %get3A_76 : vector<1x128xf32> to vector<6400x128xf32>
    %add3A_78 = arith.addf %dot_general3A_73, %add3A_77 : vector<6400x128xf32>
    %add3A_79 = arith.addf %get3A_1, %add3A_78 : vector<6400x128xf32>
    %get3A_80 = arith.constant 0 : index
    %get3A_81 = arith.constant 0 : index
    %get3A_82 = vector.load %arg12[%get3A_80, %get3A_81] : memref<1x128xf32, #tpu.memory_space<vmem>>, vector<1x128xf32>
    %get3A_83 = arith.constant 0 : index
    %get3A_84 = arith.constant 0 : index
    %get3A_85 = vector.load %arg13[%get3A_83, %get3A_84] : memref<1x128xf32, #tpu.memory_space<vmem>>, vector<1x128xf32>
    %reduce_sum3A = arith.constant dense<0.000000e+00> : vector<6400xf32>
    %reduce_sum3A_86 = vector.multi_reduction <add>, %add3A_79, %reduce_sum3A [1] : vector<6400x128xf32> to vector<6400xf32>
    %broadcast_in_dim3A_87 = vector.shape_cast %reduce_sum3A_86 : vector<6400xf32> to vector<6400x1xf32>
    %div3A = arith.constant 1.280000e+02 : f32
    %div3A_88 = vector.broadcast %div3A : f32 to vector<6400x1xf32>
    %div3A_89 = arith.divf %broadcast_in_dim3A_87, %div3A_88 : vector<6400x1xf32>
    %jit3A = arith.constant 0 : i32
    %reduce_sum3A_90 = arith.constant dense<0.000000e+00> : vector<6400xf32>
    %reduce_sum3A_91 = vector.multi_reduction <add>, %add3A_79, %reduce_sum3A_90 [1] : vector<6400x128xf32> to vector<6400xf32>
    %broadcast_in_dim3A_92 = vector.shape_cast %reduce_sum3A_91 : vector<6400xf32> to vector<6400x1xf32>
    %div3A_93 = arith.constant 1.280000e+02 : f32
    %div3A_94 = vector.broadcast %div3A_93 : f32 to vector<6400x1xf32>
    %div3A_95 = arith.divf %broadcast_in_dim3A_92, %div3A_94 : vector<6400x1xf32>
    %sub3A = vector.broadcast %div3A_95 : vector<6400x1xf32> to vector<6400x128xf32>
    %sub3A_96 = arith.subf %add3A_79, %sub3A : vector<6400x128xf32>
    %square3A = arith.mulf %sub3A_96, %sub3A_96 : vector<6400x128xf32>
    %convert_element_type3A_97 = arith.sitofp %jit3A : i32 to f32
    %sub3A_98 = arith.constant 1.280000e+02 : f32
    %sub3A_99 = arith.subf %sub3A_98, %convert_element_type3A_97 : f32
    %reduce_sum3A_100 = arith.constant dense<0.000000e+00> : vector<6400xf32>
    %reduce_sum3A_101 = vector.multi_reduction <add>, %square3A, %reduce_sum3A_100 [1] : vector<6400x128xf32> to vector<6400xf32>
    %broadcast_in_dim3A_102 = vector.shape_cast %reduce_sum3A_101 : vector<6400xf32> to vector<6400x1xf32>
    %div3A_103 = vector.broadcast %sub3A_99 : f32 to vector<6400x1xf32>
    %div3A_104 = arith.divf %broadcast_in_dim3A_102, %div3A_103 : vector<6400x1xf32>
    %gt3A = arith.constant 0.000000e+00 : f32
    %gt3A_105 = arith.cmpf ogt, %sub3A_99, %gt3A : f32
    %jit3A_106 = arith.constant 0x7FC00000 : f32
    %broadcast_in_dim3A_107 = vector.broadcast %jit3A_106 : f32 to vector<6400x1xf32>
    %select_n3A = arith.select %gt3A_105, %div3A_104, %broadcast_in_dim3A_107 : vector<6400x1xf32>
    %sub3A_108 = vector.broadcast %div3A_89 : vector<6400x1xf32> to vector<6400x128xf32>
    %sub3A_109 = arith.subf %add3A_79, %sub3A_108 : vector<6400x128xf32>
    %add3A_110 = arith.constant 9.99999974E-6 : f32
    %add3A_111 = vector.broadcast %add3A_110 : f32 to vector<6400x1xf32>
    %add3A_112 = arith.addf %select_n3A, %add3A_111 : vector<6400x1xf32>
    %sqrt3A = math.sqrt %add3A_112 : vector<6400x1xf32>
    %div3A_113 = vector.broadcast %sqrt3A : vector<6400x1xf32> to vector<6400x128xf32>
    %div3A_114 = arith.divf %sub3A_109, %div3A_113 : vector<6400x128xf32>
    %mul3A_115 = vector.broadcast %get3A_82 : vector<1x128xf32> to vector<6400x128xf32>
    %mul3A_116 = arith.mulf %div3A_114, %mul3A_115 : vector<6400x128xf32>
    %add3A_117 = vector.broadcast %get3A_85 : vector<1x128xf32> to vector<6400x128xf32>
    %add3A_118 = arith.addf %mul3A_116, %add3A_117 : vector<6400x128xf32>
    %swap3A = arith.constant 0 : index
    %swap3A_119 = arith.constant 0 : index
    %swap3A_120 = vector.load %arg14[%swap3A, %swap3A_119] : memref<6400x128xf32, #tpu.memory_space<vmem>>, vector<6400x128xf32>
    tpu.vector_store %arg14[%swap3A, %swap3A_119], %add3A_118 {strides = array<i32>} : memref<6400x128xf32, #tpu.memory_space<vmem>>, vector<6400x128xf32>,
    return
  }
  func.func @transform_0(%arg0: i32) -> (i32, i32) {
    %c0_i32 = arith.constant 0 : i32
    %c0_i32_0 = arith.constant 0 : i32
    return %arg0, %c0_i32 : i32, i32
  }
  func.func @transform_1(%arg0: i32) -> (i32, i32) {
    %c0_i32 = arith.constant 0 : i32
    %c0_i32_0 = arith.constant 0 : i32
    return %arg0, %c0_i32 : i32, i32
  }
  func.func @transform_2(%arg0: i32) -> (i32, i32) {
    %c0_i32 = arith.constant 0 : i32
    %c0_i32_0 = arith.constant 0 : i32
    return %arg0, %c0_i32 : i32, i32
  }
  func.func @transform_3(%arg0: i32) -> (i32, i32) {
    %c0_i32 = arith.constant 0 : i32
    %c0_i32_0 = arith.constant 0 : i32
    %c0_i32_1 = arith.constant 0 : i32
    return %c0_i32, %c0_i32_0 : i32, i32
  }
  func.func @transform_4(%arg0: i32) -> (i32, i32) {
    %c0_i32 = arith.constant 0 : i32
    %c0_i32_0 = arith.constant 0 : i32
    %c0_i32_1 = arith.constant 0 : i32
    return %c0_i32, %c0_i32_0 : i32, i32
  }
  func.func @transform_5(%arg0: i32) -> (i32, i32) {
    %c0_i32 = arith.constant 0 : i32
    %c0_i32_0 = arith.constant 0 : i32
    %c0_i32_1 = arith.constant 0 : i32
    return %c0_i32, %c0_i32_0 : i32, i32
  }
  func.func @transform_6(%arg0: i32) -> (i32, i32) {
    %c0_i32 = arith.constant 0 : i32
    %c0_i32_0 = arith.constant 0 : i32
    %c0_i32_1 = arith.constant 0 : i32
    return %c0_i32, %c0_i32_0 : i32, i32
  }
  func.func @transform_7(%arg0: i32) -> (i32, i32) {
    %c0_i32 = arith.constant 0 : i32
    %c0_i32_0 = arith.constant 0 : i32
    %c0_i32_1 = arith.constant 0 : i32
    return %c0_i32, %c0_i32_0 : i32, i32
  }
  func.func @transform_8(%arg0: i32) -> (i32, i32) {
    %c0_i32 = arith.constant 0 : i32
    %c0_i32_0 = arith.constant 0 : i32
    %c0_i32_1 = arith.constant 0 : i32
    return %c0_i32, %c0_i32_0 : i32, i32
  }
  func.func @transform_9(%arg0: i32) -> (i32, i32) {
    %c0_i32 = arith.constant 0 : i32
    %c0_i32_0 = arith.constant 0 : i32
    %c0_i32_1 = arith.constant 0 : i32
    return %c0_i32, %c0_i32_0 : i32, i32
  }
  func.func @transform_10(%arg0: i32) -> (i32, i32) {
    %c0_i32 = arith.constant 0 : i32
    %c0_i32_0 = arith.constant 0 : i32
    %c0_i32_1 = arith.constant 0 : i32
    return %c0_i32, %c0_i32_0 : i32, i32
  }
  func.func @transform_11(%arg0: i32) -> (i32, i32) {
    %c0_i32 = arith.constant 0 : i32
    %c0_i32_0 = arith.constant 0 : i32
    %c0_i32_1 = arith.constant 0 : i32
    return %c0_i32, %c0_i32_0 : i32, i32
  }
  func.func @transform_12(%arg0: i32) -> (i32, i32) {
    %c0_i32 = arith.constant 0 : i32
    %c0_i32_0 = arith.constant 0 : i32
    %c0_i32_1 = arith.constant 0 : i32
    return %c0_i32, %c0_i32_0 : i32, i32
  }
  func.func @transform_13(%arg0: i32) -> (i32, i32) {
    %c0_i32 = arith.constant 0 : i32
    %c0_i32_0 = arith.constant 0 : i32
    return %arg0, %c0_i32 : i32, i32
  }
}

</mosaic_0001>

<sc_bundles>
// kernel: kernel.12.cloned.1.call-start
scs
__scs_entry_jumppad:
0x0: {  	(pc) =	sbr.rel $0x88, $3  }
0x1: {  	(tag) =	ssettag $0x0;
	lr =	simm.s32 $0x1  }
0x2: {  	[smem:$0x3F88] =	sst lr;
	_ =	strace $0xD0000000  }
0x3: {  	_ = 	snop  }
0x4: {  	_ = 	snop  }
0x5: {  	_ = 	snop  }
0x6: {  	_ = 	snop  }
0x7: {  	_ = 	snop  }
__scs_overlays_trampoline_lowered:
0x8: {  	[smem:$0x3F97] =	sst s0  }
0x9: {  	[smem:$0x3F98] =	sst s1  }
0xa: {  	[smem:$0x3F99] =	sst s2  }
0xb: {  	[smem:$0x3F9A] =	sst s3  }
0xc: {  	[smem:$0x3F9B] =	sst s4  }
0xd: {  	[smem:$0x3F9C] =	sst s5  }
0xe: {  	[smem:$0x3F9D] =	sst s6  }
0xf: {  	[smem:$0x3F9E] =	sst s7  }
0x10: {  	[smem:$0x3F9F] =	sst s8  }
0x11: {  	[smem:$0x3FA0] =	sst s9;
	s0 =	simm.s32 @!p0 $0x0  }
0x12: {  	s1 =	sld [smem:$0x3F86];
	s0 =	simm.s32 @p0 $0x1  }
0x13: {  	[smem:$0x3FA1] =	sst s0;
	s0 =	simm.s32 @!p1 $0x0  }
0x14: {  	s2 =	sld [smem:$0x3F85];
	s0 =	simm.s32 @p1 $0x1  }
0x15: {  	[smem:$0x3FA2] =	sst s0;
	s0 =	simm.s32 @!p2 $0x0  }
0x16: {  	s3 =	sld [smem:$0x3FDB];
	s0 =	simm.s32 @p2 $0x1  }
0x17: {  	s4 =	simm.s32 $0x1BF5;
	[smem:$0x3FA4] =	sst s0  }
0x18: {  	s0 =	sld [smem:$0x3F87];
	_ =	swait.ge [sflag:s4], $0x0  }
0x19: {  	s7 =	sld [smem:$0x3F88]  }
0x1a: {  	s8 =	sadd.s32 $0xFFFFE003, lr  }
0x1b: {  	s9 =	sadd.s32 $0xFFFFFEF7, lr;
	s5 =	simm.s32 $0xFFFFFFFF;
	p2 =	slt.u32 s8, $0xFFFFF086  }
0x1c: {  	p1 =	slt.u32 s9, $0xF7A;
	s5 =	simm.s32 @!p2 $0x0  }
0x1d: {  	s5 =	simm.s32 @p1 $0x1;
	p0 =	seq.s32 s7, s2  }
0x1e: {  	s7 =	smul.u32 @!p0 $0xF7A, s2;
	p2 =	seq.s32 @!p0 s5, $0x0  }
0x1f: {  	s9 =	smul.u32 $0xF7A, s1;
	s8 =	simm.s32 @!p0 $0x1BF5;
	p2 =	por !p2, p0  }
0x20: {  	[sflag:s8] =	ssyncset.s32 @!p0 $0xFFFFF086;
	s6 =	sadd.s32 @!p0 s3, s7;
	s7 =	simm.s32 @!p0 $0x108  }
0x21: {  	s3 =	sadd.s32 s3, s9;
	s6 =	sadd.s32 @!p0 $0x88, s6;
	s7 =	simm.s32 @p2 $0x1082  }
0x22: {  	[simem:s7], [sflag:s8] =	dma.local @!p0 [hbm:s6], $0xF7A  }
0x23: {  	s9 =	sor.u32 $0xD0000000, s2;
	s6 =	simm.s32 $0x108;
	_ =	swait.ge @!p0 [sflag:s8], $0x0  }
0x24: {  	s3 =	sadd.s32 $0x88, s3;
	s6 =	simm.s32 @!p1 $0x1082;
	[sflag:s4] =	ssyncset.s32 $0xFFFFF086  }
0x25: {  	[simem:s6], [sflag:s4] =	dma.local [hbm:s3], $0xF7A  }
0x26: {  	[smem:$0x3F88] =	sst s1;
	(tag) =	ssettag s2;
	_ =	strace s9  }
0x27: {  	s1 =	sld [smem:$0x3F98]  }
0x28: {  	s2 =	sld [smem:$0x3F99]  }
0x29: {  	s4 =	sld [smem:$0x3F9B]  }
0x2a: {  	p0 =	seq.s32 s5, $0x0;
	s5 =	sld [smem:$0x3F9C]  }
0x2b: {  	s6 =	sld [smem:$0x3F9D]  }
0x2c: {  	s7 =	sld [smem:$0x3F9E]  }
0x2d: {  	s3 =	simm.s32 $0x108;
	s8 =	sld [smem:$0x3F9F]  }
0x2e: {  	s3 =	simm.s32 @!p0 $0x1082;
	s9 =	sld [smem:$0x3FA0]  }
0x2f: {  	lr =	sadd.s32 s0, s3;
	s0 =	sld [smem:$0x3F97]  }
0x30: {  	s3 =	sld [smem:$0x3F9A]  }
0x31: {  	[smem:$0x3FA3] =	sst s10  }
0x32: {  	s10 =	sld [smem:$0x3FA1];
	_ =	sdelay $0x3  }
0x33: {  	p0 =	seq.s32 s10, $0x1;
	s10 =	sld [smem:$0x3FA3];
	_ =	sdelay $0x3  }
0x34: {  	[smem:$0x3FA3] =	sst s10  }
0x35: {  	s10 =	sld [smem:$0x3FA2];
	_ =	sdelay $0x3  }
0x36: {  	p1 =	seq.s32 s10, $0x1;
	s10 =	sld [smem:$0x3FA3];
	_ =	sdelay $0x3  }
0x37: {  	[smem:$0x3FA3] =	sst s10  }
0x38: {  	s10 =	sld [smem:$0x3FA4]  }
0x39: {  	_ = 	snop;
	(pc) =	sbr.ind lr, $3  }
0x3a: {  	_ = 	snop  }
0x3b: {  	_ = 	snop  }
0x3c: {  	p2 =	seq.s32 s10, $0x1;
	s10 =	sld [smem:$0x3FA3]  }
0x3d: {  	_ =	shalt  }
0x3e: {  	_ =	shalt  }
0x3f: {  	_ =	shalt  }
0x40: {  	_ =	shalt  }
0x41: {  	_ =	shalt  }
0x42: {  	_ =	shalt  }
0x43: {  	_ =	shalt  }
0x44: {  	_ =	shalt  }
0x45: {  	_ =	shalt  }
0x46: {  	_ =	shalt  }
0x47: {  	_ =	shalt  }
0x48: {  	_ =	shalt  }
0x49: {  	_ =	shalt  }
0x4a: {  	_ =	shalt  }
0x4b: {  	_ =	shalt  }
0x4c: {  	_ =	shalt  }
0x4d: {  	_ =	shalt  }
0x4e: {  	_ =	shalt  }
0x4f: {  	_ =	shalt  }
0x50: {  	_ =	shalt  }
0x51: {  	_ =	shalt  }
0x52: {  	_ =	shalt  }
0x53: {  	_ =	shalt  }
0x54: {  	_ =	shalt  }
0x55: {  	_ =	shalt  }
0x56: {  	_ =	shalt  }
0x57: {  	_ =	shalt  }
0x58: {  	_ =	shalt  }
0x59: {  	_ =	shalt  }
0x5a: {  	_ =	shalt  }
0x5b: {  	_ =	shalt  }
0x5c: {  	_ =	shalt  }
0x5d: {  	_ =	shalt  }
0x5e: {  	_ =	shalt  }
0x5f: {  	_ =	shalt  }
0x60: {  	_ =	shalt  }
0x61: {  	_ =	shalt  }
0x62: {  	_ =	shalt  }
0x63: {  	_ =	shalt  }
0x64: {  	_ =	shalt  }
0x65: {  	_ =	shalt  }
0x66: {  	_ =	shalt  }
0x67: {  	_ =	shalt  }
0x68: {  	_ =	shalt  }
0x69: {  	_ =	shalt  }
0x6a: {  	_ =	shalt  }
0x6b: {  	_ =	shalt  }
0x6c: {  	_ =	shalt  }
0x6d: {  	_ =	shalt  }
0x6e: {  	_ =	shalt  }
0x6f: {  	_ =	shalt  }
0x70: {  	_ =	shalt  }
0x71: {  	_ =	shalt  }
0x72: {  	_ =	shalt  }
0x73: {  	_ =	shalt  }
0x74: {  	_ =	shalt  }
0x75: {  	_ =	shalt  }
0x76: {  	_ =	shalt  }
0x77: {  	_ =	shalt  }
0x78: {  	_ =	shalt  }
0x79: {  	_ =	shalt  }
0x7a: {  	_ =	shalt  }
0x7b: {  	_ =	shalt  }
0x7c: {  	_ =	shalt  }
0x7d: {  	_ =	shalt  }
0x7e: {  	_ =	shalt  }
0x7f: {  	_ =	shalt  }
0x80: {  	_ =	shalt  }
0x81: {  	_ =	shalt  }
0x82: {  	_ =	shalt  }
0x83: {  	_ =	shalt  }
0x84: {  	_ =	shalt  }
0x85: {  	_ =	shalt  }
0x86: {  	_ =	shalt  }
0x87: {  	_ =	shalt  }
.Lfunc_end0:
.L_simem_size_0:
called_computation.1_lowered:
.L_overlay_start_0:
0x88: {  	s2 =	sld [smem:$0x3FD9]  }
0x89: {  	s3 =	sld [smem:$0x3FFE];
	_ =	sdelay $0x1  }
0x8a: {  	s1 =	srdreg.scid  }
0x8b: {  	s0 =	sand.u32 $0x1, s1  }
0x8c: {  	s14 =	sshll.u32 s0, $0xA;
	s2 =	sadd.s32 s3, s2  }
0x8d: {  	s2 =	sadd.s32 s2, s14  }
0x8e: {  	[smem:$0x3FAF] =	sst s2  }
0x8f: {  	_ = 	snop  }
0x90: {  	s2 =	sld [smem:$0x3FD0];
	_ =	sdelay $0x2  }
0x91: {  	s15 =	simm.s32 $0xA;
	s4 =	simm.s32 $0x10  }
0x92: {  	[smem:s4], [sflag:s15] =	dma.local [hbm:s2], $0x1  }
0x93: {  	_ =	swait.eq [sflag:s15], $0x1  }
0x94: {  	[sflag:s15] =	ssyncset.done $0x0  }
0x95: {  	[sflag:s15] =	ssyncadd.s32 $0xFFFFFFFF  }
0x96: {  	s16 =	sld [smem:$0x10];
	(tm) =	ssettm $0x1  }
0x97: {  	s17 =	sld [smem:$0x3FFB];
	_ =	sdelay $0x3  }
0x98: {  	_ =	strace s17  }
0x99: {  	s3 =	sld [smem:$0x3FFC];
	_ =	sdelay $0x3  }
0x9a: {  	_ =	strace s3  }
0x9b: {  	s3 =	sld [smem:$0x3FFD];
	_ =	sdelay $0x3  }
0x9c: {  	_ =	strace s3  }
0x9d: {  	_ =	strace $0x8FFFFFFF  }
0x9e: {  	s18 =	sld [smem:$0x3FDB];
	_ =	sdelay $0x1  }
0x9f: {  	s19 =	simm.s32 $_scs_section_size  }
0xa0: {  	s5 =	simm.s32 $_size__tile_overlayer_lowered;
	s6 =	simm.s32 $_tile_overlayer_lowered  }
0xa1: {  	s22 =	simm.s32 $0x1BFF;
	s21 =	sshll.u32 s6, $0x1;
	s3 =	sadd.s32 s19, s18  }
0xa2: {  	s7 =	simm.s32 $0x0;
	s20 =	sshll.u32 s5, $0x1;
	s5 =	sadd.s32 s21, s3  }
0xa3: {  	[timem:s7], [sflag:s22] =	dma.local [hbm:s5], s20  }
0xa4: {  	_ =	swait.ge [sflag:s22], s20  }
0xa5: {  	s4 =	ssub.s32 $0x0, s20;
	[sflag:s22] =	ssyncset.done $0x0  }
0xa6: {  	[sflag:s22] =	ssyncadd.s32 s4;
	_ =	sdelay $0x1  }
0xa7: {  	s23 =	simm.s32 $0x1B8B  }
0xa8: {  	_ =	swait.ge [sflag:s23], $0x1  }
0xa9: {  	[sflag:s23] =	ssyncset.done $0x0  }
0xaa: {  	s25 =	simm.s32 $0x1B8E;
	s24 =	sld [smem:$0x3FFE];
	[sflag:s23] =	ssyncadd.s32 $0xFFFFFFFF  }
0xab: {  	s26 =	simm.s32 $execute0_lowered;
	[smem:$0x3FD2] =	sst s25  }
0xac: {  	s5 =	sshll.u32 s26, $0x1;
	_ =	strace $0x80000049;
	[dreg:$0x1] =	wrdreg $0xFFFFFFFF  }
0xad: {  	s28 =	simm.s32 $_size_execute0_lowered;
	s3 =	sadd.s32 s3, s5;
	[dreg:$0x0] =	wrdreg $0x0  }
0xae: {  	s5 =	sshll.u32 s28, $0x1;
	[dreg:$0x2] =	wrdreg s3  }
0xaf: {  	[dreg:$0x3] =	wrdreg s5  }
0xb0: {  	[dreg:$0x4] =	wrdreg $0xC0  }
0xb1: {  	_ =	task [dreg:s7], $0x5FFFF  }
0xb2: {  	[dreg:$0x1] =	wrdreg $0xFFFFFFFF  }
0xb3: {  	[dreg:$0x0] =	wrdreg $0x60  }
0xb4: {  	[dreg:$0x2] =	wrdreg s16  }
0xb5: {  	[dreg:$0x3] =	wrdreg s24  }
0xb6: {  	[dreg:$0x4] =	wrdreg $0x9  }
0xb7: {  	_ =	task.clear_ibuf [dreg:s7], $0x5FFFF;
	_ =	strace $0x90000049  }
0xb8: {  	s29 =	simm.s32 $0x9;
	_ =	strace $0x8000004B  }
0xb9: {  	_ =	swait.ge [sflag:s29], $0x1  }
0xba: {  	[sflag:s29] =	ssyncadd.s32 $0xFFFFFFFF  }
0xbb: {  	_ =	strace $0x9000004B  }
0xbc: {  	_ =	sfence  }
0xbd: {  	s30 =	sld [smem:$0x0];
	_ =	sdelay $0x2  }
0xbe: {  	s31 =	sshll.u32 s1, $0xD;
	s1 =	sshrl.u32 s1, $0x2  }
0xbf: {  	s3 =	sand.u32 $0x4000, s31;
	s1 =	sadd.s32 s1, s30  }
0xc0: {  	s0 =	sor.u32 s3, s0;
	s1 =	sshll.u32 s1, $0x11  }
0xc1: {  	s0 =	sor.u32 s1, s0  }
0xc2: {  	s0 =	sadd.s32 $0x8F2B, s0  }
0xc3: {  	[sflag:s0] =	ssyncadd.remote.s32 $0x1  }
0xc4: {  	_ =	sfence.sel $0xFFFF  }
0xc5: {  	[dreg:$0x0] =	wrdreg $0xFFFFFFFF;
	(pc) =	sbr.abs _section_cstart, $3  }
0xc6: {  	[dreg:$0x1] =	wrdreg $0xFFFFFFFF  }
0xc7: {  	_ =	task.clear_ibuf [dreg:s7], $0x2FFFF;
	_ =	strace $0x9FFFFFFF  }
0xc8: {  	(tm) =	ssettm $0x7FFFFFFF  }
0xc9: {  	_ =	shalt  }
tec
execute0_lowered:
.L_overlay_start_1:
0x0: {  	(tag) =	ssettag $0x1  }
0x1: {  	s2 =	rddreg [dreg:$0x0]  }
0x2: {  	s0 =	rddreg [dreg:$0x1]  }
0x3: {  	s8 =	stileid.u32;
	s1 =	srdreg.scid  }
0x4: {  	s3 =	simm.s32 $0x0;
	s28 =	simm.s32 $0x11000;
	s29 =	simm.s32 $0x13000  }
0x5: {  	s30 =	simm.s32 $0x1;
	s31 =	simm.s32 $0x2;
	s10 =	simm.s32 $0x7  }
0x6: {  	s11 =	simm.s32 $0x8;
	s4 =	smul.u32 $0xA00, s8;
	s1 =	sand.u32 $0x1, s1  }
0x7: {  	[smem:$0x7FF] =	sst s3;
	s24 =	smul.u32 $0x28000, s8;
	s8 =	simm.s32 $0x5  }
0x8: {  	s5 =	ssub.s32 $0x2, s1;
	_ =	strace $0x8000004A;
	s9 =	sshll.u32 s1, $0xE  }
0x9: {  	p0 =	seq.s32 s1, $0x0;
	s18 =	sor.u32 $0x80, s9;
	[dreg:$0x4] =	wrdreg s9  }
0xa: {  	s1 =	sshll.u32 s1, $0x11;
	s19 =	sor.u32 $0x100, s9;
	[dreg:$0x6] =	wrdreg s18  }
0xb: {  	s7 =	sadd.s32 s4, s0;
	s20 =	sor.u32 $0x180, s9;
	[dreg:$0x7] =	wrdreg s19  }
0xc: {  	s6 =	sshrl.u32 s5, $0x1;
	s21 =	sor.u32 $0x200, s9;
	[dreg:$0x8] =	wrdreg s20  }
0xd: {  	s4 =	sadd.s32 $0x16800, s0;
	s22 =	sor.u32 $0x280, s9;
	[dreg:$0x9] =	wrdreg s21  }
0xe: {  	s23 =	sor.u32 $0x300, s9;
	s25 =	sor.u32 $0x380, s9;
	[dreg:$0xa] =	wrdreg s22  }
0xf: {  	s16 =	ssub.s32 s5, s6;
	s6 =	simm.s32 $0x10;
	[dreg:$0xb] =	wrdreg s23  }
0x10: {  	s17 =	sadd.s32 $0xB200, s7;
	[dreg:$0xc] =	wrdreg s25;
	s20 =	simm.s32 $0x40  }
0x11: {  	s21 =	simm.s32 $0x5000;
	s22 =	simm.s32 $0x7000;
	s23 =	simm.s32 $0x9000  }
0x12: {  	s25 =	simm.s32 $0xD000;
	s19 =	simm.s32 $0x0;
	s6 =	simm.s32 @!p0 $0x4  }
0x13: {  	[dreg:$0x5] =	wrdreg s17;
	s0 =	smax.u32 s16, $0x1;
	s17 =	sadd.s32 s1, s24  }
0x14: {  	s16 =	sor.u32 $0x780, s9;
	s24 =	simm.s32 $0xB000;
	s1 =	simm.s32 $0x4  }
0x15: {  	s9 =	simm.s32 $0x6;
	s26 =	sadd.s32 $0xFFFFFFFF, s6;
	[dreg:$0xd] =	wrdreg s0  }
0x16: {  	s0 =	simm.s32 $0x3;
	[dreg:$0x3] =	wrdreg s26;
	s26 =	simm.s32 $0xF000  }
.LBB2_1:
0x17: {  	s5 =	rddreg [dreg:$0x5];
	s12 =	simm.s32 $0x11  }
0x18: {  	[tilespmem:s3], [sflag:$0x11] =	stream.linear.gather [hbm4b:s5+s3], $0x5000, $0x38;
	[tilespmem:$0x15000] =	vst v63  }
0x19: {  	_ =	swait.ge [sflag:s12], $0x5000  }
0x1a: {  	[sflag:s12] =	ssyncset.done $0x0  }
0x1b: {  	s13 =	rddreg [dreg:$0x4];
	[sflag:s12] =	ssyncadd.s32 $0xFFFFB000  }
0x1c: {  	[tilespmem:s21], [sflag:$0x1] =	stream.indirect.gather [hbm4b:s2+s20], $0x80, s13, s20, $0xb8;
	[tilespmem:$0x15000] =	vst v63  }
0x1d: {  	s14 =	rddreg [dreg:$0x6]  }
0x1e: {  	[tilespmem:s22], [sflag:$0x2] =	stream.indirect.gather [hbm4b:s2+s20], $0x80, s14, s20, $0xb8;
	[tilespmem:$0x15000] =	vst v63  }
0x1f: {  	s15 =	rddreg [dreg:$0x7]  }
0x20: {  	[tilespmem:s23], [sflag:$0x3] =	stream.indirect.gather [hbm4b:s2+s20], $0x80, s15, s20, $0xb8;
	[tilespmem:$0x15000] =	vst v63  }
0x21: {  	s18 =	rddreg [dreg:$0x8]  }
0x22: {  	[tilespmem:s24], [sflag:$0x4] =	stream.indirect.gather [hbm4b:s2+s20], $0x80, s18, s20, $0xb8;
	[tilespmem:$0x15000] =	vst v63  }
0x23: {  	s7 =	rddreg [dreg:$0x9]  }
0x24: {  	[tilespmem:s25], [sflag:$0x5] =	stream.indirect.gather [hbm4b:s2+s20], $0x80, s7, s20, $0xb8;
	[tilespmem:$0x15000] =	vst v63  }
0x25: {  	s12 =	rddreg [dreg:$0xa]  }
0x26: {  	[tilespmem:s26], [sflag:$0x6] =	stream.indirect.gather [hbm4b:s2+s20], $0x80, s12, s20, $0xb8;
	[tilespmem:$0x15000] =	vst v63  }
0x27: {  	s13 =	rddreg [dreg:$0xb]  }
0x28: {  	[tilespmem:s28], [sflag:$0x7] =	stream.indirect.gather [hbm4b:s2+s20], $0x80, s13, s20, $0xb8;
	[tilespmem:$0x15000] =	vst v63  }
0x29: {  	s14 =	rddreg [dreg:$0xc]  }
0x2a: {  	[tilespmem:s29], [sflag:$0x8] =	stream.indirect.gather [hbm4b:s2+s20], $0x80, s14, s20, $0xb8;
	[tilespmem:$0x15000] =	vst v63  }
0x2b: {  	_ =	swait.ge [sflag:s30], $0x2000  }
0x2c: {  	[sflag:s30] =	ssyncset.done $0x0;
	s7 =	rddreg [dreg:$0x3]  }
0x2d: {  	s12 =	sadd.s32 s17, s4;
	[sflag:s30] =	ssyncadd.s32 $0xFFFFE000;
	p0 =	sle.s32 s7, $0x0  }
0x2e: {  	[hbm4b:s12+s3] =	stream.linear.scatter [tilespmem:s21], [sflag:$0x9], $0x2000, $0x38;
	[tilespmem:$0x15000] =	vst v63  }
0x2f: {  	s7 =	simm.s32 @!p0 $0x9  }
0x30: {  	_ =	swait.ge @!p0 [sflag:s7], $0x2000  }
0x31: {  	s13 =	simm.s32 @!p0 $0x5000;
	[sflag:s7] =	ssyncset.done @!p0 $0x0  }
0x32: {  	s12 =	simm.s32 @!p0 $0x40;
	[sflag:s7] =	ssyncadd.s32 @!p0 $0xFFFFE000;
	s7 =	sadd.s32 @!p0 $0xFFFFFC80, s16  }
0x33: {  	[tilespmem:s13], [sflag:$0x1] =	stream.indirect.gather @!p0 [hbm4b:s2+s12], $0x80, s7, s12, $0xb8;
	[tilespmem:$0x15000] =	vst v63  }
0x34: {  	s15 =	sadd.s32 $0x400, s17;
	_ =	swait.ge [sflag:s31], $0x2000  }
0x35: {  	s7 =	sand.u32 $0x1FFFE400, s15;
	[sflag:s31] =	ssyncset.done $0x0  }
0x36: {  	s13 =	simm.s32 @!p0 $0xA;
	s7 =	sadd.s32 s4, s7;
	[sflag:s31] =	ssyncadd.s32 $0xFFFFE000  }
0x37: {  	[hbm4b:s7+s3] =	stream.linear.scatter [tilespmem:s22], [sflag:$0xA], $0x2000, $0x38;
	[tilespmem:$0x15000] =	vst v63  }
0x38: {  	_ =	swait.ge @!p0 [sflag:s13], $0x2000  }
0x39: {  	[sflag:s13] =	ssyncset.done @!p0 $0x0  }
0x3a: {  	s7 =	sadd.s32 @!p0 $0xFFFFFD00, s16;
	[sflag:s13] =	ssyncadd.s32 @!p0 $0xFFFFE000;
	s13 =	simm.s32 @!p0 $0x7000  }
0x3b: {  	[tilespmem:s13], [sflag:$0x2] =	stream.indirect.gather @!p0 [hbm4b:s2+s12], $0x80, s7, s12, $0xb8;
	[tilespmem:$0x15000] =	vst v63  }
0x3c: {  	s18 =	sadd.s32 $0x800, s17;
	_ =	swait.ge [sflag:s0], $0x2000  }
0x3d: {  	s7 =	sand.u32 $0x1FFFE800, s18;
	[sflag:s0] =	ssyncset.done $0x0  }
0x3e: {  	s13 =	simm.s32 @!p0 $0xB;
	s7 =	sadd.s32 s4, s7;
	[sflag:s0] =	ssyncadd.s32 $0xFFFFE000  }
0x3f: {  	[hbm4b:s7+s3] =	stream.linear.scatter [tilespmem:s23], [sflag:$0xB], $0x2000, $0x38;
	[tilespmem:$0x15000] =	vst v63  }
0x40: {  	_ =	swait.ge @!p0 [sflag:s13], $0x2000  }
0x41: {  	[sflag:s13] =	ssyncset.done @!p0 $0x0  }
0x42: {  	s7 =	sadd.s32 @!p0 $0xFFFFFD80, s16;
	[sflag:s13] =	ssyncadd.s32 @!p0 $0xFFFFE000;
	s13 =	simm.s32 @!p0 $0x9000  }
0x43: {  	[tilespmem:s13], [sflag:$0x3] =	stream.indirect.gather @!p0 [hbm4b:s2+s12], $0x80, s7, s12, $0xb8;
	[tilespmem:$0x15000] =	vst v63  }
0x44: {  	s5 =	sadd.s32 $0xC00, s17;
	_ =	swait.ge [sflag:s1], $0x2000  }
0x45: {  	s7 =	sand.u32 $0x1FFFEC00, s5;
	[sflag:s1] =	ssyncset.done $0x0  }
0x46: {  	s13 =	simm.s32 @!p0 $0xC;
	s7 =	sadd.s32 s4, s7;
	[sflag:s1] =	ssyncadd.s32 $0xFFFFE000  }
0x47: {  	[hbm4b:s7+s3] =	stream.linear.scatter [tilespmem:s24], [sflag:$0xC], $0x2000, $0x38;
	[tilespmem:$0x15000] =	vst v63  }
0x48: {  	_ =	swait.ge @!p0 [sflag:s13], $0x2000  }
0x49: {  	[sflag:s13] =	ssyncset.done @!p0 $0x0  }
0x4a: {  	s7 =	sadd.s32 @!p0 $0xFFFFFE00, s16;
	[sflag:s13] =	ssyncadd.s32 @!p0 $0xFFFFE000;
	s13 =	simm.s32 @!p0 $0xB000  }
0x4b: {  	[tilespmem:s13], [sflag:$0x4] =	stream.indirect.gather @!p0 [hbm4b:s2+s12], $0x80, s7, s12, $0xb8;
	[tilespmem:$0x15000] =	vst v63  }
0x4c: {  	s13 =	sadd.s32 $0x1000, s17;
	_ =	swait.ge [sflag:s8], $0x2000  }
0x4d: {  	s7 =	sand.u32 $0x1FFFF000, s13;
	[sflag:s8] =	ssyncset.done $0x0  }
0x4e: {  	s13 =	simm.s32 @!p0 $0xD;
	s7 =	sadd.s32 s4, s7;
	[sflag:s8] =	ssyncadd.s32 $0xFFFFE000  }
0x4f: {  	[hbm4b:s7+s3] =	stream.linear.scatter [tilespmem:s25], [sflag:$0xD], $0x2000, $0x38;
	[tilespmem:$0x15000] =	vst v63  }
0x50: {  	_ =	swait.ge @!p0 [sflag:s13], $0x2000  }
0x51: {  	[sflag:s13] =	ssyncset.done @!p0 $0x0  }
0x52: {  	s7 =	sadd.s32 @!p0 $0xFFFFFE80, s16;
	[sflag:s13] =	ssyncadd.s32 @!p0 $0xFFFFE000;
	s13 =	simm.s32 @!p0 $0xD000  }
0x53: {  	[tilespmem:s13], [sflag:$0x5] =	stream.indirect.gather @!p0 [hbm4b:s2+s12], $0x80, s7, s12, $0xb8;
	[tilespmem:$0x15000] =	vst v63  }
0x54: {  	s14 =	sadd.s32 $0x1400, s17;
	_ =	swait.ge [sflag:s9], $0x2000  }
0x55: {  	s7 =	sand.u32 $0x1FFFF400, s14;
	[sflag:s9] =	ssyncset.done $0x0  }
0x56: {  	s13 =	simm.s32 @!p0 $0xE;
	s7 =	sadd.s32 s4, s7;
	[sflag:s9] =	ssyncadd.s32 $0xFFFFE000  }
0x57: {  	[hbm4b:s7+s3] =	stream.linear.scatter [tilespmem:s26], [sflag:$0xE], $0x2000, $0x38;
	[tilespmem:$0x15000] =	vst v63  }
0x58: {  	_ =	swait.ge @!p0 [sflag:s13], $0x2000  }
0x59: {  	[sflag:s13] =	ssyncset.done @!p0 $0x0  }
0x5a: {  	s7 =	sadd.s32 @!p0 $0xFFFFFF00, s16;
	[sflag:s13] =	ssyncadd.s32 @!p0 $0xFFFFE000;
	s13 =	simm.s32 @!p0 $0xF000  }
0x5b: {  	[tilespmem:s13], [sflag:$0x6] =	stream.indirect.gather @!p0 [hbm4b:s2+s12], $0x80, s7, s12, $0xb8;
	[tilespmem:$0x15000] =	vst v63  }
0x5c: {  	s15 =	sadd.s32 $0x1800, s17;
	_ =	swait.ge [sflag:s10], $0x2000  }
0x5d: {  	s7 =	sand.u32 $0x1FFFF800, s15;
	[sflag:s10] =	ssyncset.done $0x0  }
0x5e: {  	s13 =	simm.s32 @!p0 $0xF;
	s7 =	sadd.s32 s4, s7;
	[sflag:s10] =	ssyncadd.s32 $0xFFFFE000  }
0x5f: {  	[hbm4b:s7+s3] =	stream.linear.scatter [tilespmem:s28], [sflag:$0xF], $0x2000, $0x38;
	[tilespmem:$0x15000] =	vst v63  }
0x60: {  	_ =	swait.ge @!p0 [sflag:s13], $0x2000  }
0x61: {  	[sflag:s13] =	ssyncset.done @!p0 $0x0  }
0x62: {  	s7 =	sadd.s32 @!p0 $0xFFFFFF80, s16;
	[sflag:s13] =	ssyncadd.s32 @!p0 $0xFFFFE000;
	s13 =	simm.s32 @!p0 $0x11000  }
0x63: {  	[tilespmem:s13], [sflag:$0x7] =	stream.indirect.gather @!p0 [hbm4b:s2+s12], $0x80, s7, s12, $0xb8;
	[tilespmem:$0x15000] =	vst v63  }
0x64: {  	p1 =	sne.s32 s6, $0x1;
	s18 =	sadd.s32 $0x1C00, s17;
	_ =	swait.ge [sflag:s11], $0x2000  }
0x65: {  	s15 =	simm.s32 @!p0 $0x10;
	s7 =	sand.u32 $0x1FFFFC00, s18;
	[sflag:s11] =	ssyncset.done $0x0  }
.Ltmp0:
0x66: {  	s7 =	sadd.s32 s4, s7;
	[sflag:s11] =	ssyncadd.s32 $0xFFFFE000;
	(pc) =	sbr.rel @!p1 .LBB2_3-.Ltmp0, $4  }
0x67: {  	[hbm4b:s7+s3] =	stream.linear.scatter [tilespmem:s29], [sflag:$0x10], $0x2000, $0x38;
	[tilespmem:$0x15000] =	vst v63  }
0x68: {  	s14 =	sadd.s32 $0x400, s16;
	_ =	swait.ge @!p0 [sflag:s15], $0x2000  }
0x69: {  	s13 =	simm.s32 $0x1;
	s18 =	smov.u32 s16;
	[sflag:s15] =	ssyncset.done @!p0 $0x0  }
0x6a: {  	s7 =	simm.s32 @!p0 $0x13000;
	[sflag:s15] =	ssyncadd.s32 @!p0 $0xFFFFE000;
	s15 =	sadd.s32 $0x2000, s17  }
.LBB2_2:
0x6b: {  	[tilespmem:s7], [sflag:$0x8] =	stream.indirect.gather @!p0 [hbm4b:s2+s12], $0x80, s18, s12, $0xb8;
	[tilespmem:$0x15000] =	vst v63  }
0x6c: {  	_ =	swait.ge [sflag:s30], $0x2000  }
0x6d: {  	s7 =	smov.u32 s13;
	[sflag:s30] =	ssyncset.done $0x0;
	s12 =	rddreg [dreg:$0x3]  }
0x6e: {  	s5 =	sadd.s32 s15, s4;
	[sflag:s30] =	ssyncadd.s32 $0xFFFFE000;
	p0 =	sge.s32 s7, s12  }
0x6f: {  	[hbm4b:s5+s3] =	stream.linear.scatter [tilespmem:s21], [sflag:$0x9], $0x2000, $0x38;
	[tilespmem:$0x15000] =	vst v63  }
0x70: {  	s5 =	simm.s32 @!p0 $0x9  }
0x71: {  	_ =	swait.ge @!p0 [sflag:s5], $0x2000  }
0x72: {  	s7 =	simm.s32 @!p0 $0x5000;
	[sflag:s5] =	ssyncset.done @!p0 $0x0  }
0x73: {  	s12 =	simm.s32 @!p0 $0x40;
	[sflag:s5] =	ssyncadd.s32 @!p0 $0xFFFFE000;
	s5 =	sadd.s32 @!p0 $0xFFFFFC80, s14  }
0x74: {  	[tilespmem:s7], [sflag:$0x1] =	stream.indirect.gather @!p0 [hbm4b:s2+s12], $0x80, s5, s12, $0xb8;
	[tilespmem:$0x15000] =	vst v63  }
0x75: {  	s7 =	sadd.s32 $0x400, s15;
	_ =	swait.ge [sflag:s31], $0x2000  }
0x76: {  	s5 =	sand.u32 $0x1FFFE400, s7;
	[sflag:s31] =	ssyncset.done $0x0  }
0x77: {  	s7 =	simm.s32 @!p0 $0xA;
	s5 =	sadd.s32 s4, s5;
	[sflag:s31] =	ssyncadd.s32 $0xFFFFE000  }
0x78: {  	[hbm4b:s5+s3] =	stream.linear.scatter [tilespmem:s22], [sflag:$0xA], $0x2000, $0x38;
	[tilespmem:$0x15000] =	vst v63  }
0x79: {  	_ =	swait.ge @!p0 [sflag:s7], $0x2000  }
0x7a: {  	[sflag:s7] =	ssyncset.done @!p0 $0x0  }
0x7b: {  	s5 =	sadd.s32 @!p0 $0xFFFFFD00, s14;
	[sflag:s7] =	ssyncadd.s32 @!p0 $0xFFFFE000;
	s7 =	simm.s32 @!p0 $0x7000  }
0x7c: {  	[tilespmem:s7], [sflag:$0x2] =	stream.indirect.gather @!p0 [hbm4b:s2+s12], $0x80, s5, s12, $0xb8;
	[tilespmem:$0x15000] =	vst v63  }
0x7d: {  	s7 =	sadd.s32 $0x800, s15;
	_ =	swait.ge [sflag:s0], $0x2000  }
0x7e: {  	s5 =	sand.u32 $0x1FFFE800, s7;
	[sflag:s0] =	ssyncset.done $0x0  }
0x7f: {  	s7 =	simm.s32 @!p0 $0xB;
	s5 =	sadd.s32 s4, s5;
	[sflag:s0] =	ssyncadd.s32 $0xFFFFE000  }
0x80: {  	[hbm4b:s5+s3] =	stream.linear.scatter [tilespmem:s23], [sflag:$0xB], $0x2000, $0x38;
	[tilespmem:$0x15000] =	vst v63  }
0x81: {  	_ =	swait.ge @!p0 [sflag:s7], $0x2000  }
0x82: {  	[sflag:s7] =	ssyncset.done @!p0 $0x0  }
0x83: {  	s5 =	sadd.s32 @!p0 $0xFFFFFD80, s14;
	[sflag:s7] =	ssyncadd.s32 @!p0 $0xFFFFE000;
	s7 =	simm.s32 @!p0 $0x9000  }
0x84: {  	[tilespmem:s7], [sflag:$0x3] =	stream.indirect.gather @!p0 [hbm4b:s2+s12], $0x80, s5, s12, $0xb8;
	[tilespmem:$0x15000] =	vst v63  }
0x85: {  	s7 =	sadd.s32 $0xC00, s15;
	_ =	swait.ge [sflag:s1], $0x2000  }
0x86: {  	s5 =	sand.u32 $0x1FFFEC00, s7;
	[sflag:s1] =	ssyncset.done $0x0  }
0x87: {  	s7 =	simm.s32 @!p0 $0xC;
	s5 =	sadd.s32 s4, s5;
	[sflag:s1] =	ssyncadd.s32 $0xFFFFE000  }
0x88: {  	[hbm4b:s5+s3] =	stream.linear.scatter [tilespmem:s24], [sflag:$0xC], $0x2000, $0x38;
	[tilespmem:$0x15000] =	vst v63  }
0x89: {  	_ =	swait.ge @!p0 [sflag:s7], $0x2000  }
0x8a: {  	[sflag:s7] =	ssyncset.done @!p0 $0x0  }
0x8b: {  	s5 =	sadd.s32 @!p0 $0xFFFFFE00, s14;
	[sflag:s7] =	ssyncadd.s32 @!p0 $0xFFFFE000;
	s7 =	simm.s32 @!p0 $0xB000  }
0x8c: {  	[tilespmem:s7], [sflag:$0x4] =	stream.indirect.gather @!p0 [hbm4b:s2+s12], $0x80, s5, s12, $0xb8;
	[tilespmem:$0x15000] =	vst v63  }
0x8d: {  	s7 =	sadd.s32 $0x1000, s15;
	_ =	swait.ge [sflag:s8], $0x2000  }
0x8e: {  	s5 =	sand.u32 $0x1FFFF000, s7;
	[sflag:s8] =	ssyncset.done $0x0  }
0x8f: {  	s7 =	simm.s32 @!p0 $0xD;
	s5 =	sadd.s32 s4, s5;
	[sflag:s8] =	ssyncadd.s32 $0xFFFFE000  }
0x90: {  	[hbm4b:s5+s3] =	stream.linear.scatter [tilespmem:s25], [sflag:$0xD], $0x2000, $0x38;
	[tilespmem:$0x15000] =	vst v63  }
0x91: {  	_ =	swait.ge @!p0 [sflag:s7], $0x2000  }
0x92: {  	[sflag:s7] =	ssyncset.done @!p0 $0x0  }
0x93: {  	s5 =	sadd.s32 @!p0 $0xFFFFFE80, s14;
	[sflag:s7] =	ssyncadd.s32 @!p0 $0xFFFFE000;
	s7 =	simm.s32 @!p0 $0xD000  }
0x94: {  	[tilespmem:s7], [sflag:$0x5] =	stream.indirect.gather @!p0 [hbm4b:s2+s12], $0x80, s5, s12, $0xb8;
	[tilespmem:$0x15000] =	vst v63  }
0x95: {  	s7 =	sadd.s32 $0x1400, s15;
	_ =	swait.ge [sflag:s9], $0x2000  }
0x96: {  	s5 =	sand.u32 $0x1FFFF400, s7;
	[sflag:s9] =	ssyncset.done $0x0  }
0x97: {  	s7 =	simm.s32 @!p0 $0xE;
	s5 =	sadd.s32 s4, s5;
	[sflag:s9] =	ssyncadd.s32 $0xFFFFE000  }
0x98: {  	[hbm4b:s5+s3] =	stream.linear.scatter [tilespmem:s26], [sflag:$0xE], $0x2000, $0x38;
	[tilespmem:$0x15000] =	vst v63  }
0x99: {  	_ =	swait.ge @!p0 [sflag:s7], $0x2000  }
0x9a: {  	[sflag:s7] =	ssyncset.done @!p0 $0x0  }
0x9b: {  	s5 =	sadd.s32 @!p0 $0xFFFFFF00, s14;
	[sflag:s7] =	ssyncadd.s32 @!p0 $0xFFFFE000;
	s7 =	simm.s32 @!p0 $0xF000  }
0x9c: {  	[tilespmem:s7], [sflag:$0x6] =	stream.indirect.gather @!p0 [hbm4b:s2+s12], $0x80, s5, s12, $0xb8;
	[tilespmem:$0x15000] =	vst v63  }
0x9d: {  	s7 =	sadd.s32 $0x1800, s15;
	_ =	swait.ge [sflag:s10], $0x2000  }
0x9e: {  	s5 =	sand.u32 $0x1FFFF800, s7;
	[sflag:s10] =	ssyncset.done $0x0  }
0x9f: {  	s7 =	simm.s32 @!p0 $0xF;
	s5 =	sadd.s32 s4, s5;
	[sflag:s10] =	ssyncadd.s32 $0xFFFFE000  }
0xa0: {  	[hbm4b:s5+s3] =	stream.linear.scatter [tilespmem:s28], [sflag:$0xF], $0x2000, $0x38;
	[tilespmem:$0x15000] =	vst v63  }
0xa1: {  	_ =	swait.ge @!p0 [sflag:s7], $0x2000  }
0xa2: {  	s13 =	sadd.s32 $0x1, s13;
	[sflag:s7] =	ssyncset.done @!p0 $0x0  }
0xa3: {  	s5 =	sadd.s32 @!p0 $0xFFFFFF80, s14;
	[sflag:s7] =	ssyncadd.s32 @!p0 $0xFFFFE000;
	s7 =	simm.s32 @!p0 $0x11000  }
0xa4: {  	[tilespmem:s7], [sflag:$0x7] =	stream.indirect.gather @!p0 [hbm4b:s2+s12], $0x80, s5, s12, $0xb8;
	[tilespmem:$0x15000] =	vst v63  }
0xa5: {  	p1 =	sne.s32 s6, s13;
	s7 =	sadd.s32 $0x1C00, s15;
	_ =	swait.ge [sflag:s11], $0x2000  }
0xa6: {  	s5 =	sand.u32 $0x1FFFFC00, s7;
	s7 =	simm.s32 @!p0 $0x10;
	[sflag:s11] =	ssyncset.done $0x0  }
.Ltmp1:
0xa7: {  	s5 =	sadd.s32 s4, s5;
	[sflag:s11] =	ssyncadd.s32 $0xFFFFE000;
	(pc) =	sbr.rel @p1 .LBB2_2-.Ltmp1, $4  }
0xa8: {  	[hbm4b:s5+s3] =	stream.linear.scatter [tilespmem:s29], [sflag:$0x10], $0x2000, $0x38;
	[tilespmem:$0x15000] =	vst v63  }
0xa9: {  	_ =	swait.ge @!p0 [sflag:s7], $0x2000  }
0xaa: {  	s18 =	smov.u32 s14;
	s14 =	sadd.s32 $0x400, s14;
	[sflag:s7] =	ssyncset.done @!p0 $0x0  }
0xab: {  	s15 =	sadd.s32 $0x2000, s15;
	[sflag:s7] =	ssyncadd.s32 @!p0 $0xFFFFE000;
	s7 =	simm.s32 @!p0 $0x13000  }
.LBB2_3:
0xac: {  	[tilespmem:s7], [sflag:$0x8] =	stream.indirect.gather @!p0 [hbm4b:s2+s12], $0x80, s18, s12, $0xb8;
	[tilespmem:$0x15000] =	vst v63  }
0xad: {  	s5 =	simm.s32 $0x9  }
0xae: {  	_ =	swait.ge [sflag:s5], $0x2000  }
0xaf: {  	[sflag:s5] =	ssyncset.done $0x0  }
0xb0: {  	s15 =	simm.s32 $0xA;
	[sflag:s5] =	ssyncadd.s32 $0xFFFFE000  }
0xb1: {  	_ =	swait.ge [sflag:s15], $0x2000  }
0xb2: {  	[sflag:s15] =	ssyncset.done $0x0  }
0xb3: {  	s18 =	simm.s32 $0xB;
	[sflag:s15] =	ssyncadd.s32 $0xFFFFE000  }
0xb4: {  	_ =	swait.ge [sflag:s18], $0x2000  }
0xb5: {  	[sflag:s18] =	ssyncset.done $0x0  }
0xb6: {  	s7 =	simm.s32 $0xC;
	[sflag:s18] =	ssyncadd.s32 $0xFFFFE000  }
0xb7: {  	_ =	swait.ge [sflag:s7], $0x2000  }
0xb8: {  	[sflag:s7] =	ssyncset.done $0x0  }
0xb9: {  	s12 =	simm.s32 $0xD;
	[sflag:s7] =	ssyncadd.s32 $0xFFFFE000  }
0xba: {  	_ =	swait.ge [sflag:s12], $0x2000  }
0xbb: {  	[sflag:s12] =	ssyncset.done $0x0  }
0xbc: {  	s13 =	simm.s32 $0xE;
	[sflag:s12] =	ssyncadd.s32 $0xFFFFE000  }
0xbd: {  	_ =	swait.ge [sflag:s13], $0x2000  }
0xbe: {  	[sflag:s13] =	ssyncset.done $0x0  }
0xbf: {  	s14 =	simm.s32 $0xF;
	[sflag:s13] =	ssyncadd.s32 $0xFFFFE000  }
0xc0: {  	_ =	swait.ge [sflag:s14], $0x2000  }
0xc1: {  	[sflag:s14] =	ssyncset.done $0x0  }
0xc2: {  	s15 =	simm.s32 $0x10;
	[sflag:s14] =	ssyncadd.s32 $0xFFFFE000  }
0xc3: {  	_ =	swait.ge [sflag:s15], $0x2000  }
0xc4: {  	s19 =	sadd.s32 $0x1, s19;
	s18 =	rddreg [dreg:$0xd]  }
0xc5: {  	p0 =	sne.s32 s19, s18  }
.Ltmp2:
0xc6: {  	_ = 	snop;
	(pc) =	sbr.rel @p0 .LBB2_1-.Ltmp2, $3  }
0xc7: {  	_ =	sdelay $0x1  }
0xc8: {  	[sflag:s15] =	ssyncset.done $0x0  }
0xc9: {  	[sflag:s15] =	ssyncadd.s32 $0xFFFFE000  }
0xca: {  	_ =	sfence.sel $0x180000  }
0xcb: {  	[bflag:$0x0] =	sbarrier.arrive $0xFFFF  }
0xcc: {  	_ =	strace $0x9000004A  }
0xcd: {  	s0 =	stileid.u32;
	[bflag:$0x2] =	sbarrier.arrive $0xFFFF  }
0xce: {  	p0 =	sne.s32 s0, $0x0;
	s0 =	rddreg [dreg:$0x2]  }
0xcf: {  	s0 =	sadd.s32 @!p0 $0x100000, s0  }
0xd0: {  	[sflag:s0] =	ssyncadd.tile.s32 @!p0 $0x1;
	_ =	shalt  }
.Lfunc_end2:
_tile_overlayer_lowered:
.L_overlay_start_2:
0xd1: {  	(tag) =	ssettag $0x2  }
0xd2: {  	s0 =	rddreg [dreg:$0x0];
	s2 =	stileid.u32  }
0xd3: {  	s1 =	rddreg [dreg:$0x1];
	p0 =	sne.s32 s2, $0x0  }
0xd4: {  	s3 =	rddreg [dreg:$0x2];
	[bflag:$0x3] =	sbarrier.arrive $0xFFFF;
	s2 =	simm.s32 @!p0 $0x1C11  }
0xd5: {  	[timem:s3], [sflag:s2] =	dma.local @!p0 [hbm:s0], s1  }
0xd6: {  	s0 =	simm.s32 @!p0 $0x11  }
0xd7: {  	_ =	swait.ge @!p0 [sflag:s0], s1  }
0xd8: {  	s1 =	ssub.s32 @!p0 $0x0, s1;
	[sflag:s0] =	ssyncset.done @!p0 $0x0  }
0xd9: {  	[sflag:s0] =	ssyncadd.s32 @!p0 s1  }
0xda: {  	[bflag:$0x3] =	sbarrier.arrive $0xFFFF  }
0xdb: {  	_ =	shalt  }

// kernel: kernel.15.cloned.1.call-start
scs
__scs_entry_jumppad:
0x0: {  	(pc) =	sbr.rel $0x88, $3  }
0x1: {  	(tag) =	ssettag $0x0;
	lr =	simm.s32 $0x1  }
0x2: {  	[smem:$0x3F88] =	sst lr;
	_ =	strace $0xD0000000  }
0x3: {  	_ = 	snop  }
0x4: {  	_ = 	snop  }
0x5: {  	_ = 	snop  }
0x6: {  	_ = 	snop  }
0x7: {  	_ = 	snop  }
__scs_overlays_trampoline_lowered:
0x8: {  	[smem:$0x3F97] =	sst s0  }
0x9: {  	[smem:$0x3F98] =	sst s1  }
0xa: {  	[smem:$0x3F99] =	sst s2  }
0xb: {  	[smem:$0x3F9A] =	sst s3  }
0xc: {  	[smem:$0x3F9B] =	sst s4  }
0xd: {  	[smem:$0x3F9C] =	sst s5  }
0xe: {  	[smem:$0x3F9D] =	sst s6  }
0xf: {  	[smem:$0x3F9E] =	sst s7  }
0x10: {  	[smem:$0x3F9F] =	sst s8  }
0x11: {  	[smem:$0x3FA0] =	sst s9;
	s0 =	simm.s32 @!p0 $0x0  }
0x12: {  	s1 =	sld [smem:$0x3F86];
	s0 =	simm.s32 @p0 $0x1  }
0x13: {  	[smem:$0x3FA1] =	sst s0;
	s0 =	simm.s32 @!p1 $0x0  }
0x14: {  	s2 =	sld [smem:$0x3F85];
	s0 =	simm.s32 @p1 $0x1  }
0x15: {  	[smem:$0x3FA2] =	sst s0;
	s0 =	simm.s32 @!p2 $0x0  }
0x16: {  	s3 =	sld [smem:$0x3FDB];
	s0 =	simm.s32 @p2 $0x1  }
0x17: {  	s4 =	simm.s32 $0x1BF5;
	[smem:$0x3FA4] =	sst s0  }
0x18: {  	s0 =	sld [smem:$0x3F87];
	_ =	swait.ge [sflag:s4], $0x0  }
0x19: {  	s7 =	sld [smem:$0x3F88]  }
0x1a: {  	s8 =	sadd.s32 $0xFFFFE003, lr  }
0x1b: {  	s9 =	sadd.s32 $0xFFFFFEF7, lr;
	s5 =	simm.s32 $0xFFFFFFFF;
	p2 =	slt.u32 s8, $0xFFFFF086  }
0x1c: {  	p1 =	slt.u32 s9, $0xF7A;
	s5 =	simm.s32 @!p2 $0x0  }
0x1d: {  	s5 =	simm.s32 @p1 $0x1;
	p0 =	seq.s32 s7, s2  }
0x1e: {  	s7 =	smul.u32 @!p0 $0xF7A, s2;
	p2 =	seq.s32 @!p0 s5, $0x0  }
0x1f: {  	s9 =	smul.u32 $0xF7A, s1;
	s8 =	simm.s32 @!p0 $0x1BF5;
	p2 =	por !p2, p0  }
0x20: {  	[sflag:s8] =	ssyncset.s32 @!p0 $0xFFFFF086;
	s6 =	sadd.s32 @!p0 s3, s7;
	s7 =	simm.s32 @!p0 $0x108  }
0x21: {  	s3 =	sadd.s32 s3, s9;
	s6 =	sadd.s32 @!p0 $0x88, s6;
	s7 =	simm.s32 @p2 $0x1082  }
0x22: {  	[simem:s7], [sflag:s8] =	dma.local @!p0 [hbm:s6], $0xF7A  }
0x23: {  	s9 =	sor.u32 $0xD0000000, s2;
	s6 =	simm.s32 $0x108;
	_ =	swait.ge @!p0 [sflag:s8], $0x0  }
0x24: {  	s3 =	sadd.s32 $0x88, s3;
	s6 =	simm.s32 @!p1 $0x1082;
	[sflag:s4] =	ssyncset.s32 $0xFFFFF086  }
0x25: {  	[simem:s6], [sflag:s4] =	dma.local [hbm:s3], $0xF7A  }
0x26: {  	[smem:$0x3F88] =	sst s1;
	(tag) =	ssettag s2;
	_ =	strace s9  }
0x27: {  	s1 =	sld [smem:$0x3F98]  }
0x28: {  	s2 =	sld [smem:$0x3F99]  }
0x29: {  	s4 =	sld [smem:$0x3F9B]  }
0x2a: {  	p0 =	seq.s32 s5, $0x0;
	s5 =	sld [smem:$0x3F9C]  }
0x2b: {  	s6 =	sld [smem:$0x3F9D]  }
0x2c: {  	s7 =	sld [smem:$0x3F9E]  }
0x2d: {  	s3 =	simm.s32 $0x108;
	s8 =	sld [smem:$0x3F9F]  }
0x2e: {  	s3 =	simm.s32 @!p0 $0x1082;
	s9 =	sld [smem:$0x3FA0]  }
0x2f: {  	lr =	sadd.s32 s0, s3;
	s0 =	sld [smem:$0x3F97]  }
0x30: {  	s3 =	sld [smem:$0x3F9A]  }
0x31: {  	[smem:$0x3FA3] =	sst s10  }
0x32: {  	s10 =	sld [smem:$0x3FA1];
	_ =	sdelay $0x3  }
0x33: {  	p0 =	seq.s32 s10, $0x1;
	s10 =	sld [smem:$0x3FA3];
	_ =	sdelay $0x3  }
0x34: {  	[smem:$0x3FA3] =	sst s10  }
0x35: {  	s10 =	sld [smem:$0x3FA2];
	_ =	sdelay $0x3  }
0x36: {  	p1 =	seq.s32 s10, $0x1;
	s10 =	sld [smem:$0x3FA3];
	_ =	sdelay $0x3  }
0x37: {  	[smem:$0x3FA3] =	sst s10  }
0x38: {  	s10 =	sld [smem:$0x3FA4]  }
0x39: {  	_ = 	snop;
	(pc) =	sbr.ind lr, $3  }
0x3a: {  	_ = 	snop  }
0x3b: {  	_ = 	snop  }
0x3c: {  	p2 =	seq.s32 s10, $0x1;
	s10 =	sld [smem:$0x3FA3]  }
0x3d: {  	_ =	shalt  }
0x3e: {  	_ =	shalt  }
0x3f: {  	_ =	shalt  }
0x40: {  	_ =	shalt  }
0x41: {  	_ =	shalt  }
0x42: {  	_ =	shalt  }
0x43: {  	_ =	shalt  }
0x44: {  	_ =	shalt  }
0x45: {  	_ =	shalt  }
0x46: {  	_ =	shalt  }
0x47: {  	_ =	shalt  }
0x48: {  	_ =	shalt  }
0x49: {  	_ =	shalt  }
0x4a: {  	_ =	shalt  }
0x4b: {  	_ =	shalt  }
0x4c: {  	_ =	shalt  }
0x4d: {  	_ =	shalt  }
0x4e: {  	_ =	shalt  }
0x4f: {  	_ =	shalt  }
0x50: {  	_ =	shalt  }
0x51: {  	_ =	shalt  }
0x52: {  	_ =	shalt  }
0x53: {  	_ =	shalt  }
0x54: {  	_ =	shalt  }
0x55: {  	_ =	shalt  }
0x56: {  	_ =	shalt  }
0x57: {  	_ =	shalt  }
0x58: {  	_ =	shalt  }
0x59: {  	_ =	shalt  }
0x5a: {  	_ =	shalt  }
0x5b: {  	_ =	shalt  }
0x5c: {  	_ =	shalt  }
0x5d: {  	_ =	shalt  }
0x5e: {  	_ =	shalt  }
0x5f: {  	_ =	shalt  }
0x60: {  	_ =	shalt  }
0x61: {  	_ =	shalt  }
0x62: {  	_ =	shalt  }
0x63: {  	_ =	shalt  }
0x64: {  	_ =	shalt  }
0x65: {  	_ =	shalt  }
0x66: {  	_ =	shalt  }
0x67: {  	_ =	shalt  }
0x68: {  	_ =	shalt  }
0x69: {  	_ =	shalt  }
0x6a: {  	_ =	shalt  }
0x6b: {  	_ =	shalt  }
0x6c: {  	_ =	shalt  }
0x6d: {  	_ =	shalt  }
0x6e: {  	_ =	shalt  }
0x6f: {  	_ =	shalt  }
0x70: {  	_ =	shalt  }
0x71: {  	_ =	shalt  }
0x72: {  	_ =	shalt  }
0x73: {  	_ =	shalt  }
0x74: {  	_ =	shalt  }
0x75: {  	_ =	shalt  }
0x76: {  	_ =	shalt  }
0x77: {  	_ =	shalt  }
0x78: {  	_ =	shalt  }
0x79: {  	_ =	shalt  }
0x7a: {  	_ =	shalt  }
0x7b: {  	_ =	shalt  }
0x7c: {  	_ =	shalt  }
0x7d: {  	_ =	shalt  }
0x7e: {  	_ =	shalt  }
0x7f: {  	_ =	shalt  }
0x80: {  	_ =	shalt  }
0x81: {  	_ =	shalt  }
0x82: {  	_ =	shalt  }
0x83: {  	_ =	shalt  }
0x84: {  	_ =	shalt  }
0x85: {  	_ =	shalt  }
0x86: {  	_ =	shalt  }
0x87: {  	_ =	shalt  }
.Lfunc_end0:
.L_simem_size_0:
called_computation.2_lowered:
.L_overlay_start_0:
0x88: {  	s2 =	sld [smem:$0x3FD9]  }
0x89: {  	s3 =	sld [smem:$0x3FFE];
	_ =	sdelay $0x1  }
0x8a: {  	s1 =	srdreg.scid  }
0x8b: {  	s0 =	sand.u32 $0x1, s1  }
0x8c: {  	s14 =	sshll.u32 s0, $0xA;
	s2 =	sadd.s32 s3, s2  }
0x8d: {  	s2 =	sadd.s32 s2, s14  }
0x8e: {  	[smem:$0x3FAF] =	sst s2  }
0x8f: {  	_ = 	snop  }
0x90: {  	s2 =	sld [smem:$0x3FD0];
	_ =	sdelay $0x2  }
0x91: {  	s15 =	simm.s32 $0xA;
	s4 =	simm.s32 $0x10  }
0x92: {  	[smem:s4], [sflag:s15] =	dma.local [hbm:s2], $0x1  }
0x93: {  	_ =	swait.eq [sflag:s15], $0x1  }
0x94: {  	[sflag:s15] =	ssyncset.done $0x0  }
0x95: {  	[sflag:s15] =	ssyncadd.s32 $0xFFFFFFFF  }
0x96: {  	s16 =	sld [smem:$0x10];
	(tm) =	ssettm $0x1  }
0x97: {  	s17 =	sld [smem:$0x3FFB];
	_ =	sdelay $0x3  }
0x98: {  	_ =	strace s17  }
0x99: {  	s3 =	sld [smem:$0x3FFC];
	_ =	sdelay $0x3  }
0x9a: {  	_ =	strace s3  }
0x9b: {  	s3 =	sld [smem:$0x3FFD];
	_ =	sdelay $0x3  }
0x9c: {  	_ =	strace s3  }
0x9d: {  	_ =	strace $0x8FFFFFFF  }
0x9e: {  	s18 =	sld [smem:$0x3FDB];
	_ =	sdelay $0x1  }
0x9f: {  	s19 =	simm.s32 $_scs_section_size  }
0xa0: {  	s5 =	simm.s32 $_size__tile_overlayer_lowered;
	s6 =	simm.s32 $_tile_overlayer_lowered  }
0xa1: {  	s22 =	simm.s32 $0x1BFF;
	s21 =	sshll.u32 s6, $0x1;
	s3 =	sadd.s32 s19, s18  }
0xa2: {  	s7 =	simm.s32 $0x0;
	s20 =	sshll.u32 s5, $0x1;
	s5 =	sadd.s32 s21, s3  }
0xa3: {  	[timem:s7], [sflag:s22] =	dma.local [hbm:s5], s20  }
0xa4: {  	_ =	swait.ge [sflag:s22], s20  }
0xa5: {  	s4 =	ssub.s32 $0x0, s20;
	[sflag:s22] =	ssyncset.done $0x0  }
0xa6: {  	[sflag:s22] =	ssyncadd.s32 s4;
	_ =	sdelay $0x1  }
0xa7: {  	s23 =	simm.s32 $0x1B8B  }
0xa8: {  	_ =	swait.ge [sflag:s23], $0x1  }
0xa9: {  	[sflag:s23] =	ssyncset.done $0x0  }
0xaa: {  	s25 =	simm.s32 $0x1B8E;
	s24 =	sld [smem:$0x3FFE];
	[sflag:s23] =	ssyncadd.s32 $0xFFFFFFFF  }
0xab: {  	s26 =	simm.s32 $execute0_lowered;
	[smem:$0x3FD2] =	sst s25  }
0xac: {  	s5 =	sshll.u32 s26, $0x1;
	_ =	strace $0x8000004C;
	[dreg:$0x1] =	wrdreg $0xFFFFFFFF  }
0xad: {  	s28 =	simm.s32 $_size_execute0_lowered;
	s3 =	sadd.s32 s3, s5;
	[dreg:$0x0] =	wrdreg $0x0  }
0xae: {  	s5 =	sshll.u32 s28, $0x1;
	[dreg:$0x2] =	wrdreg s3  }
0xaf: {  	[dreg:$0x3] =	wrdreg s5  }
0xb0: {  	[dreg:$0x4] =	wrdreg $0xC0  }
0xb1: {  	_ =	task [dreg:s7], $0x5FFFF  }
0xb2: {  	[dreg:$0x1] =	wrdreg $0xFFFFFFFF  }
0xb3: {  	[dreg:$0x0] =	wrdreg $0x60  }
0xb4: {  	[dreg:$0x2] =	wrdreg s16  }
0xb5: {  	[dreg:$0x3] =	wrdreg s24  }
0xb6: {  	[dreg:$0x4] =	wrdreg $0x9  }
0xb7: {  	_ =	task.clear_ibuf [dreg:s7], $0x5FFFF;
	_ =	strace $0x9000004C  }
0xb8: {  	s29 =	simm.s32 $0x9;
	_ =	strace $0x8000004E  }
0xb9: {  	_ =	swait.ge [sflag:s29], $0x1  }
0xba: {  	[sflag:s29] =	ssyncadd.s32 $0xFFFFFFFF  }
0xbb: {  	_ =	strace $0x9000004E  }
0xbc: {  	_ =	sfence  }
0xbd: {  	s30 =	sld [smem:$0x0];
	_ =	sdelay $0x2  }
0xbe: {  	s31 =	sshll.u32 s1, $0xD;
	s1 =	sshrl.u32 s1, $0x2  }
0xbf: {  	s3 =	sand.u32 $0x4000, s31;
	s1 =	sadd.s32 s1, s30  }
0xc0: {  	s0 =	sor.u32 s3, s0;
	s1 =	sshll.u32 s1, $0x11  }
0xc1: {  	s0 =	sor.u32 s1, s0  }
0xc2: {  	s0 =	sadd.s32 $0x8F2B, s0  }
0xc3: {  	[sflag:s0] =	ssyncadd.remote.s32 $0x1  }
0xc4: {  	_ =	sfence.sel $0xFFFF  }
0xc5: {  	[dreg:$0x0] =	wrdreg $0xFFFFFFFF;
	(pc) =	sbr.abs _section_cstart, $3  }
0xc6: {  	[dreg:$0x1] =	wrdreg $0xFFFFFFFF  }
0xc7: {  	_ =	task.clear_ibuf [dreg:s7], $0x2FFFF;
	_ =	strace $0x9FFFFFFF  }
0xc8: {  	(tm) =	ssettm $0x7FFFFFFF  }
0xc9: {  	_ =	shalt  }
tec
execute0_lowered:
.L_overlay_start_1:
0x0: {  	(tag) =	ssettag $0x1  }
0x1: {  	s2 =	rddreg [dreg:$0x0]  }
0x2: {  	s0 =	rddreg [dreg:$0x1]  }
0x3: {  	s8 =	stileid.u32;
	s1 =	srdreg.scid  }
0x4: {  	s3 =	simm.s32 $0x0;
	s28 =	simm.s32 $0x11000;
	s29 =	simm.s32 $0x13000  }
0x5: {  	s30 =	simm.s32 $0x1;
	s31 =	simm.s32 $0x2;
	s10 =	simm.s32 $0x7  }
0x6: {  	s11 =	simm.s32 $0x8;
	s4 =	smul.u32 $0xA00, s8;
	s1 =	sand.u32 $0x1, s1  }
0x7: {  	[smem:$0x7FF] =	sst s3;
	s24 =	smul.u32 $0x28000, s8;
	s8 =	simm.s32 $0x5  }
0x8: {  	s5 =	ssub.s32 $0x2, s1;
	_ =	strace $0x8000004D;
	s9 =	sshll.u32 s1, $0xE  }
0x9: {  	p0 =	seq.s32 s1, $0x0;
	s18 =	sor.u32 $0x80, s9;
	[dreg:$0x4] =	wrdreg s9  }
0xa: {  	s1 =	sshll.u32 s1, $0x11;
	s19 =	sor.u32 $0x100, s9;
	[dreg:$0x6] =	wrdreg s18  }
0xb: {  	s7 =	sadd.s32 s4, s0;
	s20 =	sor.u32 $0x180, s9;
	[dreg:$0x7] =	wrdreg s19  }
0xc: {  	s6 =	sshrl.u32 s5, $0x1;
	s21 =	sor.u32 $0x200, s9;
	[dreg:$0x8] =	wrdreg s20  }
0xd: {  	s4 =	sadd.s32 $0x15800, s0;
	s22 =	sor.u32 $0x280, s9;
	[dreg:$0x9] =	wrdreg s21  }
0xe: {  	s23 =	sor.u32 $0x300, s9;
	s25 =	sor.u32 $0x380, s9;
	[dreg:$0xa] =	wrdreg s22  }
0xf: {  	s16 =	ssub.s32 s5, s6;
	s6 =	simm.s32 $0x10;
	[dreg:$0xb] =	wrdreg s23  }
0x10: {  	s17 =	sadd.s32 $0xB200, s7;
	[dreg:$0xc] =	wrdreg s25;
	s20 =	simm.s32 $0x40  }
0x11: {  	s21 =	simm.s32 $0x5000;
	s22 =	simm.s32 $0x7000;
	s23 =	simm.s32 $0x9000  }
0x12: {  	s25 =	simm.s32 $0xD000;
	s19 =	simm.s32 $0x0;
	s6 =	simm.s32 @!p0 $0x4  }
0x13: {  	[dreg:$0x5] =	wrdreg s17;
	s0 =	smax.u32 s16, $0x1;
	s17 =	sadd.s32 s1, s24  }
0x14: {  	s16 =	sor.u32 $0x780, s9;
	s24 =	simm.s32 $0xB000;
	s1 =	simm.s32 $0x4  }
0x15: {  	s9 =	simm.s32 $0x6;
	s26 =	sadd.s32 $0xFFFFFFFF, s6;
	[dreg:$0xd] =	wrdreg s0  }
0x16: {  	s0 =	simm.s32 $0x3;
	[dreg:$0x3] =	wrdreg s26;
	s26 =	simm.s32 $0xF000  }
.LBB2_1:
0x17: {  	s5 =	rddreg [dreg:$0x5];
	s12 =	simm.s32 $0x11  }
0x18: {  	[tilespmem:s3], [sflag:$0x11] =	stream.linear.gather [hbm4b:s5+s3], $0x5000, $0x38;
	[tilespmem:$0x15000] =	vst v63  }
0x19: {  	_ =	swait.ge [sflag:s12], $0x5000  }
0x1a: {  	[sflag:s12] =	ssyncset.done $0x0  }
0x1b: {  	s13 =	rddreg [dreg:$0x4];
	[sflag:s12] =	ssyncadd.s32 $0xFFFFB000  }
0x1c: {  	[tilespmem:s21], [sflag:$0x1] =	stream.indirect.gather [hbm4b:s2+s20], $0x80, s13, s20, $0xb8;
	[tilespmem:$0x15000] =	vst v63  }
0x1d: {  	s14 =	rddreg [dreg:$0x6]  }
0x1e: {  	[tilespmem:s22], [sflag:$0x2] =	stream.indirect.gather [hbm4b:s2+s20], $0x80, s14, s20, $0xb8;
	[tilespmem:$0x15000] =	vst v63  }
0x1f: {  	s15 =	rddreg [dreg:$0x7]  }
0x20: {  	[tilespmem:s23], [sflag:$0x3] =	stream.indirect.gather [hbm4b:s2+s20], $0x80, s15, s20, $0xb8;
	[tilespmem:$0x15000] =	vst v63  }
0x21: {  	s18 =	rddreg [dreg:$0x8]  }
0x22: {  	[tilespmem:s24], [sflag:$0x4] =	stream.indirect.gather [hbm4b:s2+s20], $0x80, s18, s20, $0xb8;
	[tilespmem:$0x15000] =	vst v63  }
0x23: {  	s7 =	rddreg [dreg:$0x9]  }
0x24: {  	[tilespmem:s25], [sflag:$0x5] =	stream.indirect.gather [hbm4b:s2+s20], $0x80, s7, s20, $0xb8;
	[tilespmem:$0x15000] =	vst v63  }
0x25: {  	s12 =	rddreg [dreg:$0xa]  }
0x26: {  	[tilespmem:s26], [sflag:$0x6] =	stream.indirect.gather [hbm4b:s2+s20], $0x80, s12, s20, $0xb8;
	[tilespmem:$0x15000] =	vst v63  }
0x27: {  	s13 =	rddreg [dreg:$0xb]  }
0x28: {  	[tilespmem:s28], [sflag:$0x7] =	stream.indirect.gather [hbm4b:s2+s20], $0x80, s13, s20, $0xb8;
	[tilespmem:$0x15000] =	vst v63  }
0x29: {  	s14 =	rddreg [dreg:$0xc]  }
0x2a: {  	[tilespmem:s29], [sflag:$0x8] =	stream.indirect.gather [hbm4b:s2+s20], $0x80, s14, s20, $0xb8;
	[tilespmem:$0x15000] =	vst v63  }
0x2b: {  	_ =	swait.ge [sflag:s30], $0x2000  }
0x2c: {  	[sflag:s30] =	ssyncset.done $0x0;
	s7 =	rddreg [dreg:$0x3]  }
0x2d: {  	s12 =	sadd.s32 s17, s4;
	[sflag:s30] =	ssyncadd.s32 $0xFFFFE000;
	p0 =	sle.s32 s7, $0x0  }
0x2e: {  	[hbm4b:s12+s3] =	stream.linear.scatter [tilespmem:s21], [sflag:$0x9], $0x2000, $0x38;
	[tilespmem:$0x15000] =	vst v63  }
0x2f: {  	s7 =	simm.s32 @!p0 $0x9  }
0x30: {  	_ =	swait.ge @!p0 [sflag:s7], $0x2000  }
0x31: {  	s13 =	simm.s32 @!p0 $0x5000;
	[sflag:s7] =	ssyncset.done @!p0 $0x0  }
0x32: {  	s12 =	simm.s32 @!p0 $0x40;
	[sflag:s7] =	ssyncadd.s32 @!p0 $0xFFFFE000;
	s7 =	sadd.s32 @!p0 $0xFFFFFC80, s16  }
0x33: {  	[tilespmem:s13], [sflag:$0x1] =	stream.indirect.gather @!p0 [hbm4b:s2+s12], $0x80, s7, s12, $0xb8;
	[tilespmem:$0x15000] =	vst v63  }
0x34: {  	s15 =	sadd.s32 $0x400, s17;
	_ =	swait.ge [sflag:s31], $0x2000  }
0x35: {  	s7 =	sand.u32 $0x1FFFE400, s15;
	[sflag:s31] =	ssyncset.done $0x0  }
0x36: {  	s13 =	simm.s32 @!p0 $0xA;
	s7 =	sadd.s32 s4, s7;
	[sflag:s31] =	ssyncadd.s32 $0xFFFFE000  }
0x37: {  	[hbm4b:s7+s3] =	stream.linear.scatter [tilespmem:s22], [sflag:$0xA], $0x2000, $0x38;
	[tilespmem:$0x15000] =	vst v63  }
0x38: {  	_ =	swait.ge @!p0 [sflag:s13], $0x2000  }
0x39: {  	[sflag:s13] =	ssyncset.done @!p0 $0x0  }
0x3a: {  	s7 =	sadd.s32 @!p0 $0xFFFFFD00, s16;
	[sflag:s13] =	ssyncadd.s32 @!p0 $0xFFFFE000;
	s13 =	simm.s32 @!p0 $0x7000  }
0x3b: {  	[tilespmem:s13], [sflag:$0x2] =	stream.indirect.gather @!p0 [hbm4b:s2+s12], $0x80, s7, s12, $0xb8;
	[tilespmem:$0x15000] =	vst v63  }
0x3c: {  	s18 =	sadd.s32 $0x800, s17;
	_ =	swait.ge [sflag:s0], $0x2000  }
0x3d: {  	s7 =	sand.u32 $0x1FFFE800, s18;
	[sflag:s0] =	ssyncset.done $0x0  }
0x3e: {  	s13 =	simm.s32 @!p0 $0xB;
	s7 =	sadd.s32 s4, s7;
	[sflag:s0] =	ssyncadd.s32 $0xFFFFE000  }
0x3f: {  	[hbm4b:s7+s3] =	stream.linear.scatter [tilespmem:s23], [sflag:$0xB], $0x2000, $0x38;
	[tilespmem:$0x15000] =	vst v63  }
0x40: {  	_ =	swait.ge @!p0 [sflag:s13], $0x2000  }
0x41: {  	[sflag:s13] =	ssyncset.done @!p0 $0x0  }
0x42: {  	s7 =	sadd.s32 @!p0 $0xFFFFFD80, s16;
	[sflag:s13] =	ssyncadd.s32 @!p0 $0xFFFFE000;
	s13 =	simm.s32 @!p0 $0x9000  }
0x43: {  	[tilespmem:s13], [sflag:$0x3] =	stream.indirect.gather @!p0 [hbm4b:s2+s12], $0x80, s7, s12, $0xb8;
	[tilespmem:$0x15000] =	vst v63  }
0x44: {  	s5 =	sadd.s32 $0xC00, s17;
	_ =	swait.ge [sflag:s1], $0x2000  }
0x45: {  	s7 =	sand.u32 $0x1FFFEC00, s5;
	[sflag:s1] =	ssyncset.done $0x0  }
0x46: {  	s13 =	simm.s32 @!p0 $0xC;
	s7 =	sadd.s32 s4, s7;
	[sflag:s1] =	ssyncadd.s32 $0xFFFFE000  }
0x47: {  	[hbm4b:s7+s3] =	stream.linear.scatter [tilespmem:s24], [sflag:$0xC], $0x2000, $0x38;
	[tilespmem:$0x15000] =	vst v63  }
0x48: {  	_ =	swait.ge @!p0 [sflag:s13], $0x2000  }
0x49: {  	[sflag:s13] =	ssyncset.done @!p0 $0x0  }
0x4a: {  	s7 =	sadd.s32 @!p0 $0xFFFFFE00, s16;
	[sflag:s13] =	ssyncadd.s32 @!p0 $0xFFFFE000;
	s13 =	simm.s32 @!p0 $0xB000  }
0x4b: {  	[tilespmem:s13], [sflag:$0x4] =	stream.indirect.gather @!p0 [hbm4b:s2+s12], $0x80, s7, s12, $0xb8;
	[tilespmem:$0x15000] =	vst v63  }
0x4c: {  	s13 =	sadd.s32 $0x1000, s17;
	_ =	swait.ge [sflag:s8], $0x2000  }
0x4d: {  	s7 =	sand.u32 $0x1FFFF000, s13;
	[sflag:s8] =	ssyncset.done $0x0  }
0x4e: {  	s13 =	simm.s32 @!p0 $0xD;
	s7 =	sadd.s32 s4, s7;
	[sflag:s8] =	ssyncadd.s32 $0xFFFFE000  }
0x4f: {  	[hbm4b:s7+s3] =	stream.linear.scatter [tilespmem:s25], [sflag:$0xD], $0x2000, $0x38;
	[tilespmem:$0x15000] =	vst v63  }
0x50: {  	_ =	swait.ge @!p0 [sflag:s13], $0x2000  }
0x51: {  	[sflag:s13] =	ssyncset.done @!p0 $0x0  }
0x52: {  	s7 =	sadd.s32 @!p0 $0xFFFFFE80, s16;
	[sflag:s13] =	ssyncadd.s32 @!p0 $0xFFFFE000;
	s13 =	simm.s32 @!p0 $0xD000  }
0x53: {  	[tilespmem:s13], [sflag:$0x5] =	stream.indirect.gather @!p0 [hbm4b:s2+s12], $0x80, s7, s12, $0xb8;
	[tilespmem:$0x15000] =	vst v63  }
0x54: {  	s14 =	sadd.s32 $0x1400, s17;
	_ =	swait.ge [sflag:s9], $0x2000  }
0x55: {  	s7 =	sand.u32 $0x1FFFF400, s14;
	[sflag:s9] =	ssyncset.done $0x0  }
0x56: {  	s13 =	simm.s32 @!p0 $0xE;
	s7 =	sadd.s32 s4, s7;
	[sflag:s9] =	ssyncadd.s32 $0xFFFFE000  }
0x57: {  	[hbm4b:s7+s3] =	stream.linear.scatter [tilespmem:s26], [sflag:$0xE], $0x2000, $0x38;
	[tilespmem:$0x15000] =	vst v63  }
0x58: {  	_ =	swait.ge @!p0 [sflag:s13], $0x2000  }
0x59: {  	[sflag:s13] =	ssyncset.done @!p0 $0x0  }
0x5a: {  	s7 =	sadd.s32 @!p0 $0xFFFFFF00, s16;
	[sflag:s13] =	ssyncadd.s32 @!p0 $0xFFFFE000;
	s13 =	simm.s32 @!p0 $0xF000  }
0x5b: {  	[tilespmem:s13], [sflag:$0x6] =	stream.indirect.gather @!p0 [hbm4b:s2+s12], $0x80, s7, s12, $0xb8;
	[tilespmem:$0x15000] =	vst v63  }
0x5c: {  	s15 =	sadd.s32 $0x1800, s17;
	_ =	swait.ge [sflag:s10], $0x2000  }
0x5d: {  	s7 =	sand.u32 $0x1FFFF800, s15;
	[sflag:s10] =	ssyncset.done $0x0  }
0x5e: {  	s13 =	simm.s32 @!p0 $0xF;
	s7 =	sadd.s32 s4, s7;
	[sflag:s10] =	ssyncadd.s32 $0xFFFFE000  }
0x5f: {  	[hbm4b:s7+s3] =	stream.linear.scatter [tilespmem:s28], [sflag:$0xF], $0x2000, $0x38;
	[tilespmem:$0x15000] =	vst v63  }
0x60: {  	_ =	swait.ge @!p0 [sflag:s13], $0x2000  }
0x61: {  	[sflag:s13] =	ssyncset.done @!p0 $0x0  }
0x62: {  	s7 =	sadd.s32 @!p0 $0xFFFFFF80, s16;
	[sflag:s13] =	ssyncadd.s32 @!p0 $0xFFFFE000;
	s13 =	simm.s32 @!p0 $0x11000  }
0x63: {  	[tilespmem:s13], [sflag:$0x7] =	stream.indirect.gather @!p0 [hbm4b:s2+s12], $0x80, s7, s12, $0xb8;
	[tilespmem:$0x15000] =	vst v63  }
0x64: {  	p1 =	sne.s32 s6, $0x1;
	s18 =	sadd.s32 $0x1C00, s17;
	_ =	swait.ge [sflag:s11], $0x2000  }
0x65: {  	s15 =	simm.s32 @!p0 $0x10;
	s7 =	sand.u32 $0x1FFFFC00, s18;
	[sflag:s11] =	ssyncset.done $0x0  }
.Ltmp0:
0x66: {  	s7 =	sadd.s32 s4, s7;
	[sflag:s11] =	ssyncadd.s32 $0xFFFFE000;
	(pc) =	sbr.rel @!p1 .LBB2_3-.Ltmp0, $4  }
0x67: {  	[hbm4b:s7+s3] =	stream.linear.scatter [tilespmem:s29], [sflag:$0x10], $0x2000, $0x38;
	[tilespmem:$0x15000] =	vst v63  }
0x68: {  	s14 =	sadd.s32 $0x400, s16;
	_ =	swait.ge @!p0 [sflag:s15], $0x2000  }
0x69: {  	s13 =	simm.s32 $0x1;
	s18 =	smov.u32 s16;
	[sflag:s15] =	ssyncset.done @!p0 $0x0  }
0x6a: {  	s7 =	simm.s32 @!p0 $0x13000;
	[sflag:s15] =	ssyncadd.s32 @!p0 $0xFFFFE000;
	s15 =	sadd.s32 $0x2000, s17  }
.LBB2_2:
0x6b: {  	[tilespmem:s7], [sflag:$0x8] =	stream.indirect.gather @!p0 [hbm4b:s2+s12], $0x80, s18, s12, $0xb8;
	[tilespmem:$0x15000] =	vst v63  }
0x6c: {  	_ =	swait.ge [sflag:s30], $0x2000  }
0x6d: {  	s7 =	smov.u32 s13;
	[sflag:s30] =	ssyncset.done $0x0;
	s12 =	rddreg [dreg:$0x3]  }
0x6e: {  	s5 =	sadd.s32 s15, s4;
	[sflag:s30] =	ssyncadd.s32 $0xFFFFE000;
	p0 =	sge.s32 s7, s12  }
0x6f: {  	[hbm4b:s5+s3] =	stream.linear.scatter [tilespmem:s21], [sflag:$0x9], $0x2000, $0x38;
	[tilespmem:$0x15000] =	vst v63  }
0x70: {  	s5 =	simm.s32 @!p0 $0x9  }
0x71: {  	_ =	swait.ge @!p0 [sflag:s5], $0x2000  }
0x72: {  	s7 =	simm.s32 @!p0 $0x5000;
	[sflag:s5] =	ssyncset.done @!p0 $0x0  }
0x73: {  	s12 =	simm.s32 @!p0 $0x40;
	[sflag:s5] =	ssyncadd.s32 @!p0 $0xFFFFE000;
	s5 =	sadd.s32 @!p0 $0xFFFFFC80, s14  }
0x74: {  	[tilespmem:s7], [sflag:$0x1] =	stream.indirect.gather @!p0 [hbm4b:s2+s12], $0x80, s5, s12, $0xb8;
	[tilespmem:$0x15000] =	vst v63  }
0x75: {  	s7 =	sadd.s32 $0x400, s15;
	_ =	swait.ge [sflag:s31], $0x2000  }
0x76: {  	s5 =	sand.u32 $0x1FFFE400, s7;
	[sflag:s31] =	ssyncset.done $0x0  }
0x77: {  	s7 =	simm.s32 @!p0 $0xA;
	s5 =	sadd.s32 s4, s5;
	[sflag:s31] =	ssyncadd.s32 $0xFFFFE000  }
0x78: {  	[hbm4b:s5+s3] =	stream.linear.scatter [tilespmem:s22], [sflag:$0xA], $0x2000, $0x38;
	[tilespmem:$0x15000] =	vst v63  }
0x79: {  	_ =	swait.ge @!p0 [sflag:s7], $0x2000  }
0x7a: {  	[sflag:s7] =	ssyncset.done @!p0 $0x0  }
0x7b: {  	s5 =	sadd.s32 @!p0 $0xFFFFFD00, s14;
	[sflag:s7] =	ssyncadd.s32 @!p0 $0xFFFFE000;
	s7 =	simm.s32 @!p0 $0x7000  }
0x7c: {  	[tilespmem:s7], [sflag:$0x2] =	stream.indirect.gather @!p0 [hbm4b:s2+s12], $0x80, s5, s12, $0xb8;
	[tilespmem:$0x15000] =	vst v63  }
0x7d: {  	s7 =	sadd.s32 $0x800, s15;
	_ =	swait.ge [sflag:s0], $0x2000  }
0x7e: {  	s5 =	sand.u32 $0x1FFFE800, s7;
	[sflag:s0] =	ssyncset.done $0x0  }
0x7f: {  	s7 =	simm.s32 @!p0 $0xB;
	s5 =	sadd.s32 s4, s5;
	[sflag:s0] =	ssyncadd.s32 $0xFFFFE000  }
0x80: {  	[hbm4b:s5+s3] =	stream.linear.scatter [tilespmem:s23], [sflag:$0xB], $0x2000, $0x38;
	[tilespmem:$0x15000] =	vst v63  }
0x81: {  	_ =	swait.ge @!p0 [sflag:s7], $0x2000  }
0x82: {  	[sflag:s7] =	ssyncset.done @!p0 $0x0  }
0x83: {  	s5 =	sadd.s32 @!p0 $0xFFFFFD80, s14;
	[sflag:s7] =	ssyncadd.s32 @!p0 $0xFFFFE000;
	s7 =	simm.s32 @!p0 $0x9000  }
0x84: {  	[tilespmem:s7], [sflag:$0x3] =	stream.indirect.gather @!p0 [hbm4b:s2+s12], $0x80, s5, s12, $0xb8;
	[tilespmem:$0x15000] =	vst v63  }
0x85: {  	s7 =	sadd.s32 $0xC00, s15;
	_ =	swait.ge [sflag:s1], $0x2000  }
0x86: {  	s5 =	sand.u32 $0x1FFFEC00, s7;
	[sflag:s1] =	ssyncset.done $0x0  }
0x87: {  	s7 =	simm.s32 @!p0 $0xC;
	s5 =	sadd.s32 s4, s5;
	[sflag:s1] =	ssyncadd.s32 $0xFFFFE000  }
0x88: {  	[hbm4b:s5+s3] =	stream.linear.scatter [tilespmem:s24], [sflag:$0xC], $0x2000, $0x38;
	[tilespmem:$0x15000] =	vst v63  }
0x89: {  	_ =	swait.ge @!p0 [sflag:s7], $0x2000  }
0x8a: {  	[sflag:s7] =	ssyncset.done @!p0 $0x0  }
0x8b: {  	s5 =	sadd.s32 @!p0 $0xFFFFFE00, s14;
	[sflag:s7] =	ssyncadd.s32 @!p0 $0xFFFFE000;
	s7 =	simm.s32 @!p0 $0xB000  }
0x8c: {  	[tilespmem:s7], [sflag:$0x4] =	stream.indirect.gather @!p0 [hbm4b:s2+s12], $0x80, s5, s12, $0xb8;
	[tilespmem:$0x15000] =	vst v63  }
0x8d: {  	s7 =	sadd.s32 $0x1000, s15;
	_ =	swait.ge [sflag:s8], $0x2000  }
0x8e: {  	s5 =	sand.u32 $0x1FFFF000, s7;
	[sflag:s8] =	ssyncset.done $0x0  }
0x8f: {  	s7 =	simm.s32 @!p0 $0xD;
	s5 =	sadd.s32 s4, s5;
	[sflag:s8] =	ssyncadd.s32 $0xFFFFE000  }
0x90: {  	[hbm4b:s5+s3] =	stream.linear.scatter [tilespmem:s25], [sflag:$0xD], $0x2000, $0x38;
	[tilespmem:$0x15000] =	vst v63  }
0x91: {  	_ =	swait.ge @!p0 [sflag:s7], $0x2000  }
0x92: {  	[sflag:s7] =	ssyncset.done @!p0 $0x0  }
0x93: {  	s5 =	sadd.s32 @!p0 $0xFFFFFE80, s14;
	[sflag:s7] =	ssyncadd.s32 @!p0 $0xFFFFE000;
	s7 =	simm.s32 @!p0 $0xD000  }
0x94: {  	[tilespmem:s7], [sflag:$0x5] =	stream.indirect.gather @!p0 [hbm4b:s2+s12], $0x80, s5, s12, $0xb8;
	[tilespmem:$0x15000] =	vst v63  }
0x95: {  	s7 =	sadd.s32 $0x1400, s15;
	_ =	swait.ge [sflag:s9], $0x2000  }
0x96: {  	s5 =	sand.u32 $0x1FFFF400, s7;
	[sflag:s9] =	ssyncset.done $0x0  }
0x97: {  	s7 =	simm.s32 @!p0 $0xE;
	s5 =	sadd.s32 s4, s5;
	[sflag:s9] =	ssyncadd.s32 $0xFFFFE000  }
0x98: {  	[hbm4b:s5+s3] =	stream.linear.scatter [tilespmem:s26], [sflag:$0xE], $0x2000, $0x38;
	[tilespmem:$0x15000] =	vst v63  }
0x99: {  	_ =	swait.ge @!p0 [sflag:s7], $0x2000  }
0x9a: {  	[sflag:s7] =	ssyncset.done @!p0 $0x0  }
0x9b: {  	s5 =	sadd.s32 @!p0 $0xFFFFFF00, s14;
	[sflag:s7] =	ssyncadd.s32 @!p0 $0xFFFFE000;
	s7 =	simm.s32 @!p0 $0xF000  }
0x9c: {  	[tilespmem:s7], [sflag:$0x6] =	stream.indirect.gather @!p0 [hbm4b:s2+s12], $0x80, s5, s12, $0xb8;
	[tilespmem:$0x15000] =	vst v63  }
0x9d: {  	s7 =	sadd.s32 $0x1800, s15;
	_ =	swait.ge [sflag:s10], $0x2000  }
0x9e: {  	s5 =	sand.u32 $0x1FFFF800, s7;
	[sflag:s10] =	ssyncset.done $0x0  }
0x9f: {  	s7 =	simm.s32 @!p0 $0xF;
	s5 =	sadd.s32 s4, s5;
	[sflag:s10] =	ssyncadd.s32 $0xFFFFE000  }
0xa0: {  	[hbm4b:s5+s3] =	stream.linear.scatter [tilespmem:s28], [sflag:$0xF], $0x2000, $0x38;
	[tilespmem:$0x15000] =	vst v63  }
0xa1: {  	_ =	swait.ge @!p0 [sflag:s7], $0x2000  }
0xa2: {  	s13 =	sadd.s32 $0x1, s13;
	[sflag:s7] =	ssyncset.done @!p0 $0x0  }
0xa3: {  	s5 =	sadd.s32 @!p0 $0xFFFFFF80, s14;
	[sflag:s7] =	ssyncadd.s32 @!p0 $0xFFFFE000;
	s7 =	simm.s32 @!p0 $0x11000  }
0xa4: {  	[tilespmem:s7], [sflag:$0x7] =	stream.indirect.gather @!p0 [hbm4b:s2+s12], $0x80, s5, s12, $0xb8;
	[tilespmem:$0x15000] =	vst v63  }
0xa5: {  	p1 =	sne.s32 s6, s13;
	s7 =	sadd.s32 $0x1C00, s15;
	_ =	swait.ge [sflag:s11], $0x2000  }
0xa6: {  	s5 =	sand.u32 $0x1FFFFC00, s7;
	s7 =	simm.s32 @!p0 $0x10;
	[sflag:s11] =	ssyncset.done $0x0  }
.Ltmp1:
0xa7: {  	s5 =	sadd.s32 s4, s5;
	[sflag:s11] =	ssyncadd.s32 $0xFFFFE000;
	(pc) =	sbr.rel @p1 .LBB2_2-.Ltmp1, $4  }
0xa8: {  	[hbm4b:s5+s3] =	stream.linear.scatter [tilespmem:s29], [sflag:$0x10], $0x2000, $0x38;
	[tilespmem:$0x15000] =	vst v63  }
0xa9: {  	_ =	swait.ge @!p0 [sflag:s7], $0x2000  }
0xaa: {  	s18 =	smov.u32 s14;
	s14 =	sadd.s32 $0x400, s14;
	[sflag:s7] =	ssyncset.done @!p0 $0x0  }
0xab: {  	s15 =	sadd.s32 $0x2000, s15;
	[sflag:s7] =	ssyncadd.s32 @!p0 $0xFFFFE000;
	s7 =	simm.s32 @!p0 $0x13000  }
.LBB2_3:
0xac: {  	[tilespmem:s7], [sflag:$0x8] =	stream.indirect.gather @!p0 [hbm4b:s2+s12], $0x80, s18, s12, $0xb8;
	[tilespmem:$0x15000] =	vst v63  }
0xad: {  	s5 =	simm.s32 $0x9  }
0xae: {  	_ =	swait.ge [sflag:s5], $0x2000  }
0xaf: {  	[sflag:s5] =	ssyncset.done $0x0  }
0xb0: {  	s15 =	simm.s32 $0xA;
	[sflag:s5] =	ssyncadd.s32 $0xFFFFE000  }
0xb1: {  	_ =	swait.ge [sflag:s15], $0x2000  }
0xb2: {  	[sflag:s15] =	ssyncset.done $0x0  }
0xb3: {  	s18 =	simm.s32 $0xB;
	[sflag:s15] =	ssyncadd.s32 $0xFFFFE000  }
0xb4: {  	_ =	swait.ge [sflag:s18], $0x2000  }
0xb5: {  	[sflag:s18] =	ssyncset.done $0x0  }
0xb6: {  	s7 =	simm.s32 $0xC;
	[sflag:s18] =	ssyncadd.s32 $0xFFFFE000  }
0xb7: {  	_ =	swait.ge [sflag:s7], $0x2000  }
0xb8: {  	[sflag:s7] =	ssyncset.done $0x0  }
0xb9: {  	s12 =	simm.s32 $0xD;
	[sflag:s7] =	ssyncadd.s32 $0xFFFFE000  }
0xba: {  	_ =	swait.ge [sflag:s12], $0x2000  }
0xbb: {  	[sflag:s12] =	ssyncset.done $0x0  }
0xbc: {  	s13 =	simm.s32 $0xE;
	[sflag:s12] =	ssyncadd.s32 $0xFFFFE000  }
0xbd: {  	_ =	swait.ge [sflag:s13], $0x2000  }
0xbe: {  	[sflag:s13] =	ssyncset.done $0x0  }
0xbf: {  	s14 =	simm.s32 $0xF;
	[sflag:s13] =	ssyncadd.s32 $0xFFFFE000  }
0xc0: {  	_ =	swait.ge [sflag:s14], $0x2000  }
0xc1: {  	[sflag:s14] =	ssyncset.done $0x0  }
0xc2: {  	s15 =	simm.s32 $0x10;
	[sflag:s14] =	ssyncadd.s32 $0xFFFFE000  }
0xc3: {  	_ =	swait.ge [sflag:s15], $0x2000  }
0xc4: {  	s19 =	sadd.s32 $0x1, s19;
	s18 =	rddreg [dreg:$0xd]  }
0xc5: {  	p0 =	sne.s32 s19, s18  }
.Ltmp2:
0xc6: {  	_ = 	snop;
	(pc) =	sbr.rel @p0 .LBB2_1-.Ltmp2, $3  }
0xc7: {  	_ =	sdelay $0x1  }
0xc8: {  	[sflag:s15] =	ssyncset.done $0x0  }
0xc9: {  	[sflag:s15] =	ssyncadd.s32 $0xFFFFE000  }
0xca: {  	_ =	sfence.sel $0x180000  }
0xcb: {  	[bflag:$0x0] =	sbarrier.arrive $0xFFFF  }
0xcc: {  	_ =	strace $0x9000004D  }
0xcd: {  	s0 =	stileid.u32;
	[bflag:$0x2] =	sbarrier.arrive $0xFFFF  }
0xce: {  	p0 =	sne.s32 s0, $0x0;
	s0 =	rddreg [dreg:$0x2]  }
0xcf: {  	s0 =	sadd.s32 @!p0 $0x100000, s0  }
0xd0: {  	[sflag:s0] =	ssyncadd.tile.s32 @!p0 $0x1;
	_ =	shalt  }
.Lfunc_end2:
_tile_overlayer_lowered:
.L_overlay_start_2:
0xd1: {  	(tag) =	ssettag $0x2  }
0xd2: {  	s0 =	rddreg [dreg:$0x0];
	s2 =	stileid.u32  }
0xd3: {  	s1 =	rddreg [dreg:$0x1];
	p0 =	sne.s32 s2, $0x0  }
0xd4: {  	s3 =	rddreg [dreg:$0x2];
	[bflag:$0x3] =	sbarrier.arrive $0xFFFF;
	s2 =	simm.s32 @!p0 $0x1C11  }
0xd5: {  	[timem:s3], [sflag:s2] =	dma.local @!p0 [hbm:s0], s1  }
0xd6: {  	s0 =	simm.s32 @!p0 $0x11  }
0xd7: {  	_ =	swait.ge @!p0 [sflag:s0], s1  }
0xd8: {  	s1 =	ssub.s32 @!p0 $0x0, s1;
	[sflag:s0] =	ssyncset.done @!p0 $0x0  }
0xd9: {  	[sflag:s0] =	ssyncadd.s32 @!p0 s1  }
0xda: {  	[bflag:$0x3] =	sbarrier.arrive $0xFFFF  }
0xdb: {  	_ =	shalt  }

// kernel: kernel.9.cloned.1.call-start
scs
__scs_entry_jumppad:
0x0: {  	(pc) =	sbr.rel $0x88, $3  }
0x1: {  	(tag) =	ssettag $0x0;
	lr =	simm.s32 $0x1  }
0x2: {  	[smem:$0x3F88] =	sst lr;
	_ =	strace $0xD0000000  }
0x3: {  	_ = 	snop  }
0x4: {  	_ = 	snop  }
0x5: {  	_ = 	snop  }
0x6: {  	_ = 	snop  }
0x7: {  	_ = 	snop  }
__scs_overlays_trampoline_lowered:
0x8: {  	[smem:$0x3F97] =	sst s0  }
0x9: {  	[smem:$0x3F98] =	sst s1  }
0xa: {  	[smem:$0x3F99] =	sst s2  }
0xb: {  	[smem:$0x3F9A] =	sst s3  }
0xc: {  	[smem:$0x3F9B] =	sst s4  }
0xd: {  	[smem:$0x3F9C] =	sst s5  }
0xe: {  	[smem:$0x3F9D] =	sst s6  }
0xf: {  	[smem:$0x3F9E] =	sst s7  }
0x10: {  	[smem:$0x3F9F] =	sst s8  }
0x11: {  	[smem:$0x3FA0] =	sst s9;
	s0 =	simm.s32 @!p0 $0x0  }
0x12: {  	s1 =	sld [smem:$0x3F86];
	s0 =	simm.s32 @p0 $0x1  }
0x13: {  	[smem:$0x3FA1] =	sst s0;
	s0 =	simm.s32 @!p1 $0x0  }
0x14: {  	s2 =	sld [smem:$0x3F85];
	s0 =	simm.s32 @p1 $0x1  }
0x15: {  	[smem:$0x3FA2] =	sst s0;
	s0 =	simm.s32 @!p2 $0x0  }
0x16: {  	s3 =	sld [smem:$0x3FDB];
	s0 =	simm.s32 @p2 $0x1  }
0x17: {  	s4 =	simm.s32 $0x1BF5;
	[smem:$0x3FA4] =	sst s0  }
0x18: {  	s0 =	sld [smem:$0x3F87];
	_ =	swait.ge [sflag:s4], $0x0  }
0x19: {  	s7 =	sld [smem:$0x3F88]  }
0x1a: {  	s8 =	sadd.s32 $0xFFFFE003, lr  }
0x1b: {  	s9 =	sadd.s32 $0xFFFFFEF7, lr;
	s5 =	simm.s32 $0xFFFFFFFF;
	p2 =	slt.u32 s8, $0xFFFFF086  }
0x1c: {  	p1 =	slt.u32 s9, $0xF7A;
	s5 =	simm.s32 @!p2 $0x0  }
0x1d: {  	s5 =	simm.s32 @p1 $0x1;
	p0 =	seq.s32 s7, s2  }
0x1e: {  	s7 =	smul.u32 @!p0 $0xF7A, s2;
	p2 =	seq.s32 @!p0 s5, $0x0  }
0x1f: {  	s9 =	smul.u32 $0xF7A, s1;
	s8 =	simm.s32 @!p0 $0x1BF5;
	p2 =	por !p2, p0  }
0x20: {  	[sflag:s8] =	ssyncset.s32 @!p0 $0xFFFFF086;
	s6 =	sadd.s32 @!p0 s3, s7;
	s7 =	simm.s32 @!p0 $0x108  }
0x21: {  	s3 =	sadd.s32 s3, s9;
	s6 =	sadd.s32 @!p0 $0x88, s6;
	s7 =	simm.s32 @p2 $0x1082  }
0x22: {  	[simem:s7], [sflag:s8] =	dma.local @!p0 [hbm:s6], $0xF7A  }
0x23: {  	s9 =	sor.u32 $0xD0000000, s2;
	s6 =	simm.s32 $0x108;
	_ =	swait.ge @!p0 [sflag:s8], $0x0  }
0x24: {  	s3 =	sadd.s32 $0x88, s3;
	s6 =	simm.s32 @!p1 $0x1082;
	[sflag:s4] =	ssyncset.s32 $0xFFFFF086  }
0x25: {  	[simem:s6], [sflag:s4] =	dma.local [hbm:s3], $0xF7A  }
0x26: {  	[smem:$0x3F88] =	sst s1;
	(tag) =	ssettag s2;
	_ =	strace s9  }
0x27: {  	s1 =	sld [smem:$0x3F98]  }
0x28: {  	s2 =	sld [smem:$0x3F99]  }
0x29: {  	s4 =	sld [smem:$0x3F9B]  }
0x2a: {  	p0 =	seq.s32 s5, $0x0;
	s5 =	sld [smem:$0x3F9C]  }
0x2b: {  	s6 =	sld [smem:$0x3F9D]  }
0x2c: {  	s7 =	sld [smem:$0x3F9E]  }
0x2d: {  	s3 =	simm.s32 $0x108;
	s8 =	sld [smem:$0x3F9F]  }
0x2e: {  	s3 =	simm.s32 @!p0 $0x1082;
	s9 =	sld [smem:$0x3FA0]  }
0x2f: {  	lr =	sadd.s32 s0, s3;
	s0 =	sld [smem:$0x3F97]  }
0x30: {  	s3 =	sld [smem:$0x3F9A]  }
0x31: {  	[smem:$0x3FA3] =	sst s10  }
0x32: {  	s10 =	sld [smem:$0x3FA1];
	_ =	sdelay $0x3  }
0x33: {  	p0 =	seq.s32 s10, $0x1;
	s10 =	sld [smem:$0x3FA3];
	_ =	sdelay $0x3  }
0x34: {  	[smem:$0x3FA3] =	sst s10  }
0x35: {  	s10 =	sld [smem:$0x3FA2];
	_ =	sdelay $0x3  }
0x36: {  	p1 =	seq.s32 s10, $0x1;
	s10 =	sld [smem:$0x3FA3];
	_ =	sdelay $0x3  }
0x37: {  	[smem:$0x3FA3] =	sst s10  }
0x38: {  	s10 =	sld [smem:$0x3FA4]  }
0x39: {  	_ = 	snop;
	(pc) =	sbr.ind lr, $3  }
0x3a: {  	_ = 	snop  }
0x3b: {  	_ = 	snop  }
0x3c: {  	p2 =	seq.s32 s10, $0x1;
	s10 =	sld [smem:$0x3FA3]  }
0x3d: {  	_ =	shalt  }
0x3e: {  	_ =	shalt  }
0x3f: {  	_ =	shalt  }
0x40: {  	_ =	shalt  }
0x41: {  	_ =	shalt  }
0x42: {  	_ =	shalt  }
0x43: {  	_ =	shalt  }
0x44: {  	_ =	shalt  }
0x45: {  	_ =	shalt  }
0x46: {  	_ =	shalt  }
0x47: {  	_ =	shalt  }
0x48: {  	_ =	shalt  }
0x49: {  	_ =	shalt  }
0x4a: {  	_ =	shalt  }
0x4b: {  	_ =	shalt  }
0x4c: {  	_ =	shalt  }
0x4d: {  	_ =	shalt  }
0x4e: {  	_ =	shalt  }
0x4f: {  	_ =	shalt  }
0x50: {  	_ =	shalt  }
0x51: {  	_ =	shalt  }
0x52: {  	_ =	shalt  }
0x53: {  	_ =	shalt  }
0x54: {  	_ =	shalt  }
0x55: {  	_ =	shalt  }
0x56: {  	_ =	shalt  }
0x57: {  	_ =	shalt  }
0x58: {  	_ =	shalt  }
0x59: {  	_ =	shalt  }
0x5a: {  	_ =	shalt  }
0x5b: {  	_ =	shalt  }
0x5c: {  	_ =	shalt  }
0x5d: {  	_ =	shalt  }
0x5e: {  	_ =	shalt  }
0x5f: {  	_ =	shalt  }
0x60: {  	_ =	shalt  }
0x61: {  	_ =	shalt  }
0x62: {  	_ =	shalt  }
0x63: {  	_ =	shalt  }
0x64: {  	_ =	shalt  }
0x65: {  	_ =	shalt  }
0x66: {  	_ =	shalt  }
0x67: {  	_ =	shalt  }
0x68: {  	_ =	shalt  }
0x69: {  	_ =	shalt  }
0x6a: {  	_ =	shalt  }
0x6b: {  	_ =	shalt  }
0x6c: {  	_ =	shalt  }
0x6d: {  	_ =	shalt  }
0x6e: {  	_ =	shalt  }
0x6f: {  	_ =	shalt  }
0x70: {  	_ =	shalt  }
0x71: {  	_ =	shalt  }
0x72: {  	_ =	shalt  }
0x73: {  	_ =	shalt  }
0x74: {  	_ =	shalt  }
0x75: {  	_ =	shalt  }
0x76: {  	_ =	shalt  }
0x77: {  	_ =	shalt  }
0x78: {  	_ =	shalt  }
0x79: {  	_ =	shalt  }
0x7a: {  	_ =	shalt  }
0x7b: {  	_ =	shalt  }
0x7c: {  	_ =	shalt  }
0x7d: {  	_ =	shalt  }
0x7e: {  	_ =	shalt  }
0x7f: {  	_ =	shalt  }
0x80: {  	_ =	shalt  }
0x81: {  	_ =	shalt  }
0x82: {  	_ =	shalt  }
0x83: {  	_ =	shalt  }
0x84: {  	_ =	shalt  }
0x85: {  	_ =	shalt  }
0x86: {  	_ =	shalt  }
0x87: {  	_ =	shalt  }
.Lfunc_end0:
.L_simem_size_0:
called_computation_lowered:
.L_overlay_start_0:
0x88: {  	s2 =	sld [smem:$0x3FD9]  }
0x89: {  	s3 =	sld [smem:$0x3FFE];
	_ =	sdelay $0x1  }
0x8a: {  	s1 =	srdreg.scid  }
0x8b: {  	s0 =	sand.u32 $0x1, s1  }
0x8c: {  	s14 =	sshll.u32 s0, $0xA;
	s2 =	sadd.s32 s3, s2  }
0x8d: {  	s2 =	sadd.s32 s2, s14  }
0x8e: {  	[smem:$0x3FAF] =	sst s2  }
0x8f: {  	_ = 	snop  }
0x90: {  	s2 =	sld [smem:$0x3FD0];
	_ =	sdelay $0x2  }
0x91: {  	s15 =	simm.s32 $0xA;
	s4 =	simm.s32 $0x10  }
0x92: {  	[smem:s4], [sflag:s15] =	dma.local [hbm:s2], $0x1  }
0x93: {  	_ =	swait.eq [sflag:s15], $0x1  }
0x94: {  	[sflag:s15] =	ssyncset.done $0x0  }
0x95: {  	[sflag:s15] =	ssyncadd.s32 $0xFFFFFFFF  }
0x96: {  	s16 =	sld [smem:$0x10];
	(tm) =	ssettm $0x1  }
0x97: {  	s17 =	sld [smem:$0x3FFB];
	_ =	sdelay $0x3  }
0x98: {  	_ =	strace s17  }
0x99: {  	s3 =	sld [smem:$0x3FFC];
	_ =	sdelay $0x3  }
0x9a: {  	_ =	strace s3  }
0x9b: {  	s3 =	sld [smem:$0x3FFD];
	_ =	sdelay $0x3  }
0x9c: {  	_ =	strace s3  }
0x9d: {  	_ =	strace $0x8FFFFFFF  }
0x9e: {  	s18 =	sld [smem:$0x3FDB];
	_ =	sdelay $0x1  }
0x9f: {  	s19 =	simm.s32 $_scs_section_size  }
0xa0: {  	s5 =	simm.s32 $_size__tile_overlayer_lowered;
	s6 =	simm.s32 $_tile_overlayer_lowered  }
0xa1: {  	s22 =	simm.s32 $0x1BFF;
	s21 =	sshll.u32 s6, $0x1;
	s3 =	sadd.s32 s19, s18  }
0xa2: {  	s7 =	simm.s32 $0x0;
	s20 =	sshll.u32 s5, $0x1;
	s5 =	sadd.s32 s21, s3  }
0xa3: {  	[timem:s7], [sflag:s22] =	dma.local [hbm:s5], s20  }
0xa4: {  	_ =	swait.ge [sflag:s22], s20  }
0xa5: {  	s4 =	ssub.s32 $0x0, s20;
	[sflag:s22] =	ssyncset.done $0x0  }
0xa6: {  	[sflag:s22] =	ssyncadd.s32 s4;
	_ =	sdelay $0x1  }
0xa7: {  	s23 =	simm.s32 $0x1B8B  }
0xa8: {  	_ =	swait.ge [sflag:s23], $0x1  }
0xa9: {  	[sflag:s23] =	ssyncset.done $0x0  }
0xaa: {  	s25 =	simm.s32 $0x1B8E;
	s24 =	sld [smem:$0x3FFE];
	[sflag:s23] =	ssyncadd.s32 $0xFFFFFFFF  }
0xab: {  	s26 =	simm.s32 $execute0_lowered;
	[smem:$0x3FD2] =	sst s25  }
0xac: {  	s5 =	sshll.u32 s26, $0x1;
	_ =	strace $0x80000046;
	[dreg:$0x1] =	wrdreg $0xFFFFFFFF  }
0xad: {  	s28 =	simm.s32 $_size_execute0_lowered;
	s3 =	sadd.s32 s3, s5;
	[dreg:$0x0] =	wrdreg $0x0  }
0xae: {  	s5 =	sshll.u32 s28, $0x1;
	[dreg:$0x2] =	wrdreg s3  }
0xaf: {  	[dreg:$0x3] =	wrdreg s5  }
0xb0: {  	[dreg:$0x4] =	wrdreg $0xC0  }
0xb1: {  	_ =	task [dreg:s7], $0x5FFFF  }
0xb2: {  	[dreg:$0x1] =	wrdreg $0xFFFFFFFF  }
0xb3: {  	[dreg:$0x0] =	wrdreg $0x60  }
0xb4: {  	[dreg:$0x2] =	wrdreg s16  }
0xb5: {  	[dreg:$0x3] =	wrdreg s24  }
0xb6: {  	[dreg:$0x4] =	wrdreg $0x9  }
0xb7: {  	_ =	task.clear_ibuf [dreg:s7], $0x5FFFF;
	_ =	strace $0x90000046  }
0xb8: {  	s29 =	simm.s32 $0x9;
	_ =	strace $0x80000048  }
0xb9: {  	_ =	swait.ge [sflag:s29], $0x1  }
0xba: {  	[sflag:s29] =	ssyncadd.s32 $0xFFFFFFFF  }
0xbb: {  	_ =	strace $0x90000048  }
0xbc: {  	_ =	sfence  }
0xbd: {  	s30 =	sld [smem:$0x0];
	_ =	sdelay $0x2  }
0xbe: {  	s31 =	sshll.u32 s1, $0xD;
	s1 =	sshrl.u32 s1, $0x2  }
0xbf: {  	s3 =	sand.u32 $0x4000, s31;
	s1 =	sadd.s32 s1, s30  }
0xc0: {  	s0 =	sor.u32 s3, s0;
	s1 =	sshll.u32 s1, $0x11  }
0xc1: {  	s0 =	sor.u32 s1, s0  }
0xc2: {  	s0 =	sadd.s32 $0x8F2B, s0  }
0xc3: {  	[sflag:s0] =	ssyncadd.remote.s32 $0x1  }
0xc4: {  	_ =	sfence.sel $0xFFFF  }
0xc5: {  	[dreg:$0x0] =	wrdreg $0xFFFFFFFF;
	(pc) =	sbr.abs _section_cstart, $3  }
0xc6: {  	[dreg:$0x1] =	wrdreg $0xFFFFFFFF  }
0xc7: {  	_ =	task.clear_ibuf [dreg:s7], $0x2FFFF;
	_ =	strace $0x9FFFFFFF  }
0xc8: {  	(tm) =	ssettm $0x7FFFFFFF  }
0xc9: {  	_ =	shalt  }
tec
execute0_lowered:
.L_overlay_start_1:
0x0: {  	(tag) =	ssettag $0x1  }
0x1: {  	s2 =	rddreg [dreg:$0x0]  }
0x2: {  	s0 =	rddreg [dreg:$0x1]  }
0x3: {  	s8 =	stileid.u32;
	s1 =	srdreg.scid  }
0x4: {  	s3 =	simm.s32 $0x0;
	s28 =	simm.s32 $0x11000;
	s29 =	simm.s32 $0x13000  }
0x5: {  	s30 =	simm.s32 $0x1;
	s31 =	simm.s32 $0x2;
	s10 =	simm.s32 $0x7  }
0x6: {  	s11 =	simm.s32 $0x8;
	s4 =	smul.u32 $0xA00, s8;
	s1 =	sand.u32 $0x1, s1  }
0x7: {  	[smem:$0x7FF] =	sst s3;
	s24 =	smul.u32 $0x28000, s8;
	s8 =	simm.s32 $0x5  }
0x8: {  	s5 =	ssub.s32 $0x2, s1;
	_ =	strace $0x80000047;
	s9 =	sshll.u32 s1, $0xE  }
0x9: {  	p0 =	seq.s32 s1, $0x0;
	s18 =	sor.u32 $0x80, s9;
	[dreg:$0x4] =	wrdreg s9  }
0xa: {  	s1 =	sshll.u32 s1, $0x11;
	s19 =	sor.u32 $0x100, s9;
	[dreg:$0x6] =	wrdreg s18  }
0xb: {  	s7 =	sadd.s32 s4, s0;
	s20 =	sor.u32 $0x180, s9;
	[dreg:$0x7] =	wrdreg s19  }
0xc: {  	s6 =	sshrl.u32 s5, $0x1;
	s21 =	sor.u32 $0x200, s9;
	[dreg:$0x8] =	wrdreg s20  }
0xd: {  	s4 =	sadd.s32 $0x16800, s0;
	s22 =	sor.u32 $0x280, s9;
	[dreg:$0x9] =	wrdreg s21  }
0xe: {  	s23 =	sor.u32 $0x300, s9;
	s25 =	sor.u32 $0x380, s9;
	[dreg:$0xa] =	wrdreg s22  }
0xf: {  	s16 =	ssub.s32 s5, s6;
	s6 =	simm.s32 $0x10;
	[dreg:$0xb] =	wrdreg s23  }
0x10: {  	s17 =	sadd.s32 $0xB200, s7;
	[dreg:$0xc] =	wrdreg s25;
	s20 =	simm.s32 $0x40  }
0x11: {  	s21 =	simm.s32 $0x5000;
	s22 =	simm.s32 $0x7000;
	s23 =	simm.s32 $0x9000  }
0x12: {  	s25 =	simm.s32 $0xD000;
	s19 =	simm.s32 $0x0;
	s6 =	simm.s32 @!p0 $0x4  }
0x13: {  	[dreg:$0x5] =	wrdreg s17;
	s0 =	smax.u32 s16, $0x1;
	s17 =	sadd.s32 s1, s24  }
0x14: {  	s16 =	sor.u32 $0x780, s9;
	s24 =	simm.s32 $0xB000;
	s1 =	simm.s32 $0x4  }
0x15: {  	s9 =	simm.s32 $0x6;
	s26 =	sadd.s32 $0xFFFFFFFF, s6;
	[dreg:$0xd] =	wrdreg s0  }
0x16: {  	s0 =	simm.s32 $0x3;
	[dreg:$0x3] =	wrdreg s26;
	s26 =	simm.s32 $0xF000  }
.LBB2_1:
0x17: {  	s5 =	rddreg [dreg:$0x5];
	s12 =	simm.s32 $0x11  }
0x18: {  	[tilespmem:s3], [sflag:$0x11] =	stream.linear.gather [hbm4b:s5+s3], $0x5000, $0x38;
	[tilespmem:$0x15000] =	vst v63  }
0x19: {  	_ =	swait.ge [sflag:s12], $0x5000  }
0x1a: {  	[sflag:s12] =	ssyncset.done $0x0  }
0x1b: {  	s13 =	rddreg [dreg:$0x4];
	[sflag:s12] =	ssyncadd.s32 $0xFFFFB000  }
0x1c: {  	[tilespmem:s21], [sflag:$0x1] =	stream.indirect.gather [hbm4b:s2+s20], $0x80, s13, s20, $0xb8;
	[tilespmem:$0x15000] =	vst v63  }
0x1d: {  	s14 =	rddreg [dreg:$0x6]  }
0x1e: {  	[tilespmem:s22], [sflag:$0x2] =	stream.indirect.gather [hbm4b:s2+s20], $0x80, s14, s20, $0xb8;
	[tilespmem:$0x15000] =	vst v63  }
0x1f: {  	s15 =	rddreg [dreg:$0x7]  }
0x20: {  	[tilespmem:s23], [sflag:$0x3] =	stream.indirect.gather [hbm4b:s2+s20], $0x80, s15, s20, $0xb8;
	[tilespmem:$0x15000] =	vst v63  }
0x21: {  	s18 =	rddreg [dreg:$0x8]  }
0x22: {  	[tilespmem:s24], [sflag:$0x4] =	stream.indirect.gather [hbm4b:s2+s20], $0x80, s18, s20, $0xb8;
	[tilespmem:$0x15000] =	vst v63  }
0x23: {  	s7 =	rddreg [dreg:$0x9]  }
0x24: {  	[tilespmem:s25], [sflag:$0x5] =	stream.indirect.gather [hbm4b:s2+s20], $0x80, s7, s20, $0xb8;
	[tilespmem:$0x15000] =	vst v63  }
0x25: {  	s12 =	rddreg [dreg:$0xa]  }
0x26: {  	[tilespmem:s26], [sflag:$0x6] =	stream.indirect.gather [hbm4b:s2+s20], $0x80, s12, s20, $0xb8;
	[tilespmem:$0x15000] =	vst v63  }
0x27: {  	s13 =	rddreg [dreg:$0xb]  }
0x28: {  	[tilespmem:s28], [sflag:$0x7] =	stream.indirect.gather [hbm4b:s2+s20], $0x80, s13, s20, $0xb8;
	[tilespmem:$0x15000] =	vst v63  }
0x29: {  	s14 =	rddreg [dreg:$0xc]  }
0x2a: {  	[tilespmem:s29], [sflag:$0x8] =	stream.indirect.gather [hbm4b:s2+s20], $0x80, s14, s20, $0xb8;
	[tilespmem:$0x15000] =	vst v63  }
0x2b: {  	_ =	swait.ge [sflag:s30], $0x2000  }
0x2c: {  	[sflag:s30] =	ssyncset.done $0x0;
	s7 =	rddreg [dreg:$0x3]  }
0x2d: {  	s12 =	sadd.s32 s17, s4;
	[sflag:s30] =	ssyncadd.s32 $0xFFFFE000;
	p0 =	sle.s32 s7, $0x0  }
0x2e: {  	[hbm4b:s12+s3] =	stream.linear.scatter [tilespmem:s21], [sflag:$0x9], $0x2000, $0x38;
	[tilespmem:$0x15000] =	vst v63  }
0x2f: {  	s7 =	simm.s32 @!p0 $0x9  }
0x30: {  	_ =	swait.ge @!p0 [sflag:s7], $0x2000  }
0x31: {  	s13 =	simm.s32 @!p0 $0x5000;
	[sflag:s7] =	ssyncset.done @!p0 $0x0  }
0x32: {  	s12 =	simm.s32 @!p0 $0x40;
	[sflag:s7] =	ssyncadd.s32 @!p0 $0xFFFFE000;
	s7 =	sadd.s32 @!p0 $0xFFFFFC80, s16  }
0x33: {  	[tilespmem:s13], [sflag:$0x1] =	stream.indirect.gather @!p0 [hbm4b:s2+s12], $0x80, s7, s12, $0xb8;
	[tilespmem:$0x15000] =	vst v63  }
0x34: {  	s15 =	sadd.s32 $0x400, s17;
	_ =	swait.ge [sflag:s31], $0x2000  }
0x35: {  	s7 =	sand.u32 $0x1FFFE400, s15;
	[sflag:s31] =	ssyncset.done $0x0  }
0x36: {  	s13 =	simm.s32 @!p0 $0xA;
	s7 =	sadd.s32 s4, s7;
	[sflag:s31] =	ssyncadd.s32 $0xFFFFE000  }
0x37: {  	[hbm4b:s7+s3] =	stream.linear.scatter [tilespmem:s22], [sflag:$0xA], $0x2000, $0x38;
	[tilespmem:$0x15000] =	vst v63  }
0x38: {  	_ =	swait.ge @!p0 [sflag:s13], $0x2000  }
0x39: {  	[sflag:s13] =	ssyncset.done @!p0 $0x0  }
0x3a: {  	s7 =	sadd.s32 @!p0 $0xFFFFFD00, s16;
	[sflag:s13] =	ssyncadd.s32 @!p0 $0xFFFFE000;
	s13 =	simm.s32 @!p0 $0x7000  }
0x3b: {  	[tilespmem:s13], [sflag:$0x2] =	stream.indirect.gather @!p0 [hbm4b:s2+s12], $0x80, s7, s12, $0xb8;
	[tilespmem:$0x15000] =	vst v63  }
0x3c: {  	s18 =	sadd.s32 $0x800, s17;
	_ =	swait.ge [sflag:s0], $0x2000  }
0x3d: {  	s7 =	sand.u32 $0x1FFFE800, s18;
	[sflag:s0] =	ssyncset.done $0x0  }
0x3e: {  	s13 =	simm.s32 @!p0 $0xB;
	s7 =	sadd.s32 s4, s7;
	[sflag:s0] =	ssyncadd.s32 $0xFFFFE000  }
0x3f: {  	[hbm4b:s7+s3] =	stream.linear.scatter [tilespmem:s23], [sflag:$0xB], $0x2000, $0x38;
	[tilespmem:$0x15000] =	vst v63  }
0x40: {  	_ =	swait.ge @!p0 [sflag:s13], $0x2000  }
0x41: {  	[sflag:s13] =	ssyncset.done @!p0 $0x0  }
0x42: {  	s7 =	sadd.s32 @!p0 $0xFFFFFD80, s16;
	[sflag:s13] =	ssyncadd.s32 @!p0 $0xFFFFE000;
	s13 =	simm.s32 @!p0 $0x9000  }
0x43: {  	[tilespmem:s13], [sflag:$0x3] =	stream.indirect.gather @!p0 [hbm4b:s2+s12], $0x80, s7, s12, $0xb8;
	[tilespmem:$0x15000] =	vst v63  }
0x44: {  	s5 =	sadd.s32 $0xC00, s17;
	_ =	swait.ge [sflag:s1], $0x2000  }
0x45: {  	s7 =	sand.u32 $0x1FFFEC00, s5;
	[sflag:s1] =	ssyncset.done $0x0  }
0x46: {  	s13 =	simm.s32 @!p0 $0xC;
	s7 =	sadd.s32 s4, s7;
	[sflag:s1] =	ssyncadd.s32 $0xFFFFE000  }
0x47: {  	[hbm4b:s7+s3] =	stream.linear.scatter [tilespmem:s24], [sflag:$0xC], $0x2000, $0x38;
	[tilespmem:$0x15000] =	vst v63  }
0x48: {  	_ =	swait.ge @!p0 [sflag:s13], $0x2000  }
0x49: {  	[sflag:s13] =	ssyncset.done @!p0 $0x0  }
0x4a: {  	s7 =	sadd.s32 @!p0 $0xFFFFFE00, s16;
	[sflag:s13] =	ssyncadd.s32 @!p0 $0xFFFFE000;
	s13 =	simm.s32 @!p0 $0xB000  }
0x4b: {  	[tilespmem:s13], [sflag:$0x4] =	stream.indirect.gather @!p0 [hbm4b:s2+s12], $0x80, s7, s12, $0xb8;
	[tilespmem:$0x15000] =	vst v63  }
0x4c: {  	s13 =	sadd.s32 $0x1000, s17;
	_ =	swait.ge [sflag:s8], $0x2000  }
0x4d: {  	s7 =	sand.u32 $0x1FFFF000, s13;
	[sflag:s8] =	ssyncset.done $0x0  }
0x4e: {  	s13 =	simm.s32 @!p0 $0xD;
	s7 =	sadd.s32 s4, s7;
	[sflag:s8] =	ssyncadd.s32 $0xFFFFE000  }
0x4f: {  	[hbm4b:s7+s3] =	stream.linear.scatter [tilespmem:s25], [sflag:$0xD], $0x2000, $0x38;
	[tilespmem:$0x15000] =	vst v63  }
0x50: {  	_ =	swait.ge @!p0 [sflag:s13], $0x2000  }
0x51: {  	[sflag:s13] =	ssyncset.done @!p0 $0x0  }
0x52: {  	s7 =	sadd.s32 @!p0 $0xFFFFFE80, s16;
	[sflag:s13] =	ssyncadd.s32 @!p0 $0xFFFFE000;
	s13 =	simm.s32 @!p0 $0xD000  }
0x53: {  	[tilespmem:s13], [sflag:$0x5] =	stream.indirect.gather @!p0 [hbm4b:s2+s12], $0x80, s7, s12, $0xb8;
	[tilespmem:$0x15000] =	vst v63  }
0x54: {  	s14 =	sadd.s32 $0x1400, s17;
	_ =	swait.ge [sflag:s9], $0x2000  }
0x55: {  	s7 =	sand.u32 $0x1FFFF400, s14;
	[sflag:s9] =	ssyncset.done $0x0  }
0x56: {  	s13 =	simm.s32 @!p0 $0xE;
	s7 =	sadd.s32 s4, s7;
	[sflag:s9] =	ssyncadd.s32 $0xFFFFE000  }
0x57: {  	[hbm4b:s7+s3] =	stream.linear.scatter [tilespmem:s26], [sflag:$0xE], $0x2000, $0x38;
	[tilespmem:$0x15000] =	vst v63  }
0x58: {  	_ =	swait.ge @!p0 [sflag:s13], $0x2000  }
0x59: {  	[sflag:s13] =	ssyncset.done @!p0 $0x0  }
0x5a: {  	s7 =	sadd.s32 @!p0 $0xFFFFFF00, s16;
	[sflag:s13] =	ssyncadd.s32 @!p0 $0xFFFFE000;
	s13 =	simm.s32 @!p0 $0xF000  }
0x5b: {  	[tilespmem:s13], [sflag:$0x6] =	stream.indirect.gather @!p0 [hbm4b:s2+s12], $0x80, s7, s12, $0xb8;
	[tilespmem:$0x15000] =	vst v63  }
0x5c: {  	s15 =	sadd.s32 $0x1800, s17;
	_ =	swait.ge [sflag:s10], $0x2000  }
0x5d: {  	s7 =	sand.u32 $0x1FFFF800, s15;
	[sflag:s10] =	ssyncset.done $0x0  }
0x5e: {  	s13 =	simm.s32 @!p0 $0xF;
	s7 =	sadd.s32 s4, s7;
	[sflag:s10] =	ssyncadd.s32 $0xFFFFE000  }
0x5f: {  	[hbm4b:s7+s3] =	stream.linear.scatter [tilespmem:s28], [sflag:$0xF], $0x2000, $0x38;
	[tilespmem:$0x15000] =	vst v63  }
0x60: {  	_ =	swait.ge @!p0 [sflag:s13], $0x2000  }
0x61: {  	[sflag:s13] =	ssyncset.done @!p0 $0x0  }
0x62: {  	s7 =	sadd.s32 @!p0 $0xFFFFFF80, s16;
	[sflag:s13] =	ssyncadd.s32 @!p0 $0xFFFFE000;
	s13 =	simm.s32 @!p0 $0x11000  }
0x63: {  	[tilespmem:s13], [sflag:$0x7] =	stream.indirect.gather @!p0 [hbm4b:s2+s12], $0x80, s7, s12, $0xb8;
	[tilespmem:$0x15000] =	vst v63  }
0x64: {  	p1 =	sne.s32 s6, $0x1;
	s18 =	sadd.s32 $0x1C00, s17;
	_ =	swait.ge [sflag:s11], $0x2000  }
0x65: {  	s15 =	simm.s32 @!p0 $0x10;
	s7 =	sand.u32 $0x1FFFFC00, s18;
	[sflag:s11] =	ssyncset.done $0x0  }
.Ltmp0:
0x66: {  	s7 =	sadd.s32 s4, s7;
	[sflag:s11] =	ssyncadd.s32 $0xFFFFE000;
	(pc) =	sbr.rel @!p1 .LBB2_3-.Ltmp0, $4  }
0x67: {  	[hbm4b:s7+s3] =	stream.linear.scatter [tilespmem:s29], [sflag:$0x10], $0x2000, $0x38;
	[tilespmem:$0x15000] =	vst v63  }
0x68: {  	s14 =	sadd.s32 $0x400, s16;
	_ =	swait.ge @!p0 [sflag:s15], $0x2000  }
0x69: {  	s13 =	simm.s32 $0x1;
	s18 =	smov.u32 s16;
	[sflag:s15] =	ssyncset.done @!p0 $0x0  }
0x6a: {  	s7 =	simm.s32 @!p0 $0x13000;
	[sflag:s15] =	ssyncadd.s32 @!p0 $0xFFFFE000;
	s15 =	sadd.s32 $0x2000, s17  }
.LBB2_2:
0x6b: {  	[tilespmem:s7], [sflag:$0x8] =	stream.indirect.gather @!p0 [hbm4b:s2+s12], $0x80, s18, s12, $0xb8;
	[tilespmem:$0x15000] =	vst v63  }
0x6c: {  	_ =	swait.ge [sflag:s30], $0x2000  }
0x6d: {  	s7 =	smov.u32 s13;
	[sflag:s30] =	ssyncset.done $0x0;
	s12 =	rddreg [dreg:$0x3]  }
0x6e: {  	s5 =	sadd.s32 s15, s4;
	[sflag:s30] =	ssyncadd.s32 $0xFFFFE000;
	p0 =	sge.s32 s7, s12  }
0x6f: {  	[hbm4b:s5+s3] =	stream.linear.scatter [tilespmem:s21], [sflag:$0x9], $0x2000, $0x38;
	[tilespmem:$0x15000] =	vst v63  }
0x70: {  	s5 =	simm.s32 @!p0 $0x9  }
0x71: {  	_ =	swait.ge @!p0 [sflag:s5], $0x2000  }
0x72: {  	s7 =	simm.s32 @!p0 $0x5000;
	[sflag:s5] =	ssyncset.done @!p0 $0x0  }
0x73: {  	s12 =	simm.s32 @!p0 $0x40;
	[sflag:s5] =	ssyncadd.s32 @!p0 $0xFFFFE000;
	s5 =	sadd.s32 @!p0 $0xFFFFFC80, s14  }
0x74: {  	[tilespmem:s7], [sflag:$0x1] =	stream.indirect.gather @!p0 [hbm4b:s2+s12], $0x80, s5, s12, $0xb8;
	[tilespmem:$0x15000] =	vst v63  }
0x75: {  	s7 =	sadd.s32 $0x400, s15;
	_ =	swait.ge [sflag:s31], $0x2000  }
0x76: {  	s5 =	sand.u32 $0x1FFFE400, s7;
	[sflag:s31] =	ssyncset.done $0x0  }
0x77: {  	s7 =	simm.s32 @!p0 $0xA;
	s5 =	sadd.s32 s4, s5;
	[sflag:s31] =	ssyncadd.s32 $0xFFFFE000  }
0x78: {  	[hbm4b:s5+s3] =	stream.linear.scatter [tilespmem:s22], [sflag:$0xA], $0x2000, $0x38;
	[tilespmem:$0x15000] =	vst v63  }
0x79: {  	_ =	swait.ge @!p0 [sflag:s7], $0x2000  }
0x7a: {  	[sflag:s7] =	ssyncset.done @!p0 $0x0  }
0x7b: {  	s5 =	sadd.s32 @!p0 $0xFFFFFD00, s14;
	[sflag:s7] =	ssyncadd.s32 @!p0 $0xFFFFE000;
	s7 =	simm.s32 @!p0 $0x7000  }
0x7c: {  	[tilespmem:s7], [sflag:$0x2] =	stream.indirect.gather @!p0 [hbm4b:s2+s12], $0x80, s5, s12, $0xb8;
	[tilespmem:$0x15000] =	vst v63  }
0x7d: {  	s7 =	sadd.s32 $0x800, s15;
	_ =	swait.ge [sflag:s0], $0x2000  }
0x7e: {  	s5 =	sand.u32 $0x1FFFE800, s7;
	[sflag:s0] =	ssyncset.done $0x0  }
0x7f: {  	s7 =	simm.s32 @!p0 $0xB;
	s5 =	sadd.s32 s4, s5;
	[sflag:s0] =	ssyncadd.s32 $0xFFFFE000  }
0x80: {  	[hbm4b:s5+s3] =	stream.linear.scatter [tilespmem:s23], [sflag:$0xB], $0x2000, $0x38;
	[tilespmem:$0x15000] =	vst v63  }
0x81: {  	_ =	swait.ge @!p0 [sflag:s7], $0x2000  }
0x82: {  	[sflag:s7] =	ssyncset.done @!p0 $0x0  }
0x83: {  	s5 =	sadd.s32 @!p0 $0xFFFFFD80, s14;
	[sflag:s7] =	ssyncadd.s32 @!p0 $0xFFFFE000;
	s7 =	simm.s32 @!p0 $0x9000  }
0x84: {  	[tilespmem:s7], [sflag:$0x3] =	stream.indirect.gather @!p0 [hbm4b:s2+s12], $0x80, s5, s12, $0xb8;
	[tilespmem:$0x15000] =	vst v63  }
0x85: {  	s7 =	sadd.s32 $0xC00, s15;
	_ =	swait.ge [sflag:s1], $0x2000  }
0x86: {  	s5 =	sand.u32 $0x1FFFEC00, s7;
	[sflag:s1] =	ssyncset.done $0x0  }
0x87: {  	s7 =	simm.s32 @!p0 $0xC;
	s5 =	sadd.s32 s4, s5;
	[sflag:s1] =	ssyncadd.s32 $0xFFFFE000  }
0x88: {  	[hbm4b:s5+s3] =	stream.linear.scatter [tilespmem:s24], [sflag:$0xC], $0x2000, $0x38;
	[tilespmem:$0x15000] =	vst v63  }
0x89: {  	_ =	swait.ge @!p0 [sflag:s7], $0x2000  }
0x8a: {  	[sflag:s7] =	ssyncset.done @!p0 $0x0  }
0x8b: {  	s5 =	sadd.s32 @!p0 $0xFFFFFE00, s14;
	[sflag:s7] =	ssyncadd.s32 @!p0 $0xFFFFE000;
	s7 =	simm.s32 @!p0 $0xB000  }
0x8c: {  	[tilespmem:s7], [sflag:$0x4] =	stream.indirect.gather @!p0 [hbm4b:s2+s12], $0x80, s5, s12, $0xb8;
	[tilespmem:$0x15000] =	vst v63  }
0x8d: {  	s7 =	sadd.s32 $0x1000, s15;
	_ =	swait.ge [sflag:s8], $0x2000  }
0x8e: {  	s5 =	sand.u32 $0x1FFFF000, s7;
	[sflag:s8] =	ssyncset.done $0x0  }
0x8f: {  	s7 =	simm.s32 @!p0 $0xD;
	s5 =	sadd.s32 s4, s5;
	[sflag:s8] =	ssyncadd.s32 $0xFFFFE000  }
0x90: {  	[hbm4b:s5+s3] =	stream.linear.scatter [tilespmem:s25], [sflag:$0xD], $0x2000, $0x38;
	[tilespmem:$0x15000] =	vst v63  }
0x91: {  	_ =	swait.ge @!p0 [sflag:s7], $0x2000  }
0x92: {  	[sflag:s7] =	ssyncset.done @!p0 $0x0  }
0x93: {  	s5 =	sadd.s32 @!p0 $0xFFFFFE80, s14;
	[sflag:s7] =	ssyncadd.s32 @!p0 $0xFFFFE000;
	s7 =	simm.s32 @!p0 $0xD000  }
0x94: {  	[tilespmem:s7], [sflag:$0x5] =	stream.indirect.gather @!p0 [hbm4b:s2+s12], $0x80, s5, s12, $0xb8;
	[tilespmem:$0x15000] =	vst v63  }
0x95: {  	s7 =	sadd.s32 $0x1400, s15;
	_ =	swait.ge [sflag:s9], $0x2000  }
0x96: {  	s5 =	sand.u32 $0x1FFFF400, s7;
	[sflag:s9] =	ssyncset.done $0x0  }
0x97: {  	s7 =	simm.s32 @!p0 $0xE;
	s5 =	sadd.s32 s4, s5;
	[sflag:s9] =	ssyncadd.s32 $0xFFFFE000  }
0x98: {  	[hbm4b:s5+s3] =	stream.linear.scatter [tilespmem:s26], [sflag:$0xE], $0x2000, $0x38;
	[tilespmem:$0x15000] =	vst v63  }
0x99: {  	_ =	swait.ge @!p0 [sflag:s7], $0x2000  }
0x9a: {  	[sflag:s7] =	ssyncset.done @!p0 $0x0  }
0x9b: {  	s5 =	sadd.s32 @!p0 $0xFFFFFF00, s14;
	[sflag:s7] =	ssyncadd.s32 @!p0 $0xFFFFE000;
	s7 =	simm.s32 @!p0 $0xF000  }
0x9c: {  	[tilespmem:s7], [sflag:$0x6] =	stream.indirect.gather @!p0 [hbm4b:s2+s12], $0x80, s5, s12, $0xb8;
	[tilespmem:$0x15000] =	vst v63  }
0x9d: {  	s7 =	sadd.s32 $0x1800, s15;
	_ =	swait.ge [sflag:s10], $0x2000  }
0x9e: {  	s5 =	sand.u32 $0x1FFFF800, s7;
	[sflag:s10] =	ssyncset.done $0x0  }
0x9f: {  	s7 =	simm.s32 @!p0 $0xF;
	s5 =	sadd.s32 s4, s5;
	[sflag:s10] =	ssyncadd.s32 $0xFFFFE000  }
0xa0: {  	[hbm4b:s5+s3] =	stream.linear.scatter [tilespmem:s28], [sflag:$0xF], $0x2000, $0x38;
	[tilespmem:$0x15000] =	vst v63  }
0xa1: {  	_ =	swait.ge @!p0 [sflag:s7], $0x2000  }
0xa2: {  	s13 =	sadd.s32 $0x1, s13;
	[sflag:s7] =	ssyncset.done @!p0 $0x0  }
0xa3: {  	s5 =	sadd.s32 @!p0 $0xFFFFFF80, s14;
	[sflag:s7] =	ssyncadd.s32 @!p0 $0xFFFFE000;
	s7 =	simm.s32 @!p0 $0x11000  }
0xa4: {  	[tilespmem:s7], [sflag:$0x7] =	stream.indirect.gather @!p0 [hbm4b:s2+s12], $0x80, s5, s12, $0xb8;
	[tilespmem:$0x15000] =	vst v63  }
0xa5: {  	p1 =	sne.s32 s6, s13;
	s7 =	sadd.s32 $0x1C00, s15;
	_ =	swait.ge [sflag:s11], $0x2000  }
0xa6: {  	s5 =	sand.u32 $0x1FFFFC00, s7;
	s7 =	simm.s32 @!p0 $0x10;
	[sflag:s11] =	ssyncset.done $0x0  }
.Ltmp1:
0xa7: {  	s5 =	sadd.s32 s4, s5;
	[sflag:s11] =	ssyncadd.s32 $0xFFFFE000;
	(pc) =	sbr.rel @p1 .LBB2_2-.Ltmp1, $4  }
0xa8: {  	[hbm4b:s5+s3] =	stream.linear.scatter [tilespmem:s29], [sflag:$0x10], $0x2000, $0x38;
	[tilespmem:$0x15000] =	vst v63  }
0xa9: {  	_ =	swait.ge @!p0 [sflag:s7], $0x2000  }
0xaa: {  	s18 =	smov.u32 s14;
	s14 =	sadd.s32 $0x400, s14;
	[sflag:s7] =	ssyncset.done @!p0 $0x0  }
0xab: {  	s15 =	sadd.s32 $0x2000, s15;
	[sflag:s7] =	ssyncadd.s32 @!p0 $0xFFFFE000;
	s7 =	simm.s32 @!p0 $0x13000  }
.LBB2_3:
0xac: {  	[tilespmem:s7], [sflag:$0x8] =	stream.indirect.gather @!p0 [hbm4b:s2+s12], $0x80, s18, s12, $0xb8;
	[tilespmem:$0x15000] =	vst v63  }
0xad: {  	s5 =	simm.s32 $0x9  }
0xae: {  	_ =	swait.ge [sflag:s5], $0x2000  }
0xaf: {  	[sflag:s5] =	ssyncset.done $0x0  }
0xb0: {  	s15 =	simm.s32 $0xA;
	[sflag:s5] =	ssyncadd.s32 $0xFFFFE000  }
0xb1: {  	_ =	swait.ge [sflag:s15], $0x2000  }
0xb2: {  	[sflag:s15] =	ssyncset.done $0x0  }
0xb3: {  	s18 =	simm.s32 $0xB;
	[sflag:s15] =	ssyncadd.s32 $0xFFFFE000  }
0xb4: {  	_ =	swait.ge [sflag:s18], $0x2000  }
0xb5: {  	[sflag:s18] =	ssyncset.done $0x0  }
0xb6: {  	s7 =	simm.s32 $0xC;
	[sflag:s18] =	ssyncadd.s32 $0xFFFFE000  }
0xb7: {  	_ =	swait.ge [sflag:s7], $0x2000  }
0xb8: {  	[sflag:s7] =	ssyncset.done $0x0  }
0xb9: {  	s12 =	simm.s32 $0xD;
	[sflag:s7] =	ssyncadd.s32 $0xFFFFE000  }
0xba: {  	_ =	swait.ge [sflag:s12], $0x2000  }
0xbb: {  	[sflag:s12] =	ssyncset.done $0x0  }
0xbc: {  	s13 =	simm.s32 $0xE;
	[sflag:s12] =	ssyncadd.s32 $0xFFFFE000  }
0xbd: {  	_ =	swait.ge [sflag:s13], $0x2000  }
0xbe: {  	[sflag:s13] =	ssyncset.done $0x0  }
0xbf: {  	s14 =	simm.s32 $0xF;
	[sflag:s13] =	ssyncadd.s32 $0xFFFFE000  }
0xc0: {  	_ =	swait.ge [sflag:s14], $0x2000  }
0xc1: {  	[sflag:s14] =	ssyncset.done $0x0  }
0xc2: {  	s15 =	simm.s32 $0x10;
	[sflag:s14] =	ssyncadd.s32 $0xFFFFE000  }
0xc3: {  	_ =	swait.ge [sflag:s15], $0x2000  }
0xc4: {  	s19 =	sadd.s32 $0x1, s19;
	s18 =	rddreg [dreg:$0xd]  }
0xc5: {  	p0 =	sne.s32 s19, s18  }
.Ltmp2:
0xc6: {  	_ = 	snop;
	(pc) =	sbr.rel @p0 .LBB2_1-.Ltmp2, $3  }
0xc7: {  	_ =	sdelay $0x1  }
0xc8: {  	[sflag:s15] =	ssyncset.done $0x0  }
0xc9: {  	[sflag:s15] =	ssyncadd.s32 $0xFFFFE000  }
0xca: {  	_ =	sfence.sel $0x180000  }
0xcb: {  	[bflag:$0x0] =	sbarrier.arrive $0xFFFF  }
0xcc: {  	_ =	strace $0x90000047  }
0xcd: {  	s0 =	stileid.u32;
	[bflag:$0x2] =	sbarrier.arrive $0xFFFF  }
0xce: {  	p0 =	sne.s32 s0, $0x0;
	s0 =	rddreg [dreg:$0x2]  }
0xcf: {  	s0 =	sadd.s32 @!p0 $0x100000, s0  }
0xd0: {  	[sflag:s0] =	ssyncadd.tile.s32 @!p0 $0x1;
	_ =	shalt  }
.Lfunc_end2:
_tile_overlayer_lowered:
.L_overlay_start_2:
0xd1: {  	(tag) =	ssettag $0x2  }
0xd2: {  	s0 =	rddreg [dreg:$0x0];
	s2 =	stileid.u32  }
0xd3: {  	s1 =	rddreg [dreg:$0x1];
	p0 =	sne.s32 s2, $0x0  }
0xd4: {  	s3 =	rddreg [dreg:$0x2];
	[bflag:$0x3] =	sbarrier.arrive $0xFFFF;
	s2 =	simm.s32 @!p0 $0x1C11  }
0xd5: {  	[timem:s3], [sflag:s2] =	dma.local @!p0 [hbm:s0], s1  }
0xd6: {  	s0 =	simm.s32 @!p0 $0x11  }
0xd7: {  	_ =	swait.ge @!p0 [sflag:s0], s1  }
0xd8: {  	s1 =	ssub.s32 @!p0 $0x0, s1;
	[sflag:s0] =	ssyncset.done @!p0 $0x0  }
0xd9: {  	[sflag:s0] =	ssyncadd.s32 @!p0 s1  }
0xda: {  	[bflag:$0x3] =	sbarrier.arrive $0xFFFF  }
0xdb: {  	_ =	shalt  }

</sc_bundles>
